<compile_context>
chip_gen: v7x
topology: tpu7x:2x2x1
jax: 0.10.2.dev20260603
libtpu: 0.0.44.dev20260713+nightly
codegen_flags: <defaults>
</compile_context>

<pallas_src>
import functools
import jax
import jax.numpy as jnp
from jax import lax
from jax.experimental import pallas as pl
from jax.experimental.pallas import tpu as pltpu
from jax.experimental.pallas import tpu_sc as plsc

B = 16
HEADS = 12
HH = 6
P = 576
K = 24
G = 24
NC = P // 16
PAD = 64
HG = 3

_NEG = float("-inf")


def _splat(v, dtype):
    return jnp.broadcast_to(jnp.asarray(v, dtype), (16,))


def _sc_body(score_hbm, idx_hbm, cnt_hbm, sc_v, cntp_v, vert_v, cnt_v,
             key_v, out_v, tmp_v, shared):
    cid = lax.axis_index("c")
    sid = lax.axis_index("s")
    b = cid * 8 + jnp.remainder(sid, 8)
    half = sid // 8
    row0 = half * HH

    lane = lax.iota(jnp.int32, 16)
    lanef = lane.astype(jnp.float32)
    zero16 = jnp.zeros((16,), jnp.float32)
    one16 = jnp.ones((16,), jnp.float32)
    neg16 = jnp.full((16,), _NEG, jnp.float32)
    lane0 = lane == 0

    pltpu.sync_copy(score_hbm.at[b, pl.ds(row0 * P, HH * P)], sc_v)

    for i in range((P + 2 * PAD) // 16):
        cntp_v[pl.ds(i * 16, 16)] = zero16

    for h0 in range(0, HH, HG):
        def build(i, carry):
            new = []
            for g in range(HG):
                m0, m1, m2 = carry[g]
                ch = sc_v[pl.ds((h0 + g) * P + i * 16, 16)]
                mi = jnp.max(ch)
                m0 = jnp.where(lane == i, mi, m0)
                m1 = jnp.where(lane + 16 == i, mi, m1)
                m2 = jnp.where(lane + 32 == i, mi, m2)
                new.append((m0, m1, m2))
            return tuple(new)

        init = tuple((neg16, neg16, neg16) for _ in range(HG))
        ms = lax.fori_loop(0, NC, build, init)

        def pick(_, carry):
            new = []
            for g in range(HG):
                m0, m1, m2 = carry[g]
                m = jnp.max(jnp.maximum(jnp.maximum(m0, m1), m2))
                cc = jnp.where(m0 == m, lane, 64)
                cc = jnp.minimum(cc, jnp.where(m1 == m, lane + 16, 64))
                cc = jnp.minimum(cc, jnp.where(m2 == m, lane + 32, 64))
                k = jnp.min(cc)
                base = (h0 + g) * P + k * 16
                ch = sc_v[pl.ds(base, 16)]
                l = jnp.min(jnp.where(ch == m, lane, 64))
                j = k * 16 + l
                plsc.store_scatter(
                    sc_v, [_splat((h0 + g) * P, jnp.int32) + j],
                    neg16, mask=lane0)
                plsc.addupdate_scatter(
                    cntp_v, [_splat(PAD, jnp.int32) + j], one16,
                    mask=lane0)
                nm = jnp.max(jnp.where(lane == l, _NEG, ch))
                m0 = jnp.where(lane == k, nm, m0)
                m1 = jnp.where(lane + 16 == k, nm, m1)
                m2 = jnp.where(lane + 32 == k, nm, m2)
                new.append((m0, m1, m2))
            return tuple(new)

        lax.fori_loop(0, K, pick, ms)

    slot = jnp.remainder(sid, 8) * P

    @pl.when(half == 1)
    def _publish():
        pltpu.sync_copy(cntp_v.at[pl.ds(PAD, P)], shared.at[pl.ds(slot, P)])

    plsc.subcore_barrier()

    @pl.when(half == 0)
    def _finish():
        pltpu.sync_copy(shared.at[pl.ds(slot, P)], tmp_v)
        for i in range(NC):
            base = PAD + 16 * i
            cntp_v[pl.ds(base, 16)] = (cntp_v[pl.ds(base, 16)]
                                       + tmp_v[pl.ds(16 * i, 16)])

        vert_v[pl.ds(PAD - 16, 16)] = zero16
        vert_v[pl.ds(PAD + P, 16)] = zero16
        for i in range(NC):
            base = PAD + 16 * i
            up = cntp_v[pl.ds(base - G, 16)]
            mid = cntp_v[pl.ds(base, 16)]
            dn = cntp_v[pl.ds(base + G, 16)]
            vert_v[pl.ds(base, 16)] = up + 2.0 * mid + dn

        km0 = km1 = km2 = neg16
        for i in range(NC):
            base = PAD + 16 * i
            mid = vert_v[pl.ds(base, 16)]
            lv = plsc.load_gather(vert_v, [_splat(base - 1, jnp.int32) + lane])
            rv = plsc.load_gather(vert_v, [_splat(base + 1, jnp.int32) + lane])
            pcol = (lane + 16 * i) % G
            lv = jnp.where(pcol == 0, 0.0, lv)
            rv = jnp.where(pcol == G - 1, 0.0, rv)
            cnt = lv + 2.0 * mid + rv
            cnt_v[pl.ds(16 * i, 16)] = cnt
            keyv = cnt * 1024.0 + (float(P - 1 - 16 * i) - lanef)
            key_v[pl.ds(16 * i, 16)] = keyv
            km = jnp.max(keyv)
            if i < 16:
                km0 = jnp.where(lane == i, km, km0)
            elif i < 32:
                km1 = jnp.where(lane == i - 16, km, km1)
            else:
                km2 = jnp.where(lane == i - 32, km, km2)

        out_v[pl.ds(0, 16)] = jnp.zeros((16,), jnp.int32)
        out_v[pl.ds(16, 16)] = jnp.zeros((16,), jnp.int32)

        def final(r, carry):
            km0, km1, km2 = carry
            m = jnp.max(jnp.maximum(jnp.maximum(km0, km1), km2))
            p = (P - 1) - jnp.bitwise_and(m.astype(jnp.int32), 1023)
            plsc.store_scatter(
                key_v, [_splat(0, jnp.int32) + p],
                jnp.full((16,), -1.0, jnp.float32), mask=lane0)
            plsc.store_scatter(
                out_v, [_splat(0, jnp.int32) + r],
                _splat(0, jnp.int32) + (p + 1), mask=lane0)
            c = p // 16
            ch = key_v[pl.ds(c * 16, 16)]
            nm = jnp.max(ch)
            km0 = jnp.where(lane == c, nm, km0)
            km1 = jnp.where(lane + 16 == c, nm, km1)
            km2 = jnp.where(lane + 32 == c, nm, km2)
            return km0, km1, km2

        lax.fori_loop(0, K, final, (km0, km1, km2))

        pltpu.sync_copy(cnt_v, cnt_hbm.at[b])
        pltpu.sync_copy(out_v, idx_hbm.at[b])


_sc_kernel = functools.partial(
    pl.kernel,
    out_type=(jax.ShapeDtypeStruct((B, 32), jnp.int32),
              jax.ShapeDtypeStruct((B, P), jnp.float32)),
    mesh=plsc.VectorSubcoreMesh(core_axis_name="c", subcore_axis_name="s"),
    compiler_params=pltpu.CompilerParams(needs_layout_passes=False),
    scratch_types=[
        pltpu.VMEM((HH * P,), jnp.float32),
        pltpu.VMEM((P + 2 * PAD,), jnp.float32),
        pltpu.VMEM((P + 2 * PAD,), jnp.float32),
        pltpu.VMEM((P,), jnp.float32),
        pltpu.VMEM((P,), jnp.float32),
        pltpu.VMEM((32,), jnp.int32),
        pltpu.VMEM((P,), jnp.float32),
        pltpu.VMEM_SHARED((8 * P,), jnp.float32),
    ],
)(_sc_body)


@jax.jit
def kernel(x):
    score = x[:, :, 0, 1:].reshape(B, HEADS * P)
    idx_pad, cnt = _sc_kernel(score)
    return idx_pad[:, :K], cnt

# --- scband reference (transcript-rebuilt; emitter-appended) ---
"""Pipeline reference for scband-multi-head-voting-64183991271582 (READ-ONLY COPY).

The authoritative reference and input builder live on the scoring server;
editing this copy changes nothing except your own understanding.
"""

import jax, jax.numpy as jnp
import numpy as np

VOTE_PERHEAD = 24
SELECT_NUM = 24  # select_num defaults to vote_perhead


def setup_inputs(seed: int = 0) -> dict:
    key = jax.random.key(seed)
    x = jax.random.normal(key, (16, 12, 577, 577), dtype=jnp.float32)
    return {"x": x}


def reference(x):
    B = x.shape[0]
    patch_num = x.shape[3] - 1
    # score = attention from CLS token to all patches, per head
    score = x[:, :, 0, 1:]                      # [B, H, patch_num]
    _, sel = jax.lax.top_k(score, VOTE_PERHEAD)  # [B, H, vote_perhead]
    sel = sel.reshape(B, -1)                     # [B, H*vote_perhead]
    # per-batch bincount via scatter-add
    count = jnp.zeros((B, patch_num), dtype=jnp.float32)
    count = count.at[jnp.arange(B)[:, None], sel].add(1.0)
    # enhance_local: fixed 3x3 gaussian-like conv over the HxH patch grid
    H = int(np.ceil(np.sqrt(patch_num)))
    kernel = jnp.array([[1., 2., 1.], [2., 4., 2.], [1., 2., 1.]], dtype=jnp.float32).reshape(1, 1, 3, 3)
    cnt = jax.lax.conv_general_dilated(
        count.reshape(B, 1, H, H), kernel,
        window_strides=(1, 1), padding=((1, 1), (1, 1)))
    cnt = cnt.reshape(B, -1)
    # sort descending, indices shifted by +1 (to account for CLS token offset)
    patch_idx = jnp.argsort(-cnt, axis=-1) + 1
    return patch_idx[:, :SELECT_NUM], cnt

if __name__ == "__main__":
    import jax
    _d = setup_inputs()
    print(jax.jit(kernel)(*tuple(_d.values())))

</pallas_src>

<mosaic_0001>
#map = affine_map<(d0, d1) -> (0, 0)>
module attributes {stable_mosaic.version = 14 : i64} {
  func.func @_sc_body(%arg0: i32, %arg1: i32, %arg2: memref<16x6912xf32, #tpu.memory_space<hbm>>, %arg3: memref<16x32xi32, #tpu.memory_space<hbm>>, %arg4: memref<16x576xf32, #tpu.memory_space<hbm>>, %arg5: memref<3456xf32, #tpu.memory_space<vmem>>, %arg6: memref<704xf32, #tpu.memory_space<vmem>>, %arg7: memref<704xf32, #tpu.memory_space<vmem>>, %arg8: memref<576xf32, #tpu.memory_space<vmem>>, %arg9: memref<576xf32, #tpu.memory_space<vmem>>, %arg10: memref<32xi32, #tpu.memory_space<vmem>>, %arg11: memref<576xf32, #tpu.memory_space<vmem>>, %arg12: memref<4608xf32, #tpu.memory_space<vmem_shared>>) attributes {dimension_semantics = [#tpu.dimension_semantics<core_parallel>, #tpu.dimension_semantics<subcore_parallel>], iteration_bounds = array<i64: 2, 16>, scalar_prefetch = 0 : i64, scratch_operands = 8 : i64, tpu.core_type = #tpu.core_type<sc_vector_subcore>, window_params = [{transform_indices = #map}, {transform_indices = #map}, {transform_indices = #map}]} {
    %mul3A = arith.constant 8 : i32
    %mul3A_0 = arith.muli %arg0, %mul3A : i32
    %jit3A = arith.constant 8 : i32
    %eq3A = arith.constant 0 : i32
    %eq3A_1 = arith.cmpi eq, %jit3A, %eq3A : i32
    %jit3A_2 = arith.constant 1 : i32
    %select_n3A = arith.select %eq3A_1, %jit3A_2, %jit3A : i32
    %rem3A = arith.remsi %arg1, %select_n3A : i32
    %ne3A = arith.constant 0 : i32
    %ne3A_3 = arith.cmpi ne, %rem3A, %ne3A : i32
    %lt3A = arith.constant 0 : i32
    %lt3A_4 = arith.cmpi slt, %rem3A, %lt3A : i32
    %lt3A_5 = arith.constant 0 : i32
    %lt3A_6 = arith.cmpi slt, %select_n3A, %lt3A_5 : i32
    %ne3A_7 = arith.xori %lt3A_4, %lt3A_6 : i1
    %and3A = arith.andi %ne3A_7, %ne3A_3 : i1
    %add3A = arith.addi %rem3A, %select_n3A : i32
    %select_n3A_8 = arith.select %and3A, %add3A, %rem3A : i32
    %add3A_9 = arith.addi %mul3A_0, %select_n3A_8 : i32
    %jit3A_10 = arith.constant 8 : i32
    %div3A = arith.divsi %arg1, %jit3A_10 : i32
    %sign3A = arith.constant 0 : i32
    %sign3A_11 = arith.cmpi sgt, %arg1, %sign3A : i32
    %sign3A_12 = arith.extui %sign3A_11 : i1 to i32
    %sign3A_13 = arith.constant 0 : i32
    %sign3A_14 = arith.cmpi slt, %arg1, %sign3A_13 : i32
    %sign3A_15 = arith.extui %sign3A_14 : i1 to i32
    %sign3A_16 = arith.subi %sign3A_12, %sign3A_15 : i32
    %sign3A_17 = arith.constant 0 : i32
    %sign3A_18 = arith.cmpi sgt, %jit3A_10, %sign3A_17 : i32
    %sign3A_19 = arith.extui %sign3A_18 : i1 to i32
    %sign3A_20 = arith.constant 0 : i32
    %sign3A_21 = arith.cmpi slt, %jit3A_10, %sign3A_20 : i32
    %sign3A_22 = arith.extui %sign3A_21 : i1 to i32
    %sign3A_23 = arith.subi %sign3A_19, %sign3A_22 : i32
    %ne3A_24 = arith.cmpi ne, %sign3A_16, %sign3A_23 : i32
    %rem3A_25 = arith.remsi %arg1, %jit3A_10 : i32
    %ne3A_26 = arith.constant 0 : i32
    %ne3A_27 = arith.cmpi ne, %rem3A_25, %ne3A_26 : i32
    %and3A_28 = arith.andi %ne3A_24, %ne3A_27 : i1
    %sub3A = arith.constant 1 : i32
    %sub3A_29 = arith.subi %div3A, %sub3A : i32
    %select_n3A_30 = arith.select %and3A_28, %sub3A_29, %div3A : i32
    %mul3A_31 = arith.constant 6 : i32
    %mul3A_32 = arith.muli %select_n3A_30, %mul3A_31 : i32
    %iota3A = tpu.iota {dimensions = array<i32: 0>} : vector<16xi32>
    %convert_element_type3A = arith.sitofp %iota3A : vector<16xi32> to vector<16xf32>
    %broadcast_in_dim3A = arith.constant 0.000000e+00 : f32
    %broadcast_in_dim3A_33 = vector.broadcast %broadcast_in_dim3A : f32 to vector<16xf32>
    %broadcast_in_dim3A_34 = arith.constant 1.000000e+00 : f32
    %broadcast_in_dim3A_35 = vector.broadcast %broadcast_in_dim3A_34 : f32 to vector<16xf32>
    %broadcast_in_dim3A_36 = arith.constant 0xFF800000 : f32
    %broadcast_in_dim3A_37 = vector.broadcast %broadcast_in_dim3A_36 : f32 to vector<16xf32>
    %eq3A_38 = arith.constant 0 : i32
    %eq3A_39 = vector.broadcast %eq3A_38 : i32 to vector<16xi32>
    %eq3A_40 = arith.cmpi eq, %iota3A, %eq3A_39 : vector<16xi32>
    %mul3A_41 = arith.constant 576 : i32
    %mul3A_42 = arith.muli %mul3A_32, %mul3A_41 : i32
    "tpu.region"() ({
      %run_scoped3A = tpu.sem_alloc : memref<!tpu.dma_semaphore, #tpu.memory_space<semaphore_mem>>
      %dma_start3A = tpu.memref_slice %arg2[%add3A_9, %mul3A_42] : memref<16x6912xf32, #tpu.memory_space<hbm>> -> memref<1x3456xf32, #tpu.memory_space<hbm>>
      %dma_start3A_180 = tpu.memref_squeeze %dma_start3A : memref<1x3456xf32, #tpu.memory_space<hbm>> -> memref<3456xf32, #tpu.memory_space<hbm>>
      %dma_start3A_181 = tpu.memref_slice %arg2[%add3A_9, %mul3A_42] : memref<16x6912xf32, #tpu.memory_space<hbm>> -> memref<1x3456xf32, #tpu.memory_space<hbm>>
      %dma_start3A_182 = tpu.memref_squeeze %dma_start3A_181 : memref<1x3456xf32, #tpu.memory_space<hbm>> -> memref<3456xf32, #tpu.memory_space<hbm>>
      tpu.enqueue_dma source(%dma_start3A_182 : memref<3456xf32, #tpu.memory_space<hbm>>) target(%arg5 : memref<3456xf32, #tpu.memory_space<vmem>>) target_semaphore(%run_scoped3A : memref<!tpu.dma_semaphore, #tpu.memory_space<semaphore_mem>>)
      %dma_wait3A = tpu.memref_slice %arg2[%add3A_9, %mul3A_42] : memref<16x6912xf32, #tpu.memory_space<hbm>> -> memref<1x3456xf32, #tpu.memory_space<hbm>>
      %dma_wait3A_183 = tpu.memref_squeeze %dma_wait3A : memref<1x3456xf32, #tpu.memory_space<hbm>> -> memref<3456xf32, #tpu.memory_space<hbm>>
      %dma_wait3A_184 = tpu.memref_slice %arg2[%add3A_9, %mul3A_42] : memref<16x6912xf32, #tpu.memory_space<hbm>> -> memref<1x3456xf32, #tpu.memory_space<hbm>>
      %dma_wait3A_185 = tpu.memref_squeeze %dma_wait3A_184 : memref<1x3456xf32, #tpu.memory_space<hbm>> -> memref<3456xf32, #tpu.memory_space<hbm>>
      tpu.wait_dma2 semaphore(%run_scoped3A : memref<!tpu.dma_semaphore, #tpu.memory_space<semaphore_mem>>) src(%dma_wait3A_185 : memref<3456xf32, #tpu.memory_space<hbm>>) dst(%arg5 : memref<3456xf32, #tpu.memory_space<vmem>>)
      tpu.yield
    }) : () -> ()
    %swap3A = arith.constant 0 : index
    %swap3A_43 = tpu.vector_load %arg6[%swap3A] {strides = array<i32>} : memref<704xf32, #tpu.memory_space<vmem>>, vector<16xf32>,
    tpu.vector_store %arg6[%swap3A], %broadcast_in_dim3A_33 {strides = array<i32>} : memref<704xf32, #tpu.memory_space<vmem>>, vector<16xf32>,
    %swap3A_44 = arith.constant 16 : index
    %swap3A_45 = tpu.vector_load %arg6[%swap3A_44] {strides = array<i32>} : memref<704xf32, #tpu.memory_space<vmem>>, vector<16xf32>,
    tpu.vector_store %arg6[%swap3A_44], %broadcast_in_dim3A_33 {strides = array<i32>} : memref<704xf32, #tpu.memory_space<vmem>>, vector<16xf32>,
    %swap3A_46 = arith.constant 32 : index
    %swap3A_47 = tpu.vector_load %arg6[%swap3A_46] {strides = array<i32>} : memref<704xf32, #tpu.memory_space<vmem>>, vector<16xf32>,
    tpu.vector_store %arg6[%swap3A_46], %broadcast_in_dim3A_33 {strides = array<i32>} : memref<704xf32, #tpu.memory_space<vmem>>, vector<16xf32>,
    %swap3A_48 = arith.constant 48 : index
    %swap3A_49 = tpu.vector_load %arg6[%swap3A_48] {strides = array<i32>} : memref<704xf32, #tpu.memory_space<vmem>>, vector<16xf32>,
    tpu.vector_store %arg6[%swap3A_48], %broadcast_in_dim3A_33 {strides = array<i32>} : memref<704xf32, #tpu.memory_space<vmem>>, vector<16xf32>,
    %swap3A_50 = arith.constant 64 : index
    %swap3A_51 = tpu.vector_load %arg6[%swap3A_50] {strides = array<i32>} : memref<704xf32, #tpu.memory_space<vmem>>, vector<16xf32>,
    tpu.vector_store %arg6[%swap3A_50], %broadcast_in_dim3A_33 {strides = array<i32>} : memref<704xf32, #tpu.memory_space<vmem>>, vector<16xf32>,
    %swap3A_52 = arith.constant 80 : index
    %swap3A_53 = tpu.vector_load %arg6[%swap3A_52] {strides = array<i32>} : memref<704xf32, #tpu.memory_space<vmem>>, vector<16xf32>,
    tpu.vector_store %arg6[%swap3A_52], %broadcast_in_dim3A_33 {strides = array<i32>} : memref<704xf32, #tpu.memory_space<vmem>>, vector<16xf32>,
    %swap3A_54 = arith.constant 96 : index
    %swap3A_55 = tpu.vector_load %arg6[%swap3A_54] {strides = array<i32>} : memref<704xf32, #tpu.memory_space<vmem>>, vector<16xf32>,
    tpu.vector_store %arg6[%swap3A_54], %broadcast_in_dim3A_33 {strides = array<i32>} : memref<704xf32, #tpu.memory_space<vmem>>, vector<16xf32>,
    %swap3A_56 = arith.constant 112 : index
    %swap3A_57 = tpu.vector_load %arg6[%swap3A_56] {strides = array<i32>} : memref<704xf32, #tpu.memory_space<vmem>>, vector<16xf32>,
    tpu.vector_store %arg6[%swap3A_56], %broadcast_in_dim3A_33 {strides = array<i32>} : memref<704xf32, #tpu.memory_space<vmem>>, vector<16xf32>,
    %swap3A_58 = arith.constant 128 : index
    %swap3A_59 = tpu.vector_load %arg6[%swap3A_58] {strides = array<i32>} : memref<704xf32, #tpu.memory_space<vmem>>, vector<16xf32>,
    tpu.vector_store %arg6[%swap3A_58], %broadcast_in_dim3A_33 {strides = array<i32>} : memref<704xf32, #tpu.memory_space<vmem>>, vector<16xf32>,
    %swap3A_60 = arith.constant 144 : index
    %swap3A_61 = tpu.vector_load %arg6[%swap3A_60] {strides = array<i32>} : memref<704xf32, #tpu.memory_space<vmem>>, vector<16xf32>,
    tpu.vector_store %arg6[%swap3A_60], %broadcast_in_dim3A_33 {strides = array<i32>} : memref<704xf32, #tpu.memory_space<vmem>>, vector<16xf32>,
    %swap3A_62 = arith.constant 160 : index
    %swap3A_63 = tpu.vector_load %arg6[%swap3A_62] {strides = array<i32>} : memref<704xf32, #tpu.memory_space<vmem>>, vector<16xf32>,
    tpu.vector_store %arg6[%swap3A_62], %broadcast_in_dim3A_33 {strides = array<i32>} : memref<704xf32, #tpu.memory_space<vmem>>, vector<16xf32>,
    %swap3A_64 = arith.constant 176 : index
    %swap3A_65 = tpu.vector_load %arg6[%swap3A_64] {strides = array<i32>} : memref<704xf32, #tpu.memory_space<vmem>>, vector<16xf32>,
    tpu.vector_store %arg6[%swap3A_64], %broadcast_in_dim3A_33 {strides = array<i32>} : memref<704xf32, #tpu.memory_space<vmem>>, vector<16xf32>,
    %swap3A_66 = arith.constant 192 : index
    %swap3A_67 = tpu.vector_load %arg6[%swap3A_66] {strides = array<i32>} : memref<704xf32, #tpu.memory_space<vmem>>, vector<16xf32>,
    tpu.vector_store %arg6[%swap3A_66], %broadcast_in_dim3A_33 {strides = array<i32>} : memref<704xf32, #tpu.memory_space<vmem>>, vector<16xf32>,
    %swap3A_68 = arith.constant 208 : index
    %swap3A_69 = tpu.vector_load %arg6[%swap3A_68] {strides = array<i32>} : memref<704xf32, #tpu.memory_space<vmem>>, vector<16xf32>,
    tpu.vector_store %arg6[%swap3A_68], %broadcast_in_dim3A_33 {strides = array<i32>} : memref<704xf32, #tpu.memory_space<vmem>>, vector<16xf32>,
    %swap3A_70 = arith.constant 224 : index
    %swap3A_71 = tpu.vector_load %arg6[%swap3A_70] {strides = array<i32>} : memref<704xf32, #tpu.memory_space<vmem>>, vector<16xf32>,
    tpu.vector_store %arg6[%swap3A_70], %broadcast_in_dim3A_33 {strides = array<i32>} : memref<704xf32, #tpu.memory_space<vmem>>, vector<16xf32>,
    %swap3A_72 = arith.constant 240 : index
    %swap3A_73 = tpu.vector_load %arg6[%swap3A_72] {strides = array<i32>} : memref<704xf32, #tpu.memory_space<vmem>>, vector<16xf32>,
    tpu.vector_store %arg6[%swap3A_72], %broadcast_in_dim3A_33 {strides = array<i32>} : memref<704xf32, #tpu.memory_space<vmem>>, vector<16xf32>,
    %swap3A_74 = arith.constant 256 : index
    %swap3A_75 = tpu.vector_load %arg6[%swap3A_74] {strides = array<i32>} : memref<704xf32, #tpu.memory_space<vmem>>, vector<16xf32>,
    tpu.vector_store %arg6[%swap3A_74], %broadcast_in_dim3A_33 {strides = array<i32>} : memref<704xf32, #tpu.memory_space<vmem>>, vector<16xf32>,
    %swap3A_76 = arith.constant 272 : index
    %swap3A_77 = tpu.vector_load %arg6[%swap3A_76] {strides = array<i32>} : memref<704xf32, #tpu.memory_space<vmem>>, vector<16xf32>,
    tpu.vector_store %arg6[%swap3A_76], %broadcast_in_dim3A_33 {strides = array<i32>} : memref<704xf32, #tpu.memory_space<vmem>>, vector<16xf32>,
    %swap3A_78 = arith.constant 288 : index
    %swap3A_79 = tpu.vector_load %arg6[%swap3A_78] {strides = array<i32>} : memref<704xf32, #tpu.memory_space<vmem>>, vector<16xf32>,
    tpu.vector_store %arg6[%swap3A_78], %broadcast_in_dim3A_33 {strides = array<i32>} : memref<704xf32, #tpu.memory_space<vmem>>, vector<16xf32>,
    %swap3A_80 = arith.constant 304 : index
    %swap3A_81 = tpu.vector_load %arg6[%swap3A_80] {strides = array<i32>} : memref<704xf32, #tpu.memory_space<vmem>>, vector<16xf32>,
    tpu.vector_store %arg6[%swap3A_80], %broadcast_in_dim3A_33 {strides = array<i32>} : memref<704xf32, #tpu.memory_space<vmem>>, vector<16xf32>,
    %swap3A_82 = arith.constant 320 : index
    %swap3A_83 = tpu.vector_load %arg6[%swap3A_82] {strides = array<i32>} : memref<704xf32, #tpu.memory_space<vmem>>, vector<16xf32>,
    tpu.vector_store %arg6[%swap3A_82], %broadcast_in_dim3A_33 {strides = array<i32>} : memref<704xf32, #tpu.memory_space<vmem>>, vector<16xf32>,
    %swap3A_84 = arith.constant 336 : index
    %swap3A_85 = tpu.vector_load %arg6[%swap3A_84] {strides = array<i32>} : memref<704xf32, #tpu.memory_space<vmem>>, vector<16xf32>,
    tpu.vector_store %arg6[%swap3A_84], %broadcast_in_dim3A_33 {strides = array<i32>} : memref<704xf32, #tpu.memory_space<vmem>>, vector<16xf32>,
    %swap3A_86 = arith.constant 352 : index
    %swap3A_87 = tpu.vector_load %arg6[%swap3A_86] {strides = array<i32>} : memref<704xf32, #tpu.memory_space<vmem>>, vector<16xf32>,
    tpu.vector_store %arg6[%swap3A_86], %broadcast_in_dim3A_33 {strides = array<i32>} : memref<704xf32, #tpu.memory_space<vmem>>, vector<16xf32>,
    %swap3A_88 = arith.constant 368 : index
    %swap3A_89 = tpu.vector_load %arg6[%swap3A_88] {strides = array<i32>} : memref<704xf32, #tpu.memory_space<vmem>>, vector<16xf32>,
    tpu.vector_store %arg6[%swap3A_88], %broadcast_in_dim3A_33 {strides = array<i32>} : memref<704xf32, #tpu.memory_space<vmem>>, vector<16xf32>,
    %swap3A_90 = arith.constant 384 : index
    %swap3A_91 = tpu.vector_load %arg6[%swap3A_90] {strides = array<i32>} : memref<704xf32, #tpu.memory_space<vmem>>, vector<16xf32>,
    tpu.vector_store %arg6[%swap3A_90], %broadcast_in_dim3A_33 {strides = array<i32>} : memref<704xf32, #tpu.memory_space<vmem>>, vector<16xf32>,
    %swap3A_92 = arith.constant 400 : index
    %swap3A_93 = tpu.vector_load %arg6[%swap3A_92] {strides = array<i32>} : memref<704xf32, #tpu.memory_space<vmem>>, vector<16xf32>,
    tpu.vector_store %arg6[%swap3A_92], %broadcast_in_dim3A_33 {strides = array<i32>} : memref<704xf32, #tpu.memory_space<vmem>>, vector<16xf32>,
    %swap3A_94 = arith.constant 416 : index
    %swap3A_95 = tpu.vector_load %arg6[%swap3A_94] {strides = array<i32>} : memref<704xf32, #tpu.memory_space<vmem>>, vector<16xf32>,
    tpu.vector_store %arg6[%swap3A_94], %broadcast_in_dim3A_33 {strides = array<i32>} : memref<704xf32, #tpu.memory_space<vmem>>, vector<16xf32>,
    %swap3A_96 = arith.constant 432 : index
    %swap3A_97 = tpu.vector_load %arg6[%swap3A_96] {strides = array<i32>} : memref<704xf32, #tpu.memory_space<vmem>>, vector<16xf32>,
    tpu.vector_store %arg6[%swap3A_96], %broadcast_in_dim3A_33 {strides = array<i32>} : memref<704xf32, #tpu.memory_space<vmem>>, vector<16xf32>,
    %swap3A_98 = arith.constant 448 : index
    %swap3A_99 = tpu.vector_load %arg6[%swap3A_98] {strides = array<i32>} : memref<704xf32, #tpu.memory_space<vmem>>, vector<16xf32>,
    tpu.vector_store %arg6[%swap3A_98], %broadcast_in_dim3A_33 {strides = array<i32>} : memref<704xf32, #tpu.memory_space<vmem>>, vector<16xf32>,
    %swap3A_100 = arith.constant 464 : index
    %swap3A_101 = tpu.vector_load %arg6[%swap3A_100] {strides = array<i32>} : memref<704xf32, #tpu.memory_space<vmem>>, vector<16xf32>,
    tpu.vector_store %arg6[%swap3A_100], %broadcast_in_dim3A_33 {strides = array<i32>} : memref<704xf32, #tpu.memory_space<vmem>>, vector<16xf32>,
    %swap3A_102 = arith.constant 480 : index
    %swap3A_103 = tpu.vector_load %arg6[%swap3A_102] {strides = array<i32>} : memref<704xf32, #tpu.memory_space<vmem>>, vector<16xf32>,
    tpu.vector_store %arg6[%swap3A_102], %broadcast_in_dim3A_33 {strides = array<i32>} : memref<704xf32, #tpu.memory_space<vmem>>, vector<16xf32>,
    %swap3A_104 = arith.constant 496 : index
    %swap3A_105 = tpu.vector_load %arg6[%swap3A_104] {strides = array<i32>} : memref<704xf32, #tpu.memory_space<vmem>>, vector<16xf32>,
    tpu.vector_store %arg6[%swap3A_104], %broadcast_in_dim3A_33 {strides = array<i32>} : memref<704xf32, #tpu.memory_space<vmem>>, vector<16xf32>,
    %swap3A_106 = arith.constant 512 : index
    %swap3A_107 = tpu.vector_load %arg6[%swap3A_106] {strides = array<i32>} : memref<704xf32, #tpu.memory_space<vmem>>, vector<16xf32>,
    tpu.vector_store %arg6[%swap3A_106], %broadcast_in_dim3A_33 {strides = array<i32>} : memref<704xf32, #tpu.memory_space<vmem>>, vector<16xf32>,
    %swap3A_108 = arith.constant 528 : index
    %swap3A_109 = tpu.vector_load %arg6[%swap3A_108] {strides = array<i32>} : memref<704xf32, #tpu.memory_space<vmem>>, vector<16xf32>,
    tpu.vector_store %arg6[%swap3A_108], %broadcast_in_dim3A_33 {strides = array<i32>} : memref<704xf32, #tpu.memory_space<vmem>>, vector<16xf32>,
    %swap3A_110 = arith.constant 544 : index
    %swap3A_111 = tpu.vector_load %arg6[%swap3A_110] {strides = array<i32>} : memref<704xf32, #tpu.memory_space<vmem>>, vector<16xf32>,
    tpu.vector_store %arg6[%swap3A_110], %broadcast_in_dim3A_33 {strides = array<i32>} : memref<704xf32, #tpu.memory_space<vmem>>, vector<16xf32>,
    %swap3A_112 = arith.constant 560 : index
    %swap3A_113 = tpu.vector_load %arg6[%swap3A_112] {strides = array<i32>} : memref<704xf32, #tpu.memory_space<vmem>>, vector<16xf32>,
    tpu.vector_store %arg6[%swap3A_112], %broadcast_in_dim3A_33 {strides = array<i32>} : memref<704xf32, #tpu.memory_space<vmem>>, vector<16xf32>,
    %swap3A_114 = arith.constant 576 : index
    %swap3A_115 = tpu.vector_load %arg6[%swap3A_114] {strides = array<i32>} : memref<704xf32, #tpu.memory_space<vmem>>, vector<16xf32>,
    tpu.vector_store %arg6[%swap3A_114], %broadcast_in_dim3A_33 {strides = array<i32>} : memref<704xf32, #tpu.memory_space<vmem>>, vector<16xf32>,
    %swap3A_116 = arith.constant 592 : index
    %swap3A_117 = tpu.vector_load %arg6[%swap3A_116] {strides = array<i32>} : memref<704xf32, #tpu.memory_space<vmem>>, vector<16xf32>,
    tpu.vector_store %arg6[%swap3A_116], %broadcast_in_dim3A_33 {strides = array<i32>} : memref<704xf32, #tpu.memory_space<vmem>>, vector<16xf32>,
    %swap3A_118 = arith.constant 608 : index
    %swap3A_119 = tpu.vector_load %arg6[%swap3A_118] {strides = array<i32>} : memref<704xf32, #tpu.memory_space<vmem>>, vector<16xf32>,
    tpu.vector_store %arg6[%swap3A_118], %broadcast_in_dim3A_33 {strides = array<i32>} : memref<704xf32, #tpu.memory_space<vmem>>, vector<16xf32>,
    %swap3A_120 = arith.constant 624 : index
    %swap3A_121 = tpu.vector_load %arg6[%swap3A_120] {strides = array<i32>} : memref<704xf32, #tpu.memory_space<vmem>>, vector<16xf32>,
    tpu.vector_store %arg6[%swap3A_120], %broadcast_in_dim3A_33 {strides = array<i32>} : memref<704xf32, #tpu.memory_space<vmem>>, vector<16xf32>,
    %swap3A_122 = arith.constant 640 : index
    %swap3A_123 = tpu.vector_load %arg6[%swap3A_122] {strides = array<i32>} : memref<704xf32, #tpu.memory_space<vmem>>, vector<16xf32>,
    tpu.vector_store %arg6[%swap3A_122], %broadcast_in_dim3A_33 {strides = array<i32>} : memref<704xf32, #tpu.memory_space<vmem>>, vector<16xf32>,
    %swap3A_124 = arith.constant 656 : index
    %swap3A_125 = tpu.vector_load %arg6[%swap3A_124] {strides = array<i32>} : memref<704xf32, #tpu.memory_space<vmem>>, vector<16xf32>,
    tpu.vector_store %arg6[%swap3A_124], %broadcast_in_dim3A_33 {strides = array<i32>} : memref<704xf32, #tpu.memory_space<vmem>>, vector<16xf32>,
    %swap3A_126 = arith.constant 672 : index
    %swap3A_127 = tpu.vector_load %arg6[%swap3A_126] {strides = array<i32>} : memref<704xf32, #tpu.memory_space<vmem>>, vector<16xf32>,
    tpu.vector_store %arg6[%swap3A_126], %broadcast_in_dim3A_33 {strides = array<i32>} : memref<704xf32, #tpu.memory_space<vmem>>, vector<16xf32>,
    %swap3A_128 = arith.constant 688 : index
    %swap3A_129 = tpu.vector_load %arg6[%swap3A_128] {strides = array<i32>} : memref<704xf32, #tpu.memory_space<vmem>>, vector<16xf32>,
    tpu.vector_store %arg6[%swap3A_128], %broadcast_in_dim3A_33 {strides = array<i32>} : memref<704xf32, #tpu.memory_space<vmem>>, vector<16xf32>,
    %scan3A = arith.constant 0 : i32
    %scan3A_130 = arith.constant 36 : i32
    %scan3A_131 = arith.addi %scan3A, %scan3A_130 : i32
    %scan3A_132 = arith.constant 1 : i32
    %scan3A_133:9 = scf.for %scan3A_180 = %scan3A to %scan3A_131 step %scan3A_132 iter_args(%scan3A_181 = %broadcast_in_dim3A_37, %scan3A_182 = %broadcast_in_dim3A_37, %scan3A_183 = %broadcast_in_dim3A_37, %scan3A_184 = %broadcast_in_dim3A_37, %scan3A_185 = %broadcast_in_dim3A_37, %scan3A_186 = %broadcast_in_dim3A_37, %scan3A_187 = %broadcast_in_dim3A_37, %scan3A_188 = %broadcast_in_dim3A_37, %scan3A_189 = %broadcast_in_dim3A_37) -> (vector<16xf32>, vector<16xf32>, vector<16xf32>, vector<16xf32>, vector<16xf32>, vector<16xf32>, vector<16xf32>, vector<16xf32>, vector<16xf32>)  : i32 {
      %mul3A_190 = arith.constant 16 : i32
      %mul3A_191 = arith.muli %scan3A_180, %mul3A_190 : i32
      %add3A_192 = arith.constant 0 : i32
      %add3A_193 = arith.addi %add3A_192, %mul3A_191 : i32
      %get3A = arith.index_cast %add3A_193 : i32 to index
      %get3A_194 = tpu.vector_load %arg5[%get3A] {strides = array<i32>} : memref<3456xf32, #tpu.memory_space<vmem>>, vector<16xf32>,
      %reduce_max3A = arith.constant true
      %reduce_max3A_195 = vector.broadcast %reduce_max3A : i1 to vector<16xi1>
      %reduce_max3A_196 = tpu.scan <max>, %get3A_194 masked %reduce_max3A_195 : vector<16xf32>, vector<16xi1> -> vector<16xf32>
      %reduce_max3A_197 = vector.extract %reduce_max3A_196[15] : f32 from vector<16xf32>
      %eq3A_198 = vector.broadcast %scan3A_180 : i32 to vector<16xi32>
      %eq3A_199 = arith.cmpi eq, %iota3A, %eq3A_198 : vector<16xi32>
      %broadcast_in_dim3A_200 = vector.broadcast %reduce_max3A_197 : f32 to vector<16xf32>
      %select_n3A_201 = arith.select %eq3A_199, %broadcast_in_dim3A_200, %scan3A_181 : vector<16xi1>, vector<16xf32>
      %add3A_202 = arith.constant 16 : i32
      %add3A_203 = vector.broadcast %add3A_202 : i32 to vector<16xi32>
      %add3A_204 = arith.addi %iota3A, %add3A_203 : vector<16xi32>
      %eq3A_205 = vector.broadcast %scan3A_180 : i32 to vector<16xi32>
      %eq3A_206 = arith.cmpi eq, %add3A_204, %eq3A_205 : vector<16xi32>
      %broadcast_in_dim3A_207 = vector.broadcast %reduce_max3A_197 : f32 to vector<16xf32>
      %select_n3A_208 = arith.select %eq3A_206, %broadcast_in_dim3A_207, %scan3A_182 : vector<16xi1>, vector<16xf32>
      %add3A_209 = arith.constant 32 : i32
      %add3A_210 = vector.broadcast %add3A_209 : i32 to vector<16xi32>
      %add3A_211 = arith.addi %iota3A, %add3A_210 : vector<16xi32>
      %eq3A_212 = vector.broadcast %scan3A_180 : i32 to vector<16xi32>
      %eq3A_213 = arith.cmpi eq, %add3A_211, %eq3A_212 : vector<16xi32>
      %broadcast_in_dim3A_214 = vector.broadcast %reduce_max3A_197 : f32 to vector<16xf32>
      %select_n3A_215 = arith.select %eq3A_213, %broadcast_in_dim3A_214, %scan3A_183 : vector<16xi1>, vector<16xf32>
      %mul3A_216 = arith.constant 16 : i32
      %mul3A_217 = arith.muli %scan3A_180, %mul3A_216 : i32
      %add3A_218 = arith.constant 576 : i32
      %add3A_219 = arith.addi %add3A_218, %mul3A_217 : i32
      %get3A_220 = arith.index_cast %add3A_219 : i32 to index
      %get3A_221 = tpu.vector_load %arg5[%get3A_220] {strides = array<i32>} : memref<3456xf32, #tpu.memory_space<vmem>>, vector<16xf32>,
      %reduce_max3A_222 = arith.constant true
      %reduce_max3A_223 = vector.broadcast %reduce_max3A_222 : i1 to vector<16xi1>
      %reduce_max3A_224 = tpu.scan <max>, %get3A_221 masked %reduce_max3A_223 : vector<16xf32>, vector<16xi1> -> vector<16xf32>
      %reduce_max3A_225 = vector.extract %reduce_max3A_224[15] : f32 from vector<16xf32>
      %eq3A_226 = vector.broadcast %scan3A_180 : i32 to vector<16xi32>
      %eq3A_227 = arith.cmpi eq, %iota3A, %eq3A_226 : vector<16xi32>
      %broadcast_in_dim3A_228 = vector.broadcast %reduce_max3A_225 : f32 to vector<16xf32>
      %select_n3A_229 = arith.select %eq3A_227, %broadcast_in_dim3A_228, %scan3A_184 : vector<16xi1>, vector<16xf32>
      %add3A_230 = arith.constant 16 : i32
      %add3A_231 = vector.broadcast %add3A_230 : i32 to vector<16xi32>
      %add3A_232 = arith.addi %iota3A, %add3A_231 : vector<16xi32>
      %eq3A_233 = vector.broadcast %scan3A_180 : i32 to vector<16xi32>
      %eq3A_234 = arith.cmpi eq, %add3A_232, %eq3A_233 : vector<16xi32>
      %broadcast_in_dim3A_235 = vector.broadcast %reduce_max3A_225 : f32 to vector<16xf32>
      %select_n3A_236 = arith.select %eq3A_234, %broadcast_in_dim3A_235, %scan3A_185 : vector<16xi1>, vector<16xf32>
      %add3A_237 = arith.constant 32 : i32
      %add3A_238 = vector.broadcast %add3A_237 : i32 to vector<16xi32>
      %add3A_239 = arith.addi %iota3A, %add3A_238 : vector<16xi32>
      %eq3A_240 = vector.broadcast %scan3A_180 : i32 to vector<16xi32>
      %eq3A_241 = arith.cmpi eq, %add3A_239, %eq3A_240 : vector<16xi32>
      %broadcast_in_dim3A_242 = vector.broadcast %reduce_max3A_225 : f32 to vector<16xf32>
      %select_n3A_243 = arith.select %eq3A_241, %broadcast_in_dim3A_242, %scan3A_186 : vector<16xi1>, vector<16xf32>
      %mul3A_244 = arith.constant 16 : i32
      %mul3A_245 = arith.muli %scan3A_180, %mul3A_244 : i32
      %add3A_246 = arith.constant 1152 : i32
      %add3A_247 = arith.addi %add3A_246, %mul3A_245 : i32
      %get3A_248 = arith.index_cast %add3A_247 : i32 to index
      %get3A_249 = tpu.vector_load %arg5[%get3A_248] {strides = array<i32>} : memref<3456xf32, #tpu.memory_space<vmem>>, vector<16xf32>,
      %reduce_max3A_250 = arith.constant true
      %reduce_max3A_251 = vector.broadcast %reduce_max3A_250 : i1 to vector<16xi1>
      %reduce_max3A_252 = tpu.scan <max>, %get3A_249 masked %reduce_max3A_251 : vector<16xf32>, vector<16xi1> -> vector<16xf32>
      %reduce_max3A_253 = vector.extract %reduce_max3A_252[15] : f32 from vector<16xf32>
      %eq3A_254 = vector.broadcast %scan3A_180 : i32 to vector<16xi32>
      %eq3A_255 = arith.cmpi eq, %iota3A, %eq3A_254 : vector<16xi32>
      %broadcast_in_dim3A_256 = vector.broadcast %reduce_max3A_253 : f32 to vector<16xf32>
      %select_n3A_257 = arith.select %eq3A_255, %broadcast_in_dim3A_256, %scan3A_187 : vector<16xi1>, vector<16xf32>
      %add3A_258 = arith.constant 16 : i32
      %add3A_259 = vector.broadcast %add3A_258 : i32 to vector<16xi32>
      %add3A_260 = arith.addi %iota3A, %add3A_259 : vector<16xi32>
      %eq3A_261 = vector.broadcast %scan3A_180 : i32 to vector<16xi32>
      %eq3A_262 = arith.cmpi eq, %add3A_260, %eq3A_261 : vector<16xi32>
      %broadcast_in_dim3A_263 = vector.broadcast %reduce_max3A_253 : f32 to vector<16xf32>
      %select_n3A_264 = arith.select %eq3A_262, %broadcast_in_dim3A_263, %scan3A_188 : vector<16xi1>, vector<16xf32>
      %add3A_265 = arith.constant 32 : i32
      %add3A_266 = vector.broadcast %add3A_265 : i32 to vector<16xi32>
      %add3A_267 = arith.addi %iota3A, %add3A_266 : vector<16xi32>
      %eq3A_268 = vector.broadcast %scan3A_180 : i32 to vector<16xi32>
      %eq3A_269 = arith.cmpi eq, %add3A_267, %eq3A_268 : vector<16xi32>
      %broadcast_in_dim3A_270 = vector.broadcast %reduce_max3A_253 : f32 to vector<16xf32>
      %select_n3A_271 = arith.select %eq3A_269, %broadcast_in_dim3A_270, %scan3A_189 : vector<16xi1>, vector<16xf32>
      scf.yield %select_n3A_201, %select_n3A_208, %select_n3A_215, %select_n3A_229, %select_n3A_236, %select_n3A_243, %select_n3A_257, %select_n3A_264, %select_n3A_271 : vector<16xf32>, vector<16xf32>, vector<16xf32>, vector<16xf32>, vector<16xf32>, vector<16xf32>, vector<16xf32>, vector<16xf32>, vector<16xf32>
    }
    %scan3A_134 = arith.constant 36 : i32
    %scan3A_135 = arith.constant 0 : i32
    %scan3A_136 = arith.constant 24 : i32
    %scan3A_137 = arith.addi %scan3A_135, %scan3A_136 : i32
    %scan3A_138 = arith.constant 1 : i32
    %scan3A_139:9 = scf.for %scan3A_180 = %scan3A_135 to %scan3A_137 step %scan3A_138 iter_args(%scan3A_181 = %scan3A_133#0, %scan3A_182 = %scan3A_133#1, %scan3A_183 = %scan3A_133#2, %scan3A_184 = %scan3A_133#3, %scan3A_185 = %scan3A_133#4, %scan3A_186 = %scan3A_133#5, %scan3A_187 = %scan3A_133#6, %scan3A_188 = %scan3A_133#7, %scan3A_189 = %scan3A_133#8) -> (vector<16xf32>, vector<16xf32>, vector<16xf32>, vector<16xf32>, vector<16xf32>, vector<16xf32>, vector<16xf32>, vector<16xf32>, vector<16xf32>)  : i32 {
      %max3A = arith.maximumf %scan3A_181, %scan3A_182 : vector<16xf32>
      %max3A_190 = arith.maximumf %max3A, %scan3A_183 : vector<16xf32>
      %reduce_max3A = arith.constant true
      %reduce_max3A_191 = vector.broadcast %reduce_max3A : i1 to vector<16xi1>
      %reduce_max3A_192 = tpu.scan <max>, %max3A_190 masked %reduce_max3A_191 : vector<16xf32>, vector<16xi1> -> vector<16xf32>
      %reduce_max3A_193 = vector.extract %reduce_max3A_192[15] : f32 from vector<16xf32>
      %eq3A_194 = vector.broadcast %reduce_max3A_193 : f32 to vector<16xf32>
      %eq3A_195 = arith.cmpf oeq, %scan3A_181, %eq3A_194 : vector<16xf32>
      %jit3A_196 = arith.constant 64 : i32
      %broadcast_in_dim3A_197 = vector.broadcast %jit3A_196 : i32 to vector<16xi32>
      %select_n3A_198 = arith.select %eq3A_195, %iota3A, %broadcast_in_dim3A_197 : vector<16xi1>, vector<16xi32>
      %eq3A_199 = vector.broadcast %reduce_max3A_193 : f32 to vector<16xf32>
      %eq3A_200 = arith.cmpf oeq, %scan3A_182, %eq3A_199 : vector<16xf32>
      %add3A_201 = arith.constant 16 : i32
      %add3A_202 = vector.broadcast %add3A_201 : i32 to vector<16xi32>
      %add3A_203 = arith.addi %iota3A, %add3A_202 : vector<16xi32>
      %jit3A_204 = arith.constant 64 : i32
      %broadcast_in_dim3A_205 = vector.broadcast %jit3A_204 : i32 to vector<16xi32>
      %select_n3A_206 = arith.select %eq3A_200, %add3A_203, %broadcast_in_dim3A_205 : vector<16xi1>, vector<16xi32>
      %min3A = arith.minsi %select_n3A_198, %select_n3A_206 : vector<16xi32>
      %eq3A_207 = vector.broadcast %reduce_max3A_193 : f32 to vector<16xf32>
      %eq3A_208 = arith.cmpf oeq, %scan3A_183, %eq3A_207 : vector<16xf32>
      %add3A_209 = arith.constant 32 : i32
      %add3A_210 = vector.broadcast %add3A_209 : i32 to vector<16xi32>
      %add3A_211 = arith.addi %iota3A, %add3A_210 : vector<16xi32>
      %jit3A_212 = arith.constant 64 : i32
      %broadcast_in_dim3A_213 = vector.broadcast %jit3A_212 : i32 to vector<16xi32>
      %select_n3A_214 = arith.select %eq3A_208, %add3A_211, %broadcast_in_dim3A_213 : vector<16xi1>, vector<16xi32>
      %min3A_215 = arith.minsi %min3A, %select_n3A_214 : vector<16xi32>
      %reduce_min3A = arith.constant true
      %reduce_min3A_216 = vector.broadcast %reduce_min3A : i1 to vector<16xi1>
      %reduce_min3A_217 = arith.constant -2147483648 : i32
      %reduce_min3A_218 = vector.broadcast %reduce_min3A_217 : i32 to vector<16xi32>
      %reduce_min3A_219 = arith.xori %min3A_215, %reduce_min3A_218 : vector<16xi32>
      %reduce_min3A_220 = tpu.scan <min>, %reduce_min3A_219 masked %reduce_min3A_216 : vector<16xi32>, vector<16xi1> -> vector<16xi32>
      %reduce_min3A_221 = arith.xori %reduce_min3A_220, %reduce_min3A_218 : vector<16xi32>
      %reduce_min3A_222 = vector.extract %reduce_min3A_221[15] : i32 from vector<16xi32>
      %mul3A_223 = arith.constant 16 : i32
      %mul3A_224 = arith.muli %reduce_min3A_222, %mul3A_223 : i32
      %add3A_225 = arith.constant 0 : i32
      %add3A_226 = arith.addi %add3A_225, %mul3A_224 : i32
      %get3A = arith.index_cast %add3A_226 : i32 to index
      %get3A_227 = tpu.vector_load %arg5[%get3A] {strides = array<i32>} : memref<3456xf32, #tpu.memory_space<vmem>>, vector<16xf32>,
      %eq3A_228 = vector.broadcast %reduce_max3A_193 : f32 to vector<16xf32>
      %eq3A_229 = arith.cmpf oeq, %get3A_227, %eq3A_228 : vector<16xf32>
      %jit3A_230 = arith.constant 64 : i32
      %broadcast_in_dim3A_231 = vector.broadcast %jit3A_230 : i32 to vector<16xi32>
      %select_n3A_232 = arith.select %eq3A_229, %iota3A, %broadcast_in_dim3A_231 : vector<16xi1>, vector<16xi32>
      %reduce_min3A_233 = arith.constant true
      %reduce_min3A_234 = vector.broadcast %reduce_min3A_233 : i1 to vector<16xi1>
      %reduce_min3A_235 = arith.constant -2147483648 : i32
      %reduce_min3A_236 = vector.broadcast %reduce_min3A_235 : i32 to vector<16xi32>
      %reduce_min3A_237 = arith.xori %select_n3A_232, %reduce_min3A_236 : vector<16xi32>
      %reduce_min3A_238 = tpu.scan <min>, %reduce_min3A_237 masked %reduce_min3A_234 : vector<16xi32>, vector<16xi1> -> vector<16xi32>
      %reduce_min3A_239 = arith.xori %reduce_min3A_238, %reduce_min3A_236 : vector<16xi32>
      %reduce_min3A_240 = vector.extract %reduce_min3A_239[15] : i32 from vector<16xi32>
      %mul3A_241 = arith.constant 16 : i32
      %mul3A_242 = arith.muli %reduce_min3A_222, %mul3A_241 : i32
      %add3A_243 = arith.addi %mul3A_242, %reduce_min3A_240 : i32
      %broadcast_in_dim3A_244 = arith.constant 0 : i32
      %broadcast_in_dim3A_245 = vector.broadcast %broadcast_in_dim3A_244 : i32 to vector<16xi32>
      %add3A_246 = vector.broadcast %add3A_243 : i32 to vector<16xi32>
      %add3A_247 = arith.addi %broadcast_in_dim3A_245, %add3A_246 : vector<16xi32>
      tpu.vector_store_idx %arg5[%add3A_247], %broadcast_in_dim3A_37 masked %eq3A_40 : memref<3456xf32, #tpu.memory_space<vmem>>[vector<16xi32>], vector<16xf32>, vector<16xi1>
      %broadcast_in_dim3A_248 = arith.constant 64 : i32
      %broadcast_in_dim3A_249 = vector.broadcast %broadcast_in_dim3A_248 : i32 to vector<16xi32>
      %add3A_250 = vector.broadcast %add3A_243 : i32 to vector<16xi32>
      %add3A_251 = arith.addi %broadcast_in_dim3A_249, %add3A_250 : vector<16xi32>
      tpu.vector_store_idx %arg6[%add3A_251], %broadcast_in_dim3A_35 masked %eq3A_40 {add = true} : memref<704xf32, #tpu.memory_space<vmem>>[vector<16xi32>], vector<16xf32>, vector<16xi1>
      %eq3A_252 = vector.broadcast %reduce_min3A_240 : i32 to vector<16xi32>
      %eq3A_253 = arith.cmpi eq, %iota3A, %eq3A_252 : vector<16xi32>
      %jit3A_254 = arith.constant 0xFF800000 : f32
      %broadcast_in_dim3A_255 = vector.broadcast %jit3A_254 : f32 to vector<16xf32>
      %select_n3A_256 = arith.select %eq3A_253, %broadcast_in_dim3A_255, %get3A_227 : vector<16xi1>, vector<16xf32>
      %reduce_max3A_257 = arith.constant true
      %reduce_max3A_258 = vector.broadcast %reduce_max3A_257 : i1 to vector<16xi1>
      %reduce_max3A_259 = tpu.scan <max>, %select_n3A_256 masked %reduce_max3A_258 : vector<16xf32>, vector<16xi1> -> vector<16xf32>
      %reduce_max3A_260 = vector.extract %reduce_max3A_259[15] : f32 from vector<16xf32>
      %eq3A_261 = vector.broadcast %reduce_min3A_222 : i32 to vector<16xi32>
      %eq3A_262 = arith.cmpi eq, %iota3A, %eq3A_261 : vector<16xi32>
      %broadcast_in_dim3A_263 = vector.broadcast %reduce_max3A_260 : f32 to vector<16xf32>
      %select_n3A_264 = arith.select %eq3A_262, %broadcast_in_dim3A_263, %scan3A_181 : vector<16xi1>, vector<16xf32>
      %add3A_265 = arith.constant 16 : i32
      %add3A_266 = vector.broadcast %add3A_265 : i32 to vector<16xi32>
      %add3A_267 = arith.addi %iota3A, %add3A_266 : vector<16xi32>
      %eq3A_268 = vector.broadcast %reduce_min3A_222 : i32 to vector<16xi32>
      %eq3A_269 = arith.cmpi eq, %add3A_267, %eq3A_268 : vector<16xi32>
      %broadcast_in_dim3A_270 = vector.broadcast %reduce_max3A_260 : f32 to vector<16xf32>
      %select_n3A_271 = arith.select %eq3A_269, %broadcast_in_dim3A_270, %scan3A_182 : vector<16xi1>, vector<16xf32>
      %add3A_272 = arith.constant 32 : i32
      %add3A_273 = vector.broadcast %add3A_272 : i32 to vector<16xi32>
      %add3A_274 = arith.addi %iota3A, %add3A_273 : vector<16xi32>
      %eq3A_275 = vector.broadcast %reduce_min3A_222 : i32 to vector<16xi32>
      %eq3A_276 = arith.cmpi eq, %add3A_274, %eq3A_275 : vector<16xi32>
      %broadcast_in_dim3A_277 = vector.broadcast %reduce_max3A_260 : f32 to vector<16xf32>
      %select_n3A_278 = arith.select %eq3A_276, %broadcast_in_dim3A_277, %scan3A_183 : vector<16xi1>, vector<16xf32>
      %max3A_279 = arith.maximumf %scan3A_184, %scan3A_185 : vector<16xf32>
      %max3A_280 = arith.maximumf %max3A_279, %scan3A_186 : vector<16xf32>
      %reduce_max3A_281 = arith.constant true
      %reduce_max3A_282 = vector.broadcast %reduce_max3A_281 : i1 to vector<16xi1>
      %reduce_max3A_283 = tpu.scan <max>, %max3A_280 masked %reduce_max3A_282 : vector<16xf32>, vector<16xi1> -> vector<16xf32>
      %reduce_max3A_284 = vector.extract %reduce_max3A_283[15] : f32 from vector<16xf32>
      %eq3A_285 = vector.broadcast %reduce_max3A_284 : f32 to vector<16xf32>
      %eq3A_286 = arith.cmpf oeq, %scan3A_184, %eq3A_285 : vector<16xf32>
      %jit3A_287 = arith.constant 64 : i32
      %broadcast_in_dim3A_288 = vector.broadcast %jit3A_287 : i32 to vector<16xi32>
      %select_n3A_289 = arith.select %eq3A_286, %iota3A, %broadcast_in_dim3A_288 : vector<16xi1>, vector<16xi32>
      %eq3A_290 = vector.broadcast %reduce_max3A_284 : f32 to vector<16xf32>
      %eq3A_291 = arith.cmpf oeq, %scan3A_185, %eq3A_290 : vector<16xf32>
      %add3A_292 = arith.constant 16 : i32
      %add3A_293 = vector.broadcast %add3A_292 : i32 to vector<16xi32>
      %add3A_294 = arith.addi %iota3A, %add3A_293 : vector<16xi32>
      %jit3A_295 = arith.constant 64 : i32
      %broadcast_in_dim3A_296 = vector.broadcast %jit3A_295 : i32 to vector<16xi32>
      %select_n3A_297 = arith.select %eq3A_291, %add3A_294, %broadcast_in_dim3A_296 : vector<16xi1>, vector<16xi32>
      %min3A_298 = arith.minsi %select_n3A_289, %select_n3A_297 : vector<16xi32>
      %eq3A_299 = vector.broadcast %reduce_max3A_284 : f32 to vector<16xf32>
      %eq3A_300 = arith.cmpf oeq, %scan3A_186, %eq3A_299 : vector<16xf32>
      %add3A_301 = arith.constant 32 : i32
      %add3A_302 = vector.broadcast %add3A_301 : i32 to vector<16xi32>
      %add3A_303 = arith.addi %iota3A, %add3A_302 : vector<16xi32>
      %jit3A_304 = arith.constant 64 : i32
      %broadcast_in_dim3A_305 = vector.broadcast %jit3A_304 : i32 to vector<16xi32>
      %select_n3A_306 = arith.select %eq3A_300, %add3A_303, %broadcast_in_dim3A_305 : vector<16xi1>, vector<16xi32>
      %min3A_307 = arith.minsi %min3A_298, %select_n3A_306 : vector<16xi32>
      %reduce_min3A_308 = arith.constant true
      %reduce_min3A_309 = vector.broadcast %reduce_min3A_308 : i1 to vector<16xi1>
      %reduce_min3A_310 = arith.constant -2147483648 : i32
      %reduce_min3A_311 = vector.broadcast %reduce_min3A_310 : i32 to vector<16xi32>
      %reduce_min3A_312 = arith.xori %min3A_307, %reduce_min3A_311 : vector<16xi32>
      %reduce_min3A_313 = tpu.scan <min>, %reduce_min3A_312 masked %reduce_min3A_309 : vector<16xi32>, vector<16xi1> -> vector<16xi32>
      %reduce_min3A_314 = arith.xori %reduce_min3A_313, %reduce_min3A_311 : vector<16xi32>
      %reduce_min3A_315 = vector.extract %reduce_min3A_314[15] : i32 from vector<16xi32>
      %mul3A_316 = arith.constant 16 : i32
      %mul3A_317 = arith.muli %reduce_min3A_315, %mul3A_316 : i32
      %add3A_318 = arith.constant 576 : i32
      %add3A_319 = arith.addi %add3A_318, %mul3A_317 : i32
      %get3A_320 = arith.index_cast %add3A_319 : i32 to index
      %get3A_321 = tpu.vector_load %arg5[%get3A_320] {strides = array<i32>} : memref<3456xf32, #tpu.memory_space<vmem>>, vector<16xf32>,
      %eq3A_322 = vector.broadcast %reduce_max3A_284 : f32 to vector<16xf32>
      %eq3A_323 = arith.cmpf oeq, %get3A_321, %eq3A_322 : vector<16xf32>
      %jit3A_324 = arith.constant 64 : i32
      %broadcast_in_dim3A_325 = vector.broadcast %jit3A_324 : i32 to vector<16xi32>
      %select_n3A_326 = arith.select %eq3A_323, %iota3A, %broadcast_in_dim3A_325 : vector<16xi1>, vector<16xi32>
      %reduce_min3A_327 = arith.constant true
      %reduce_min3A_328 = vector.broadcast %reduce_min3A_327 : i1 to vector<16xi1>
      %reduce_min3A_329 = arith.constant -2147483648 : i32
      %reduce_min3A_330 = vector.broadcast %reduce_min3A_329 : i32 to vector<16xi32>
      %reduce_min3A_331 = arith.xori %select_n3A_326, %reduce_min3A_330 : vector<16xi32>
      %reduce_min3A_332 = tpu.scan <min>, %reduce_min3A_331 masked %reduce_min3A_328 : vector<16xi32>, vector<16xi1> -> vector<16xi32>
      %reduce_min3A_333 = arith.xori %reduce_min3A_332, %reduce_min3A_330 : vector<16xi32>
      %reduce_min3A_334 = vector.extract %reduce_min3A_333[15] : i32 from vector<16xi32>
      %mul3A_335 = arith.constant 16 : i32
      %mul3A_336 = arith.muli %reduce_min3A_315, %mul3A_335 : i32
      %add3A_337 = arith.addi %mul3A_336, %reduce_min3A_334 : i32
      %broadcast_in_dim3A_338 = arith.constant 576 : i32
      %broadcast_in_dim3A_339 = vector.broadcast %broadcast_in_dim3A_338 : i32 to vector<16xi32>
      %add3A_340 = vector.broadcast %add3A_337 : i32 to vector<16xi32>
      %add3A_341 = arith.addi %broadcast_in_dim3A_339, %add3A_340 : vector<16xi32>
      tpu.vector_store_idx %arg5[%add3A_341], %broadcast_in_dim3A_37 masked %eq3A_40 : memref<3456xf32, #tpu.memory_space<vmem>>[vector<16xi32>], vector<16xf32>, vector<16xi1>
      %broadcast_in_dim3A_342 = arith.constant 64 : i32
      %broadcast_in_dim3A_343 = vector.broadcast %broadcast_in_dim3A_342 : i32 to vector<16xi32>
      %add3A_344 = vector.broadcast %add3A_337 : i32 to vector<16xi32>
      %add3A_345 = arith.addi %broadcast_in_dim3A_343, %add3A_344 : vector<16xi32>
      tpu.vector_store_idx %arg6[%add3A_345], %broadcast_in_dim3A_35 masked %eq3A_40 {add = true} : memref<704xf32, #tpu.memory_space<vmem>>[vector<16xi32>], vector<16xf32>, vector<16xi1>
      %eq3A_346 = vector.broadcast %reduce_min3A_334 : i32 to vector<16xi32>
      %eq3A_347 = arith.cmpi eq, %iota3A, %eq3A_346 : vector<16xi32>
      %jit3A_348 = arith.constant 0xFF800000 : f32
      %broadcast_in_dim3A_349 = vector.broadcast %jit3A_348 : f32 to vector<16xf32>
      %select_n3A_350 = arith.select %eq3A_347, %broadcast_in_dim3A_349, %get3A_321 : vector<16xi1>, vector<16xf32>
      %reduce_max3A_351 = arith.constant true
      %reduce_max3A_352 = vector.broadcast %reduce_max3A_351 : i1 to vector<16xi1>
      %reduce_max3A_353 = tpu.scan <max>, %select_n3A_350 masked %reduce_max3A_352 : vector<16xf32>, vector<16xi1> -> vector<16xf32>
      %reduce_max3A_354 = vector.extract %reduce_max3A_353[15] : f32 from vector<16xf32>
      %eq3A_355 = vector.broadcast %reduce_min3A_315 : i32 to vector<16xi32>
      %eq3A_356 = arith.cmpi eq, %iota3A, %eq3A_355 : vector<16xi32>
      %broadcast_in_dim3A_357 = vector.broadcast %reduce_max3A_354 : f32 to vector<16xf32>
      %select_n3A_358 = arith.select %eq3A_356, %broadcast_in_dim3A_357, %scan3A_184 : vector<16xi1>, vector<16xf32>
      %add3A_359 = arith.constant 16 : i32
      %add3A_360 = vector.broadcast %add3A_359 : i32 to vector<16xi32>
      %add3A_361 = arith.addi %iota3A, %add3A_360 : vector<16xi32>
      %eq3A_362 = vector.broadcast %reduce_min3A_315 : i32 to vector<16xi32>
      %eq3A_363 = arith.cmpi eq, %add3A_361, %eq3A_362 : vector<16xi32>
      %broadcast_in_dim3A_364 = vector.broadcast %reduce_max3A_354 : f32 to vector<16xf32>
      %select_n3A_365 = arith.select %eq3A_363, %broadcast_in_dim3A_364, %scan3A_185 : vector<16xi1>, vector<16xf32>
      %add3A_366 = arith.constant 32 : i32
      %add3A_367 = vector.broadcast %add3A_366 : i32 to vector<16xi32>
      %add3A_368 = arith.addi %iota3A, %add3A_367 : vector<16xi32>
      %eq3A_369 = vector.broadcast %reduce_min3A_315 : i32 to vector<16xi32>
      %eq3A_370 = arith.cmpi eq, %add3A_368, %eq3A_369 : vector<16xi32>
      %broadcast_in_dim3A_371 = vector.broadcast %reduce_max3A_354 : f32 to vector<16xf32>
      %select_n3A_372 = arith.select %eq3A_370, %broadcast_in_dim3A_371, %scan3A_186 : vector<16xi1>, vector<16xf32>
      %max3A_373 = arith.maximumf %scan3A_187, %scan3A_188 : vector<16xf32>
      %max3A_374 = arith.maximumf %max3A_373, %scan3A_189 : vector<16xf32>
      %reduce_max3A_375 = arith.constant true
      %reduce_max3A_376 = vector.broadcast %reduce_max3A_375 : i1 to vector<16xi1>
      %reduce_max3A_377 = tpu.scan <max>, %max3A_374 masked %reduce_max3A_376 : vector<16xf32>, vector<16xi1> -> vector<16xf32>
      %reduce_max3A_378 = vector.extract %reduce_max3A_377[15] : f32 from vector<16xf32>
      %eq3A_379 = vector.broadcast %reduce_max3A_378 : f32 to vector<16xf32>
      %eq3A_380 = arith.cmpf oeq, %scan3A_187, %eq3A_379 : vector<16xf32>
      %jit3A_381 = arith.constant 64 : i32
      %broadcast_in_dim3A_382 = vector.broadcast %jit3A_381 : i32 to vector<16xi32>
      %select_n3A_383 = arith.select %eq3A_380, %iota3A, %broadcast_in_dim3A_382 : vector<16xi1>, vector<16xi32>
      %eq3A_384 = vector.broadcast %reduce_max3A_378 : f32 to vector<16xf32>
      %eq3A_385 = arith.cmpf oeq, %scan3A_188, %eq3A_384 : vector<16xf32>
      %add3A_386 = arith.constant 16 : i32
      %add3A_387 = vector.broadcast %add3A_386 : i32 to vector<16xi32>
      %add3A_388 = arith.addi %iota3A, %add3A_387 : vector<16xi32>
      %jit3A_389 = arith.constant 64 : i32
      %broadcast_in_dim3A_390 = vector.broadcast %jit3A_389 : i32 to vector<16xi32>
      %select_n3A_391 = arith.select %eq3A_385, %add3A_388, %broadcast_in_dim3A_390 : vector<16xi1>, vector<16xi32>
      %min3A_392 = arith.minsi %select_n3A_383, %select_n3A_391 : vector<16xi32>
      %eq3A_393 = vector.broadcast %reduce_max3A_378 : f32 to vector<16xf32>
      %eq3A_394 = arith.cmpf oeq, %scan3A_189, %eq3A_393 : vector<16xf32>
      %add3A_395 = arith.constant 32 : i32
      %add3A_396 = vector.broadcast %add3A_395 : i32 to vector<16xi32>
      %add3A_397 = arith.addi %iota3A, %add3A_396 : vector<16xi32>
      %jit3A_398 = arith.constant 64 : i32
      %broadcast_in_dim3A_399 = vector.broadcast %jit3A_398 : i32 to vector<16xi32>
      %select_n3A_400 = arith.select %eq3A_394, %add3A_397, %broadcast_in_dim3A_399 : vector<16xi1>, vector<16xi32>
      %min3A_401 = arith.minsi %min3A_392, %select_n3A_400 : vector<16xi32>
      %reduce_min3A_402 = arith.constant true
      %reduce_min3A_403 = vector.broadcast %reduce_min3A_402 : i1 to vector<16xi1>
      %reduce_min3A_404 = arith.constant -2147483648 : i32
      %reduce_min3A_405 = vector.broadcast %reduce_min3A_404 : i32 to vector<16xi32>
      %reduce_min3A_406 = arith.xori %min3A_401, %reduce_min3A_405 : vector<16xi32>
      %reduce_min3A_407 = tpu.scan <min>, %reduce_min3A_406 masked %reduce_min3A_403 : vector<16xi32>, vector<16xi1> -> vector<16xi32>
      %reduce_min3A_408 = arith.xori %reduce_min3A_407, %reduce_min3A_405 : vector<16xi32>
      %reduce_min3A_409 = vector.extract %reduce_min3A_408[15] : i32 from vector<16xi32>
      %mul3A_410 = arith.constant 16 : i32
      %mul3A_411 = arith.muli %reduce_min3A_409, %mul3A_410 : i32
      %add3A_412 = arith.constant 1152 : i32
      %add3A_413 = arith.addi %add3A_412, %mul3A_411 : i32
      %get3A_414 = arith.index_cast %add3A_413 : i32 to index
      %get3A_415 = tpu.vector_load %arg5[%get3A_414] {strides = array<i32>} : memref<3456xf32, #tpu.memory_space<vmem>>, vector<16xf32>,
      %eq3A_416 = vector.broadcast %reduce_max3A_378 : f32 to vector<16xf32>
      %eq3A_417 = arith.cmpf oeq, %get3A_415, %eq3A_416 : vector<16xf32>
      %jit3A_418 = arith.constant 64 : i32
      %broadcast_in_dim3A_419 = vector.broadcast %jit3A_418 : i32 to vector<16xi32>
      %select_n3A_420 = arith.select %eq3A_417, %iota3A, %broadcast_in_dim3A_419 : vector<16xi1>, vector<16xi32>
      %reduce_min3A_421 = arith.constant true
      %reduce_min3A_422 = vector.broadcast %reduce_min3A_421 : i1 to vector<16xi1>
      %reduce_min3A_423 = arith.constant -2147483648 : i32
      %reduce_min3A_424 = vector.broadcast %reduce_min3A_423 : i32 to vector<16xi32>
      %reduce_min3A_425 = arith.xori %select_n3A_420, %reduce_min3A_424 : vector<16xi32>
      %reduce_min3A_426 = tpu.scan <min>, %reduce_min3A_425 masked %reduce_min3A_422 : vector<16xi32>, vector<16xi1> -> vector<16xi32>
      %reduce_min3A_427 = arith.xori %reduce_min3A_426, %reduce_min3A_424 : vector<16xi32>
      %reduce_min3A_428 = vector.extract %reduce_min3A_427[15] : i32 from vector<16xi32>
      %mul3A_429 = arith.constant 16 : i32
      %mul3A_430 = arith.muli %reduce_min3A_409, %mul3A_429 : i32
      %add3A_431 = arith.addi %mul3A_430, %reduce_min3A_428 : i32
      %broadcast_in_dim3A_432 = arith.constant 1152 : i32
      %broadcast_in_dim3A_433 = vector.broadcast %broadcast_in_dim3A_432 : i32 to vector<16xi32>
      %add3A_434 = vector.broadcast %add3A_431 : i32 to vector<16xi32>
      %add3A_435 = arith.addi %broadcast_in_dim3A_433, %add3A_434 : vector<16xi32>
      tpu.vector_store_idx %arg5[%add3A_435], %broadcast_in_dim3A_37 masked %eq3A_40 : memref<3456xf32, #tpu.memory_space<vmem>>[vector<16xi32>], vector<16xf32>, vector<16xi1>
      %broadcast_in_dim3A_436 = arith.constant 64 : i32
      %broadcast_in_dim3A_437 = vector.broadcast %broadcast_in_dim3A_436 : i32 to vector<16xi32>
      %add3A_438 = vector.broadcast %add3A_431 : i32 to vector<16xi32>
      %add3A_439 = arith.addi %broadcast_in_dim3A_437, %add3A_438 : vector<16xi32>
      tpu.vector_store_idx %arg6[%add3A_439], %broadcast_in_dim3A_35 masked %eq3A_40 {add = true} : memref<704xf32, #tpu.memory_space<vmem>>[vector<16xi32>], vector<16xf32>, vector<16xi1>
      %eq3A_440 = vector.broadcast %reduce_min3A_428 : i32 to vector<16xi32>
      %eq3A_441 = arith.cmpi eq, %iota3A, %eq3A_440 : vector<16xi32>
      %jit3A_442 = arith.constant 0xFF800000 : f32
      %broadcast_in_dim3A_443 = vector.broadcast %jit3A_442 : f32 to vector<16xf32>
      %select_n3A_444 = arith.select %eq3A_441, %broadcast_in_dim3A_443, %get3A_415 : vector<16xi1>, vector<16xf32>
      %reduce_max3A_445 = arith.constant true
      %reduce_max3A_446 = vector.broadcast %reduce_max3A_445 : i1 to vector<16xi1>
      %reduce_max3A_447 = tpu.scan <max>, %select_n3A_444 masked %reduce_max3A_446 : vector<16xf32>, vector<16xi1> -> vector<16xf32>
      %reduce_max3A_448 = vector.extract %reduce_max3A_447[15] : f32 from vector<16xf32>
      %eq3A_449 = vector.broadcast %reduce_min3A_409 : i32 to vector<16xi32>
      %eq3A_450 = arith.cmpi eq, %iota3A, %eq3A_449 : vector<16xi32>
      %broadcast_in_dim3A_451 = vector.broadcast %reduce_max3A_448 : f32 to vector<16xf32>
      %select_n3A_452 = arith.select %eq3A_450, %broadcast_in_dim3A_451, %scan3A_187 : vector<16xi1>, vector<16xf32>
      %add3A_453 = arith.constant 16 : i32
      %add3A_454 = vector.broadcast %add3A_453 : i32 to vector<16xi32>
      %add3A_455 = arith.addi %iota3A, %add3A_454 : vector<16xi32>
      %eq3A_456 = vector.broadcast %reduce_min3A_409 : i32 to vector<16xi32>
      %eq3A_457 = arith.cmpi eq, %add3A_455, %eq3A_456 : vector<16xi32>
      %broadcast_in_dim3A_458 = vector.broadcast %reduce_max3A_448 : f32 to vector<16xf32>
      %select_n3A_459 = arith.select %eq3A_457, %broadcast_in_dim3A_458, %scan3A_188 : vector<16xi1>, vector<16xf32>
      %add3A_460 = arith.constant 32 : i32
      %add3A_461 = vector.broadcast %add3A_460 : i32 to vector<16xi32>
      %add3A_462 = arith.addi %iota3A, %add3A_461 : vector<16xi32>
      %eq3A_463 = vector.broadcast %reduce_min3A_409 : i32 to vector<16xi32>
      %eq3A_464 = arith.cmpi eq, %add3A_462, %eq3A_463 : vector<16xi32>
      %broadcast_in_dim3A_465 = vector.broadcast %reduce_max3A_448 : f32 to vector<16xf32>
      %select_n3A_466 = arith.select %eq3A_464, %broadcast_in_dim3A_465, %scan3A_189 : vector<16xi1>, vector<16xf32>
      scf.yield %select_n3A_264, %select_n3A_271, %select_n3A_278, %select_n3A_358, %select_n3A_365, %select_n3A_372, %select_n3A_452, %select_n3A_459, %select_n3A_466 : vector<16xf32>, vector<16xf32>, vector<16xf32>, vector<16xf32>, vector<16xf32>, vector<16xf32>, vector<16xf32>, vector<16xf32>, vector<16xf32>
    }
    %scan3A_140 = arith.constant 24 : i32
    %scan3A_141 = arith.constant 0 : i32
    %scan3A_142 = arith.constant 36 : i32
    %scan3A_143 = arith.addi %scan3A_141, %scan3A_142 : i32
    %scan3A_144 = arith.constant 1 : i32
    %scan3A_145:9 = scf.for %scan3A_180 = %scan3A_141 to %scan3A_143 step %scan3A_144 iter_args(%scan3A_181 = %broadcast_in_dim3A_37, %scan3A_182 = %broadcast_in_dim3A_37, %scan3A_183 = %broadcast_in_dim3A_37, %scan3A_184 = %broadcast_in_dim3A_37, %scan3A_185 = %broadcast_in_dim3A_37, %scan3A_186 = %broadcast_in_dim3A_37, %scan3A_187 = %broadcast_in_dim3A_37, %scan3A_188 = %broadcast_in_dim3A_37, %scan3A_189 = %broadcast_in_dim3A_37) -> (vector<16xf32>, vector<16xf32>, vector<16xf32>, vector<16xf32>, vector<16xf32>, vector<16xf32>, vector<16xf32>, vector<16xf32>, vector<16xf32>)  : i32 {
      %mul3A_190 = arith.constant 16 : i32
      %mul3A_191 = arith.muli %scan3A_180, %mul3A_190 : i32
      %add3A_192 = arith.constant 1728 : i32
      %add3A_193 = arith.addi %add3A_192, %mul3A_191 : i32
      %get3A = arith.index_cast %add3A_193 : i32 to index
      %get3A_194 = tpu.vector_load %arg5[%get3A] {strides = array<i32>} : memref<3456xf32, #tpu.memory_space<vmem>>, vector<16xf32>,
      %reduce_max3A = arith.constant true
      %reduce_max3A_195 = vector.broadcast %reduce_max3A : i1 to vector<16xi1>
      %reduce_max3A_196 = tpu.scan <max>, %get3A_194 masked %reduce_max3A_195 : vector<16xf32>, vector<16xi1> -> vector<16xf32>
      %reduce_max3A_197 = vector.extract %reduce_max3A_196[15] : f32 from vector<16xf32>
      %eq3A_198 = vector.broadcast %scan3A_180 : i32 to vector<16xi32>
      %eq3A_199 = arith.cmpi eq, %iota3A, %eq3A_198 : vector<16xi32>
      %broadcast_in_dim3A_200 = vector.broadcast %reduce_max3A_197 : f32 to vector<16xf32>
      %select_n3A_201 = arith.select %eq3A_199, %broadcast_in_dim3A_200, %scan3A_181 : vector<16xi1>, vector<16xf32>
      %add3A_202 = arith.constant 16 : i32
      %add3A_203 = vector.broadcast %add3A_202 : i32 to vector<16xi32>
      %add3A_204 = arith.addi %iota3A, %add3A_203 : vector<16xi32>
      %eq3A_205 = vector.broadcast %scan3A_180 : i32 to vector<16xi32>
      %eq3A_206 = arith.cmpi eq, %add3A_204, %eq3A_205 : vector<16xi32>
      %broadcast_in_dim3A_207 = vector.broadcast %reduce_max3A_197 : f32 to vector<16xf32>
      %select_n3A_208 = arith.select %eq3A_206, %broadcast_in_dim3A_207, %scan3A_182 : vector<16xi1>, vector<16xf32>
      %add3A_209 = arith.constant 32 : i32
      %add3A_210 = vector.broadcast %add3A_209 : i32 to vector<16xi32>
      %add3A_211 = arith.addi %iota3A, %add3A_210 : vector<16xi32>
      %eq3A_212 = vector.broadcast %scan3A_180 : i32 to vector<16xi32>
      %eq3A_213 = arith.cmpi eq, %add3A_211, %eq3A_212 : vector<16xi32>
      %broadcast_in_dim3A_214 = vector.broadcast %reduce_max3A_197 : f32 to vector<16xf32>
      %select_n3A_215 = arith.select %eq3A_213, %broadcast_in_dim3A_214, %scan3A_183 : vector<16xi1>, vector<16xf32>
      %mul3A_216 = arith.constant 16 : i32
      %mul3A_217 = arith.muli %scan3A_180, %mul3A_216 : i32
      %add3A_218 = arith.constant 2304 : i32
      %add3A_219 = arith.addi %add3A_218, %mul3A_217 : i32
      %get3A_220 = arith.index_cast %add3A_219 : i32 to index
      %get3A_221 = tpu.vector_load %arg5[%get3A_220] {strides = array<i32>} : memref<3456xf32, #tpu.memory_space<vmem>>, vector<16xf32>,
      %reduce_max3A_222 = arith.constant true
      %reduce_max3A_223 = vector.broadcast %reduce_max3A_222 : i1 to vector<16xi1>
      %reduce_max3A_224 = tpu.scan <max>, %get3A_221 masked %reduce_max3A_223 : vector<16xf32>, vector<16xi1> -> vector<16xf32>
      %reduce_max3A_225 = vector.extract %reduce_max3A_224[15] : f32 from vector<16xf32>
      %eq3A_226 = vector.broadcast %scan3A_180 : i32 to vector<16xi32>
      %eq3A_227 = arith.cmpi eq, %iota3A, %eq3A_226 : vector<16xi32>
      %broadcast_in_dim3A_228 = vector.broadcast %reduce_max3A_225 : f32 to vector<16xf32>
      %select_n3A_229 = arith.select %eq3A_227, %broadcast_in_dim3A_228, %scan3A_184 : vector<16xi1>, vector<16xf32>
      %add3A_230 = arith.constant 16 : i32
      %add3A_231 = vector.broadcast %add3A_230 : i32 to vector<16xi32>
      %add3A_232 = arith.addi %iota3A, %add3A_231 : vector<16xi32>
      %eq3A_233 = vector.broadcast %scan3A_180 : i32 to vector<16xi32>
      %eq3A_234 = arith.cmpi eq, %add3A_232, %eq3A_233 : vector<16xi32>
      %broadcast_in_dim3A_235 = vector.broadcast %reduce_max3A_225 : f32 to vector<16xf32>
      %select_n3A_236 = arith.select %eq3A_234, %broadcast_in_dim3A_235, %scan3A_185 : vector<16xi1>, vector<16xf32>
      %add3A_237 = arith.constant 32 : i32
      %add3A_238 = vector.broadcast %add3A_237 : i32 to vector<16xi32>
      %add3A_239 = arith.addi %iota3A, %add3A_238 : vector<16xi32>
      %eq3A_240 = vector.broadcast %scan3A_180 : i32 to vector<16xi32>
      %eq3A_241 = arith.cmpi eq, %add3A_239, %eq3A_240 : vector<16xi32>
      %broadcast_in_dim3A_242 = vector.broadcast %reduce_max3A_225 : f32 to vector<16xf32>
      %select_n3A_243 = arith.select %eq3A_241, %broadcast_in_dim3A_242, %scan3A_186 : vector<16xi1>, vector<16xf32>
      %mul3A_244 = arith.constant 16 : i32
      %mul3A_245 = arith.muli %scan3A_180, %mul3A_244 : i32
      %add3A_246 = arith.constant 2880 : i32
      %add3A_247 = arith.addi %add3A_246, %mul3A_245 : i32
      %get3A_248 = arith.index_cast %add3A_247 : i32 to index
      %get3A_249 = tpu.vector_load %arg5[%get3A_248] {strides = array<i32>} : memref<3456xf32, #tpu.memory_space<vmem>>, vector<16xf32>,
      %reduce_max3A_250 = arith.constant true
      %reduce_max3A_251 = vector.broadcast %reduce_max3A_250 : i1 to vector<16xi1>
      %reduce_max3A_252 = tpu.scan <max>, %get3A_249 masked %reduce_max3A_251 : vector<16xf32>, vector<16xi1> -> vector<16xf32>
      %reduce_max3A_253 = vector.extract %reduce_max3A_252[15] : f32 from vector<16xf32>
      %eq3A_254 = vector.broadcast %scan3A_180 : i32 to vector<16xi32>
      %eq3A_255 = arith.cmpi eq, %iota3A, %eq3A_254 : vector<16xi32>
      %broadcast_in_dim3A_256 = vector.broadcast %reduce_max3A_253 : f32 to vector<16xf32>
      %select_n3A_257 = arith.select %eq3A_255, %broadcast_in_dim3A_256, %scan3A_187 : vector<16xi1>, vector<16xf32>
      %add3A_258 = arith.constant 16 : i32
      %add3A_259 = vector.broadcast %add3A_258 : i32 to vector<16xi32>
      %add3A_260 = arith.addi %iota3A, %add3A_259 : vector<16xi32>
      %eq3A_261 = vector.broadcast %scan3A_180 : i32 to vector<16xi32>
      %eq3A_262 = arith.cmpi eq, %add3A_260, %eq3A_261 : vector<16xi32>
      %broadcast_in_dim3A_263 = vector.broadcast %reduce_max3A_253 : f32 to vector<16xf32>
      %select_n3A_264 = arith.select %eq3A_262, %broadcast_in_dim3A_263, %scan3A_188 : vector<16xi1>, vector<16xf32>
      %add3A_265 = arith.constant 32 : i32
      %add3A_266 = vector.broadcast %add3A_265 : i32 to vector<16xi32>
      %add3A_267 = arith.addi %iota3A, %add3A_266 : vector<16xi32>
      %eq3A_268 = vector.broadcast %scan3A_180 : i32 to vector<16xi32>
      %eq3A_269 = arith.cmpi eq, %add3A_267, %eq3A_268 : vector<16xi32>
      %broadcast_in_dim3A_270 = vector.broadcast %reduce_max3A_253 : f32 to vector<16xf32>
      %select_n3A_271 = arith.select %eq3A_269, %broadcast_in_dim3A_270, %scan3A_189 : vector<16xi1>, vector<16xf32>
      scf.yield %select_n3A_201, %select_n3A_208, %select_n3A_215, %select_n3A_229, %select_n3A_236, %select_n3A_243, %select_n3A_257, %select_n3A_264, %select_n3A_271 : vector<16xf32>, vector<16xf32>, vector<16xf32>, vector<16xf32>, vector<16xf32>, vector<16xf32>, vector<16xf32>, vector<16xf32>, vector<16xf32>
    }
    %scan3A_146 = arith.constant 36 : i32
    %scan3A_147 = arith.constant 0 : i32
    %scan3A_148 = arith.constant 24 : i32
    %scan3A_149 = arith.addi %scan3A_147, %scan3A_148 : i32
    %scan3A_150 = arith.constant 1 : i32
    %scan3A_151:9 = scf.for %scan3A_180 = %scan3A_147 to %scan3A_149 step %scan3A_150 iter_args(%scan3A_181 = %scan3A_145#0, %scan3A_182 = %scan3A_145#1, %scan3A_183 = %scan3A_145#2, %scan3A_184 = %scan3A_145#3, %scan3A_185 = %scan3A_145#4, %scan3A_186 = %scan3A_145#5, %scan3A_187 = %scan3A_145#6, %scan3A_188 = %scan3A_145#7, %scan3A_189 = %scan3A_145#8) -> (vector<16xf32>, vector<16xf32>, vector<16xf32>, vector<16xf32>, vector<16xf32>, vector<16xf32>, vector<16xf32>, vector<16xf32>, vector<16xf32>)  : i32 {
      %max3A = arith.maximumf %scan3A_181, %scan3A_182 : vector<16xf32>
      %max3A_190 = arith.maximumf %max3A, %scan3A_183 : vector<16xf32>
      %reduce_max3A = arith.constant true
      %reduce_max3A_191 = vector.broadcast %reduce_max3A : i1 to vector<16xi1>
      %reduce_max3A_192 = tpu.scan <max>, %max3A_190 masked %reduce_max3A_191 : vector<16xf32>, vector<16xi1> -> vector<16xf32>
      %reduce_max3A_193 = vector.extract %reduce_max3A_192[15] : f32 from vector<16xf32>
      %eq3A_194 = vector.broadcast %reduce_max3A_193 : f32 to vector<16xf32>
      %eq3A_195 = arith.cmpf oeq, %scan3A_181, %eq3A_194 : vector<16xf32>
      %jit3A_196 = arith.constant 64 : i32
      %broadcast_in_dim3A_197 = vector.broadcast %jit3A_196 : i32 to vector<16xi32>
      %select_n3A_198 = arith.select %eq3A_195, %iota3A, %broadcast_in_dim3A_197 : vector<16xi1>, vector<16xi32>
      %eq3A_199 = vector.broadcast %reduce_max3A_193 : f32 to vector<16xf32>
      %eq3A_200 = arith.cmpf oeq, %scan3A_182, %eq3A_199 : vector<16xf32>
      %add3A_201 = arith.constant 16 : i32
      %add3A_202 = vector.broadcast %add3A_201 : i32 to vector<16xi32>
      %add3A_203 = arith.addi %iota3A, %add3A_202 : vector<16xi32>
      %jit3A_204 = arith.constant 64 : i32
      %broadcast_in_dim3A_205 = vector.broadcast %jit3A_204 : i32 to vector<16xi32>
      %select_n3A_206 = arith.select %eq3A_200, %add3A_203, %broadcast_in_dim3A_205 : vector<16xi1>, vector<16xi32>
      %min3A = arith.minsi %select_n3A_198, %select_n3A_206 : vector<16xi32>
      %eq3A_207 = vector.broadcast %reduce_max3A_193 : f32 to vector<16xf32>
      %eq3A_208 = arith.cmpf oeq, %scan3A_183, %eq3A_207 : vector<16xf32>
      %add3A_209 = arith.constant 32 : i32
      %add3A_210 = vector.broadcast %add3A_209 : i32 to vector<16xi32>
      %add3A_211 = arith.addi %iota3A, %add3A_210 : vector<16xi32>
      %jit3A_212 = arith.constant 64 : i32
      %broadcast_in_dim3A_213 = vector.broadcast %jit3A_212 : i32 to vector<16xi32>
      %select_n3A_214 = arith.select %eq3A_208, %add3A_211, %broadcast_in_dim3A_213 : vector<16xi1>, vector<16xi32>
      %min3A_215 = arith.minsi %min3A, %select_n3A_214 : vector<16xi32>
      %reduce_min3A = arith.constant true
      %reduce_min3A_216 = vector.broadcast %reduce_min3A : i1 to vector<16xi1>
      %reduce_min3A_217 = arith.constant -2147483648 : i32
      %reduce_min3A_218 = vector.broadcast %reduce_min3A_217 : i32 to vector<16xi32>
      %reduce_min3A_219 = arith.xori %min3A_215, %reduce_min3A_218 : vector<16xi32>
      %reduce_min3A_220 = tpu.scan <min>, %reduce_min3A_219 masked %reduce_min3A_216 : vector<16xi32>, vector<16xi1> -> vector<16xi32>
      %reduce_min3A_221 = arith.xori %reduce_min3A_220, %reduce_min3A_218 : vector<16xi32>
      %reduce_min3A_222 = vector.extract %reduce_min3A_221[15] : i32 from vector<16xi32>
      %mul3A_223 = arith.constant 16 : i32
      %mul3A_224 = arith.muli %reduce_min3A_222, %mul3A_223 : i32
      %add3A_225 = arith.constant 1728 : i32
      %add3A_226 = arith.addi %add3A_225, %mul3A_224 : i32
      %get3A = arith.index_cast %add3A_226 : i32 to index
      %get3A_227 = tpu.vector_load %arg5[%get3A] {strides = array<i32>} : memref<3456xf32, #tpu.memory_space<vmem>>, vector<16xf32>,
      %eq3A_228 = vector.broadcast %reduce_max3A_193 : f32 to vector<16xf32>
      %eq3A_229 = arith.cmpf oeq, %get3A_227, %eq3A_228 : vector<16xf32>
      %jit3A_230 = arith.constant 64 : i32
      %broadcast_in_dim3A_231 = vector.broadcast %jit3A_230 : i32 to vector<16xi32>
      %select_n3A_232 = arith.select %eq3A_229, %iota3A, %broadcast_in_dim3A_231 : vector<16xi1>, vector<16xi32>
      %reduce_min3A_233 = arith.constant true
      %reduce_min3A_234 = vector.broadcast %reduce_min3A_233 : i1 to vector<16xi1>
      %reduce_min3A_235 = arith.constant -2147483648 : i32
      %reduce_min3A_236 = vector.broadcast %reduce_min3A_235 : i32 to vector<16xi32>
      %reduce_min3A_237 = arith.xori %select_n3A_232, %reduce_min3A_236 : vector<16xi32>
      %reduce_min3A_238 = tpu.scan <min>, %reduce_min3A_237 masked %reduce_min3A_234 : vector<16xi32>, vector<16xi1> -> vector<16xi32>
      %reduce_min3A_239 = arith.xori %reduce_min3A_238, %reduce_min3A_236 : vector<16xi32>
      %reduce_min3A_240 = vector.extract %reduce_min3A_239[15] : i32 from vector<16xi32>
      %mul3A_241 = arith.constant 16 : i32
      %mul3A_242 = arith.muli %reduce_min3A_222, %mul3A_241 : i32
      %add3A_243 = arith.addi %mul3A_242, %reduce_min3A_240 : i32
      %broadcast_in_dim3A_244 = arith.constant 1728 : i32
      %broadcast_in_dim3A_245 = vector.broadcast %broadcast_in_dim3A_244 : i32 to vector<16xi32>
      %add3A_246 = vector.broadcast %add3A_243 : i32 to vector<16xi32>
      %add3A_247 = arith.addi %broadcast_in_dim3A_245, %add3A_246 : vector<16xi32>
      tpu.vector_store_idx %arg5[%add3A_247], %broadcast_in_dim3A_37 masked %eq3A_40 : memref<3456xf32, #tpu.memory_space<vmem>>[vector<16xi32>], vector<16xf32>, vector<16xi1>
      %broadcast_in_dim3A_248 = arith.constant 64 : i32
      %broadcast_in_dim3A_249 = vector.broadcast %broadcast_in_dim3A_248 : i32 to vector<16xi32>
      %add3A_250 = vector.broadcast %add3A_243 : i32 to vector<16xi32>
      %add3A_251 = arith.addi %broadcast_in_dim3A_249, %add3A_250 : vector<16xi32>
      tpu.vector_store_idx %arg6[%add3A_251], %broadcast_in_dim3A_35 masked %eq3A_40 {add = true} : memref<704xf32, #tpu.memory_space<vmem>>[vector<16xi32>], vector<16xf32>, vector<16xi1>
      %eq3A_252 = vector.broadcast %reduce_min3A_240 : i32 to vector<16xi32>
      %eq3A_253 = arith.cmpi eq, %iota3A, %eq3A_252 : vector<16xi32>
      %jit3A_254 = arith.constant 0xFF800000 : f32
      %broadcast_in_dim3A_255 = vector.broadcast %jit3A_254 : f32 to vector<16xf32>
      %select_n3A_256 = arith.select %eq3A_253, %broadcast_in_dim3A_255, %get3A_227 : vector<16xi1>, vector<16xf32>
      %reduce_max3A_257 = arith.constant true
      %reduce_max3A_258 = vector.broadcast %reduce_max3A_257 : i1 to vector<16xi1>
      %reduce_max3A_259 = tpu.scan <max>, %select_n3A_256 masked %reduce_max3A_258 : vector<16xf32>, vector<16xi1> -> vector<16xf32>
      %reduce_max3A_260 = vector.extract %reduce_max3A_259[15] : f32 from vector<16xf32>
      %eq3A_261 = vector.broadcast %reduce_min3A_222 : i32 to vector<16xi32>
      %eq3A_262 = arith.cmpi eq, %iota3A, %eq3A_261 : vector<16xi32>
      %broadcast_in_dim3A_263 = vector.broadcast %reduce_max3A_260 : f32 to vector<16xf32>
      %select_n3A_264 = arith.select %eq3A_262, %broadcast_in_dim3A_263, %scan3A_181 : vector<16xi1>, vector<16xf32>
      %add3A_265 = arith.constant 16 : i32
      %add3A_266 = vector.broadcast %add3A_265 : i32 to vector<16xi32>
      %add3A_267 = arith.addi %iota3A, %add3A_266 : vector<16xi32>
      %eq3A_268 = vector.broadcast %reduce_min3A_222 : i32 to vector<16xi32>
      %eq3A_269 = arith.cmpi eq, %add3A_267, %eq3A_268 : vector<16xi32>
      %broadcast_in_dim3A_270 = vector.broadcast %reduce_max3A_260 : f32 to vector<16xf32>
      %select_n3A_271 = arith.select %eq3A_269, %broadcast_in_dim3A_270, %scan3A_182 : vector<16xi1>, vector<16xf32>
      %add3A_272 = arith.constant 32 : i32
      %add3A_273 = vector.broadcast %add3A_272 : i32 to vector<16xi32>
      %add3A_274 = arith.addi %iota3A, %add3A_273 : vector<16xi32>
      %eq3A_275 = vector.broadcast %reduce_min3A_222 : i32 to vector<16xi32>
      %eq3A_276 = arith.cmpi eq, %add3A_274, %eq3A_275 : vector<16xi32>
      %broadcast_in_dim3A_277 = vector.broadcast %reduce_max3A_260 : f32 to vector<16xf32>
      %select_n3A_278 = arith.select %eq3A_276, %broadcast_in_dim3A_277, %scan3A_183 : vector<16xi1>, vector<16xf32>
      %max3A_279 = arith.maximumf %scan3A_184, %scan3A_185 : vector<16xf32>
      %max3A_280 = arith.maximumf %max3A_279, %scan3A_186 : vector<16xf32>
      %reduce_max3A_281 = arith.constant true
      %reduce_max3A_282 = vector.broadcast %reduce_max3A_281 : i1 to vector<16xi1>
      %reduce_max3A_283 = tpu.scan <max>, %max3A_280 masked %reduce_max3A_282 : vector<16xf32>, vector<16xi1> -> vector<16xf32>
      %reduce_max3A_284 = vector.extract %reduce_max3A_283[15] : f32 from vector<16xf32>
      %eq3A_285 = vector.broadcast %reduce_max3A_284 : f32 to vector<16xf32>
      %eq3A_286 = arith.cmpf oeq, %scan3A_184, %eq3A_285 : vector<16xf32>
      %jit3A_287 = arith.constant 64 : i32
      %broadcast_in_dim3A_288 = vector.broadcast %jit3A_287 : i32 to vector<16xi32>
      %select_n3A_289 = arith.select %eq3A_286, %iota3A, %broadcast_in_dim3A_288 : vector<16xi1>, vector<16xi32>
      %eq3A_290 = vector.broadcast %reduce_max3A_284 : f32 to vector<16xf32>
      %eq3A_291 = arith.cmpf oeq, %scan3A_185, %eq3A_290 : vector<16xf32>
      %add3A_292 = arith.constant 16 : i32
      %add3A_293 = vector.broadcast %add3A_292 : i32 to vector<16xi32>
      %add3A_294 = arith.addi %iota3A, %add3A_293 : vector<16xi32>
      %jit3A_295 = arith.constant 64 : i32
      %broadcast_in_dim3A_296 = vector.broadcast %jit3A_295 : i32 to vector<16xi32>
      %select_n3A_297 = arith.select %eq3A_291, %add3A_294, %broadcast_in_dim3A_296 : vector<16xi1>, vector<16xi32>
      %min3A_298 = arith.minsi %select_n3A_289, %select_n3A_297 : vector<16xi32>
      %eq3A_299 = vector.broadcast %reduce_max3A_284 : f32 to vector<16xf32>
      %eq3A_300 = arith.cmpf oeq, %scan3A_186, %eq3A_299 : vector<16xf32>
      %add3A_301 = arith.constant 32 : i32
      %add3A_302 = vector.broadcast %add3A_301 : i32 to vector<16xi32>
      %add3A_303 = arith.addi %iota3A, %add3A_302 : vector<16xi32>
      %jit3A_304 = arith.constant 64 : i32
      %broadcast_in_dim3A_305 = vector.broadcast %jit3A_304 : i32 to vector<16xi32>
      %select_n3A_306 = arith.select %eq3A_300, %add3A_303, %broadcast_in_dim3A_305 : vector<16xi1>, vector<16xi32>
      %min3A_307 = arith.minsi %min3A_298, %select_n3A_306 : vector<16xi32>
      %reduce_min3A_308 = arith.constant true
      %reduce_min3A_309 = vector.broadcast %reduce_min3A_308 : i1 to vector<16xi1>
      %reduce_min3A_310 = arith.constant -2147483648 : i32
      %reduce_min3A_311 = vector.broadcast %reduce_min3A_310 : i32 to vector<16xi32>
      %reduce_min3A_312 = arith.xori %min3A_307, %reduce_min3A_311 : vector<16xi32>
      %reduce_min3A_313 = tpu.scan <min>, %reduce_min3A_312 masked %reduce_min3A_309 : vector<16xi32>, vector<16xi1> -> vector<16xi32>
      %reduce_min3A_314 = arith.xori %reduce_min3A_313, %reduce_min3A_311 : vector<16xi32>
      %reduce_min3A_315 = vector.extract %reduce_min3A_314[15] : i32 from vector<16xi32>
      %mul3A_316 = arith.constant 16 : i32
      %mul3A_317 = arith.muli %reduce_min3A_315, %mul3A_316 : i32
      %add3A_318 = arith.constant 2304 : i32
      %add3A_319 = arith.addi %add3A_318, %mul3A_317 : i32
      %get3A_320 = arith.index_cast %add3A_319 : i32 to index
      %get3A_321 = tpu.vector_load %arg5[%get3A_320] {strides = array<i32>} : memref<3456xf32, #tpu.memory_space<vmem>>, vector<16xf32>,
      %eq3A_322 = vector.broadcast %reduce_max3A_284 : f32 to vector<16xf32>
      %eq3A_323 = arith.cmpf oeq, %get3A_321, %eq3A_322 : vector<16xf32>
      %jit3A_324 = arith.constant 64 : i32
      %broadcast_in_dim3A_325 = vector.broadcast %jit3A_324 : i32 to vector<16xi32>
      %select_n3A_326 = arith.select %eq3A_323, %iota3A, %broadcast_in_dim3A_325 : vector<16xi1>, vector<16xi32>
      %reduce_min3A_327 = arith.constant true
      %reduce_min3A_328 = vector.broadcast %reduce_min3A_327 : i1 to vector<16xi1>
      %reduce_min3A_329 = arith.constant -2147483648 : i32
      %reduce_min3A_330 = vector.broadcast %reduce_min3A_329 : i32 to vector<16xi32>
      %reduce_min3A_331 = arith.xori %select_n3A_326, %reduce_min3A_330 : vector<16xi32>
      %reduce_min3A_332 = tpu.scan <min>, %reduce_min3A_331 masked %reduce_min3A_328 : vector<16xi32>, vector<16xi1> -> vector<16xi32>
      %reduce_min3A_333 = arith.xori %reduce_min3A_332, %reduce_min3A_330 : vector<16xi32>
      %reduce_min3A_334 = vector.extract %reduce_min3A_333[15] : i32 from vector<16xi32>
      %mul3A_335 = arith.constant 16 : i32
      %mul3A_336 = arith.muli %reduce_min3A_315, %mul3A_335 : i32
      %add3A_337 = arith.addi %mul3A_336, %reduce_min3A_334 : i32
      %broadcast_in_dim3A_338 = arith.constant 2304 : i32
      %broadcast_in_dim3A_339 = vector.broadcast %broadcast_in_dim3A_338 : i32 to vector<16xi32>
      %add3A_340 = vector.broadcast %add3A_337 : i32 to vector<16xi32>
      %add3A_341 = arith.addi %broadcast_in_dim3A_339, %add3A_340 : vector<16xi32>
      tpu.vector_store_idx %arg5[%add3A_341], %broadcast_in_dim3A_37 masked %eq3A_40 : memref<3456xf32, #tpu.memory_space<vmem>>[vector<16xi32>], vector<16xf32>, vector<16xi1>
      %broadcast_in_dim3A_342 = arith.constant 64 : i32
      %broadcast_in_dim3A_343 = vector.broadcast %broadcast_in_dim3A_342 : i32 to vector<16xi32>
      %add3A_344 = vector.broadcast %add3A_337 : i32 to vector<16xi32>
      %add3A_345 = arith.addi %broadcast_in_dim3A_343, %add3A_344 : vector<16xi32>
      tpu.vector_store_idx %arg6[%add3A_345], %broadcast_in_dim3A_35 masked %eq3A_40 {add = true} : memref<704xf32, #tpu.memory_space<vmem>>[vector<16xi32>], vector<16xf32>, vector<16xi1>
      %eq3A_346 = vector.broadcast %reduce_min3A_334 : i32 to vector<16xi32>
      %eq3A_347 = arith.cmpi eq, %iota3A, %eq3A_346 : vector<16xi32>
      %jit3A_348 = arith.constant 0xFF800000 : f32
      %broadcast_in_dim3A_349 = vector.broadcast %jit3A_348 : f32 to vector<16xf32>
      %select_n3A_350 = arith.select %eq3A_347, %broadcast_in_dim3A_349, %get3A_321 : vector<16xi1>, vector<16xf32>
      %reduce_max3A_351 = arith.constant true
      %reduce_max3A_352 = vector.broadcast %reduce_max3A_351 : i1 to vector<16xi1>
      %reduce_max3A_353 = tpu.scan <max>, %select_n3A_350 masked %reduce_max3A_352 : vector<16xf32>, vector<16xi1> -> vector<16xf32>
      %reduce_max3A_354 = vector.extract %reduce_max3A_353[15] : f32 from vector<16xf32>
      %eq3A_355 = vector.broadcast %reduce_min3A_315 : i32 to vector<16xi32>
      %eq3A_356 = arith.cmpi eq, %iota3A, %eq3A_355 : vector<16xi32>
      %broadcast_in_dim3A_357 = vector.broadcast %reduce_max3A_354 : f32 to vector<16xf32>
      %select_n3A_358 = arith.select %eq3A_356, %broadcast_in_dim3A_357, %scan3A_184 : vector<16xi1>, vector<16xf32>
      %add3A_359 = arith.constant 16 : i32
      %add3A_360 = vector.broadcast %add3A_359 : i32 to vector<16xi32>
      %add3A_361 = arith.addi %iota3A, %add3A_360 : vector<16xi32>
      %eq3A_362 = vector.broadcast %reduce_min3A_315 : i32 to vector<16xi32>
      %eq3A_363 = arith.cmpi eq, %add3A_361, %eq3A_362 : vector<16xi32>
      %broadcast_in_dim3A_364 = vector.broadcast %reduce_max3A_354 : f32 to vector<16xf32>
      %select_n3A_365 = arith.select %eq3A_363, %broadcast_in_dim3A_364, %scan3A_185 : vector<16xi1>, vector<16xf32>
      %add3A_366 = arith.constant 32 : i32
      %add3A_367 = vector.broadcast %add3A_366 : i32 to vector<16xi32>
      %add3A_368 = arith.addi %iota3A, %add3A_367 : vector<16xi32>
      %eq3A_369 = vector.broadcast %reduce_min3A_315 : i32 to vector<16xi32>
      %eq3A_370 = arith.cmpi eq, %add3A_368, %eq3A_369 : vector<16xi32>
      %broadcast_in_dim3A_371 = vector.broadcast %reduce_max3A_354 : f32 to vector<16xf32>
      %select_n3A_372 = arith.select %eq3A_370, %broadcast_in_dim3A_371, %scan3A_186 : vector<16xi1>, vector<16xf32>
      %max3A_373 = arith.maximumf %scan3A_187, %scan3A_188 : vector<16xf32>
      %max3A_374 = arith.maximumf %max3A_373, %scan3A_189 : vector<16xf32>
      %reduce_max3A_375 = arith.constant true
      %reduce_max3A_376 = vector.broadcast %reduce_max3A_375 : i1 to vector<16xi1>
      %reduce_max3A_377 = tpu.scan <max>, %max3A_374 masked %reduce_max3A_376 : vector<16xf32>, vector<16xi1> -> vector<16xf32>
      %reduce_max3A_378 = vector.extract %reduce_max3A_377[15] : f32 from vector<16xf32>
      %eq3A_379 = vector.broadcast %reduce_max3A_378 : f32 to vector<16xf32>
      %eq3A_380 = arith.cmpf oeq, %scan3A_187, %eq3A_379 : vector<16xf32>
      %jit3A_381 = arith.constant 64 : i32
      %broadcast_in_dim3A_382 = vector.broadcast %jit3A_381 : i32 to vector<16xi32>
      %select_n3A_383 = arith.select %eq3A_380, %iota3A, %broadcast_in_dim3A_382 : vector<16xi1>, vector<16xi32>
      %eq3A_384 = vector.broadcast %reduce_max3A_378 : f32 to vector<16xf32>
      %eq3A_385 = arith.cmpf oeq, %scan3A_188, %eq3A_384 : vector<16xf32>
      %add3A_386 = arith.constant 16 : i32
      %add3A_387 = vector.broadcast %add3A_386 : i32 to vector<16xi32>
      %add3A_388 = arith.addi %iota3A, %add3A_387 : vector<16xi32>
      %jit3A_389 = arith.constant 64 : i32
      %broadcast_in_dim3A_390 = vector.broadcast %jit3A_389 : i32 to vector<16xi32>
      %select_n3A_391 = arith.select %eq3A_385, %add3A_388, %broadcast_in_dim3A_390 : vector<16xi1>, vector<16xi32>
      %min3A_392 = arith.minsi %select_n3A_383, %select_n3A_391 : vector<16xi32>
      %eq3A_393 = vector.broadcast %reduce_max3A_378 : f32 to vector<16xf32>
      %eq3A_394 = arith.cmpf oeq, %scan3A_189, %eq3A_393 : vector<16xf32>
      %add3A_395 = arith.constant 32 : i32
      %add3A_396 = vector.broadcast %add3A_395 : i32 to vector<16xi32>
      %add3A_397 = arith.addi %iota3A, %add3A_396 : vector<16xi32>
      %jit3A_398 = arith.constant 64 : i32
      %broadcast_in_dim3A_399 = vector.broadcast %jit3A_398 : i32 to vector<16xi32>
      %select_n3A_400 = arith.select %eq3A_394, %add3A_397, %broadcast_in_dim3A_399 : vector<16xi1>, vector<16xi32>
      %min3A_401 = arith.minsi %min3A_392, %select_n3A_400 : vector<16xi32>
      %reduce_min3A_402 = arith.constant true
      %reduce_min3A_403 = vector.broadcast %reduce_min3A_402 : i1 to vector<16xi1>
      %reduce_min3A_404 = arith.constant -2147483648 : i32
      %reduce_min3A_405 = vector.broadcast %reduce_min3A_404 : i32 to vector<16xi32>
      %reduce_min3A_406 = arith.xori %min3A_401, %reduce_min3A_405 : vector<16xi32>
      %reduce_min3A_407 = tpu.scan <min>, %reduce_min3A_406 masked %reduce_min3A_403 : vector<16xi32>, vector<16xi1> -> vector<16xi32>
      %reduce_min3A_408 = arith.xori %reduce_min3A_407, %reduce_min3A_405 : vector<16xi32>
      %reduce_min3A_409 = vector.extract %reduce_min3A_408[15] : i32 from vector<16xi32>
      %mul3A_410 = arith.constant 16 : i32
      %mul3A_411 = arith.muli %reduce_min3A_409, %mul3A_410 : i32
      %add3A_412 = arith.constant 2880 : i32
      %add3A_413 = arith.addi %add3A_412, %mul3A_411 : i32
      %get3A_414 = arith.index_cast %add3A_413 : i32 to index
      %get3A_415 = tpu.vector_load %arg5[%get3A_414] {strides = array<i32>} : memref<3456xf32, #tpu.memory_space<vmem>>, vector<16xf32>,
      %eq3A_416 = vector.broadcast %reduce_max3A_378 : f32 to vector<16xf32>
      %eq3A_417 = arith.cmpf oeq, %get3A_415, %eq3A_416 : vector<16xf32>
      %jit3A_418 = arith.constant 64 : i32
      %broadcast_in_dim3A_419 = vector.broadcast %jit3A_418 : i32 to vector<16xi32>
      %select_n3A_420 = arith.select %eq3A_417, %iota3A, %broadcast_in_dim3A_419 : vector<16xi1>, vector<16xi32>
      %reduce_min3A_421 = arith.constant true
      %reduce_min3A_422 = vector.broadcast %reduce_min3A_421 : i1 to vector<16xi1>
      %reduce_min3A_423 = arith.constant -2147483648 : i32
      %reduce_min3A_424 = vector.broadcast %reduce_min3A_423 : i32 to vector<16xi32>
      %reduce_min3A_425 = arith.xori %select_n3A_420, %reduce_min3A_424 : vector<16xi32>
      %reduce_min3A_426 = tpu.scan <min>, %reduce_min3A_425 masked %reduce_min3A_422 : vector<16xi32>, vector<16xi1> -> vector<16xi32>
      %reduce_min3A_427 = arith.xori %reduce_min3A_426, %reduce_min3A_424 : vector<16xi32>
      %reduce_min3A_428 = vector.extract %reduce_min3A_427[15] : i32 from vector<16xi32>
      %mul3A_429 = arith.constant 16 : i32
      %mul3A_430 = arith.muli %reduce_min3A_409, %mul3A_429 : i32
      %add3A_431 = arith.addi %mul3A_430, %reduce_min3A_428 : i32
      %broadcast_in_dim3A_432 = arith.constant 2880 : i32
      %broadcast_in_dim3A_433 = vector.broadcast %broadcast_in_dim3A_432 : i32 to vector<16xi32>
      %add3A_434 = vector.broadcast %add3A_431 : i32 to vector<16xi32>
      %add3A_435 = arith.addi %broadcast_in_dim3A_433, %add3A_434 : vector<16xi32>
      tpu.vector_store_idx %arg5[%add3A_435], %broadcast_in_dim3A_37 masked %eq3A_40 : memref<3456xf32, #tpu.memory_space<vmem>>[vector<16xi32>], vector<16xf32>, vector<16xi1>
      %broadcast_in_dim3A_436 = arith.constant 64 : i32
      %broadcast_in_dim3A_437 = vector.broadcast %broadcast_in_dim3A_436 : i32 to vector<16xi32>
      %add3A_438 = vector.broadcast %add3A_431 : i32 to vector<16xi32>
      %add3A_439 = arith.addi %broadcast_in_dim3A_437, %add3A_438 : vector<16xi32>
      tpu.vector_store_idx %arg6[%add3A_439], %broadcast_in_dim3A_35 masked %eq3A_40 {add = true} : memref<704xf32, #tpu.memory_space<vmem>>[vector<16xi32>], vector<16xf32>, vector<16xi1>
      %eq3A_440 = vector.broadcast %reduce_min3A_428 : i32 to vector<16xi32>
      %eq3A_441 = arith.cmpi eq, %iota3A, %eq3A_440 : vector<16xi32>
      %jit3A_442 = arith.constant 0xFF800000 : f32
      %broadcast_in_dim3A_443 = vector.broadcast %jit3A_442 : f32 to vector<16xf32>
      %select_n3A_444 = arith.select %eq3A_441, %broadcast_in_dim3A_443, %get3A_415 : vector<16xi1>, vector<16xf32>
      %reduce_max3A_445 = arith.constant true
      %reduce_max3A_446 = vector.broadcast %reduce_max3A_445 : i1 to vector<16xi1>
      %reduce_max3A_447 = tpu.scan <max>, %select_n3A_444 masked %reduce_max3A_446 : vector<16xf32>, vector<16xi1> -> vector<16xf32>
      %reduce_max3A_448 = vector.extract %reduce_max3A_447[15] : f32 from vector<16xf32>
      %eq3A_449 = vector.broadcast %reduce_min3A_409 : i32 to vector<16xi32>
      %eq3A_450 = arith.cmpi eq, %iota3A, %eq3A_449 : vector<16xi32>
      %broadcast_in_dim3A_451 = vector.broadcast %reduce_max3A_448 : f32 to vector<16xf32>
      %select_n3A_452 = arith.select %eq3A_450, %broadcast_in_dim3A_451, %scan3A_187 : vector<16xi1>, vector<16xf32>
      %add3A_453 = arith.constant 16 : i32
      %add3A_454 = vector.broadcast %add3A_453 : i32 to vector<16xi32>
      %add3A_455 = arith.addi %iota3A, %add3A_454 : vector<16xi32>
      %eq3A_456 = vector.broadcast %reduce_min3A_409 : i32 to vector<16xi32>
      %eq3A_457 = arith.cmpi eq, %add3A_455, %eq3A_456 : vector<16xi32>
      %broadcast_in_dim3A_458 = vector.broadcast %reduce_max3A_448 : f32 to vector<16xf32>
      %select_n3A_459 = arith.select %eq3A_457, %broadcast_in_dim3A_458, %scan3A_188 : vector<16xi1>, vector<16xf32>
      %add3A_460 = arith.constant 32 : i32
      %add3A_461 = vector.broadcast %add3A_460 : i32 to vector<16xi32>
      %add3A_462 = arith.addi %iota3A, %add3A_461 : vector<16xi32>
      %eq3A_463 = vector.broadcast %reduce_min3A_409 : i32 to vector<16xi32>
      %eq3A_464 = arith.cmpi eq, %add3A_462, %eq3A_463 : vector<16xi32>
      %broadcast_in_dim3A_465 = vector.broadcast %reduce_max3A_448 : f32 to vector<16xf32>
      %select_n3A_466 = arith.select %eq3A_464, %broadcast_in_dim3A_465, %scan3A_189 : vector<16xi1>, vector<16xf32>
      scf.yield %select_n3A_264, %select_n3A_271, %select_n3A_278, %select_n3A_358, %select_n3A_365, %select_n3A_372, %select_n3A_452, %select_n3A_459, %select_n3A_466 : vector<16xf32>, vector<16xf32>, vector<16xf32>, vector<16xf32>, vector<16xf32>, vector<16xf32>, vector<16xf32>, vector<16xf32>, vector<16xf32>
    }
    %scan3A_152 = arith.constant 24 : i32
    %jit3A_153 = arith.constant 8 : i32
    %eq3A_154 = arith.constant 0 : i32
    %eq3A_155 = arith.cmpi eq, %jit3A_153, %eq3A_154 : i32
    %jit3A_156 = arith.constant 1 : i32
    %select_n3A_157 = arith.select %eq3A_155, %jit3A_156, %jit3A_153 : i32
    %rem3A_158 = arith.remsi %arg1, %select_n3A_157 : i32
    %ne3A_159 = arith.constant 0 : i32
    %ne3A_160 = arith.cmpi ne, %rem3A_158, %ne3A_159 : i32
    %lt3A_161 = arith.constant 0 : i32
    %lt3A_162 = arith.cmpi slt, %rem3A_158, %lt3A_161 : i32
    %lt3A_163 = arith.constant 0 : i32
    %lt3A_164 = arith.cmpi slt, %select_n3A_157, %lt3A_163 : i32
    %ne3A_165 = arith.xori %lt3A_162, %lt3A_164 : i1
    %and3A_166 = arith.andi %ne3A_165, %ne3A_160 : i1
    %add3A_167 = arith.addi %rem3A_158, %select_n3A_157 : i32
    %select_n3A_168 = arith.select %and3A_166, %add3A_167, %rem3A_158 : i32
    %mul3A_169 = arith.constant 576 : i32
    %mul3A_170 = arith.muli %select_n3A_168, %mul3A_169 : i32
    %eq3A_171 = arith.constant 1 : i32
    %eq3A_172 = arith.cmpi eq, %select_n3A_30, %eq3A_171 : i32
    %convert_element_type3A_173 = arith.extui %eq3A_172 : i1 to i32
    %cond3A = arith.constant 0 : i32
    %cond3A_174 = arith.cmpi ne, %convert_element_type3A_173, %cond3A : i32
    scf.if %cond3A_174 {
      "tpu.region"() ({
        %run_scoped3A = tpu.sem_alloc : memref<!tpu.dma_semaphore, #tpu.memory_space<semaphore_mem>>
        %dma_start3A = arith.constant 64 : i32
        %dma_start3A_180 = tpu.memref_slice %arg6[%dma_start3A] : memref<704xf32, #tpu.memory_space<vmem>> -> memref<576xf32, #tpu.memory_space<vmem>>
        %dma_start3A_181 = tpu.memref_slice %arg12[%mul3A_170] : memref<4608xf32, #tpu.memory_space<vmem_shared>> -> memref<576xf32, #tpu.memory_space<vmem_shared>>
        %dma_start3A_182 = tpu.memref_slice %arg12[%mul3A_170] : memref<4608xf32, #tpu.memory_space<vmem_shared>> -> memref<576xf32, #tpu.memory_space<vmem_shared>>
        %dma_start3A_183 = arith.constant 64 : i32
        %dma_start3A_184 = tpu.memref_slice %arg6[%dma_start3A_183] : memref<704xf32, #tpu.memory_space<vmem>> -> memref<576xf32, #tpu.memory_space<vmem>>
        tpu.enqueue_dma source(%dma_start3A_184 : memref<576xf32, #tpu.memory_space<vmem>>) target(%dma_start3A_182 : memref<576xf32, #tpu.memory_space<vmem_shared>>) target_semaphore(%run_scoped3A : memref<!tpu.dma_semaphore, #tpu.memory_space<semaphore_mem>>)
        %dma_wait3A = arith.constant 64 : i32
        %dma_wait3A_185 = tpu.memref_slice %arg6[%dma_wait3A] : memref<704xf32, #tpu.memory_space<vmem>> -> memref<576xf32, #tpu.memory_space<vmem>>
        %dma_wait3A_186 = tpu.memref_slice %arg12[%mul3A_170] : memref<4608xf32, #tpu.memory_space<vmem_shared>> -> memref<576xf32, #tpu.memory_space<vmem_shared>>
        %dma_wait3A_187 = tpu.memref_slice %arg12[%mul3A_170] : memref<4608xf32, #tpu.memory_space<vmem_shared>> -> memref<576xf32, #tpu.memory_space<vmem_shared>>
        %dma_wait3A_188 = arith.constant 64 : i32
        %dma_wait3A_189 = tpu.memref_slice %arg6[%dma_wait3A_188] : memref<704xf32, #tpu.memory_space<vmem>> -> memref<576xf32, #tpu.memory_space<vmem>>
        tpu.wait_dma2 semaphore(%run_scoped3A : memref<!tpu.dma_semaphore, #tpu.memory_space<semaphore_mem>>) src(%dma_wait3A_189 : memref<576xf32, #tpu.memory_space<vmem>>) dst(%dma_wait3A_187 : memref<576xf32, #tpu.memory_space<vmem_shared>>)
        tpu.yield
      }) : () -> ()
    } else {
    }
    %barrier3A = arith.constant 0 : index
    tpu.barrier barrier_id(%barrier3A)
    %eq3A_175 = arith.constant 0 : i32
    %eq3A_176 = arith.cmpi eq, %select_n3A_30, %eq3A_175 : i32
    %convert_element_type3A_177 = arith.extui %eq3A_176 : i1 to i32
    %cond3A_178 = arith.constant 0 : i32
    %cond3A_179 = arith.cmpi ne, %convert_element_type3A_177, %cond3A_178 : i32
    scf.if %cond3A_179 {
      "tpu.region"() ({
        %run_scoped3A = tpu.sem_alloc : memref<!tpu.dma_semaphore, #tpu.memory_space<semaphore_mem>>
        %dma_start3A = tpu.memref_slice %arg12[%mul3A_170] : memref<4608xf32, #tpu.memory_space<vmem_shared>> -> memref<576xf32, #tpu.memory_space<vmem_shared>>
        %dma_start3A_3507 = tpu.memref_slice %arg12[%mul3A_170] : memref<4608xf32, #tpu.memory_space<vmem_shared>> -> memref<576xf32, #tpu.memory_space<vmem_shared>>
        tpu.enqueue_dma source(%dma_start3A_3507 : memref<576xf32, #tpu.memory_space<vmem_shared>>) target(%arg11 : memref<576xf32, #tpu.memory_space<vmem>>) target_semaphore(%run_scoped3A : memref<!tpu.dma_semaphore, #tpu.memory_space<semaphore_mem>>)
        %dma_wait3A = tpu.memref_slice %arg12[%mul3A_170] : memref<4608xf32, #tpu.memory_space<vmem_shared>> -> memref<576xf32, #tpu.memory_space<vmem_shared>>
        %dma_wait3A_3508 = tpu.memref_slice %arg12[%mul3A_170] : memref<4608xf32, #tpu.memory_space<vmem_shared>> -> memref<576xf32, #tpu.memory_space<vmem_shared>>
        tpu.wait_dma2 semaphore(%run_scoped3A : memref<!tpu.dma_semaphore, #tpu.memory_space<semaphore_mem>>) src(%dma_wait3A_3508 : memref<576xf32, #tpu.memory_space<vmem_shared>>) dst(%arg11 : memref<576xf32, #tpu.memory_space<vmem>>)
        tpu.yield
      }) : () -> ()
      %get3A = arith.constant 64 : index
      %get3A_180 = tpu.vector_load %arg6[%get3A] {strides = array<i32>} : memref<704xf32, #tpu.memory_space<vmem>>, vector<16xf32>,
      %get3A_181 = arith.constant 0 : index
      %get3A_182 = tpu.vector_load %arg11[%get3A_181] {strides = array<i32>} : memref<576xf32, #tpu.memory_space<vmem>>, vector<16xf32>,
      %add3A_183 = arith.addf %get3A_180, %get3A_182 : vector<16xf32>
      %swap3A_184 = arith.constant 64 : index
      %swap3A_185 = tpu.vector_load %arg6[%swap3A_184] {strides = array<i32>} : memref<704xf32, #tpu.memory_space<vmem>>, vector<16xf32>,
      tpu.vector_store %arg6[%swap3A_184], %add3A_183 {strides = array<i32>} : memref<704xf32, #tpu.memory_space<vmem>>, vector<16xf32>,
      %get3A_186 = arith.constant 80 : index
      %get3A_187 = tpu.vector_load %arg6[%get3A_186] {strides = array<i32>} : memref<704xf32, #tpu.memory_space<vmem>>, vector<16xf32>,
      %get3A_188 = arith.constant 16 : index
      %get3A_189 = tpu.vector_load %arg11[%get3A_188] {strides = array<i32>} : memref<576xf32, #tpu.memory_space<vmem>>, vector<16xf32>,
      %add3A_190 = arith.addf %get3A_187, %get3A_189 : vector<16xf32>
      %swap3A_191 = arith.constant 80 : index
      %swap3A_192 = tpu.vector_load %arg6[%swap3A_191] {strides = array<i32>} : memref<704xf32, #tpu.memory_space<vmem>>, vector<16xf32>,
      tpu.vector_store %arg6[%swap3A_191], %add3A_190 {strides = array<i32>} : memref<704xf32, #tpu.memory_space<vmem>>, vector<16xf32>,
      %get3A_193 = arith.constant 96 : index
      %get3A_194 = tpu.vector_load %arg6[%get3A_193] {strides = array<i32>} : memref<704xf32, #tpu.memory_space<vmem>>, vector<16xf32>,
      %get3A_195 = arith.constant 32 : index
      %get3A_196 = tpu.vector_load %arg11[%get3A_195] {strides = array<i32>} : memref<576xf32, #tpu.memory_space<vmem>>, vector<16xf32>,
      %add3A_197 = arith.addf %get3A_194, %get3A_196 : vector<16xf32>
      %swap3A_198 = arith.constant 96 : index
      %swap3A_199 = tpu.vector_load %arg6[%swap3A_198] {strides = array<i32>} : memref<704xf32, #tpu.memory_space<vmem>>, vector<16xf32>,
      tpu.vector_store %arg6[%swap3A_198], %add3A_197 {strides = array<i32>} : memref<704xf32, #tpu.memory_space<vmem>>, vector<16xf32>,
      %get3A_200 = arith.constant 112 : index
      %get3A_201 = tpu.vector_load %arg6[%get3A_200] {strides = array<i32>} : memref<704xf32, #tpu.memory_space<vmem>>, vector<16xf32>,
      %get3A_202 = arith.constant 48 : index
      %get3A_203 = tpu.vector_load %arg11[%get3A_202] {strides = array<i32>} : memref<576xf32, #tpu.memory_space<vmem>>, vector<16xf32>,
      %add3A_204 = arith.addf %get3A_201, %get3A_203 : vector<16xf32>
      %swap3A_205 = arith.constant 112 : index
      %swap3A_206 = tpu.vector_load %arg6[%swap3A_205] {strides = array<i32>} : memref<704xf32, #tpu.memory_space<vmem>>, vector<16xf32>,
      tpu.vector_store %arg6[%swap3A_205], %add3A_204 {strides = array<i32>} : memref<704xf32, #tpu.memory_space<vmem>>, vector<16xf32>,
      %get3A_207 = arith.constant 128 : index
      %get3A_208 = tpu.vector_load %arg6[%get3A_207] {strides = array<i32>} : memref<704xf32, #tpu.memory_space<vmem>>, vector<16xf32>,
      %get3A_209 = arith.constant 64 : index
      %get3A_210 = tpu.vector_load %arg11[%get3A_209] {strides = array<i32>} : memref<576xf32, #tpu.memory_space<vmem>>, vector<16xf32>,
      %add3A_211 = arith.addf %get3A_208, %get3A_210 : vector<16xf32>
      %swap3A_212 = arith.constant 128 : index
      %swap3A_213 = tpu.vector_load %arg6[%swap3A_212] {strides = array<i32>} : memref<704xf32, #tpu.memory_space<vmem>>, vector<16xf32>,
      tpu.vector_store %arg6[%swap3A_212], %add3A_211 {strides = array<i32>} : memref<704xf32, #tpu.memory_space<vmem>>, vector<16xf32>,
      %get3A_214 = arith.constant 144 : index
      %get3A_215 = tpu.vector_load %arg6[%get3A_214] {strides = array<i32>} : memref<704xf32, #tpu.memory_space<vmem>>, vector<16xf32>,
      %get3A_216 = arith.constant 80 : index
      %get3A_217 = tpu.vector_load %arg11[%get3A_216] {strides = array<i32>} : memref<576xf32, #tpu.memory_space<vmem>>, vector<16xf32>,
      %add3A_218 = arith.addf %get3A_215, %get3A_217 : vector<16xf32>
      %swap3A_219 = arith.constant 144 : index
      %swap3A_220 = tpu.vector_load %arg6[%swap3A_219] {strides = array<i32>} : memref<704xf32, #tpu.memory_space<vmem>>, vector<16xf32>,
      tpu.vector_store %arg6[%swap3A_219], %add3A_218 {strides = array<i32>} : memref<704xf32, #tpu.memory_space<vmem>>, vector<16xf32>,
      %get3A_221 = arith.constant 160 : index
      %get3A_222 = tpu.vector_load %arg6[%get3A_221] {strides = array<i32>} : memref<704xf32, #tpu.memory_space<vmem>>, vector<16xf32>,
      %get3A_223 = arith.constant 96 : index
      %get3A_224 = tpu.vector_load %arg11[%get3A_223] {strides = array<i32>} : memref<576xf32, #tpu.memory_space<vmem>>, vector<16xf32>,
      %add3A_225 = arith.addf %get3A_222, %get3A_224 : vector<16xf32>
      %swap3A_226 = arith.constant 160 : index
      %swap3A_227 = tpu.vector_load %arg6[%swap3A_226] {strides = array<i32>} : memref<704xf32, #tpu.memory_space<vmem>>, vector<16xf32>,
      tpu.vector_store %arg6[%swap3A_226], %add3A_225 {strides = array<i32>} : memref<704xf32, #tpu.memory_space<vmem>>, vector<16xf32>,
      %get3A_228 = arith.constant 176 : index
      %get3A_229 = tpu.vector_load %arg6[%get3A_228] {strides = array<i32>} : memref<704xf32, #tpu.memory_space<vmem>>, vector<16xf32>,
      %get3A_230 = arith.constant 112 : index
      %get3A_231 = tpu.vector_load %arg11[%get3A_230] {strides = array<i32>} : memref<576xf32, #tpu.memory_space<vmem>>, vector<16xf32>,
      %add3A_232 = arith.addf %get3A_229, %get3A_231 : vector<16xf32>
      %swap3A_233 = arith.constant 176 : index
      %swap3A_234 = tpu.vector_load %arg6[%swap3A_233] {strides = array<i32>} : memref<704xf32, #tpu.memory_space<vmem>>, vector<16xf32>,
      tpu.vector_store %arg6[%swap3A_233], %add3A_232 {strides = array<i32>} : memref<704xf32, #tpu.memory_space<vmem>>, vector<16xf32>,
      %get3A_235 = arith.constant 192 : index
      %get3A_236 = tpu.vector_load %arg6[%get3A_235] {strides = array<i32>} : memref<704xf32, #tpu.memory_space<vmem>>, vector<16xf32>,
      %get3A_237 = arith.constant 128 : index
      %get3A_238 = tpu.vector_load %arg11[%get3A_237] {strides = array<i32>} : memref<576xf32, #tpu.memory_space<vmem>>, vector<16xf32>,
      %add3A_239 = arith.addf %get3A_236, %get3A_238 : vector<16xf32>
      %swap3A_240 = arith.constant 192 : index
      %swap3A_241 = tpu.vector_load %arg6[%swap3A_240] {strides = array<i32>} : memref<704xf32, #tpu.memory_space<vmem>>, vector<16xf32>,
      tpu.vector_store %arg6[%swap3A_240], %add3A_239 {strides = array<i32>} : memref<704xf32, #tpu.memory_space<vmem>>, vector<16xf32>,
      %get3A_242 = arith.constant 208 : index
      %get3A_243 = tpu.vector_load %arg6[%get3A_242] {strides = array<i32>} : memref<704xf32, #tpu.memory_space<vmem>>, vector<16xf32>,
      %get3A_244 = arith.constant 144 : index
      %get3A_245 = tpu.vector_load %arg11[%get3A_244] {strides = array<i32>} : memref<576xf32, #tpu.memory_space<vmem>>, vector<16xf32>,
      %add3A_246 = arith.addf %get3A_243, %get3A_245 : vector<16xf32>
      %swap3A_247 = arith.constant 208 : index
      %swap3A_248 = tpu.vector_load %arg6[%swap3A_247] {strides = array<i32>} : memref<704xf32, #tpu.memory_space<vmem>>, vector<16xf32>,
      tpu.vector_store %arg6[%swap3A_247], %add3A_246 {strides = array<i32>} : memref<704xf32, #tpu.memory_space<vmem>>, vector<16xf32>,
      %get3A_249 = arith.constant 224 : index
      %get3A_250 = tpu.vector_load %arg6[%get3A_249] {strides = array<i32>} : memref<704xf32, #tpu.memory_space<vmem>>, vector<16xf32>,
      %get3A_251 = arith.constant 160 : index
      %get3A_252 = tpu.vector_load %arg11[%get3A_251] {strides = array<i32>} : memref<576xf32, #tpu.memory_space<vmem>>, vector<16xf32>,
      %add3A_253 = arith.addf %get3A_250, %get3A_252 : vector<16xf32>
      %swap3A_254 = arith.constant 224 : index
      %swap3A_255 = tpu.vector_load %arg6[%swap3A_254] {strides = array<i32>} : memref<704xf32, #tpu.memory_space<vmem>>, vector<16xf32>,
      tpu.vector_store %arg6[%swap3A_254], %add3A_253 {strides = array<i32>} : memref<704xf32, #tpu.memory_space<vmem>>, vector<16xf32>,
      %get3A_256 = arith.constant 240 : index
      %get3A_257 = tpu.vector_load %arg6[%get3A_256] {strides = array<i32>} : memref<704xf32, #tpu.memory_space<vmem>>, vector<16xf32>,
      %get3A_258 = arith.constant 176 : index
      %get3A_259 = tpu.vector_load %arg11[%get3A_258] {strides = array<i32>} : memref<576xf32, #tpu.memory_space<vmem>>, vector<16xf32>,
      %add3A_260 = arith.addf %get3A_257, %get3A_259 : vector<16xf32>
      %swap3A_261 = arith.constant 240 : index
      %swap3A_262 = tpu.vector_load %arg6[%swap3A_261] {strides = array<i32>} : memref<704xf32, #tpu.memory_space<vmem>>, vector<16xf32>,
      tpu.vector_store %arg6[%swap3A_261], %add3A_260 {strides = array<i32>} : memref<704xf32, #tpu.memory_space<vmem>>, vector<16xf32>,
      %get3A_263 = arith.constant 256 : index
      %get3A_264 = tpu.vector_load %arg6[%get3A_263] {strides = array<i32>} : memref<704xf32, #tpu.memory_space<vmem>>, vector<16xf32>,
      %get3A_265 = arith.constant 192 : index
      %get3A_266 = tpu.vector_load %arg11[%get3A_265] {strides = array<i32>} : memref<576xf32, #tpu.memory_space<vmem>>, vector<16xf32>,
      %add3A_267 = arith.addf %get3A_264, %get3A_266 : vector<16xf32>
      %swap3A_268 = arith.constant 256 : index
      %swap3A_269 = tpu.vector_load %arg6[%swap3A_268] {strides = array<i32>} : memref<704xf32, #tpu.memory_space<vmem>>, vector<16xf32>,
      tpu.vector_store %arg6[%swap3A_268], %add3A_267 {strides = array<i32>} : memref<704xf32, #tpu.memory_space<vmem>>, vector<16xf32>,
      %get3A_270 = arith.constant 272 : index
      %get3A_271 = tpu.vector_load %arg6[%get3A_270] {strides = array<i32>} : memref<704xf32, #tpu.memory_space<vmem>>, vector<16xf32>,
      %get3A_272 = arith.constant 208 : index
      %get3A_273 = tpu.vector_load %arg11[%get3A_272] {strides = array<i32>} : memref<576xf32, #tpu.memory_space<vmem>>, vector<16xf32>,
      %add3A_274 = arith.addf %get3A_271, %get3A_273 : vector<16xf32>
      %swap3A_275 = arith.constant 272 : index
      %swap3A_276 = tpu.vector_load %arg6[%swap3A_275] {strides = array<i32>} : memref<704xf32, #tpu.memory_space<vmem>>, vector<16xf32>,
      tpu.vector_store %arg6[%swap3A_275], %add3A_274 {strides = array<i32>} : memref<704xf32, #tpu.memory_space<vmem>>, vector<16xf32>,
      %get3A_277 = arith.constant 288 : index
      %get3A_278 = tpu.vector_load %arg6[%get3A_277] {strides = array<i32>} : memref<704xf32, #tpu.memory_space<vmem>>, vector<16xf32>,
      %get3A_279 = arith.constant 224 : index
      %get3A_280 = tpu.vector_load %arg11[%get3A_279] {strides = array<i32>} : memref<576xf32, #tpu.memory_space<vmem>>, vector<16xf32>,
      %add3A_281 = arith.addf %get3A_278, %get3A_280 : vector<16xf32>
      %swap3A_282 = arith.constant 288 : index
      %swap3A_283 = tpu.vector_load %arg6[%swap3A_282] {strides = array<i32>} : memref<704xf32, #tpu.memory_space<vmem>>, vector<16xf32>,
      tpu.vector_store %arg6[%swap3A_282], %add3A_281 {strides = array<i32>} : memref<704xf32, #tpu.memory_space<vmem>>, vector<16xf32>,
      %get3A_284 = arith.constant 304 : index
      %get3A_285 = tpu.vector_load %arg6[%get3A_284] {strides = array<i32>} : memref<704xf32, #tpu.memory_space<vmem>>, vector<16xf32>,
      %get3A_286 = arith.constant 240 : index
      %get3A_287 = tpu.vector_load %arg11[%get3A_286] {strides = array<i32>} : memref<576xf32, #tpu.memory_space<vmem>>, vector<16xf32>,
      %add3A_288 = arith.addf %get3A_285, %get3A_287 : vector<16xf32>
      %swap3A_289 = arith.constant 304 : index
      %swap3A_290 = tpu.vector_load %arg6[%swap3A_289] {strides = array<i32>} : memref<704xf32, #tpu.memory_space<vmem>>, vector<16xf32>,
      tpu.vector_store %arg6[%swap3A_289], %add3A_288 {strides = array<i32>} : memref<704xf32, #tpu.memory_space<vmem>>, vector<16xf32>,
      %get3A_291 = arith.constant 320 : index
      %get3A_292 = tpu.vector_load %arg6[%get3A_291] {strides = array<i32>} : memref<704xf32, #tpu.memory_space<vmem>>, vector<16xf32>,
      %get3A_293 = arith.constant 256 : index
      %get3A_294 = tpu.vector_load %arg11[%get3A_293] {strides = array<i32>} : memref<576xf32, #tpu.memory_space<vmem>>, vector<16xf32>,
      %add3A_295 = arith.addf %get3A_292, %get3A_294 : vector<16xf32>
      %swap3A_296 = arith.constant 320 : index
      %swap3A_297 = tpu.vector_load %arg6[%swap3A_296] {strides = array<i32>} : memref<704xf32, #tpu.memory_space<vmem>>, vector<16xf32>,
      tpu.vector_store %arg6[%swap3A_296], %add3A_295 {strides = array<i32>} : memref<704xf32, #tpu.memory_space<vmem>>, vector<16xf32>,
      %get3A_298 = arith.constant 336 : index
      %get3A_299 = tpu.vector_load %arg6[%get3A_298] {strides = array<i32>} : memref<704xf32, #tpu.memory_space<vmem>>, vector<16xf32>,
      %get3A_300 = arith.constant 272 : index
      %get3A_301 = tpu.vector_load %arg11[%get3A_300] {strides = array<i32>} : memref<576xf32, #tpu.memory_space<vmem>>, vector<16xf32>,
      %add3A_302 = arith.addf %get3A_299, %get3A_301 : vector<16xf32>
      %swap3A_303 = arith.constant 336 : index
      %swap3A_304 = tpu.vector_load %arg6[%swap3A_303] {strides = array<i32>} : memref<704xf32, #tpu.memory_space<vmem>>, vector<16xf32>,
      tpu.vector_store %arg6[%swap3A_303], %add3A_302 {strides = array<i32>} : memref<704xf32, #tpu.memory_space<vmem>>, vector<16xf32>,
      %get3A_305 = arith.constant 352 : index
      %get3A_306 = tpu.vector_load %arg6[%get3A_305] {strides = array<i32>} : memref<704xf32, #tpu.memory_space<vmem>>, vector<16xf32>,
      %get3A_307 = arith.constant 288 : index
      %get3A_308 = tpu.vector_load %arg11[%get3A_307] {strides = array<i32>} : memref<576xf32, #tpu.memory_space<vmem>>, vector<16xf32>,
      %add3A_309 = arith.addf %get3A_306, %get3A_308 : vector<16xf32>
      %swap3A_310 = arith.constant 352 : index
      %swap3A_311 = tpu.vector_load %arg6[%swap3A_310] {strides = array<i32>} : memref<704xf32, #tpu.memory_space<vmem>>, vector<16xf32>,
      tpu.vector_store %arg6[%swap3A_310], %add3A_309 {strides = array<i32>} : memref<704xf32, #tpu.memory_space<vmem>>, vector<16xf32>,
      %get3A_312 = arith.constant 368 : index
      %get3A_313 = tpu.vector_load %arg6[%get3A_312] {strides = array<i32>} : memref<704xf32, #tpu.memory_space<vmem>>, vector<16xf32>,
      %get3A_314 = arith.constant 304 : index
      %get3A_315 = tpu.vector_load %arg11[%get3A_314] {strides = array<i32>} : memref<576xf32, #tpu.memory_space<vmem>>, vector<16xf32>,
      %add3A_316 = arith.addf %get3A_313, %get3A_315 : vector<16xf32>
      %swap3A_317 = arith.constant 368 : index
      %swap3A_318 = tpu.vector_load %arg6[%swap3A_317] {strides = array<i32>} : memref<704xf32, #tpu.memory_space<vmem>>, vector<16xf32>,
      tpu.vector_store %arg6[%swap3A_317], %add3A_316 {strides = array<i32>} : memref<704xf32, #tpu.memory_space<vmem>>, vector<16xf32>,
      %get3A_319 = arith.constant 384 : index
      %get3A_320 = tpu.vector_load %arg6[%get3A_319] {strides = array<i32>} : memref<704xf32, #tpu.memory_space<vmem>>, vector<16xf32>,
      %get3A_321 = arith.constant 320 : index
      %get3A_322 = tpu.vector_load %arg11[%get3A_321] {strides = array<i32>} : memref<576xf32, #tpu.memory_space<vmem>>, vector<16xf32>,
      %add3A_323 = arith.addf %get3A_320, %get3A_322 : vector<16xf32>
      %swap3A_324 = arith.constant 384 : index
      %swap3A_325 = tpu.vector_load %arg6[%swap3A_324] {strides = array<i32>} : memref<704xf32, #tpu.memory_space<vmem>>, vector<16xf32>,
      tpu.vector_store %arg6[%swap3A_324], %add3A_323 {strides = array<i32>} : memref<704xf32, #tpu.memory_space<vmem>>, vector<16xf32>,
      %get3A_326 = arith.constant 400 : index
      %get3A_327 = tpu.vector_load %arg6[%get3A_326] {strides = array<i32>} : memref<704xf32, #tpu.memory_space<vmem>>, vector<16xf32>,
      %get3A_328 = arith.constant 336 : index
      %get3A_329 = tpu.vector_load %arg11[%get3A_328] {strides = array<i32>} : memref<576xf32, #tpu.memory_space<vmem>>, vector<16xf32>,
      %add3A_330 = arith.addf %get3A_327, %get3A_329 : vector<16xf32>
      %swap3A_331 = arith.constant 400 : index
      %swap3A_332 = tpu.vector_load %arg6[%swap3A_331] {strides = array<i32>} : memref<704xf32, #tpu.memory_space<vmem>>, vector<16xf32>,
      tpu.vector_store %arg6[%swap3A_331], %add3A_330 {strides = array<i32>} : memref<704xf32, #tpu.memory_space<vmem>>, vector<16xf32>,
      %get3A_333 = arith.constant 416 : index
      %get3A_334 = tpu.vector_load %arg6[%get3A_333] {strides = array<i32>} : memref<704xf32, #tpu.memory_space<vmem>>, vector<16xf32>,
      %get3A_335 = arith.constant 352 : index
      %get3A_336 = tpu.vector_load %arg11[%get3A_335] {strides = array<i32>} : memref<576xf32, #tpu.memory_space<vmem>>, vector<16xf32>,
      %add3A_337 = arith.addf %get3A_334, %get3A_336 : vector<16xf32>
      %swap3A_338 = arith.constant 416 : index
      %swap3A_339 = tpu.vector_load %arg6[%swap3A_338] {strides = array<i32>} : memref<704xf32, #tpu.memory_space<vmem>>, vector<16xf32>,
      tpu.vector_store %arg6[%swap3A_338], %add3A_337 {strides = array<i32>} : memref<704xf32, #tpu.memory_space<vmem>>, vector<16xf32>,
      %get3A_340 = arith.constant 432 : index
      %get3A_341 = tpu.vector_load %arg6[%get3A_340] {strides = array<i32>} : memref<704xf32, #tpu.memory_space<vmem>>, vector<16xf32>,
      %get3A_342 = arith.constant 368 : index
      %get3A_343 = tpu.vector_load %arg11[%get3A_342] {strides = array<i32>} : memref<576xf32, #tpu.memory_space<vmem>>, vector<16xf32>,
      %add3A_344 = arith.addf %get3A_341, %get3A_343 : vector<16xf32>
      %swap3A_345 = arith.constant 432 : index
      %swap3A_346 = tpu.vector_load %arg6[%swap3A_345] {strides = array<i32>} : memref<704xf32, #tpu.memory_space<vmem>>, vector<16xf32>,
      tpu.vector_store %arg6[%swap3A_345], %add3A_344 {strides = array<i32>} : memref<704xf32, #tpu.memory_space<vmem>>, vector<16xf32>,
      %get3A_347 = arith.constant 448 : index
      %get3A_348 = tpu.vector_load %arg6[%get3A_347] {strides = array<i32>} : memref<704xf32, #tpu.memory_space<vmem>>, vector<16xf32>,
      %get3A_349 = arith.constant 384 : index
      %get3A_350 = tpu.vector_load %arg11[%get3A_349] {strides = array<i32>} : memref<576xf32, #tpu.memory_space<vmem>>, vector<16xf32>,
      %add3A_351 = arith.addf %get3A_348, %get3A_350 : vector<16xf32>
      %swap3A_352 = arith.constant 448 : index
      %swap3A_353 = tpu.vector_load %arg6[%swap3A_352] {strides = array<i32>} : memref<704xf32, #tpu.memory_space<vmem>>, vector<16xf32>,
      tpu.vector_store %arg6[%swap3A_352], %add3A_351 {strides = array<i32>} : memref<704xf32, #tpu.memory_space<vmem>>, vector<16xf32>,
      %get3A_354 = arith.constant 464 : index
      %get3A_355 = tpu.vector_load %arg6[%get3A_354] {strides = array<i32>} : memref<704xf32, #tpu.memory_space<vmem>>, vector<16xf32>,
      %get3A_356 = arith.constant 400 : index
      %get3A_357 = tpu.vector_load %arg11[%get3A_356] {strides = array<i32>} : memref<576xf32, #tpu.memory_space<vmem>>, vector<16xf32>,
      %add3A_358 = arith.addf %get3A_355, %get3A_357 : vector<16xf32>
      %swap3A_359 = arith.constant 464 : index
      %swap3A_360 = tpu.vector_load %arg6[%swap3A_359] {strides = array<i32>} : memref<704xf32, #tpu.memory_space<vmem>>, vector<16xf32>,
      tpu.vector_store %arg6[%swap3A_359], %add3A_358 {strides = array<i32>} : memref<704xf32, #tpu.memory_space<vmem>>, vector<16xf32>,
      %get3A_361 = arith.constant 480 : index
      %get3A_362 = tpu.vector_load %arg6[%get3A_361] {strides = array<i32>} : memref<704xf32, #tpu.memory_space<vmem>>, vector<16xf32>,
      %get3A_363 = arith.constant 416 : index
      %get3A_364 = tpu.vector_load %arg11[%get3A_363] {strides = array<i32>} : memref<576xf32, #tpu.memory_space<vmem>>, vector<16xf32>,
      %add3A_365 = arith.addf %get3A_362, %get3A_364 : vector<16xf32>
      %swap3A_366 = arith.constant 480 : index
      %swap3A_367 = tpu.vector_load %arg6[%swap3A_366] {strides = array<i32>} : memref<704xf32, #tpu.memory_space<vmem>>, vector<16xf32>,
      tpu.vector_store %arg6[%swap3A_366], %add3A_365 {strides = array<i32>} : memref<704xf32, #tpu.memory_space<vmem>>, vector<16xf32>,
      %get3A_368 = arith.constant 496 : index
      %get3A_369 = tpu.vector_load %arg6[%get3A_368] {strides = array<i32>} : memref<704xf32, #tpu.memory_space<vmem>>, vector<16xf32>,
      %get3A_370 = arith.constant 432 : index
      %get3A_371 = tpu.vector_load %arg11[%get3A_370] {strides = array<i32>} : memref<576xf32, #tpu.memory_space<vmem>>, vector<16xf32>,
      %add3A_372 = arith.addf %get3A_369, %get3A_371 : vector<16xf32>
      %swap3A_373 = arith.constant 496 : index
      %swap3A_374 = tpu.vector_load %arg6[%swap3A_373] {strides = array<i32>} : memref<704xf32, #tpu.memory_space<vmem>>, vector<16xf32>,
      tpu.vector_store %arg6[%swap3A_373], %add3A_372 {strides = array<i32>} : memref<704xf32, #tpu.memory_space<vmem>>, vector<16xf32>,
      %get3A_375 = arith.constant 512 : index
      %get3A_376 = tpu.vector_load %arg6[%get3A_375] {strides = array<i32>} : memref<704xf32, #tpu.memory_space<vmem>>, vector<16xf32>,
      %get3A_377 = arith.constant 448 : index
      %get3A_378 = tpu.vector_load %arg11[%get3A_377] {strides = array<i32>} : memref<576xf32, #tpu.memory_space<vmem>>, vector<16xf32>,
      %add3A_379 = arith.addf %get3A_376, %get3A_378 : vector<16xf32>
      %swap3A_380 = arith.constant 512 : index
      %swap3A_381 = tpu.vector_load %arg6[%swap3A_380] {strides = array<i32>} : memref<704xf32, #tpu.memory_space<vmem>>, vector<16xf32>,
      tpu.vector_store %arg6[%swap3A_380], %add3A_379 {strides = array<i32>} : memref<704xf32, #tpu.memory_space<vmem>>, vector<16xf32>,
      %get3A_382 = arith.constant 528 : index
      %get3A_383 = tpu.vector_load %arg6[%get3A_382] {strides = array<i32>} : memref<704xf32, #tpu.memory_space<vmem>>, vector<16xf32>,
      %get3A_384 = arith.constant 464 : index
      %get3A_385 = tpu.vector_load %arg11[%get3A_384] {strides = array<i32>} : memref<576xf32, #tpu.memory_space<vmem>>, vector<16xf32>,
      %add3A_386 = arith.addf %get3A_383, %get3A_385 : vector<16xf32>
      %swap3A_387 = arith.constant 528 : index
      %swap3A_388 = tpu.vector_load %arg6[%swap3A_387] {strides = array<i32>} : memref<704xf32, #tpu.memory_space<vmem>>, vector<16xf32>,
      tpu.vector_store %arg6[%swap3A_387], %add3A_386 {strides = array<i32>} : memref<704xf32, #tpu.memory_space<vmem>>, vector<16xf32>,
      %get3A_389 = arith.constant 544 : index
      %get3A_390 = tpu.vector_load %arg6[%get3A_389] {strides = array<i32>} : memref<704xf32, #tpu.memory_space<vmem>>, vector<16xf32>,
      %get3A_391 = arith.constant 480 : index
      %get3A_392 = tpu.vector_load %arg11[%get3A_391] {strides = array<i32>} : memref<576xf32, #tpu.memory_space<vmem>>, vector<16xf32>,
      %add3A_393 = arith.addf %get3A_390, %get3A_392 : vector<16xf32>
      %swap3A_394 = arith.constant 544 : index
      %swap3A_395 = tpu.vector_load %arg6[%swap3A_394] {strides = array<i32>} : memref<704xf32, #tpu.memory_space<vmem>>, vector<16xf32>,
      tpu.vector_store %arg6[%swap3A_394], %add3A_393 {strides = array<i32>} : memref<704xf32, #tpu.memory_space<vmem>>, vector<16xf32>,
      %get3A_396 = arith.constant 560 : index
      %get3A_397 = tpu.vector_load %arg6[%get3A_396] {strides = array<i32>} : memref<704xf32, #tpu.memory_space<vmem>>, vector<16xf32>,
      %get3A_398 = arith.constant 496 : index
      %get3A_399 = tpu.vector_load %arg11[%get3A_398] {strides = array<i32>} : memref<576xf32, #tpu.memory_space<vmem>>, vector<16xf32>,
      %add3A_400 = arith.addf %get3A_397, %get3A_399 : vector<16xf32>
      %swap3A_401 = arith.constant 560 : index
      %swap3A_402 = tpu.vector_load %arg6[%swap3A_401] {strides = array<i32>} : memref<704xf32, #tpu.memory_space<vmem>>, vector<16xf32>,
      tpu.vector_store %arg6[%swap3A_401], %add3A_400 {strides = array<i32>} : memref<704xf32, #tpu.memory_space<vmem>>, vector<16xf32>,
      %get3A_403 = arith.constant 576 : index
      %get3A_404 = tpu.vector_load %arg6[%get3A_403] {strides = array<i32>} : memref<704xf32, #tpu.memory_space<vmem>>, vector<16xf32>,
      %get3A_405 = arith.constant 512 : index
      %get3A_406 = tpu.vector_load %arg11[%get3A_405] {strides = array<i32>} : memref<576xf32, #tpu.memory_space<vmem>>, vector<16xf32>,
      %add3A_407 = arith.addf %get3A_404, %get3A_406 : vector<16xf32>
      %swap3A_408 = arith.constant 576 : index
      %swap3A_409 = tpu.vector_load %arg6[%swap3A_408] {strides = array<i32>} : memref<704xf32, #tpu.memory_space<vmem>>, vector<16xf32>,
      tpu.vector_store %arg6[%swap3A_408], %add3A_407 {strides = array<i32>} : memref<704xf32, #tpu.memory_space<vmem>>, vector<16xf32>,
      %get3A_410 = arith.constant 592 : index
      %get3A_411 = tpu.vector_load %arg6[%get3A_410] {strides = array<i32>} : memref<704xf32, #tpu.memory_space<vmem>>, vector<16xf32>,
      %get3A_412 = arith.constant 528 : index
      %get3A_413 = tpu.vector_load %arg11[%get3A_412] {strides = array<i32>} : memref<576xf32, #tpu.memory_space<vmem>>, vector<16xf32>,
      %add3A_414 = arith.addf %get3A_411, %get3A_413 : vector<16xf32>
      %swap3A_415 = arith.constant 592 : index
      %swap3A_416 = tpu.vector_load %arg6[%swap3A_415] {strides = array<i32>} : memref<704xf32, #tpu.memory_space<vmem>>, vector<16xf32>,
      tpu.vector_store %arg6[%swap3A_415], %add3A_414 {strides = array<i32>} : memref<704xf32, #tpu.memory_space<vmem>>, vector<16xf32>,
      %get3A_417 = arith.constant 608 : index
      %get3A_418 = tpu.vector_load %arg6[%get3A_417] {strides = array<i32>} : memref<704xf32, #tpu.memory_space<vmem>>, vector<16xf32>,
      %get3A_419 = arith.constant 544 : index
      %get3A_420 = tpu.vector_load %arg11[%get3A_419] {strides = array<i32>} : memref<576xf32, #tpu.memory_space<vmem>>, vector<16xf32>,
      %add3A_421 = arith.addf %get3A_418, %get3A_420 : vector<16xf32>
      %swap3A_422 = arith.constant 608 : index
      %swap3A_423 = tpu.vector_load %arg6[%swap3A_422] {strides = array<i32>} : memref<704xf32, #tpu.memory_space<vmem>>, vector<16xf32>,
      tpu.vector_store %arg6[%swap3A_422], %add3A_421 {strides = array<i32>} : memref<704xf32, #tpu.memory_space<vmem>>, vector<16xf32>,
      %get3A_424 = arith.constant 624 : index
      %get3A_425 = tpu.vector_load %arg6[%get3A_424] {strides = array<i32>} : memref<704xf32, #tpu.memory_space<vmem>>, vector<16xf32>,
      %get3A_426 = arith.constant 560 : index
      %get3A_427 = tpu.vector_load %arg11[%get3A_426] {strides = array<i32>} : memref<576xf32, #tpu.memory_space<vmem>>, vector<16xf32>,
      %add3A_428 = arith.addf %get3A_425, %get3A_427 : vector<16xf32>
      %swap3A_429 = arith.constant 624 : index
      %swap3A_430 = tpu.vector_load %arg6[%swap3A_429] {strides = array<i32>} : memref<704xf32, #tpu.memory_space<vmem>>, vector<16xf32>,
      tpu.vector_store %arg6[%swap3A_429], %add3A_428 {strides = array<i32>} : memref<704xf32, #tpu.memory_space<vmem>>, vector<16xf32>,
      %swap3A_431 = arith.constant 48 : index
      %swap3A_432 = tpu.vector_load %arg7[%swap3A_431] {strides = array<i32>} : memref<704xf32, #tpu.memory_space<vmem>>, vector<16xf32>,
      tpu.vector_store %arg7[%swap3A_431], %broadcast_in_dim3A_33 {strides = array<i32>} : memref<704xf32, #tpu.memory_space<vmem>>, vector<16xf32>,
      %swap3A_433 = arith.constant 640 : index
      %swap3A_434 = tpu.vector_load %arg7[%swap3A_433] {strides = array<i32>} : memref<704xf32, #tpu.memory_space<vmem>>, vector<16xf32>,
      tpu.vector_store %arg7[%swap3A_433], %broadcast_in_dim3A_33 {strides = array<i32>} : memref<704xf32, #tpu.memory_space<vmem>>, vector<16xf32>,
      %get3A_435 = arith.constant 40 : index
      %get3A_436 = tpu.vector_load %arg6[%get3A_435] {strides = array<i32>} : memref<704xf32, #tpu.memory_space<vmem>>, vector<16xf32>,
      %get3A_437 = arith.constant 64 : index
      %get3A_438 = tpu.vector_load %arg6[%get3A_437] {strides = array<i32>} : memref<704xf32, #tpu.memory_space<vmem>>, vector<16xf32>,
      %get3A_439 = arith.constant 88 : index
      %get3A_440 = tpu.vector_load %arg6[%get3A_439] {strides = array<i32>} : memref<704xf32, #tpu.memory_space<vmem>>, vector<16xf32>,
      %mul3A_441 = arith.constant 2.000000e+00 : f32
      %mul3A_442 = vector.broadcast %mul3A_441 : f32 to vector<16xf32>
      %mul3A_443 = arith.mulf %mul3A_442, %get3A_438 : vector<16xf32>
      %add3A_444 = arith.addf %get3A_436, %mul3A_443 : vector<16xf32>
      %add3A_445 = arith.addf %add3A_444, %get3A_440 : vector<16xf32>
      %swap3A_446 = arith.constant 64 : index
      %swap3A_447 = tpu.vector_load %arg7[%swap3A_446] {strides = array<i32>} : memref<704xf32, #tpu.memory_space<vmem>>, vector<16xf32>,
      tpu.vector_store %arg7[%swap3A_446], %add3A_445 {strides = array<i32>} : memref<704xf32, #tpu.memory_space<vmem>>, vector<16xf32>,
      %get3A_448 = arith.constant 56 : index
      %get3A_449 = tpu.vector_load %arg6[%get3A_448] {strides = array<i32>} : memref<704xf32, #tpu.memory_space<vmem>>, vector<16xf32>,
      %get3A_450 = arith.constant 80 : index
      %get3A_451 = tpu.vector_load %arg6[%get3A_450] {strides = array<i32>} : memref<704xf32, #tpu.memory_space<vmem>>, vector<16xf32>,
      %get3A_452 = arith.constant 104 : index
      %get3A_453 = tpu.vector_load %arg6[%get3A_452] {strides = array<i32>} : memref<704xf32, #tpu.memory_space<vmem>>, vector<16xf32>,
      %mul3A_454 = arith.constant 2.000000e+00 : f32
      %mul3A_455 = vector.broadcast %mul3A_454 : f32 to vector<16xf32>
      %mul3A_456 = arith.mulf %mul3A_455, %get3A_451 : vector<16xf32>
      %add3A_457 = arith.addf %get3A_449, %mul3A_456 : vector<16xf32>
      %add3A_458 = arith.addf %add3A_457, %get3A_453 : vector<16xf32>
      %swap3A_459 = arith.constant 80 : index
      %swap3A_460 = tpu.vector_load %arg7[%swap3A_459] {strides = array<i32>} : memref<704xf32, #tpu.memory_space<vmem>>, vector<16xf32>,
      tpu.vector_store %arg7[%swap3A_459], %add3A_458 {strides = array<i32>} : memref<704xf32, #tpu.memory_space<vmem>>, vector<16xf32>,
      %get3A_461 = arith.constant 72 : index
      %get3A_462 = tpu.vector_load %arg6[%get3A_461] {strides = array<i32>} : memref<704xf32, #tpu.memory_space<vmem>>, vector<16xf32>,
      %get3A_463 = arith.constant 96 : index
      %get3A_464 = tpu.vector_load %arg6[%get3A_463] {strides = array<i32>} : memref<704xf32, #tpu.memory_space<vmem>>, vector<16xf32>,
      %get3A_465 = arith.constant 120 : index
      %get3A_466 = tpu.vector_load %arg6[%get3A_465] {strides = array<i32>} : memref<704xf32, #tpu.memory_space<vmem>>, vector<16xf32>,
      %mul3A_467 = arith.constant 2.000000e+00 : f32
      %mul3A_468 = vector.broadcast %mul3A_467 : f32 to vector<16xf32>
      %mul3A_469 = arith.mulf %mul3A_468, %get3A_464 : vector<16xf32>
      %add3A_470 = arith.addf %get3A_462, %mul3A_469 : vector<16xf32>
      %add3A_471 = arith.addf %add3A_470, %get3A_466 : vector<16xf32>
      %swap3A_472 = arith.constant 96 : index
      %swap3A_473 = tpu.vector_load %arg7[%swap3A_472] {strides = array<i32>} : memref<704xf32, #tpu.memory_space<vmem>>, vector<16xf32>,
      tpu.vector_store %arg7[%swap3A_472], %add3A_471 {strides = array<i32>} : memref<704xf32, #tpu.memory_space<vmem>>, vector<16xf32>,
      %get3A_474 = arith.constant 88 : index
      %get3A_475 = tpu.vector_load %arg6[%get3A_474] {strides = array<i32>} : memref<704xf32, #tpu.memory_space<vmem>>, vector<16xf32>,
      %get3A_476 = arith.constant 112 : index
      %get3A_477 = tpu.vector_load %arg6[%get3A_476] {strides = array<i32>} : memref<704xf32, #tpu.memory_space<vmem>>, vector<16xf32>,
      %get3A_478 = arith.constant 136 : index
      %get3A_479 = tpu.vector_load %arg6[%get3A_478] {strides = array<i32>} : memref<704xf32, #tpu.memory_space<vmem>>, vector<16xf32>,
      %mul3A_480 = arith.constant 2.000000e+00 : f32
      %mul3A_481 = vector.broadcast %mul3A_480 : f32 to vector<16xf32>
      %mul3A_482 = arith.mulf %mul3A_481, %get3A_477 : vector<16xf32>
      %add3A_483 = arith.addf %get3A_475, %mul3A_482 : vector<16xf32>
      %add3A_484 = arith.addf %add3A_483, %get3A_479 : vector<16xf32>
      %swap3A_485 = arith.constant 112 : index
      %swap3A_486 = tpu.vector_load %arg7[%swap3A_485] {strides = array<i32>} : memref<704xf32, #tpu.memory_space<vmem>>, vector<16xf32>,
      tpu.vector_store %arg7[%swap3A_485], %add3A_484 {strides = array<i32>} : memref<704xf32, #tpu.memory_space<vmem>>, vector<16xf32>,
      %get3A_487 = arith.constant 104 : index
      %get3A_488 = tpu.vector_load %arg6[%get3A_487] {strides = array<i32>} : memref<704xf32, #tpu.memory_space<vmem>>, vector<16xf32>,
      %get3A_489 = arith.constant 128 : index
      %get3A_490 = tpu.vector_load %arg6[%get3A_489] {strides = array<i32>} : memref<704xf32, #tpu.memory_space<vmem>>, vector<16xf32>,
      %get3A_491 = arith.constant 152 : index
      %get3A_492 = tpu.vector_load %arg6[%get3A_491] {strides = array<i32>} : memref<704xf32, #tpu.memory_space<vmem>>, vector<16xf32>,
      %mul3A_493 = arith.constant 2.000000e+00 : f32
      %mul3A_494 = vector.broadcast %mul3A_493 : f32 to vector<16xf32>
      %mul3A_495 = arith.mulf %mul3A_494, %get3A_490 : vector<16xf32>
      %add3A_496 = arith.addf %get3A_488, %mul3A_495 : vector<16xf32>
      %add3A_497 = arith.addf %add3A_496, %get3A_492 : vector<16xf32>
      %swap3A_498 = arith.constant 128 : index
      %swap3A_499 = tpu.vector_load %arg7[%swap3A_498] {strides = array<i32>} : memref<704xf32, #tpu.memory_space<vmem>>, vector<16xf32>,
      tpu.vector_store %arg7[%swap3A_498], %add3A_497 {strides = array<i32>} : memref<704xf32, #tpu.memory_space<vmem>>, vector<16xf32>,
      %get3A_500 = arith.constant 120 : index
      %get3A_501 = tpu.vector_load %arg6[%get3A_500] {strides = array<i32>} : memref<704xf32, #tpu.memory_space<vmem>>, vector<16xf32>,
      %get3A_502 = arith.constant 144 : index
      %get3A_503 = tpu.vector_load %arg6[%get3A_502] {strides = array<i32>} : memref<704xf32, #tpu.memory_space<vmem>>, vector<16xf32>,
      %get3A_504 = arith.constant 168 : index
      %get3A_505 = tpu.vector_load %arg6[%get3A_504] {strides = array<i32>} : memref<704xf32, #tpu.memory_space<vmem>>, vector<16xf32>,
      %mul3A_506 = arith.constant 2.000000e+00 : f32
      %mul3A_507 = vector.broadcast %mul3A_506 : f32 to vector<16xf32>
      %mul3A_508 = arith.mulf %mul3A_507, %get3A_503 : vector<16xf32>
      %add3A_509 = arith.addf %get3A_501, %mul3A_508 : vector<16xf32>
      %add3A_510 = arith.addf %add3A_509, %get3A_505 : vector<16xf32>
      %swap3A_511 = arith.constant 144 : index
      %swap3A_512 = tpu.vector_load %arg7[%swap3A_511] {strides = array<i32>} : memref<704xf32, #tpu.memory_space<vmem>>, vector<16xf32>,
      tpu.vector_store %arg7[%swap3A_511], %add3A_510 {strides = array<i32>} : memref<704xf32, #tpu.memory_space<vmem>>, vector<16xf32>,
      %get3A_513 = arith.constant 136 : index
      %get3A_514 = tpu.vector_load %arg6[%get3A_513] {strides = array<i32>} : memref<704xf32, #tpu.memory_space<vmem>>, vector<16xf32>,
      %get3A_515 = arith.constant 160 : index
      %get3A_516 = tpu.vector_load %arg6[%get3A_515] {strides = array<i32>} : memref<704xf32, #tpu.memory_space<vmem>>, vector<16xf32>,
      %get3A_517 = arith.constant 184 : index
      %get3A_518 = tpu.vector_load %arg6[%get3A_517] {strides = array<i32>} : memref<704xf32, #tpu.memory_space<vmem>>, vector<16xf32>,
      %mul3A_519 = arith.constant 2.000000e+00 : f32
      %mul3A_520 = vector.broadcast %mul3A_519 : f32 to vector<16xf32>
      %mul3A_521 = arith.mulf %mul3A_520, %get3A_516 : vector<16xf32>
      %add3A_522 = arith.addf %get3A_514, %mul3A_521 : vector<16xf32>
      %add3A_523 = arith.addf %add3A_522, %get3A_518 : vector<16xf32>
      %swap3A_524 = arith.constant 160 : index
      %swap3A_525 = tpu.vector_load %arg7[%swap3A_524] {strides = array<i32>} : memref<704xf32, #tpu.memory_space<vmem>>, vector<16xf32>,
      tpu.vector_store %arg7[%swap3A_524], %add3A_523 {strides = array<i32>} : memref<704xf32, #tpu.memory_space<vmem>>, vector<16xf32>,
      %get3A_526 = arith.constant 152 : index
      %get3A_527 = tpu.vector_load %arg6[%get3A_526] {strides = array<i32>} : memref<704xf32, #tpu.memory_space<vmem>>, vector<16xf32>,
      %get3A_528 = arith.constant 176 : index
      %get3A_529 = tpu.vector_load %arg6[%get3A_528] {strides = array<i32>} : memref<704xf32, #tpu.memory_space<vmem>>, vector<16xf32>,
      %get3A_530 = arith.constant 200 : index
      %get3A_531 = tpu.vector_load %arg6[%get3A_530] {strides = array<i32>} : memref<704xf32, #tpu.memory_space<vmem>>, vector<16xf32>,
      %mul3A_532 = arith.constant 2.000000e+00 : f32
      %mul3A_533 = vector.broadcast %mul3A_532 : f32 to vector<16xf32>
      %mul3A_534 = arith.mulf %mul3A_533, %get3A_529 : vector<16xf32>
      %add3A_535 = arith.addf %get3A_527, %mul3A_534 : vector<16xf32>
      %add3A_536 = arith.addf %add3A_535, %get3A_531 : vector<16xf32>
      %swap3A_537 = arith.constant 176 : index
      %swap3A_538 = tpu.vector_load %arg7[%swap3A_537] {strides = array<i32>} : memref<704xf32, #tpu.memory_space<vmem>>, vector<16xf32>,
      tpu.vector_store %arg7[%swap3A_537], %add3A_536 {strides = array<i32>} : memref<704xf32, #tpu.memory_space<vmem>>, vector<16xf32>,
      %get3A_539 = arith.constant 168 : index
      %get3A_540 = tpu.vector_load %arg6[%get3A_539] {strides = array<i32>} : memref<704xf32, #tpu.memory_space<vmem>>, vector<16xf32>,
      %get3A_541 = arith.constant 192 : index
      %get3A_542 = tpu.vector_load %arg6[%get3A_541] {strides = array<i32>} : memref<704xf32, #tpu.memory_space<vmem>>, vector<16xf32>,
      %get3A_543 = arith.constant 216 : index
      %get3A_544 = tpu.vector_load %arg6[%get3A_543] {strides = array<i32>} : memref<704xf32, #tpu.memory_space<vmem>>, vector<16xf32>,
      %mul3A_545 = arith.constant 2.000000e+00 : f32
      %mul3A_546 = vector.broadcast %mul3A_545 : f32 to vector<16xf32>
      %mul3A_547 = arith.mulf %mul3A_546, %get3A_542 : vector<16xf32>
      %add3A_548 = arith.addf %get3A_540, %mul3A_547 : vector<16xf32>
      %add3A_549 = arith.addf %add3A_548, %get3A_544 : vector<16xf32>
      %swap3A_550 = arith.constant 192 : index
      %swap3A_551 = tpu.vector_load %arg7[%swap3A_550] {strides = array<i32>} : memref<704xf32, #tpu.memory_space<vmem>>, vector<16xf32>,
      tpu.vector_store %arg7[%swap3A_550], %add3A_549 {strides = array<i32>} : memref<704xf32, #tpu.memory_space<vmem>>, vector<16xf32>,
      %get3A_552 = arith.constant 184 : index
      %get3A_553 = tpu.vector_load %arg6[%get3A_552] {strides = array<i32>} : memref<704xf32, #tpu.memory_space<vmem>>, vector<16xf32>,
      %get3A_554 = arith.constant 208 : index
      %get3A_555 = tpu.vector_load %arg6[%get3A_554] {strides = array<i32>} : memref<704xf32, #tpu.memory_space<vmem>>, vector<16xf32>,
      %get3A_556 = arith.constant 232 : index
      %get3A_557 = tpu.vector_load %arg6[%get3A_556] {strides = array<i32>} : memref<704xf32, #tpu.memory_space<vmem>>, vector<16xf32>,
      %mul3A_558 = arith.constant 2.000000e+00 : f32
      %mul3A_559 = vector.broadcast %mul3A_558 : f32 to vector<16xf32>
      %mul3A_560 = arith.mulf %mul3A_559, %get3A_555 : vector<16xf32>
      %add3A_561 = arith.addf %get3A_553, %mul3A_560 : vector<16xf32>
      %add3A_562 = arith.addf %add3A_561, %get3A_557 : vector<16xf32>
      %swap3A_563 = arith.constant 208 : index
      %swap3A_564 = tpu.vector_load %arg7[%swap3A_563] {strides = array<i32>} : memref<704xf32, #tpu.memory_space<vmem>>, vector<16xf32>,
      tpu.vector_store %arg7[%swap3A_563], %add3A_562 {strides = array<i32>} : memref<704xf32, #tpu.memory_space<vmem>>, vector<16xf32>,
      %get3A_565 = arith.constant 200 : index
      %get3A_566 = tpu.vector_load %arg6[%get3A_565] {strides = array<i32>} : memref<704xf32, #tpu.memory_space<vmem>>, vector<16xf32>,
      %get3A_567 = arith.constant 224 : index
      %get3A_568 = tpu.vector_load %arg6[%get3A_567] {strides = array<i32>} : memref<704xf32, #tpu.memory_space<vmem>>, vector<16xf32>,
      %get3A_569 = arith.constant 248 : index
      %get3A_570 = tpu.vector_load %arg6[%get3A_569] {strides = array<i32>} : memref<704xf32, #tpu.memory_space<vmem>>, vector<16xf32>,
      %mul3A_571 = arith.constant 2.000000e+00 : f32
      %mul3A_572 = vector.broadcast %mul3A_571 : f32 to vector<16xf32>
      %mul3A_573 = arith.mulf %mul3A_572, %get3A_568 : vector<16xf32>
      %add3A_574 = arith.addf %get3A_566, %mul3A_573 : vector<16xf32>
      %add3A_575 = arith.addf %add3A_574, %get3A_570 : vector<16xf32>
      %swap3A_576 = arith.constant 224 : index
      %swap3A_577 = tpu.vector_load %arg7[%swap3A_576] {strides = array<i32>} : memref<704xf32, #tpu.memory_space<vmem>>, vector<16xf32>,
      tpu.vector_store %arg7[%swap3A_576], %add3A_575 {strides = array<i32>} : memref<704xf32, #tpu.memory_space<vmem>>, vector<16xf32>,
      %get3A_578 = arith.constant 216 : index
      %get3A_579 = tpu.vector_load %arg6[%get3A_578] {strides = array<i32>} : memref<704xf32, #tpu.memory_space<vmem>>, vector<16xf32>,
      %get3A_580 = arith.constant 240 : index
      %get3A_581 = tpu.vector_load %arg6[%get3A_580] {strides = array<i32>} : memref<704xf32, #tpu.memory_space<vmem>>, vector<16xf32>,
      %get3A_582 = arith.constant 264 : index
      %get3A_583 = tpu.vector_load %arg6[%get3A_582] {strides = array<i32>} : memref<704xf32, #tpu.memory_space<vmem>>, vector<16xf32>,
      %mul3A_584 = arith.constant 2.000000e+00 : f32
      %mul3A_585 = vector.broadcast %mul3A_584 : f32 to vector<16xf32>
      %mul3A_586 = arith.mulf %mul3A_585, %get3A_581 : vector<16xf32>
      %add3A_587 = arith.addf %get3A_579, %mul3A_586 : vector<16xf32>
      %add3A_588 = arith.addf %add3A_587, %get3A_583 : vector<16xf32>
      %swap3A_589 = arith.constant 240 : index
      %swap3A_590 = tpu.vector_load %arg7[%swap3A_589] {strides = array<i32>} : memref<704xf32, #tpu.memory_space<vmem>>, vector<16xf32>,
      tpu.vector_store %arg7[%swap3A_589], %add3A_588 {strides = array<i32>} : memref<704xf32, #tpu.memory_space<vmem>>, vector<16xf32>,
      %get3A_591 = arith.constant 232 : index
      %get3A_592 = tpu.vector_load %arg6[%get3A_591] {strides = array<i32>} : memref<704xf32, #tpu.memory_space<vmem>>, vector<16xf32>,
      %get3A_593 = arith.constant 256 : index
      %get3A_594 = tpu.vector_load %arg6[%get3A_593] {strides = array<i32>} : memref<704xf32, #tpu.memory_space<vmem>>, vector<16xf32>,
      %get3A_595 = arith.constant 280 : index
      %get3A_596 = tpu.vector_load %arg6[%get3A_595] {strides = array<i32>} : memref<704xf32, #tpu.memory_space<vmem>>, vector<16xf32>,
      %mul3A_597 = arith.constant 2.000000e+00 : f32
      %mul3A_598 = vector.broadcast %mul3A_597 : f32 to vector<16xf32>
      %mul3A_599 = arith.mulf %mul3A_598, %get3A_594 : vector<16xf32>
      %add3A_600 = arith.addf %get3A_592, %mul3A_599 : vector<16xf32>
      %add3A_601 = arith.addf %add3A_600, %get3A_596 : vector<16xf32>
      %swap3A_602 = arith.constant 256 : index
      %swap3A_603 = tpu.vector_load %arg7[%swap3A_602] {strides = array<i32>} : memref<704xf32, #tpu.memory_space<vmem>>, vector<16xf32>,
      tpu.vector_store %arg7[%swap3A_602], %add3A_601 {strides = array<i32>} : memref<704xf32, #tpu.memory_space<vmem>>, vector<16xf32>,
      %get3A_604 = arith.constant 248 : index
      %get3A_605 = tpu.vector_load %arg6[%get3A_604] {strides = array<i32>} : memref<704xf32, #tpu.memory_space<vmem>>, vector<16xf32>,
      %get3A_606 = arith.constant 272 : index
      %get3A_607 = tpu.vector_load %arg6[%get3A_606] {strides = array<i32>} : memref<704xf32, #tpu.memory_space<vmem>>, vector<16xf32>,
      %get3A_608 = arith.constant 296 : index
      %get3A_609 = tpu.vector_load %arg6[%get3A_608] {strides = array<i32>} : memref<704xf32, #tpu.memory_space<vmem>>, vector<16xf32>,
      %mul3A_610 = arith.constant 2.000000e+00 : f32
      %mul3A_611 = vector.broadcast %mul3A_610 : f32 to vector<16xf32>
      %mul3A_612 = arith.mulf %mul3A_611, %get3A_607 : vector<16xf32>
      %add3A_613 = arith.addf %get3A_605, %mul3A_612 : vector<16xf32>
      %add3A_614 = arith.addf %add3A_613, %get3A_609 : vector<16xf32>
      %swap3A_615 = arith.constant 272 : index
      %swap3A_616 = tpu.vector_load %arg7[%swap3A_615] {strides = array<i32>} : memref<704xf32, #tpu.memory_space<vmem>>, vector<16xf32>,
      tpu.vector_store %arg7[%swap3A_615], %add3A_614 {strides = array<i32>} : memref<704xf32, #tpu.memory_space<vmem>>, vector<16xf32>,
      %get3A_617 = arith.constant 264 : index
      %get3A_618 = tpu.vector_load %arg6[%get3A_617] {strides = array<i32>} : memref<704xf32, #tpu.memory_space<vmem>>, vector<16xf32>,
      %get3A_619 = arith.constant 288 : index
      %get3A_620 = tpu.vector_load %arg6[%get3A_619] {strides = array<i32>} : memref<704xf32, #tpu.memory_space<vmem>>, vector<16xf32>,
      %get3A_621 = arith.constant 312 : index
      %get3A_622 = tpu.vector_load %arg6[%get3A_621] {strides = array<i32>} : memref<704xf32, #tpu.memory_space<vmem>>, vector<16xf32>,
      %mul3A_623 = arith.constant 2.000000e+00 : f32
      %mul3A_624 = vector.broadcast %mul3A_623 : f32 to vector<16xf32>
      %mul3A_625 = arith.mulf %mul3A_624, %get3A_620 : vector<16xf32>
      %add3A_626 = arith.addf %get3A_618, %mul3A_625 : vector<16xf32>
      %add3A_627 = arith.addf %add3A_626, %get3A_622 : vector<16xf32>
      %swap3A_628 = arith.constant 288 : index
      %swap3A_629 = tpu.vector_load %arg7[%swap3A_628] {strides = array<i32>} : memref<704xf32, #tpu.memory_space<vmem>>, vector<16xf32>,
      tpu.vector_store %arg7[%swap3A_628], %add3A_627 {strides = array<i32>} : memref<704xf32, #tpu.memory_space<vmem>>, vector<16xf32>,
      %get3A_630 = arith.constant 280 : index
      %get3A_631 = tpu.vector_load %arg6[%get3A_630] {strides = array<i32>} : memref<704xf32, #tpu.memory_space<vmem>>, vector<16xf32>,
      %get3A_632 = arith.constant 304 : index
      %get3A_633 = tpu.vector_load %arg6[%get3A_632] {strides = array<i32>} : memref<704xf32, #tpu.memory_space<vmem>>, vector<16xf32>,
      %get3A_634 = arith.constant 328 : index
      %get3A_635 = tpu.vector_load %arg6[%get3A_634] {strides = array<i32>} : memref<704xf32, #tpu.memory_space<vmem>>, vector<16xf32>,
      %mul3A_636 = arith.constant 2.000000e+00 : f32
      %mul3A_637 = vector.broadcast %mul3A_636 : f32 to vector<16xf32>
      %mul3A_638 = arith.mulf %mul3A_637, %get3A_633 : vector<16xf32>
      %add3A_639 = arith.addf %get3A_631, %mul3A_638 : vector<16xf32>
      %add3A_640 = arith.addf %add3A_639, %get3A_635 : vector<16xf32>
      %swap3A_641 = arith.constant 304 : index
      %swap3A_642 = tpu.vector_load %arg7[%swap3A_641] {strides = array<i32>} : memref<704xf32, #tpu.memory_space<vmem>>, vector<16xf32>,
      tpu.vector_store %arg7[%swap3A_641], %add3A_640 {strides = array<i32>} : memref<704xf32, #tpu.memory_space<vmem>>, vector<16xf32>,
      %get3A_643 = arith.constant 296 : index
      %get3A_644 = tpu.vector_load %arg6[%get3A_643] {strides = array<i32>} : memref<704xf32, #tpu.memory_space<vmem>>, vector<16xf32>,
      %get3A_645 = arith.constant 320 : index
      %get3A_646 = tpu.vector_load %arg6[%get3A_645] {strides = array<i32>} : memref<704xf32, #tpu.memory_space<vmem>>, vector<16xf32>,
      %get3A_647 = arith.constant 344 : index
      %get3A_648 = tpu.vector_load %arg6[%get3A_647] {strides = array<i32>} : memref<704xf32, #tpu.memory_space<vmem>>, vector<16xf32>,
      %mul3A_649 = arith.constant 2.000000e+00 : f32
      %mul3A_650 = vector.broadcast %mul3A_649 : f32 to vector<16xf32>
      %mul3A_651 = arith.mulf %mul3A_650, %get3A_646 : vector<16xf32>
      %add3A_652 = arith.addf %get3A_644, %mul3A_651 : vector<16xf32>
      %add3A_653 = arith.addf %add3A_652, %get3A_648 : vector<16xf32>
      %swap3A_654 = arith.constant 320 : index
      %swap3A_655 = tpu.vector_load %arg7[%swap3A_654] {strides = array<i32>} : memref<704xf32, #tpu.memory_space<vmem>>, vector<16xf32>,
      tpu.vector_store %arg7[%swap3A_654], %add3A_653 {strides = array<i32>} : memref<704xf32, #tpu.memory_space<vmem>>, vector<16xf32>,
      %get3A_656 = arith.constant 312 : index
      %get3A_657 = tpu.vector_load %arg6[%get3A_656] {strides = array<i32>} : memref<704xf32, #tpu.memory_space<vmem>>, vector<16xf32>,
      %get3A_658 = arith.constant 336 : index
      %get3A_659 = tpu.vector_load %arg6[%get3A_658] {strides = array<i32>} : memref<704xf32, #tpu.memory_space<vmem>>, vector<16xf32>,
      %get3A_660 = arith.constant 360 : index
      %get3A_661 = tpu.vector_load %arg6[%get3A_660] {strides = array<i32>} : memref<704xf32, #tpu.memory_space<vmem>>, vector<16xf32>,
      %mul3A_662 = arith.constant 2.000000e+00 : f32
      %mul3A_663 = vector.broadcast %mul3A_662 : f32 to vector<16xf32>
      %mul3A_664 = arith.mulf %mul3A_663, %get3A_659 : vector<16xf32>
      %add3A_665 = arith.addf %get3A_657, %mul3A_664 : vector<16xf32>
      %add3A_666 = arith.addf %add3A_665, %get3A_661 : vector<16xf32>
      %swap3A_667 = arith.constant 336 : index
      %swap3A_668 = tpu.vector_load %arg7[%swap3A_667] {strides = array<i32>} : memref<704xf32, #tpu.memory_space<vmem>>, vector<16xf32>,
      tpu.vector_store %arg7[%swap3A_667], %add3A_666 {strides = array<i32>} : memref<704xf32, #tpu.memory_space<vmem>>, vector<16xf32>,
      %get3A_669 = arith.constant 328 : index
      %get3A_670 = tpu.vector_load %arg6[%get3A_669] {strides = array<i32>} : memref<704xf32, #tpu.memory_space<vmem>>, vector<16xf32>,
      %get3A_671 = arith.constant 352 : index
      %get3A_672 = tpu.vector_load %arg6[%get3A_671] {strides = array<i32>} : memref<704xf32, #tpu.memory_space<vmem>>, vector<16xf32>,
      %get3A_673 = arith.constant 376 : index
      %get3A_674 = tpu.vector_load %arg6[%get3A_673] {strides = array<i32>} : memref<704xf32, #tpu.memory_space<vmem>>, vector<16xf32>,
      %mul3A_675 = arith.constant 2.000000e+00 : f32
      %mul3A_676 = vector.broadcast %mul3A_675 : f32 to vector<16xf32>
      %mul3A_677 = arith.mulf %mul3A_676, %get3A_672 : vector<16xf32>
      %add3A_678 = arith.addf %get3A_670, %mul3A_677 : vector<16xf32>
      %add3A_679 = arith.addf %add3A_678, %get3A_674 : vector<16xf32>
      %swap3A_680 = arith.constant 352 : index
      %swap3A_681 = tpu.vector_load %arg7[%swap3A_680] {strides = array<i32>} : memref<704xf32, #tpu.memory_space<vmem>>, vector<16xf32>,
      tpu.vector_store %arg7[%swap3A_680], %add3A_679 {strides = array<i32>} : memref<704xf32, #tpu.memory_space<vmem>>, vector<16xf32>,
      %get3A_682 = arith.constant 344 : index
      %get3A_683 = tpu.vector_load %arg6[%get3A_682] {strides = array<i32>} : memref<704xf32, #tpu.memory_space<vmem>>, vector<16xf32>,
      %get3A_684 = arith.constant 368 : index
      %get3A_685 = tpu.vector_load %arg6[%get3A_684] {strides = array<i32>} : memref<704xf32, #tpu.memory_space<vmem>>, vector<16xf32>,
      %get3A_686 = arith.constant 392 : index
      %get3A_687 = tpu.vector_load %arg6[%get3A_686] {strides = array<i32>} : memref<704xf32, #tpu.memory_space<vmem>>, vector<16xf32>,
      %mul3A_688 = arith.constant 2.000000e+00 : f32
      %mul3A_689 = vector.broadcast %mul3A_688 : f32 to vector<16xf32>
      %mul3A_690 = arith.mulf %mul3A_689, %get3A_685 : vector<16xf32>
      %add3A_691 = arith.addf %get3A_683, %mul3A_690 : vector<16xf32>
      %add3A_692 = arith.addf %add3A_691, %get3A_687 : vector<16xf32>
      %swap3A_693 = arith.constant 368 : index
      %swap3A_694 = tpu.vector_load %arg7[%swap3A_693] {strides = array<i32>} : memref<704xf32, #tpu.memory_space<vmem>>, vector<16xf32>,
      tpu.vector_store %arg7[%swap3A_693], %add3A_692 {strides = array<i32>} : memref<704xf32, #tpu.memory_space<vmem>>, vector<16xf32>,
      %get3A_695 = arith.constant 360 : index
      %get3A_696 = tpu.vector_load %arg6[%get3A_695] {strides = array<i32>} : memref<704xf32, #tpu.memory_space<vmem>>, vector<16xf32>,
      %get3A_697 = arith.constant 384 : index
      %get3A_698 = tpu.vector_load %arg6[%get3A_697] {strides = array<i32>} : memref<704xf32, #tpu.memory_space<vmem>>, vector<16xf32>,
      %get3A_699 = arith.constant 408 : index
      %get3A_700 = tpu.vector_load %arg6[%get3A_699] {strides = array<i32>} : memref<704xf32, #tpu.memory_space<vmem>>, vector<16xf32>,
      %mul3A_701 = arith.constant 2.000000e+00 : f32
      %mul3A_702 = vector.broadcast %mul3A_701 : f32 to vector<16xf32>
      %mul3A_703 = arith.mulf %mul3A_702, %get3A_698 : vector<16xf32>
      %add3A_704 = arith.addf %get3A_696, %mul3A_703 : vector<16xf32>
      %add3A_705 = arith.addf %add3A_704, %get3A_700 : vector<16xf32>
      %swap3A_706 = arith.constant 384 : index
      %swap3A_707 = tpu.vector_load %arg7[%swap3A_706] {strides = array<i32>} : memref<704xf32, #tpu.memory_space<vmem>>, vector<16xf32>,
      tpu.vector_store %arg7[%swap3A_706], %add3A_705 {strides = array<i32>} : memref<704xf32, #tpu.memory_space<vmem>>, vector<16xf32>,
      %get3A_708 = arith.constant 376 : index
      %get3A_709 = tpu.vector_load %arg6[%get3A_708] {strides = array<i32>} : memref<704xf32, #tpu.memory_space<vmem>>, vector<16xf32>,
      %get3A_710 = arith.constant 400 : index
      %get3A_711 = tpu.vector_load %arg6[%get3A_710] {strides = array<i32>} : memref<704xf32, #tpu.memory_space<vmem>>, vector<16xf32>,
      %get3A_712 = arith.constant 424 : index
      %get3A_713 = tpu.vector_load %arg6[%get3A_712] {strides = array<i32>} : memref<704xf32, #tpu.memory_space<vmem>>, vector<16xf32>,
      %mul3A_714 = arith.constant 2.000000e+00 : f32
      %mul3A_715 = vector.broadcast %mul3A_714 : f32 to vector<16xf32>
      %mul3A_716 = arith.mulf %mul3A_715, %get3A_711 : vector<16xf32>
      %add3A_717 = arith.addf %get3A_709, %mul3A_716 : vector<16xf32>
      %add3A_718 = arith.addf %add3A_717, %get3A_713 : vector<16xf32>
      %swap3A_719 = arith.constant 400 : index
      %swap3A_720 = tpu.vector_load %arg7[%swap3A_719] {strides = array<i32>} : memref<704xf32, #tpu.memory_space<vmem>>, vector<16xf32>,
      tpu.vector_store %arg7[%swap3A_719], %add3A_718 {strides = array<i32>} : memref<704xf32, #tpu.memory_space<vmem>>, vector<16xf32>,
      %get3A_721 = arith.constant 392 : index
      %get3A_722 = tpu.vector_load %arg6[%get3A_721] {strides = array<i32>} : memref<704xf32, #tpu.memory_space<vmem>>, vector<16xf32>,
      %get3A_723 = arith.constant 416 : index
      %get3A_724 = tpu.vector_load %arg6[%get3A_723] {strides = array<i32>} : memref<704xf32, #tpu.memory_space<vmem>>, vector<16xf32>,
      %get3A_725 = arith.constant 440 : index
      %get3A_726 = tpu.vector_load %arg6[%get3A_725] {strides = array<i32>} : memref<704xf32, #tpu.memory_space<vmem>>, vector<16xf32>,
      %mul3A_727 = arith.constant 2.000000e+00 : f32
      %mul3A_728 = vector.broadcast %mul3A_727 : f32 to vector<16xf32>
      %mul3A_729 = arith.mulf %mul3A_728, %get3A_724 : vector<16xf32>
      %add3A_730 = arith.addf %get3A_722, %mul3A_729 : vector<16xf32>
      %add3A_731 = arith.addf %add3A_730, %get3A_726 : vector<16xf32>
      %swap3A_732 = arith.constant 416 : index
      %swap3A_733 = tpu.vector_load %arg7[%swap3A_732] {strides = array<i32>} : memref<704xf32, #tpu.memory_space<vmem>>, vector<16xf32>,
      tpu.vector_store %arg7[%swap3A_732], %add3A_731 {strides = array<i32>} : memref<704xf32, #tpu.memory_space<vmem>>, vector<16xf32>,
      %get3A_734 = arith.constant 408 : index
      %get3A_735 = tpu.vector_load %arg6[%get3A_734] {strides = array<i32>} : memref<704xf32, #tpu.memory_space<vmem>>, vector<16xf32>,
      %get3A_736 = arith.constant 432 : index
      %get3A_737 = tpu.vector_load %arg6[%get3A_736] {strides = array<i32>} : memref<704xf32, #tpu.memory_space<vmem>>, vector<16xf32>,
      %get3A_738 = arith.constant 456 : index
      %get3A_739 = tpu.vector_load %arg6[%get3A_738] {strides = array<i32>} : memref<704xf32, #tpu.memory_space<vmem>>, vector<16xf32>,
      %mul3A_740 = arith.constant 2.000000e+00 : f32
      %mul3A_741 = vector.broadcast %mul3A_740 : f32 to vector<16xf32>
      %mul3A_742 = arith.mulf %mul3A_741, %get3A_737 : vector<16xf32>
      %add3A_743 = arith.addf %get3A_735, %mul3A_742 : vector<16xf32>
      %add3A_744 = arith.addf %add3A_743, %get3A_739 : vector<16xf32>
      %swap3A_745 = arith.constant 432 : index
      %swap3A_746 = tpu.vector_load %arg7[%swap3A_745] {strides = array<i32>} : memref<704xf32, #tpu.memory_space<vmem>>, vector<16xf32>,
      tpu.vector_store %arg7[%swap3A_745], %add3A_744 {strides = array<i32>} : memref<704xf32, #tpu.memory_space<vmem>>, vector<16xf32>,
      %get3A_747 = arith.constant 424 : index
      %get3A_748 = tpu.vector_load %arg6[%get3A_747] {strides = array<i32>} : memref<704xf32, #tpu.memory_space<vmem>>, vector<16xf32>,
      %get3A_749 = arith.constant 448 : index
      %get3A_750 = tpu.vector_load %arg6[%get3A_749] {strides = array<i32>} : memref<704xf32, #tpu.memory_space<vmem>>, vector<16xf32>,
      %get3A_751 = arith.constant 472 : index
      %get3A_752 = tpu.vector_load %arg6[%get3A_751] {strides = array<i32>} : memref<704xf32, #tpu.memory_space<vmem>>, vector<16xf32>,
      %mul3A_753 = arith.constant 2.000000e+00 : f32
      %mul3A_754 = vector.broadcast %mul3A_753 : f32 to vector<16xf32>
      %mul3A_755 = arith.mulf %mul3A_754, %get3A_750 : vector<16xf32>
      %add3A_756 = arith.addf %get3A_748, %mul3A_755 : vector<16xf32>
      %add3A_757 = arith.addf %add3A_756, %get3A_752 : vector<16xf32>
      %swap3A_758 = arith.constant 448 : index
      %swap3A_759 = tpu.vector_load %arg7[%swap3A_758] {strides = array<i32>} : memref<704xf32, #tpu.memory_space<vmem>>, vector<16xf32>,
      tpu.vector_store %arg7[%swap3A_758], %add3A_757 {strides = array<i32>} : memref<704xf32, #tpu.memory_space<vmem>>, vector<16xf32>,
      %get3A_760 = arith.constant 440 : index
      %get3A_761 = tpu.vector_load %arg6[%get3A_760] {strides = array<i32>} : memref<704xf32, #tpu.memory_space<vmem>>, vector<16xf32>,
      %get3A_762 = arith.constant 464 : index
      %get3A_763 = tpu.vector_load %arg6[%get3A_762] {strides = array<i32>} : memref<704xf32, #tpu.memory_space<vmem>>, vector<16xf32>,
      %get3A_764 = arith.constant 488 : index
      %get3A_765 = tpu.vector_load %arg6[%get3A_764] {strides = array<i32>} : memref<704xf32, #tpu.memory_space<vmem>>, vector<16xf32>,
      %mul3A_766 = arith.constant 2.000000e+00 : f32
      %mul3A_767 = vector.broadcast %mul3A_766 : f32 to vector<16xf32>
      %mul3A_768 = arith.mulf %mul3A_767, %get3A_763 : vector<16xf32>
      %add3A_769 = arith.addf %get3A_761, %mul3A_768 : vector<16xf32>
      %add3A_770 = arith.addf %add3A_769, %get3A_765 : vector<16xf32>
      %swap3A_771 = arith.constant 464 : index
      %swap3A_772 = tpu.vector_load %arg7[%swap3A_771] {strides = array<i32>} : memref<704xf32, #tpu.memory_space<vmem>>, vector<16xf32>,
      tpu.vector_store %arg7[%swap3A_771], %add3A_770 {strides = array<i32>} : memref<704xf32, #tpu.memory_space<vmem>>, vector<16xf32>,
      %get3A_773 = arith.constant 456 : index
      %get3A_774 = tpu.vector_load %arg6[%get3A_773] {strides = array<i32>} : memref<704xf32, #tpu.memory_space<vmem>>, vector<16xf32>,
      %get3A_775 = arith.constant 480 : index
      %get3A_776 = tpu.vector_load %arg6[%get3A_775] {strides = array<i32>} : memref<704xf32, #tpu.memory_space<vmem>>, vector<16xf32>,
      %get3A_777 = arith.constant 504 : index
      %get3A_778 = tpu.vector_load %arg6[%get3A_777] {strides = array<i32>} : memref<704xf32, #tpu.memory_space<vmem>>, vector<16xf32>,
      %mul3A_779 = arith.constant 2.000000e+00 : f32
      %mul3A_780 = vector.broadcast %mul3A_779 : f32 to vector<16xf32>
      %mul3A_781 = arith.mulf %mul3A_780, %get3A_776 : vector<16xf32>
      %add3A_782 = arith.addf %get3A_774, %mul3A_781 : vector<16xf32>
      %add3A_783 = arith.addf %add3A_782, %get3A_778 : vector<16xf32>
      %swap3A_784 = arith.constant 480 : index
      %swap3A_785 = tpu.vector_load %arg7[%swap3A_784] {strides = array<i32>} : memref<704xf32, #tpu.memory_space<vmem>>, vector<16xf32>,
      tpu.vector_store %arg7[%swap3A_784], %add3A_783 {strides = array<i32>} : memref<704xf32, #tpu.memory_space<vmem>>, vector<16xf32>,
      %get3A_786 = arith.constant 472 : index
      %get3A_787 = tpu.vector_load %arg6[%get3A_786] {strides = array<i32>} : memref<704xf32, #tpu.memory_space<vmem>>, vector<16xf32>,
      %get3A_788 = arith.constant 496 : index
      %get3A_789 = tpu.vector_load %arg6[%get3A_788] {strides = array<i32>} : memref<704xf32, #tpu.memory_space<vmem>>, vector<16xf32>,
      %get3A_790 = arith.constant 520 : index
      %get3A_791 = tpu.vector_load %arg6[%get3A_790] {strides = array<i32>} : memref<704xf32, #tpu.memory_space<vmem>>, vector<16xf32>,
      %mul3A_792 = arith.constant 2.000000e+00 : f32
      %mul3A_793 = vector.broadcast %mul3A_792 : f32 to vector<16xf32>
      %mul3A_794 = arith.mulf %mul3A_793, %get3A_789 : vector<16xf32>
      %add3A_795 = arith.addf %get3A_787, %mul3A_794 : vector<16xf32>
      %add3A_796 = arith.addf %add3A_795, %get3A_791 : vector<16xf32>
      %swap3A_797 = arith.constant 496 : index
      %swap3A_798 = tpu.vector_load %arg7[%swap3A_797] {strides = array<i32>} : memref<704xf32, #tpu.memory_space<vmem>>, vector<16xf32>,
      tpu.vector_store %arg7[%swap3A_797], %add3A_796 {strides = array<i32>} : memref<704xf32, #tpu.memory_space<vmem>>, vector<16xf32>,
      %get3A_799 = arith.constant 488 : index
      %get3A_800 = tpu.vector_load %arg6[%get3A_799] {strides = array<i32>} : memref<704xf32, #tpu.memory_space<vmem>>, vector<16xf32>,
      %get3A_801 = arith.constant 512 : index
      %get3A_802 = tpu.vector_load %arg6[%get3A_801] {strides = array<i32>} : memref<704xf32, #tpu.memory_space<vmem>>, vector<16xf32>,
      %get3A_803 = arith.constant 536 : index
      %get3A_804 = tpu.vector_load %arg6[%get3A_803] {strides = array<i32>} : memref<704xf32, #tpu.memory_space<vmem>>, vector<16xf32>,
      %mul3A_805 = arith.constant 2.000000e+00 : f32
      %mul3A_806 = vector.broadcast %mul3A_805 : f32 to vector<16xf32>
      %mul3A_807 = arith.mulf %mul3A_806, %get3A_802 : vector<16xf32>
      %add3A_808 = arith.addf %get3A_800, %mul3A_807 : vector<16xf32>
      %add3A_809 = arith.addf %add3A_808, %get3A_804 : vector<16xf32>
      %swap3A_810 = arith.constant 512 : index
      %swap3A_811 = tpu.vector_load %arg7[%swap3A_810] {strides = array<i32>} : memref<704xf32, #tpu.memory_space<vmem>>, vector<16xf32>,
      tpu.vector_store %arg7[%swap3A_810], %add3A_809 {strides = array<i32>} : memref<704xf32, #tpu.memory_space<vmem>>, vector<16xf32>,
      %get3A_812 = arith.constant 504 : index
      %get3A_813 = tpu.vector_load %arg6[%get3A_812] {strides = array<i32>} : memref<704xf32, #tpu.memory_space<vmem>>, vector<16xf32>,
      %get3A_814 = arith.constant 528 : index
      %get3A_815 = tpu.vector_load %arg6[%get3A_814] {strides = array<i32>} : memref<704xf32, #tpu.memory_space<vmem>>, vector<16xf32>,
      %get3A_816 = arith.constant 552 : index
      %get3A_817 = tpu.vector_load %arg6[%get3A_816] {strides = array<i32>} : memref<704xf32, #tpu.memory_space<vmem>>, vector<16xf32>,
      %mul3A_818 = arith.constant 2.000000e+00 : f32
      %mul3A_819 = vector.broadcast %mul3A_818 : f32 to vector<16xf32>
      %mul3A_820 = arith.mulf %mul3A_819, %get3A_815 : vector<16xf32>
      %add3A_821 = arith.addf %get3A_813, %mul3A_820 : vector<16xf32>
      %add3A_822 = arith.addf %add3A_821, %get3A_817 : vector<16xf32>
      %swap3A_823 = arith.constant 528 : index
      %swap3A_824 = tpu.vector_load %arg7[%swap3A_823] {strides = array<i32>} : memref<704xf32, #tpu.memory_space<vmem>>, vector<16xf32>,
      tpu.vector_store %arg7[%swap3A_823], %add3A_822 {strides = array<i32>} : memref<704xf32, #tpu.memory_space<vmem>>, vector<16xf32>,
      %get3A_825 = arith.constant 520 : index
      %get3A_826 = tpu.vector_load %arg6[%get3A_825] {strides = array<i32>} : memref<704xf32, #tpu.memory_space<vmem>>, vector<16xf32>,
      %get3A_827 = arith.constant 544 : index
      %get3A_828 = tpu.vector_load %arg6[%get3A_827] {strides = array<i32>} : memref<704xf32, #tpu.memory_space<vmem>>, vector<16xf32>,
      %get3A_829 = arith.constant 568 : index
      %get3A_830 = tpu.vector_load %arg6[%get3A_829] {strides = array<i32>} : memref<704xf32, #tpu.memory_space<vmem>>, vector<16xf32>,
      %mul3A_831 = arith.constant 2.000000e+00 : f32
      %mul3A_832 = vector.broadcast %mul3A_831 : f32 to vector<16xf32>
      %mul3A_833 = arith.mulf %mul3A_832, %get3A_828 : vector<16xf32>
      %add3A_834 = arith.addf %get3A_826, %mul3A_833 : vector<16xf32>
      %add3A_835 = arith.addf %add3A_834, %get3A_830 : vector<16xf32>
      %swap3A_836 = arith.constant 544 : index
      %swap3A_837 = tpu.vector_load %arg7[%swap3A_836] {strides = array<i32>} : memref<704xf32, #tpu.memory_space<vmem>>, vector<16xf32>,
      tpu.vector_store %arg7[%swap3A_836], %add3A_835 {strides = array<i32>} : memref<704xf32, #tpu.memory_space<vmem>>, vector<16xf32>,
      %get3A_838 = arith.constant 536 : index
      %get3A_839 = tpu.vector_load %arg6[%get3A_838] {strides = array<i32>} : memref<704xf32, #tpu.memory_space<vmem>>, vector<16xf32>,
      %get3A_840 = arith.constant 560 : index
      %get3A_841 = tpu.vector_load %arg6[%get3A_840] {strides = array<i32>} : memref<704xf32, #tpu.memory_space<vmem>>, vector<16xf32>,
      %get3A_842 = arith.constant 584 : index
      %get3A_843 = tpu.vector_load %arg6[%get3A_842] {strides = array<i32>} : memref<704xf32, #tpu.memory_space<vmem>>, vector<16xf32>,
      %mul3A_844 = arith.constant 2.000000e+00 : f32
      %mul3A_845 = vector.broadcast %mul3A_844 : f32 to vector<16xf32>
      %mul3A_846 = arith.mulf %mul3A_845, %get3A_841 : vector<16xf32>
      %add3A_847 = arith.addf %get3A_839, %mul3A_846 : vector<16xf32>
      %add3A_848 = arith.addf %add3A_847, %get3A_843 : vector<16xf32>
      %swap3A_849 = arith.constant 560 : index
      %swap3A_850 = tpu.vector_load %arg7[%swap3A_849] {strides = array<i32>} : memref<704xf32, #tpu.memory_space<vmem>>, vector<16xf32>,
      tpu.vector_store %arg7[%swap3A_849], %add3A_848 {strides = array<i32>} : memref<704xf32, #tpu.memory_space<vmem>>, vector<16xf32>,
      %get3A_851 = arith.constant 552 : index
      %get3A_852 = tpu.vector_load %arg6[%get3A_851] {strides = array<i32>} : memref<704xf32, #tpu.memory_space<vmem>>, vector<16xf32>,
      %get3A_853 = arith.constant 576 : index
      %get3A_854 = tpu.vector_load %arg6[%get3A_853] {strides = array<i32>} : memref<704xf32, #tpu.memory_space<vmem>>, vector<16xf32>,
      %get3A_855 = arith.constant 600 : index
      %get3A_856 = tpu.vector_load %arg6[%get3A_855] {strides = array<i32>} : memref<704xf32, #tpu.memory_space<vmem>>, vector<16xf32>,
      %mul3A_857 = arith.constant 2.000000e+00 : f32
      %mul3A_858 = vector.broadcast %mul3A_857 : f32 to vector<16xf32>
      %mul3A_859 = arith.mulf %mul3A_858, %get3A_854 : vector<16xf32>
      %add3A_860 = arith.addf %get3A_852, %mul3A_859 : vector<16xf32>
      %add3A_861 = arith.addf %add3A_860, %get3A_856 : vector<16xf32>
      %swap3A_862 = arith.constant 576 : index
      %swap3A_863 = tpu.vector_load %arg7[%swap3A_862] {strides = array<i32>} : memref<704xf32, #tpu.memory_space<vmem>>, vector<16xf32>,
      tpu.vector_store %arg7[%swap3A_862], %add3A_861 {strides = array<i32>} : memref<704xf32, #tpu.memory_space<vmem>>, vector<16xf32>,
      %get3A_864 = arith.constant 568 : index
      %get3A_865 = tpu.vector_load %arg6[%get3A_864] {strides = array<i32>} : memref<704xf32, #tpu.memory_space<vmem>>, vector<16xf32>,
      %get3A_866 = arith.constant 592 : index
      %get3A_867 = tpu.vector_load %arg6[%get3A_866] {strides = array<i32>} : memref<704xf32, #tpu.memory_space<vmem>>, vector<16xf32>,
      %get3A_868 = arith.constant 616 : index
      %get3A_869 = tpu.vector_load %arg6[%get3A_868] {strides = array<i32>} : memref<704xf32, #tpu.memory_space<vmem>>, vector<16xf32>,
      %mul3A_870 = arith.constant 2.000000e+00 : f32
      %mul3A_871 = vector.broadcast %mul3A_870 : f32 to vector<16xf32>
      %mul3A_872 = arith.mulf %mul3A_871, %get3A_867 : vector<16xf32>
      %add3A_873 = arith.addf %get3A_865, %mul3A_872 : vector<16xf32>
      %add3A_874 = arith.addf %add3A_873, %get3A_869 : vector<16xf32>
      %swap3A_875 = arith.constant 592 : index
      %swap3A_876 = tpu.vector_load %arg7[%swap3A_875] {strides = array<i32>} : memref<704xf32, #tpu.memory_space<vmem>>, vector<16xf32>,
      tpu.vector_store %arg7[%swap3A_875], %add3A_874 {strides = array<i32>} : memref<704xf32, #tpu.memory_space<vmem>>, vector<16xf32>,
      %get3A_877 = arith.constant 584 : index
      %get3A_878 = tpu.vector_load %arg6[%get3A_877] {strides = array<i32>} : memref<704xf32, #tpu.memory_space<vmem>>, vector<16xf32>,
      %get3A_879 = arith.constant 608 : index
      %get3A_880 = tpu.vector_load %arg6[%get3A_879] {strides = array<i32>} : memref<704xf32, #tpu.memory_space<vmem>>, vector<16xf32>,
      %get3A_881 = arith.constant 632 : index
      %get3A_882 = tpu.vector_load %arg6[%get3A_881] {strides = array<i32>} : memref<704xf32, #tpu.memory_space<vmem>>, vector<16xf32>,
      %mul3A_883 = arith.constant 2.000000e+00 : f32
      %mul3A_884 = vector.broadcast %mul3A_883 : f32 to vector<16xf32>
      %mul3A_885 = arith.mulf %mul3A_884, %get3A_880 : vector<16xf32>
      %add3A_886 = arith.addf %get3A_878, %mul3A_885 : vector<16xf32>
      %add3A_887 = arith.addf %add3A_886, %get3A_882 : vector<16xf32>
      %swap3A_888 = arith.constant 608 : index
      %swap3A_889 = tpu.vector_load %arg7[%swap3A_888] {strides = array<i32>} : memref<704xf32, #tpu.memory_space<vmem>>, vector<16xf32>,
      tpu.vector_store %arg7[%swap3A_888], %add3A_887 {strides = array<i32>} : memref<704xf32, #tpu.memory_space<vmem>>, vector<16xf32>,
      %get3A_890 = arith.constant 600 : index
      %get3A_891 = tpu.vector_load %arg6[%get3A_890] {strides = array<i32>} : memref<704xf32, #tpu.memory_space<vmem>>, vector<16xf32>,
      %get3A_892 = arith.constant 624 : index
      %get3A_893 = tpu.vector_load %arg6[%get3A_892] {strides = array<i32>} : memref<704xf32, #tpu.memory_space<vmem>>, vector<16xf32>,
      %get3A_894 = arith.constant 648 : index
      %get3A_895 = tpu.vector_load %arg6[%get3A_894] {strides = array<i32>} : memref<704xf32, #tpu.memory_space<vmem>>, vector<16xf32>,
      %mul3A_896 = arith.constant 2.000000e+00 : f32
      %mul3A_897 = vector.broadcast %mul3A_896 : f32 to vector<16xf32>
      %mul3A_898 = arith.mulf %mul3A_897, %get3A_893 : vector<16xf32>
      %add3A_899 = arith.addf %get3A_891, %mul3A_898 : vector<16xf32>
      %add3A_900 = arith.addf %add3A_899, %get3A_895 : vector<16xf32>
      %swap3A_901 = arith.constant 624 : index
      %swap3A_902 = tpu.vector_load %arg7[%swap3A_901] {strides = array<i32>} : memref<704xf32, #tpu.memory_space<vmem>>, vector<16xf32>,
      tpu.vector_store %arg7[%swap3A_901], %add3A_900 {strides = array<i32>} : memref<704xf32, #tpu.memory_space<vmem>>, vector<16xf32>,
      %get3A_903 = arith.constant 64 : index
      %get3A_904 = tpu.vector_load %arg7[%get3A_903] {strides = array<i32>} : memref<704xf32, #tpu.memory_space<vmem>>, vector<16xf32>,
      %broadcast_in_dim3A_905 = arith.constant 63 : i32
      %broadcast_in_dim3A_906 = vector.broadcast %broadcast_in_dim3A_905 : i32 to vector<16xi32>
      %add3A_907 = arith.addi %broadcast_in_dim3A_906, %iota3A : vector<16xi32>
      %gather3A = tpu.vector_load_idx %arg7[%add3A_907] : memref<704xf32, #tpu.memory_space<vmem>>[vector<16xi32>], vector<16xf32>,
      %broadcast_in_dim3A_908 = arith.constant 65 : i32
      %broadcast_in_dim3A_909 = vector.broadcast %broadcast_in_dim3A_908 : i32 to vector<16xi32>
      %add3A_910 = arith.addi %broadcast_in_dim3A_909, %iota3A : vector<16xi32>
      %gather3A_911 = tpu.vector_load_idx %arg7[%add3A_910] : memref<704xf32, #tpu.memory_space<vmem>>[vector<16xi32>], vector<16xf32>,
      %add3A_912 = arith.constant 0 : i32
      %add3A_913 = vector.broadcast %add3A_912 : i32 to vector<16xi32>
      %add3A_914 = arith.addi %iota3A, %add3A_913 : vector<16xi32>
      %jit3A_915 = arith.constant 24 : i32
      %eq3A_916 = arith.constant 0 : i32
      %eq3A_917 = arith.cmpi eq, %jit3A_915, %eq3A_916 : i32
      %jit3A_918 = arith.constant 1 : i32
      %select_n3A_919 = arith.select %eq3A_917, %jit3A_918, %jit3A_915 : i32
      %rem3A_920 = vector.broadcast %select_n3A_919 : i32 to vector<16xi32>
      %rem3A_921 = arith.remsi %add3A_914, %rem3A_920 : vector<16xi32>
      %ne3A_922 = arith.constant 0 : i32
      %ne3A_923 = vector.broadcast %ne3A_922 : i32 to vector<16xi32>
      %ne3A_924 = arith.cmpi ne, %rem3A_921, %ne3A_923 : vector<16xi32>
      %lt3A_925 = arith.constant 0 : i32
      %lt3A_926 = vector.broadcast %lt3A_925 : i32 to vector<16xi32>
      %lt3A_927 = arith.cmpi slt, %rem3A_921, %lt3A_926 : vector<16xi32>
      %lt3A_928 = arith.constant 0 : i32
      %lt3A_929 = arith.cmpi slt, %select_n3A_919, %lt3A_928 : i32
      %ne3A_930 = vector.broadcast %lt3A_929 : i1 to vector<16xi1>
      %ne3A_931 = vector.broadcast %ne3A_930 : vector<16xi1> to vector<16xi1>
      %ne3A_932 = arith.xori %lt3A_927, %ne3A_931 : vector<16xi1>
      %and3A_933 = arith.andi %ne3A_932, %ne3A_924 : vector<16xi1>
      %add3A_934 = vector.broadcast %select_n3A_919 : i32 to vector<16xi32>
      %add3A_935 = arith.addi %rem3A_921, %add3A_934 : vector<16xi32>
      %select_n3A_936 = arith.select %and3A_933, %add3A_935, %rem3A_921 : vector<16xi1>, vector<16xi32>
      %eq3A_937 = arith.constant 0 : i32
      %eq3A_938 = vector.broadcast %eq3A_937 : i32 to vector<16xi32>
      %eq3A_939 = arith.cmpi eq, %select_n3A_936, %eq3A_938 : vector<16xi32>
      %jit3A_940 = arith.constant 0.000000e+00 : f32
      %broadcast_in_dim3A_941 = vector.broadcast %jit3A_940 : f32 to vector<16xf32>
      %select_n3A_942 = arith.select %eq3A_939, %broadcast_in_dim3A_941, %gather3A : vector<16xi1>, vector<16xf32>
      %eq3A_943 = arith.constant 23 : i32
      %eq3A_944 = vector.broadcast %eq3A_943 : i32 to vector<16xi32>
      %eq3A_945 = arith.cmpi eq, %select_n3A_936, %eq3A_944 : vector<16xi32>
      %jit3A_946 = arith.constant 0.000000e+00 : f32
      %broadcast_in_dim3A_947 = vector.broadcast %jit3A_946 : f32 to vector<16xf32>
      %select_n3A_948 = arith.select %eq3A_945, %broadcast_in_dim3A_947, %gather3A_911 : vector<16xi1>, vector<16xf32>
      %mul3A_949 = arith.constant 2.000000e+00 : f32
      %mul3A_950 = vector.broadcast %mul3A_949 : f32 to vector<16xf32>
      %mul3A_951 = arith.mulf %mul3A_950, %get3A_904 : vector<16xf32>
      %add3A_952 = arith.addf %select_n3A_942, %mul3A_951 : vector<16xf32>
      %add3A_953 = arith.addf %add3A_952, %select_n3A_948 : vector<16xf32>
      %swap3A_954 = arith.constant 0 : index
      %swap3A_955 = tpu.vector_load %arg8[%swap3A_954] {strides = array<i32>} : memref<576xf32, #tpu.memory_space<vmem>>, vector<16xf32>,
      tpu.vector_store %arg8[%swap3A_954], %add3A_953 {strides = array<i32>} : memref<576xf32, #tpu.memory_space<vmem>>, vector<16xf32>,
      %mul3A_956 = arith.constant 1.024000e+03 : f32
      %mul3A_957 = vector.broadcast %mul3A_956 : f32 to vector<16xf32>
      %mul3A_958 = arith.mulf %add3A_953, %mul3A_957 : vector<16xf32>
      %sub3A_959 = arith.constant 5.750000e+02 : f32
      %sub3A_960 = vector.broadcast %sub3A_959 : f32 to vector<16xf32>
      %sub3A_961 = arith.subf %sub3A_960, %convert_element_type3A : vector<16xf32>
      %add3A_962 = arith.addf %mul3A_958, %sub3A_961 : vector<16xf32>
      %swap3A_963 = arith.constant 0 : index
      %swap3A_964 = tpu.vector_load %arg9[%swap3A_963] {strides = array<i32>} : memref<576xf32, #tpu.memory_space<vmem>>, vector<16xf32>,
      tpu.vector_store %arg9[%swap3A_963], %add3A_962 {strides = array<i32>} : memref<576xf32, #tpu.memory_space<vmem>>, vector<16xf32>,
      %reduce_max3A = arith.constant true
      %reduce_max3A_965 = vector.broadcast %reduce_max3A : i1 to vector<16xi1>
      %reduce_max3A_966 = tpu.scan <max>, %add3A_962 masked %reduce_max3A_965 : vector<16xf32>, vector<16xi1> -> vector<16xf32>
      %reduce_max3A_967 = vector.extract %reduce_max3A_966[15] : f32 from vector<16xf32>
      %eq3A_968 = arith.constant 0 : i32
      %eq3A_969 = vector.broadcast %eq3A_968 : i32 to vector<16xi32>
      %eq3A_970 = arith.cmpi eq, %iota3A, %eq3A_969 : vector<16xi32>
      %broadcast_in_dim3A_971 = vector.broadcast %reduce_max3A_967 : f32 to vector<16xf32>
      %select_n3A_972 = arith.select %eq3A_970, %broadcast_in_dim3A_971, %broadcast_in_dim3A_37 : vector<16xi1>, vector<16xf32>
      %get3A_973 = arith.constant 80 : index
      %get3A_974 = tpu.vector_load %arg7[%get3A_973] {strides = array<i32>} : memref<704xf32, #tpu.memory_space<vmem>>, vector<16xf32>,
      %broadcast_in_dim3A_975 = arith.constant 79 : i32
      %broadcast_in_dim3A_976 = vector.broadcast %broadcast_in_dim3A_975 : i32 to vector<16xi32>
      %add3A_977 = arith.addi %broadcast_in_dim3A_976, %iota3A : vector<16xi32>
      %gather3A_978 = tpu.vector_load_idx %arg7[%add3A_977] : memref<704xf32, #tpu.memory_space<vmem>>[vector<16xi32>], vector<16xf32>,
      %broadcast_in_dim3A_979 = arith.constant 81 : i32
      %broadcast_in_dim3A_980 = vector.broadcast %broadcast_in_dim3A_979 : i32 to vector<16xi32>
      %add3A_981 = arith.addi %broadcast_in_dim3A_980, %iota3A : vector<16xi32>
      %gather3A_982 = tpu.vector_load_idx %arg7[%add3A_981] : memref<704xf32, #tpu.memory_space<vmem>>[vector<16xi32>], vector<16xf32>,
      %add3A_983 = arith.constant 16 : i32
      %add3A_984 = vector.broadcast %add3A_983 : i32 to vector<16xi32>
      %add3A_985 = arith.addi %iota3A, %add3A_984 : vector<16xi32>
      %jit3A_986 = arith.constant 24 : i32
      %eq3A_987 = arith.constant 0 : i32
      %eq3A_988 = arith.cmpi eq, %jit3A_986, %eq3A_987 : i32
      %jit3A_989 = arith.constant 1 : i32
      %select_n3A_990 = arith.select %eq3A_988, %jit3A_989, %jit3A_986 : i32
      %rem3A_991 = vector.broadcast %select_n3A_990 : i32 to vector<16xi32>
      %rem3A_992 = arith.remsi %add3A_985, %rem3A_991 : vector<16xi32>
      %ne3A_993 = arith.constant 0 : i32
      %ne3A_994 = vector.broadcast %ne3A_993 : i32 to vector<16xi32>
      %ne3A_995 = arith.cmpi ne, %rem3A_992, %ne3A_994 : vector<16xi32>
      %lt3A_996 = arith.constant 0 : i32
      %lt3A_997 = vector.broadcast %lt3A_996 : i32 to vector<16xi32>
      %lt3A_998 = arith.cmpi slt, %rem3A_992, %lt3A_997 : vector<16xi32>
      %lt3A_999 = arith.constant 0 : i32
      %lt3A_1000 = arith.cmpi slt, %select_n3A_990, %lt3A_999 : i32
      %ne3A_1001 = vector.broadcast %lt3A_1000 : i1 to vector<16xi1>
      %ne3A_1002 = vector.broadcast %ne3A_1001 : vector<16xi1> to vector<16xi1>
      %ne3A_1003 = arith.xori %lt3A_998, %ne3A_1002 : vector<16xi1>
      %and3A_1004 = arith.andi %ne3A_1003, %ne3A_995 : vector<16xi1>
      %add3A_1005 = vector.broadcast %select_n3A_990 : i32 to vector<16xi32>
      %add3A_1006 = arith.addi %rem3A_992, %add3A_1005 : vector<16xi32>
      %select_n3A_1007 = arith.select %and3A_1004, %add3A_1006, %rem3A_992 : vector<16xi1>, vector<16xi32>
      %eq3A_1008 = arith.constant 0 : i32
      %eq3A_1009 = vector.broadcast %eq3A_1008 : i32 to vector<16xi32>
      %eq3A_1010 = arith.cmpi eq, %select_n3A_1007, %eq3A_1009 : vector<16xi32>
      %jit3A_1011 = arith.constant 0.000000e+00 : f32
      %broadcast_in_dim3A_1012 = vector.broadcast %jit3A_1011 : f32 to vector<16xf32>
      %select_n3A_1013 = arith.select %eq3A_1010, %broadcast_in_dim3A_1012, %gather3A_978 : vector<16xi1>, vector<16xf32>
      %eq3A_1014 = arith.constant 23 : i32
      %eq3A_1015 = vector.broadcast %eq3A_1014 : i32 to vector<16xi32>
      %eq3A_1016 = arith.cmpi eq, %select_n3A_1007, %eq3A_1015 : vector<16xi32>
      %jit3A_1017 = arith.constant 0.000000e+00 : f32
      %broadcast_in_dim3A_1018 = vector.broadcast %jit3A_1017 : f32 to vector<16xf32>
      %select_n3A_1019 = arith.select %eq3A_1016, %broadcast_in_dim3A_1018, %gather3A_982 : vector<16xi1>, vector<16xf32>
      %mul3A_1020 = arith.constant 2.000000e+00 : f32
      %mul3A_1021 = vector.broadcast %mul3A_1020 : f32 to vector<16xf32>
      %mul3A_1022 = arith.mulf %mul3A_1021, %get3A_974 : vector<16xf32>
      %add3A_1023 = arith.addf %select_n3A_1013, %mul3A_1022 : vector<16xf32>
      %add3A_1024 = arith.addf %add3A_1023, %select_n3A_1019 : vector<16xf32>
      %swap3A_1025 = arith.constant 16 : index
      %swap3A_1026 = tpu.vector_load %arg8[%swap3A_1025] {strides = array<i32>} : memref<576xf32, #tpu.memory_space<vmem>>, vector<16xf32>,
      tpu.vector_store %arg8[%swap3A_1025], %add3A_1024 {strides = array<i32>} : memref<576xf32, #tpu.memory_space<vmem>>, vector<16xf32>,
      %mul3A_1027 = arith.constant 1.024000e+03 : f32
      %mul3A_1028 = vector.broadcast %mul3A_1027 : f32 to vector<16xf32>
      %mul3A_1029 = arith.mulf %add3A_1024, %mul3A_1028 : vector<16xf32>
      %sub3A_1030 = arith.constant 5.590000e+02 : f32
      %sub3A_1031 = vector.broadcast %sub3A_1030 : f32 to vector<16xf32>
      %sub3A_1032 = arith.subf %sub3A_1031, %convert_element_type3A : vector<16xf32>
      %add3A_1033 = arith.addf %mul3A_1029, %sub3A_1032 : vector<16xf32>
      %swap3A_1034 = arith.constant 16 : index
      %swap3A_1035 = tpu.vector_load %arg9[%swap3A_1034] {strides = array<i32>} : memref<576xf32, #tpu.memory_space<vmem>>, vector<16xf32>,
      tpu.vector_store %arg9[%swap3A_1034], %add3A_1033 {strides = array<i32>} : memref<576xf32, #tpu.memory_space<vmem>>, vector<16xf32>,
      %reduce_max3A_1036 = arith.constant true
      %reduce_max3A_1037 = vector.broadcast %reduce_max3A_1036 : i1 to vector<16xi1>
      %reduce_max3A_1038 = tpu.scan <max>, %add3A_1033 masked %reduce_max3A_1037 : vector<16xf32>, vector<16xi1> -> vector<16xf32>
      %reduce_max3A_1039 = vector.extract %reduce_max3A_1038[15] : f32 from vector<16xf32>
      %eq3A_1040 = arith.constant 1 : i32
      %eq3A_1041 = vector.broadcast %eq3A_1040 : i32 to vector<16xi32>
      %eq3A_1042 = arith.cmpi eq, %iota3A, %eq3A_1041 : vector<16xi32>
      %broadcast_in_dim3A_1043 = vector.broadcast %reduce_max3A_1039 : f32 to vector<16xf32>
      %select_n3A_1044 = arith.select %eq3A_1042, %broadcast_in_dim3A_1043, %select_n3A_972 : vector<16xi1>, vector<16xf32>
      %get3A_1045 = arith.constant 96 : index
      %get3A_1046 = tpu.vector_load %arg7[%get3A_1045] {strides = array<i32>} : memref<704xf32, #tpu.memory_space<vmem>>, vector<16xf32>,
      %broadcast_in_dim3A_1047 = arith.constant 95 : i32
      %broadcast_in_dim3A_1048 = vector.broadcast %broadcast_in_dim3A_1047 : i32 to vector<16xi32>
      %add3A_1049 = arith.addi %broadcast_in_dim3A_1048, %iota3A : vector<16xi32>
      %gather3A_1050 = tpu.vector_load_idx %arg7[%add3A_1049] : memref<704xf32, #tpu.memory_space<vmem>>[vector<16xi32>], vector<16xf32>,
      %broadcast_in_dim3A_1051 = arith.constant 97 : i32
      %broadcast_in_dim3A_1052 = vector.broadcast %broadcast_in_dim3A_1051 : i32 to vector<16xi32>
      %add3A_1053 = arith.addi %broadcast_in_dim3A_1052, %iota3A : vector<16xi32>
      %gather3A_1054 = tpu.vector_load_idx %arg7[%add3A_1053] : memref<704xf32, #tpu.memory_space<vmem>>[vector<16xi32>], vector<16xf32>,
      %add3A_1055 = arith.constant 32 : i32
      %add3A_1056 = vector.broadcast %add3A_1055 : i32 to vector<16xi32>
      %add3A_1057 = arith.addi %iota3A, %add3A_1056 : vector<16xi32>
      %jit3A_1058 = arith.constant 24 : i32
      %eq3A_1059 = arith.constant 0 : i32
      %eq3A_1060 = arith.cmpi eq, %jit3A_1058, %eq3A_1059 : i32
      %jit3A_1061 = arith.constant 1 : i32
      %select_n3A_1062 = arith.select %eq3A_1060, %jit3A_1061, %jit3A_1058 : i32
      %rem3A_1063 = vector.broadcast %select_n3A_1062 : i32 to vector<16xi32>
      %rem3A_1064 = arith.remsi %add3A_1057, %rem3A_1063 : vector<16xi32>
      %ne3A_1065 = arith.constant 0 : i32
      %ne3A_1066 = vector.broadcast %ne3A_1065 : i32 to vector<16xi32>
      %ne3A_1067 = arith.cmpi ne, %rem3A_1064, %ne3A_1066 : vector<16xi32>
      %lt3A_1068 = arith.constant 0 : i32
      %lt3A_1069 = vector.broadcast %lt3A_1068 : i32 to vector<16xi32>
      %lt3A_1070 = arith.cmpi slt, %rem3A_1064, %lt3A_1069 : vector<16xi32>
      %lt3A_1071 = arith.constant 0 : i32
      %lt3A_1072 = arith.cmpi slt, %select_n3A_1062, %lt3A_1071 : i32
      %ne3A_1073 = vector.broadcast %lt3A_1072 : i1 to vector<16xi1>
      %ne3A_1074 = vector.broadcast %ne3A_1073 : vector<16xi1> to vector<16xi1>
      %ne3A_1075 = arith.xori %lt3A_1070, %ne3A_1074 : vector<16xi1>
      %and3A_1076 = arith.andi %ne3A_1075, %ne3A_1067 : vector<16xi1>
      %add3A_1077 = vector.broadcast %select_n3A_1062 : i32 to vector<16xi32>
      %add3A_1078 = arith.addi %rem3A_1064, %add3A_1077 : vector<16xi32>
      %select_n3A_1079 = arith.select %and3A_1076, %add3A_1078, %rem3A_1064 : vector<16xi1>, vector<16xi32>
      %eq3A_1080 = arith.constant 0 : i32
      %eq3A_1081 = vector.broadcast %eq3A_1080 : i32 to vector<16xi32>
      %eq3A_1082 = arith.cmpi eq, %select_n3A_1079, %eq3A_1081 : vector<16xi32>
      %jit3A_1083 = arith.constant 0.000000e+00 : f32
      %broadcast_in_dim3A_1084 = vector.broadcast %jit3A_1083 : f32 to vector<16xf32>
      %select_n3A_1085 = arith.select %eq3A_1082, %broadcast_in_dim3A_1084, %gather3A_1050 : vector<16xi1>, vector<16xf32>
      %eq3A_1086 = arith.constant 23 : i32
      %eq3A_1087 = vector.broadcast %eq3A_1086 : i32 to vector<16xi32>
      %eq3A_1088 = arith.cmpi eq, %select_n3A_1079, %eq3A_1087 : vector<16xi32>
      %jit3A_1089 = arith.constant 0.000000e+00 : f32
      %broadcast_in_dim3A_1090 = vector.broadcast %jit3A_1089 : f32 to vector<16xf32>
      %select_n3A_1091 = arith.select %eq3A_1088, %broadcast_in_dim3A_1090, %gather3A_1054 : vector<16xi1>, vector<16xf32>
      %mul3A_1092 = arith.constant 2.000000e+00 : f32
      %mul3A_1093 = vector.broadcast %mul3A_1092 : f32 to vector<16xf32>
      %mul3A_1094 = arith.mulf %mul3A_1093, %get3A_1046 : vector<16xf32>
      %add3A_1095 = arith.addf %select_n3A_1085, %mul3A_1094 : vector<16xf32>
      %add3A_1096 = arith.addf %add3A_1095, %select_n3A_1091 : vector<16xf32>
      %swap3A_1097 = arith.constant 32 : index
      %swap3A_1098 = tpu.vector_load %arg8[%swap3A_1097] {strides = array<i32>} : memref<576xf32, #tpu.memory_space<vmem>>, vector<16xf32>,
      tpu.vector_store %arg8[%swap3A_1097], %add3A_1096 {strides = array<i32>} : memref<576xf32, #tpu.memory_space<vmem>>, vector<16xf32>,
      %mul3A_1099 = arith.constant 1.024000e+03 : f32
      %mul3A_1100 = vector.broadcast %mul3A_1099 : f32 to vector<16xf32>
      %mul3A_1101 = arith.mulf %add3A_1096, %mul3A_1100 : vector<16xf32>
      %sub3A_1102 = arith.constant 5.430000e+02 : f32
      %sub3A_1103 = vector.broadcast %sub3A_1102 : f32 to vector<16xf32>
      %sub3A_1104 = arith.subf %sub3A_1103, %convert_element_type3A : vector<16xf32>
      %add3A_1105 = arith.addf %mul3A_1101, %sub3A_1104 : vector<16xf32>
      %swap3A_1106 = arith.constant 32 : index
      %swap3A_1107 = tpu.vector_load %arg9[%swap3A_1106] {strides = array<i32>} : memref<576xf32, #tpu.memory_space<vmem>>, vector<16xf32>,
      tpu.vector_store %arg9[%swap3A_1106], %add3A_1105 {strides = array<i32>} : memref<576xf32, #tpu.memory_space<vmem>>, vector<16xf32>,
      %reduce_max3A_1108 = arith.constant true
      %reduce_max3A_1109 = vector.broadcast %reduce_max3A_1108 : i1 to vector<16xi1>
      %reduce_max3A_1110 = tpu.scan <max>, %add3A_1105 masked %reduce_max3A_1109 : vector<16xf32>, vector<16xi1> -> vector<16xf32>
      %reduce_max3A_1111 = vector.extract %reduce_max3A_1110[15] : f32 from vector<16xf32>
      %eq3A_1112 = arith.constant 2 : i32
      %eq3A_1113 = vector.broadcast %eq3A_1112 : i32 to vector<16xi32>
      %eq3A_1114 = arith.cmpi eq, %iota3A, %eq3A_1113 : vector<16xi32>
      %broadcast_in_dim3A_1115 = vector.broadcast %reduce_max3A_1111 : f32 to vector<16xf32>
      %select_n3A_1116 = arith.select %eq3A_1114, %broadcast_in_dim3A_1115, %select_n3A_1044 : vector<16xi1>, vector<16xf32>
      %get3A_1117 = arith.constant 112 : index
      %get3A_1118 = tpu.vector_load %arg7[%get3A_1117] {strides = array<i32>} : memref<704xf32, #tpu.memory_space<vmem>>, vector<16xf32>,
      %broadcast_in_dim3A_1119 = arith.constant 111 : i32
      %broadcast_in_dim3A_1120 = vector.broadcast %broadcast_in_dim3A_1119 : i32 to vector<16xi32>
      %add3A_1121 = arith.addi %broadcast_in_dim3A_1120, %iota3A : vector<16xi32>
      %gather3A_1122 = tpu.vector_load_idx %arg7[%add3A_1121] : memref<704xf32, #tpu.memory_space<vmem>>[vector<16xi32>], vector<16xf32>,
      %broadcast_in_dim3A_1123 = arith.constant 113 : i32
      %broadcast_in_dim3A_1124 = vector.broadcast %broadcast_in_dim3A_1123 : i32 to vector<16xi32>
      %add3A_1125 = arith.addi %broadcast_in_dim3A_1124, %iota3A : vector<16xi32>
      %gather3A_1126 = tpu.vector_load_idx %arg7[%add3A_1125] : memref<704xf32, #tpu.memory_space<vmem>>[vector<16xi32>], vector<16xf32>,
      %add3A_1127 = arith.constant 48 : i32
      %add3A_1128 = vector.broadcast %add3A_1127 : i32 to vector<16xi32>
      %add3A_1129 = arith.addi %iota3A, %add3A_1128 : vector<16xi32>
      %jit3A_1130 = arith.constant 24 : i32
      %eq3A_1131 = arith.constant 0 : i32
      %eq3A_1132 = arith.cmpi eq, %jit3A_1130, %eq3A_1131 : i32
      %jit3A_1133 = arith.constant 1 : i32
      %select_n3A_1134 = arith.select %eq3A_1132, %jit3A_1133, %jit3A_1130 : i32
      %rem3A_1135 = vector.broadcast %select_n3A_1134 : i32 to vector<16xi32>
      %rem3A_1136 = arith.remsi %add3A_1129, %rem3A_1135 : vector<16xi32>
      %ne3A_1137 = arith.constant 0 : i32
      %ne3A_1138 = vector.broadcast %ne3A_1137 : i32 to vector<16xi32>
      %ne3A_1139 = arith.cmpi ne, %rem3A_1136, %ne3A_1138 : vector<16xi32>
      %lt3A_1140 = arith.constant 0 : i32
      %lt3A_1141 = vector.broadcast %lt3A_1140 : i32 to vector<16xi32>
      %lt3A_1142 = arith.cmpi slt, %rem3A_1136, %lt3A_1141 : vector<16xi32>
      %lt3A_1143 = arith.constant 0 : i32
      %lt3A_1144 = arith.cmpi slt, %select_n3A_1134, %lt3A_1143 : i32
      %ne3A_1145 = vector.broadcast %lt3A_1144 : i1 to vector<16xi1>
      %ne3A_1146 = vector.broadcast %ne3A_1145 : vector<16xi1> to vector<16xi1>
      %ne3A_1147 = arith.xori %lt3A_1142, %ne3A_1146 : vector<16xi1>
      %and3A_1148 = arith.andi %ne3A_1147, %ne3A_1139 : vector<16xi1>
      %add3A_1149 = vector.broadcast %select_n3A_1134 : i32 to vector<16xi32>
      %add3A_1150 = arith.addi %rem3A_1136, %add3A_1149 : vector<16xi32>
      %select_n3A_1151 = arith.select %and3A_1148, %add3A_1150, %rem3A_1136 : vector<16xi1>, vector<16xi32>
      %eq3A_1152 = arith.constant 0 : i32
      %eq3A_1153 = vector.broadcast %eq3A_1152 : i32 to vector<16xi32>
      %eq3A_1154 = arith.cmpi eq, %select_n3A_1151, %eq3A_1153 : vector<16xi32>
      %jit3A_1155 = arith.constant 0.000000e+00 : f32
      %broadcast_in_dim3A_1156 = vector.broadcast %jit3A_1155 : f32 to vector<16xf32>
      %select_n3A_1157 = arith.select %eq3A_1154, %broadcast_in_dim3A_1156, %gather3A_1122 : vector<16xi1>, vector<16xf32>
      %eq3A_1158 = arith.constant 23 : i32
      %eq3A_1159 = vector.broadcast %eq3A_1158 : i32 to vector<16xi32>
      %eq3A_1160 = arith.cmpi eq, %select_n3A_1151, %eq3A_1159 : vector<16xi32>
      %jit3A_1161 = arith.constant 0.000000e+00 : f32
      %broadcast_in_dim3A_1162 = vector.broadcast %jit3A_1161 : f32 to vector<16xf32>
      %select_n3A_1163 = arith.select %eq3A_1160, %broadcast_in_dim3A_1162, %gather3A_1126 : vector<16xi1>, vector<16xf32>
      %mul3A_1164 = arith.constant 2.000000e+00 : f32
      %mul3A_1165 = vector.broadcast %mul3A_1164 : f32 to vector<16xf32>
      %mul3A_1166 = arith.mulf %mul3A_1165, %get3A_1118 : vector<16xf32>
      %add3A_1167 = arith.addf %select_n3A_1157, %mul3A_1166 : vector<16xf32>
      %add3A_1168 = arith.addf %add3A_1167, %select_n3A_1163 : vector<16xf32>
      %swap3A_1169 = arith.constant 48 : index
      %swap3A_1170 = tpu.vector_load %arg8[%swap3A_1169] {strides = array<i32>} : memref<576xf32, #tpu.memory_space<vmem>>, vector<16xf32>,
      tpu.vector_store %arg8[%swap3A_1169], %add3A_1168 {strides = array<i32>} : memref<576xf32, #tpu.memory_space<vmem>>, vector<16xf32>,
      %mul3A_1171 = arith.constant 1.024000e+03 : f32
      %mul3A_1172 = vector.broadcast %mul3A_1171 : f32 to vector<16xf32>
      %mul3A_1173 = arith.mulf %add3A_1168, %mul3A_1172 : vector<16xf32>
      %sub3A_1174 = arith.constant 5.270000e+02 : f32
      %sub3A_1175 = vector.broadcast %sub3A_1174 : f32 to vector<16xf32>
      %sub3A_1176 = arith.subf %sub3A_1175, %convert_element_type3A : vector<16xf32>
      %add3A_1177 = arith.addf %mul3A_1173, %sub3A_1176 : vector<16xf32>
      %swap3A_1178 = arith.constant 48 : index
      %swap3A_1179 = tpu.vector_load %arg9[%swap3A_1178] {strides = array<i32>} : memref<576xf32, #tpu.memory_space<vmem>>, vector<16xf32>,
      tpu.vector_store %arg9[%swap3A_1178], %add3A_1177 {strides = array<i32>} : memref<576xf32, #tpu.memory_space<vmem>>, vector<16xf32>,
      %reduce_max3A_1180 = arith.constant true
      %reduce_max3A_1181 = vector.broadcast %reduce_max3A_1180 : i1 to vector<16xi1>
      %reduce_max3A_1182 = tpu.scan <max>, %add3A_1177 masked %reduce_max3A_1181 : vector<16xf32>, vector<16xi1> -> vector<16xf32>
      %reduce_max3A_1183 = vector.extract %reduce_max3A_1182[15] : f32 from vector<16xf32>
      %eq3A_1184 = arith.constant 3 : i32
      %eq3A_1185 = vector.broadcast %eq3A_1184 : i32 to vector<16xi32>
      %eq3A_1186 = arith.cmpi eq, %iota3A, %eq3A_1185 : vector<16xi32>
      %broadcast_in_dim3A_1187 = vector.broadcast %reduce_max3A_1183 : f32 to vector<16xf32>
      %select_n3A_1188 = arith.select %eq3A_1186, %broadcast_in_dim3A_1187, %select_n3A_1116 : vector<16xi1>, vector<16xf32>
      %get3A_1189 = arith.constant 128 : index
      %get3A_1190 = tpu.vector_load %arg7[%get3A_1189] {strides = array<i32>} : memref<704xf32, #tpu.memory_space<vmem>>, vector<16xf32>,
      %broadcast_in_dim3A_1191 = arith.constant 127 : i32
      %broadcast_in_dim3A_1192 = vector.broadcast %broadcast_in_dim3A_1191 : i32 to vector<16xi32>
      %add3A_1193 = arith.addi %broadcast_in_dim3A_1192, %iota3A : vector<16xi32>
      %gather3A_1194 = tpu.vector_load_idx %arg7[%add3A_1193] : memref<704xf32, #tpu.memory_space<vmem>>[vector<16xi32>], vector<16xf32>,
      %broadcast_in_dim3A_1195 = arith.constant 129 : i32
      %broadcast_in_dim3A_1196 = vector.broadcast %broadcast_in_dim3A_1195 : i32 to vector<16xi32>
      %add3A_1197 = arith.addi %broadcast_in_dim3A_1196, %iota3A : vector<16xi32>
      %gather3A_1198 = tpu.vector_load_idx %arg7[%add3A_1197] : memref<704xf32, #tpu.memory_space<vmem>>[vector<16xi32>], vector<16xf32>,
      %add3A_1199 = arith.constant 64 : i32
      %add3A_1200 = vector.broadcast %add3A_1199 : i32 to vector<16xi32>
      %add3A_1201 = arith.addi %iota3A, %add3A_1200 : vector<16xi32>
      %jit3A_1202 = arith.constant 24 : i32
      %eq3A_1203 = arith.constant 0 : i32
      %eq3A_1204 = arith.cmpi eq, %jit3A_1202, %eq3A_1203 : i32
      %jit3A_1205 = arith.constant 1 : i32
      %select_n3A_1206 = arith.select %eq3A_1204, %jit3A_1205, %jit3A_1202 : i32
      %rem3A_1207 = vector.broadcast %select_n3A_1206 : i32 to vector<16xi32>
      %rem3A_1208 = arith.remsi %add3A_1201, %rem3A_1207 : vector<16xi32>
      %ne3A_1209 = arith.constant 0 : i32
      %ne3A_1210 = vector.broadcast %ne3A_1209 : i32 to vector<16xi32>
      %ne3A_1211 = arith.cmpi ne, %rem3A_1208, %ne3A_1210 : vector<16xi32>
      %lt3A_1212 = arith.constant 0 : i32
      %lt3A_1213 = vector.broadcast %lt3A_1212 : i32 to vector<16xi32>
      %lt3A_1214 = arith.cmpi slt, %rem3A_1208, %lt3A_1213 : vector<16xi32>
      %lt3A_1215 = arith.constant 0 : i32
      %lt3A_1216 = arith.cmpi slt, %select_n3A_1206, %lt3A_1215 : i32
      %ne3A_1217 = vector.broadcast %lt3A_1216 : i1 to vector<16xi1>
      %ne3A_1218 = vector.broadcast %ne3A_1217 : vector<16xi1> to vector<16xi1>
      %ne3A_1219 = arith.xori %lt3A_1214, %ne3A_1218 : vector<16xi1>
      %and3A_1220 = arith.andi %ne3A_1219, %ne3A_1211 : vector<16xi1>
      %add3A_1221 = vector.broadcast %select_n3A_1206 : i32 to vector<16xi32>
      %add3A_1222 = arith.addi %rem3A_1208, %add3A_1221 : vector<16xi32>
      %select_n3A_1223 = arith.select %and3A_1220, %add3A_1222, %rem3A_1208 : vector<16xi1>, vector<16xi32>
      %eq3A_1224 = arith.constant 0 : i32
      %eq3A_1225 = vector.broadcast %eq3A_1224 : i32 to vector<16xi32>
      %eq3A_1226 = arith.cmpi eq, %select_n3A_1223, %eq3A_1225 : vector<16xi32>
      %jit3A_1227 = arith.constant 0.000000e+00 : f32
      %broadcast_in_dim3A_1228 = vector.broadcast %jit3A_1227 : f32 to vector<16xf32>
      %select_n3A_1229 = arith.select %eq3A_1226, %broadcast_in_dim3A_1228, %gather3A_1194 : vector<16xi1>, vector<16xf32>
      %eq3A_1230 = arith.constant 23 : i32
      %eq3A_1231 = vector.broadcast %eq3A_1230 : i32 to vector<16xi32>
      %eq3A_1232 = arith.cmpi eq, %select_n3A_1223, %eq3A_1231 : vector<16xi32>
      %jit3A_1233 = arith.constant 0.000000e+00 : f32
      %broadcast_in_dim3A_1234 = vector.broadcast %jit3A_1233 : f32 to vector<16xf32>
      %select_n3A_1235 = arith.select %eq3A_1232, %broadcast_in_dim3A_1234, %gather3A_1198 : vector<16xi1>, vector<16xf32>
      %mul3A_1236 = arith.constant 2.000000e+00 : f32
      %mul3A_1237 = vector.broadcast %mul3A_1236 : f32 to vector<16xf32>
      %mul3A_1238 = arith.mulf %mul3A_1237, %get3A_1190 : vector<16xf32>
      %add3A_1239 = arith.addf %select_n3A_1229, %mul3A_1238 : vector<16xf32>
      %add3A_1240 = arith.addf %add3A_1239, %select_n3A_1235 : vector<16xf32>
      %swap3A_1241 = arith.constant 64 : index
      %swap3A_1242 = tpu.vector_load %arg8[%swap3A_1241] {strides = array<i32>} : memref<576xf32, #tpu.memory_space<vmem>>, vector<16xf32>,
      tpu.vector_store %arg8[%swap3A_1241], %add3A_1240 {strides = array<i32>} : memref<576xf32, #tpu.memory_space<vmem>>, vector<16xf32>,
      %mul3A_1243 = arith.constant 1.024000e+03 : f32
      %mul3A_1244 = vector.broadcast %mul3A_1243 : f32 to vector<16xf32>
      %mul3A_1245 = arith.mulf %add3A_1240, %mul3A_1244 : vector<16xf32>
      %sub3A_1246 = arith.constant 5.110000e+02 : f32
      %sub3A_1247 = vector.broadcast %sub3A_1246 : f32 to vector<16xf32>
      %sub3A_1248 = arith.subf %sub3A_1247, %convert_element_type3A : vector<16xf32>
      %add3A_1249 = arith.addf %mul3A_1245, %sub3A_1248 : vector<16xf32>
      %swap3A_1250 = arith.constant 64 : index
      %swap3A_1251 = tpu.vector_load %arg9[%swap3A_1250] {strides = array<i32>} : memref<576xf32, #tpu.memory_space<vmem>>, vector<16xf32>,
      tpu.vector_store %arg9[%swap3A_1250], %add3A_1249 {strides = array<i32>} : memref<576xf32, #tpu.memory_space<vmem>>, vector<16xf32>,
      %reduce_max3A_1252 = arith.constant true
      %reduce_max3A_1253 = vector.broadcast %reduce_max3A_1252 : i1 to vector<16xi1>
      %reduce_max3A_1254 = tpu.scan <max>, %add3A_1249 masked %reduce_max3A_1253 : vector<16xf32>, vector<16xi1> -> vector<16xf32>
      %reduce_max3A_1255 = vector.extract %reduce_max3A_1254[15] : f32 from vector<16xf32>
      %eq3A_1256 = arith.constant 4 : i32
      %eq3A_1257 = vector.broadcast %eq3A_1256 : i32 to vector<16xi32>
      %eq3A_1258 = arith.cmpi eq, %iota3A, %eq3A_1257 : vector<16xi32>
      %broadcast_in_dim3A_1259 = vector.broadcast %reduce_max3A_1255 : f32 to vector<16xf32>
      %select_n3A_1260 = arith.select %eq3A_1258, %broadcast_in_dim3A_1259, %select_n3A_1188 : vector<16xi1>, vector<16xf32>
      %get3A_1261 = arith.constant 144 : index
      %get3A_1262 = tpu.vector_load %arg7[%get3A_1261] {strides = array<i32>} : memref<704xf32, #tpu.memory_space<vmem>>, vector<16xf32>,
      %broadcast_in_dim3A_1263 = arith.constant 143 : i32
      %broadcast_in_dim3A_1264 = vector.broadcast %broadcast_in_dim3A_1263 : i32 to vector<16xi32>
      %add3A_1265 = arith.addi %broadcast_in_dim3A_1264, %iota3A : vector<16xi32>
      %gather3A_1266 = tpu.vector_load_idx %arg7[%add3A_1265] : memref<704xf32, #tpu.memory_space<vmem>>[vector<16xi32>], vector<16xf32>,
      %broadcast_in_dim3A_1267 = arith.constant 145 : i32
      %broadcast_in_dim3A_1268 = vector.broadcast %broadcast_in_dim3A_1267 : i32 to vector<16xi32>
      %add3A_1269 = arith.addi %broadcast_in_dim3A_1268, %iota3A : vector<16xi32>
      %gather3A_1270 = tpu.vector_load_idx %arg7[%add3A_1269] : memref<704xf32, #tpu.memory_space<vmem>>[vector<16xi32>], vector<16xf32>,
      %add3A_1271 = arith.constant 80 : i32
      %add3A_1272 = vector.broadcast %add3A_1271 : i32 to vector<16xi32>
      %add3A_1273 = arith.addi %iota3A, %add3A_1272 : vector<16xi32>
      %jit3A_1274 = arith.constant 24 : i32
      %eq3A_1275 = arith.constant 0 : i32
      %eq3A_1276 = arith.cmpi eq, %jit3A_1274, %eq3A_1275 : i32
      %jit3A_1277 = arith.constant 1 : i32
      %select_n3A_1278 = arith.select %eq3A_1276, %jit3A_1277, %jit3A_1274 : i32
      %rem3A_1279 = vector.broadcast %select_n3A_1278 : i32 to vector<16xi32>
      %rem3A_1280 = arith.remsi %add3A_1273, %rem3A_1279 : vector<16xi32>
      %ne3A_1281 = arith.constant 0 : i32
      %ne3A_1282 = vector.broadcast %ne3A_1281 : i32 to vector<16xi32>
      %ne3A_1283 = arith.cmpi ne, %rem3A_1280, %ne3A_1282 : vector<16xi32>
      %lt3A_1284 = arith.constant 0 : i32
      %lt3A_1285 = vector.broadcast %lt3A_1284 : i32 to vector<16xi32>
      %lt3A_1286 = arith.cmpi slt, %rem3A_1280, %lt3A_1285 : vector<16xi32>
      %lt3A_1287 = arith.constant 0 : i32
      %lt3A_1288 = arith.cmpi slt, %select_n3A_1278, %lt3A_1287 : i32
      %ne3A_1289 = vector.broadcast %lt3A_1288 : i1 to vector<16xi1>
      %ne3A_1290 = vector.broadcast %ne3A_1289 : vector<16xi1> to vector<16xi1>
      %ne3A_1291 = arith.xori %lt3A_1286, %ne3A_1290 : vector<16xi1>
      %and3A_1292 = arith.andi %ne3A_1291, %ne3A_1283 : vector<16xi1>
      %add3A_1293 = vector.broadcast %select_n3A_1278 : i32 to vector<16xi32>
      %add3A_1294 = arith.addi %rem3A_1280, %add3A_1293 : vector<16xi32>
      %select_n3A_1295 = arith.select %and3A_1292, %add3A_1294, %rem3A_1280 : vector<16xi1>, vector<16xi32>
      %eq3A_1296 = arith.constant 0 : i32
      %eq3A_1297 = vector.broadcast %eq3A_1296 : i32 to vector<16xi32>
      %eq3A_1298 = arith.cmpi eq, %select_n3A_1295, %eq3A_1297 : vector<16xi32>
      %jit3A_1299 = arith.constant 0.000000e+00 : f32
      %broadcast_in_dim3A_1300 = vector.broadcast %jit3A_1299 : f32 to vector<16xf32>
      %select_n3A_1301 = arith.select %eq3A_1298, %broadcast_in_dim3A_1300, %gather3A_1266 : vector<16xi1>, vector<16xf32>
      %eq3A_1302 = arith.constant 23 : i32
      %eq3A_1303 = vector.broadcast %eq3A_1302 : i32 to vector<16xi32>
      %eq3A_1304 = arith.cmpi eq, %select_n3A_1295, %eq3A_1303 : vector<16xi32>
      %jit3A_1305 = arith.constant 0.000000e+00 : f32
      %broadcast_in_dim3A_1306 = vector.broadcast %jit3A_1305 : f32 to vector<16xf32>
      %select_n3A_1307 = arith.select %eq3A_1304, %broadcast_in_dim3A_1306, %gather3A_1270 : vector<16xi1>, vector<16xf32>
      %mul3A_1308 = arith.constant 2.000000e+00 : f32
      %mul3A_1309 = vector.broadcast %mul3A_1308 : f32 to vector<16xf32>
      %mul3A_1310 = arith.mulf %mul3A_1309, %get3A_1262 : vector<16xf32>
      %add3A_1311 = arith.addf %select_n3A_1301, %mul3A_1310 : vector<16xf32>
      %add3A_1312 = arith.addf %add3A_1311, %select_n3A_1307 : vector<16xf32>
      %swap3A_1313 = arith.constant 80 : index
      %swap3A_1314 = tpu.vector_load %arg8[%swap3A_1313] {strides = array<i32>} : memref<576xf32, #tpu.memory_space<vmem>>, vector<16xf32>,
      tpu.vector_store %arg8[%swap3A_1313], %add3A_1312 {strides = array<i32>} : memref<576xf32, #tpu.memory_space<vmem>>, vector<16xf32>,
      %mul3A_1315 = arith.constant 1.024000e+03 : f32
      %mul3A_1316 = vector.broadcast %mul3A_1315 : f32 to vector<16xf32>
      %mul3A_1317 = arith.mulf %add3A_1312, %mul3A_1316 : vector<16xf32>
      %sub3A_1318 = arith.constant 4.950000e+02 : f32
      %sub3A_1319 = vector.broadcast %sub3A_1318 : f32 to vector<16xf32>
      %sub3A_1320 = arith.subf %sub3A_1319, %convert_element_type3A : vector<16xf32>
      %add3A_1321 = arith.addf %mul3A_1317, %sub3A_1320 : vector<16xf32>
      %swap3A_1322 = arith.constant 80 : index
      %swap3A_1323 = tpu.vector_load %arg9[%swap3A_1322] {strides = array<i32>} : memref<576xf32, #tpu.memory_space<vmem>>, vector<16xf32>,
      tpu.vector_store %arg9[%swap3A_1322], %add3A_1321 {strides = array<i32>} : memref<576xf32, #tpu.memory_space<vmem>>, vector<16xf32>,
      %reduce_max3A_1324 = arith.constant true
      %reduce_max3A_1325 = vector.broadcast %reduce_max3A_1324 : i1 to vector<16xi1>
      %reduce_max3A_1326 = tpu.scan <max>, %add3A_1321 masked %reduce_max3A_1325 : vector<16xf32>, vector<16xi1> -> vector<16xf32>
      %reduce_max3A_1327 = vector.extract %reduce_max3A_1326[15] : f32 from vector<16xf32>
      %eq3A_1328 = arith.constant 5 : i32
      %eq3A_1329 = vector.broadcast %eq3A_1328 : i32 to vector<16xi32>
      %eq3A_1330 = arith.cmpi eq, %iota3A, %eq3A_1329 : vector<16xi32>
      %broadcast_in_dim3A_1331 = vector.broadcast %reduce_max3A_1327 : f32 to vector<16xf32>
      %select_n3A_1332 = arith.select %eq3A_1330, %broadcast_in_dim3A_1331, %select_n3A_1260 : vector<16xi1>, vector<16xf32>
      %get3A_1333 = arith.constant 160 : index
      %get3A_1334 = tpu.vector_load %arg7[%get3A_1333] {strides = array<i32>} : memref<704xf32, #tpu.memory_space<vmem>>, vector<16xf32>,
      %broadcast_in_dim3A_1335 = arith.constant 159 : i32
      %broadcast_in_dim3A_1336 = vector.broadcast %broadcast_in_dim3A_1335 : i32 to vector<16xi32>
      %add3A_1337 = arith.addi %broadcast_in_dim3A_1336, %iota3A : vector<16xi32>
      %gather3A_1338 = tpu.vector_load_idx %arg7[%add3A_1337] : memref<704xf32, #tpu.memory_space<vmem>>[vector<16xi32>], vector<16xf32>,
      %broadcast_in_dim3A_1339 = arith.constant 161 : i32
      %broadcast_in_dim3A_1340 = vector.broadcast %broadcast_in_dim3A_1339 : i32 to vector<16xi32>
      %add3A_1341 = arith.addi %broadcast_in_dim3A_1340, %iota3A : vector<16xi32>
      %gather3A_1342 = tpu.vector_load_idx %arg7[%add3A_1341] : memref<704xf32, #tpu.memory_space<vmem>>[vector<16xi32>], vector<16xf32>,
      %add3A_1343 = arith.constant 96 : i32
      %add3A_1344 = vector.broadcast %add3A_1343 : i32 to vector<16xi32>
      %add3A_1345 = arith.addi %iota3A, %add3A_1344 : vector<16xi32>
      %jit3A_1346 = arith.constant 24 : i32
      %eq3A_1347 = arith.constant 0 : i32
      %eq3A_1348 = arith.cmpi eq, %jit3A_1346, %eq3A_1347 : i32
      %jit3A_1349 = arith.constant 1 : i32
      %select_n3A_1350 = arith.select %eq3A_1348, %jit3A_1349, %jit3A_1346 : i32
      %rem3A_1351 = vector.broadcast %select_n3A_1350 : i32 to vector<16xi32>
      %rem3A_1352 = arith.remsi %add3A_1345, %rem3A_1351 : vector<16xi32>
      %ne3A_1353 = arith.constant 0 : i32
      %ne3A_1354 = vector.broadcast %ne3A_1353 : i32 to vector<16xi32>
      %ne3A_1355 = arith.cmpi ne, %rem3A_1352, %ne3A_1354 : vector<16xi32>
      %lt3A_1356 = arith.constant 0 : i32
      %lt3A_1357 = vector.broadcast %lt3A_1356 : i32 to vector<16xi32>
      %lt3A_1358 = arith.cmpi slt, %rem3A_1352, %lt3A_1357 : vector<16xi32>
      %lt3A_1359 = arith.constant 0 : i32
      %lt3A_1360 = arith.cmpi slt, %select_n3A_1350, %lt3A_1359 : i32
      %ne3A_1361 = vector.broadcast %lt3A_1360 : i1 to vector<16xi1>
      %ne3A_1362 = vector.broadcast %ne3A_1361 : vector<16xi1> to vector<16xi1>
      %ne3A_1363 = arith.xori %lt3A_1358, %ne3A_1362 : vector<16xi1>
      %and3A_1364 = arith.andi %ne3A_1363, %ne3A_1355 : vector<16xi1>
      %add3A_1365 = vector.broadcast %select_n3A_1350 : i32 to vector<16xi32>
      %add3A_1366 = arith.addi %rem3A_1352, %add3A_1365 : vector<16xi32>
      %select_n3A_1367 = arith.select %and3A_1364, %add3A_1366, %rem3A_1352 : vector<16xi1>, vector<16xi32>
      %eq3A_1368 = arith.constant 0 : i32
      %eq3A_1369 = vector.broadcast %eq3A_1368 : i32 to vector<16xi32>
      %eq3A_1370 = arith.cmpi eq, %select_n3A_1367, %eq3A_1369 : vector<16xi32>
      %jit3A_1371 = arith.constant 0.000000e+00 : f32
      %broadcast_in_dim3A_1372 = vector.broadcast %jit3A_1371 : f32 to vector<16xf32>
      %select_n3A_1373 = arith.select %eq3A_1370, %broadcast_in_dim3A_1372, %gather3A_1338 : vector<16xi1>, vector<16xf32>
      %eq3A_1374 = arith.constant 23 : i32
      %eq3A_1375 = vector.broadcast %eq3A_1374 : i32 to vector<16xi32>
      %eq3A_1376 = arith.cmpi eq, %select_n3A_1367, %eq3A_1375 : vector<16xi32>
      %jit3A_1377 = arith.constant 0.000000e+00 : f32
      %broadcast_in_dim3A_1378 = vector.broadcast %jit3A_1377 : f32 to vector<16xf32>
      %select_n3A_1379 = arith.select %eq3A_1376, %broadcast_in_dim3A_1378, %gather3A_1342 : vector<16xi1>, vector<16xf32>
      %mul3A_1380 = arith.constant 2.000000e+00 : f32
      %mul3A_1381 = vector.broadcast %mul3A_1380 : f32 to vector<16xf32>
      %mul3A_1382 = arith.mulf %mul3A_1381, %get3A_1334 : vector<16xf32>
      %add3A_1383 = arith.addf %select_n3A_1373, %mul3A_1382 : vector<16xf32>
      %add3A_1384 = arith.addf %add3A_1383, %select_n3A_1379 : vector<16xf32>
      %swap3A_1385 = arith.constant 96 : index
      %swap3A_1386 = tpu.vector_load %arg8[%swap3A_1385] {strides = array<i32>} : memref<576xf32, #tpu.memory_space<vmem>>, vector<16xf32>,
      tpu.vector_store %arg8[%swap3A_1385], %add3A_1384 {strides = array<i32>} : memref<576xf32, #tpu.memory_space<vmem>>, vector<16xf32>,
      %mul3A_1387 = arith.constant 1.024000e+03 : f32
      %mul3A_1388 = vector.broadcast %mul3A_1387 : f32 to vector<16xf32>
      %mul3A_1389 = arith.mulf %add3A_1384, %mul3A_1388 : vector<16xf32>
      %sub3A_1390 = arith.constant 4.790000e+02 : f32
      %sub3A_1391 = vector.broadcast %sub3A_1390 : f32 to vector<16xf32>
      %sub3A_1392 = arith.subf %sub3A_1391, %convert_element_type3A : vector<16xf32>
      %add3A_1393 = arith.addf %mul3A_1389, %sub3A_1392 : vector<16xf32>
      %swap3A_1394 = arith.constant 96 : index
      %swap3A_1395 = tpu.vector_load %arg9[%swap3A_1394] {strides = array<i32>} : memref<576xf32, #tpu.memory_space<vmem>>, vector<16xf32>,
      tpu.vector_store %arg9[%swap3A_1394], %add3A_1393 {strides = array<i32>} : memref<576xf32, #tpu.memory_space<vmem>>, vector<16xf32>,
      %reduce_max3A_1396 = arith.constant true
      %reduce_max3A_1397 = vector.broadcast %reduce_max3A_1396 : i1 to vector<16xi1>
      %reduce_max3A_1398 = tpu.scan <max>, %add3A_1393 masked %reduce_max3A_1397 : vector<16xf32>, vector<16xi1> -> vector<16xf32>
      %reduce_max3A_1399 = vector.extract %reduce_max3A_1398[15] : f32 from vector<16xf32>
      %eq3A_1400 = arith.constant 6 : i32
      %eq3A_1401 = vector.broadcast %eq3A_1400 : i32 to vector<16xi32>
      %eq3A_1402 = arith.cmpi eq, %iota3A, %eq3A_1401 : vector<16xi32>
      %broadcast_in_dim3A_1403 = vector.broadcast %reduce_max3A_1399 : f32 to vector<16xf32>
      %select_n3A_1404 = arith.select %eq3A_1402, %broadcast_in_dim3A_1403, %select_n3A_1332 : vector<16xi1>, vector<16xf32>
      %get3A_1405 = arith.constant 176 : index
      %get3A_1406 = tpu.vector_load %arg7[%get3A_1405] {strides = array<i32>} : memref<704xf32, #tpu.memory_space<vmem>>, vector<16xf32>,
      %broadcast_in_dim3A_1407 = arith.constant 175 : i32
      %broadcast_in_dim3A_1408 = vector.broadcast %broadcast_in_dim3A_1407 : i32 to vector<16xi32>
      %add3A_1409 = arith.addi %broadcast_in_dim3A_1408, %iota3A : vector<16xi32>
      %gather3A_1410 = tpu.vector_load_idx %arg7[%add3A_1409] : memref<704xf32, #tpu.memory_space<vmem>>[vector<16xi32>], vector<16xf32>,
      %broadcast_in_dim3A_1411 = arith.constant 177 : i32
      %broadcast_in_dim3A_1412 = vector.broadcast %broadcast_in_dim3A_1411 : i32 to vector<16xi32>
      %add3A_1413 = arith.addi %broadcast_in_dim3A_1412, %iota3A : vector<16xi32>
      %gather3A_1414 = tpu.vector_load_idx %arg7[%add3A_1413] : memref<704xf32, #tpu.memory_space<vmem>>[vector<16xi32>], vector<16xf32>,
      %add3A_1415 = arith.constant 112 : i32
      %add3A_1416 = vector.broadcast %add3A_1415 : i32 to vector<16xi32>
      %add3A_1417 = arith.addi %iota3A, %add3A_1416 : vector<16xi32>
      %jit3A_1418 = arith.constant 24 : i32
      %eq3A_1419 = arith.constant 0 : i32
      %eq3A_1420 = arith.cmpi eq, %jit3A_1418, %eq3A_1419 : i32
      %jit3A_1421 = arith.constant 1 : i32
      %select_n3A_1422 = arith.select %eq3A_1420, %jit3A_1421, %jit3A_1418 : i32
      %rem3A_1423 = vector.broadcast %select_n3A_1422 : i32 to vector<16xi32>
      %rem3A_1424 = arith.remsi %add3A_1417, %rem3A_1423 : vector<16xi32>
      %ne3A_1425 = arith.constant 0 : i32
      %ne3A_1426 = vector.broadcast %ne3A_1425 : i32 to vector<16xi32>
      %ne3A_1427 = arith.cmpi ne, %rem3A_1424, %ne3A_1426 : vector<16xi32>
      %lt3A_1428 = arith.constant 0 : i32
      %lt3A_1429 = vector.broadcast %lt3A_1428 : i32 to vector<16xi32>
      %lt3A_1430 = arith.cmpi slt, %rem3A_1424, %lt3A_1429 : vector<16xi32>
      %lt3A_1431 = arith.constant 0 : i32
      %lt3A_1432 = arith.cmpi slt, %select_n3A_1422, %lt3A_1431 : i32
      %ne3A_1433 = vector.broadcast %lt3A_1432 : i1 to vector<16xi1>
      %ne3A_1434 = vector.broadcast %ne3A_1433 : vector<16xi1> to vector<16xi1>
      %ne3A_1435 = arith.xori %lt3A_1430, %ne3A_1434 : vector<16xi1>
      %and3A_1436 = arith.andi %ne3A_1435, %ne3A_1427 : vector<16xi1>
      %add3A_1437 = vector.broadcast %select_n3A_1422 : i32 to vector<16xi32>
      %add3A_1438 = arith.addi %rem3A_1424, %add3A_1437 : vector<16xi32>
      %select_n3A_1439 = arith.select %and3A_1436, %add3A_1438, %rem3A_1424 : vector<16xi1>, vector<16xi32>
      %eq3A_1440 = arith.constant 0 : i32
      %eq3A_1441 = vector.broadcast %eq3A_1440 : i32 to vector<16xi32>
      %eq3A_1442 = arith.cmpi eq, %select_n3A_1439, %eq3A_1441 : vector<16xi32>
      %jit3A_1443 = arith.constant 0.000000e+00 : f32
      %broadcast_in_dim3A_1444 = vector.broadcast %jit3A_1443 : f32 to vector<16xf32>
      %select_n3A_1445 = arith.select %eq3A_1442, %broadcast_in_dim3A_1444, %gather3A_1410 : vector<16xi1>, vector<16xf32>
      %eq3A_1446 = arith.constant 23 : i32
      %eq3A_1447 = vector.broadcast %eq3A_1446 : i32 to vector<16xi32>
      %eq3A_1448 = arith.cmpi eq, %select_n3A_1439, %eq3A_1447 : vector<16xi32>
      %jit3A_1449 = arith.constant 0.000000e+00 : f32
      %broadcast_in_dim3A_1450 = vector.broadcast %jit3A_1449 : f32 to vector<16xf32>
      %select_n3A_1451 = arith.select %eq3A_1448, %broadcast_in_dim3A_1450, %gather3A_1414 : vector<16xi1>, vector<16xf32>
      %mul3A_1452 = arith.constant 2.000000e+00 : f32
      %mul3A_1453 = vector.broadcast %mul3A_1452 : f32 to vector<16xf32>
      %mul3A_1454 = arith.mulf %mul3A_1453, %get3A_1406 : vector<16xf32>
      %add3A_1455 = arith.addf %select_n3A_1445, %mul3A_1454 : vector<16xf32>
      %add3A_1456 = arith.addf %add3A_1455, %select_n3A_1451 : vector<16xf32>
      %swap3A_1457 = arith.constant 112 : index
      %swap3A_1458 = tpu.vector_load %arg8[%swap3A_1457] {strides = array<i32>} : memref<576xf32, #tpu.memory_space<vmem>>, vector<16xf32>,
      tpu.vector_store %arg8[%swap3A_1457], %add3A_1456 {strides = array<i32>} : memref<576xf32, #tpu.memory_space<vmem>>, vector<16xf32>,
      %mul3A_1459 = arith.constant 1.024000e+03 : f32
      %mul3A_1460 = vector.broadcast %mul3A_1459 : f32 to vector<16xf32>
      %mul3A_1461 = arith.mulf %add3A_1456, %mul3A_1460 : vector<16xf32>
      %sub3A_1462 = arith.constant 4.630000e+02 : f32
      %sub3A_1463 = vector.broadcast %sub3A_1462 : f32 to vector<16xf32>
      %sub3A_1464 = arith.subf %sub3A_1463, %convert_element_type3A : vector<16xf32>
      %add3A_1465 = arith.addf %mul3A_1461, %sub3A_1464 : vector<16xf32>
      %swap3A_1466 = arith.constant 112 : index
      %swap3A_1467 = tpu.vector_load %arg9[%swap3A_1466] {strides = array<i32>} : memref<576xf32, #tpu.memory_space<vmem>>, vector<16xf32>,
      tpu.vector_store %arg9[%swap3A_1466], %add3A_1465 {strides = array<i32>} : memref<576xf32, #tpu.memory_space<vmem>>, vector<16xf32>,
      %reduce_max3A_1468 = arith.constant true
      %reduce_max3A_1469 = vector.broadcast %reduce_max3A_1468 : i1 to vector<16xi1>
      %reduce_max3A_1470 = tpu.scan <max>, %add3A_1465 masked %reduce_max3A_1469 : vector<16xf32>, vector<16xi1> -> vector<16xf32>
      %reduce_max3A_1471 = vector.extract %reduce_max3A_1470[15] : f32 from vector<16xf32>
      %eq3A_1472 = arith.constant 7 : i32
      %eq3A_1473 = vector.broadcast %eq3A_1472 : i32 to vector<16xi32>
      %eq3A_1474 = arith.cmpi eq, %iota3A, %eq3A_1473 : vector<16xi32>
      %broadcast_in_dim3A_1475 = vector.broadcast %reduce_max3A_1471 : f32 to vector<16xf32>
      %select_n3A_1476 = arith.select %eq3A_1474, %broadcast_in_dim3A_1475, %select_n3A_1404 : vector<16xi1>, vector<16xf32>
      %get3A_1477 = arith.constant 192 : index
      %get3A_1478 = tpu.vector_load %arg7[%get3A_1477] {strides = array<i32>} : memref<704xf32, #tpu.memory_space<vmem>>, vector<16xf32>,
      %broadcast_in_dim3A_1479 = arith.constant 191 : i32
      %broadcast_in_dim3A_1480 = vector.broadcast %broadcast_in_dim3A_1479 : i32 to vector<16xi32>
      %add3A_1481 = arith.addi %broadcast_in_dim3A_1480, %iota3A : vector<16xi32>
      %gather3A_1482 = tpu.vector_load_idx %arg7[%add3A_1481] : memref<704xf32, #tpu.memory_space<vmem>>[vector<16xi32>], vector<16xf32>,
      %broadcast_in_dim3A_1483 = arith.constant 193 : i32
      %broadcast_in_dim3A_1484 = vector.broadcast %broadcast_in_dim3A_1483 : i32 to vector<16xi32>
      %add3A_1485 = arith.addi %broadcast_in_dim3A_1484, %iota3A : vector<16xi32>
      %gather3A_1486 = tpu.vector_load_idx %arg7[%add3A_1485] : memref<704xf32, #tpu.memory_space<vmem>>[vector<16xi32>], vector<16xf32>,
      %add3A_1487 = arith.constant 128 : i32
      %add3A_1488 = vector.broadcast %add3A_1487 : i32 to vector<16xi32>
      %add3A_1489 = arith.addi %iota3A, %add3A_1488 : vector<16xi32>
      %jit3A_1490 = arith.constant 24 : i32
      %eq3A_1491 = arith.constant 0 : i32
      %eq3A_1492 = arith.cmpi eq, %jit3A_1490, %eq3A_1491 : i32
      %jit3A_1493 = arith.constant 1 : i32
      %select_n3A_1494 = arith.select %eq3A_1492, %jit3A_1493, %jit3A_1490 : i32
      %rem3A_1495 = vector.broadcast %select_n3A_1494 : i32 to vector<16xi32>
      %rem3A_1496 = arith.remsi %add3A_1489, %rem3A_1495 : vector<16xi32>
      %ne3A_1497 = arith.constant 0 : i32
      %ne3A_1498 = vector.broadcast %ne3A_1497 : i32 to vector<16xi32>
      %ne3A_1499 = arith.cmpi ne, %rem3A_1496, %ne3A_1498 : vector<16xi32>
      %lt3A_1500 = arith.constant 0 : i32
      %lt3A_1501 = vector.broadcast %lt3A_1500 : i32 to vector<16xi32>
      %lt3A_1502 = arith.cmpi slt, %rem3A_1496, %lt3A_1501 : vector<16xi32>
      %lt3A_1503 = arith.constant 0 : i32
      %lt3A_1504 = arith.cmpi slt, %select_n3A_1494, %lt3A_1503 : i32
      %ne3A_1505 = vector.broadcast %lt3A_1504 : i1 to vector<16xi1>
      %ne3A_1506 = vector.broadcast %ne3A_1505 : vector<16xi1> to vector<16xi1>
      %ne3A_1507 = arith.xori %lt3A_1502, %ne3A_1506 : vector<16xi1>
      %and3A_1508 = arith.andi %ne3A_1507, %ne3A_1499 : vector<16xi1>
      %add3A_1509 = vector.broadcast %select_n3A_1494 : i32 to vector<16xi32>
      %add3A_1510 = arith.addi %rem3A_1496, %add3A_1509 : vector<16xi32>
      %select_n3A_1511 = arith.select %and3A_1508, %add3A_1510, %rem3A_1496 : vector<16xi1>, vector<16xi32>
      %eq3A_1512 = arith.constant 0 : i32
      %eq3A_1513 = vector.broadcast %eq3A_1512 : i32 to vector<16xi32>
      %eq3A_1514 = arith.cmpi eq, %select_n3A_1511, %eq3A_1513 : vector<16xi32>
      %jit3A_1515 = arith.constant 0.000000e+00 : f32
      %broadcast_in_dim3A_1516 = vector.broadcast %jit3A_1515 : f32 to vector<16xf32>
      %select_n3A_1517 = arith.select %eq3A_1514, %broadcast_in_dim3A_1516, %gather3A_1482 : vector<16xi1>, vector<16xf32>
      %eq3A_1518 = arith.constant 23 : i32
      %eq3A_1519 = vector.broadcast %eq3A_1518 : i32 to vector<16xi32>
      %eq3A_1520 = arith.cmpi eq, %select_n3A_1511, %eq3A_1519 : vector<16xi32>
      %jit3A_1521 = arith.constant 0.000000e+00 : f32
      %broadcast_in_dim3A_1522 = vector.broadcast %jit3A_1521 : f32 to vector<16xf32>
      %select_n3A_1523 = arith.select %eq3A_1520, %broadcast_in_dim3A_1522, %gather3A_1486 : vector<16xi1>, vector<16xf32>
      %mul3A_1524 = arith.constant 2.000000e+00 : f32
      %mul3A_1525 = vector.broadcast %mul3A_1524 : f32 to vector<16xf32>
      %mul3A_1526 = arith.mulf %mul3A_1525, %get3A_1478 : vector<16xf32>
      %add3A_1527 = arith.addf %select_n3A_1517, %mul3A_1526 : vector<16xf32>
      %add3A_1528 = arith.addf %add3A_1527, %select_n3A_1523 : vector<16xf32>
      %swap3A_1529 = arith.constant 128 : index
      %swap3A_1530 = tpu.vector_load %arg8[%swap3A_1529] {strides = array<i32>} : memref<576xf32, #tpu.memory_space<vmem>>, vector<16xf32>,
      tpu.vector_store %arg8[%swap3A_1529], %add3A_1528 {strides = array<i32>} : memref<576xf32, #tpu.memory_space<vmem>>, vector<16xf32>,
      %mul3A_1531 = arith.constant 1.024000e+03 : f32
      %mul3A_1532 = vector.broadcast %mul3A_1531 : f32 to vector<16xf32>
      %mul3A_1533 = arith.mulf %add3A_1528, %mul3A_1532 : vector<16xf32>
      %sub3A_1534 = arith.constant 4.470000e+02 : f32
      %sub3A_1535 = vector.broadcast %sub3A_1534 : f32 to vector<16xf32>
      %sub3A_1536 = arith.subf %sub3A_1535, %convert_element_type3A : vector<16xf32>
      %add3A_1537 = arith.addf %mul3A_1533, %sub3A_1536 : vector<16xf32>
      %swap3A_1538 = arith.constant 128 : index
      %swap3A_1539 = tpu.vector_load %arg9[%swap3A_1538] {strides = array<i32>} : memref<576xf32, #tpu.memory_space<vmem>>, vector<16xf32>,
      tpu.vector_store %arg9[%swap3A_1538], %add3A_1537 {strides = array<i32>} : memref<576xf32, #tpu.memory_space<vmem>>, vector<16xf32>,
      %reduce_max3A_1540 = arith.constant true
      %reduce_max3A_1541 = vector.broadcast %reduce_max3A_1540 : i1 to vector<16xi1>
      %reduce_max3A_1542 = tpu.scan <max>, %add3A_1537 masked %reduce_max3A_1541 : vector<16xf32>, vector<16xi1> -> vector<16xf32>
      %reduce_max3A_1543 = vector.extract %reduce_max3A_1542[15] : f32 from vector<16xf32>
      %eq3A_1544 = arith.constant 8 : i32
      %eq3A_1545 = vector.broadcast %eq3A_1544 : i32 to vector<16xi32>
      %eq3A_1546 = arith.cmpi eq, %iota3A, %eq3A_1545 : vector<16xi32>
      %broadcast_in_dim3A_1547 = vector.broadcast %reduce_max3A_1543 : f32 to vector<16xf32>
      %select_n3A_1548 = arith.select %eq3A_1546, %broadcast_in_dim3A_1547, %select_n3A_1476 : vector<16xi1>, vector<16xf32>
      %get3A_1549 = arith.constant 208 : index
      %get3A_1550 = tpu.vector_load %arg7[%get3A_1549] {strides = array<i32>} : memref<704xf32, #tpu.memory_space<vmem>>, vector<16xf32>,
      %broadcast_in_dim3A_1551 = arith.constant 207 : i32
      %broadcast_in_dim3A_1552 = vector.broadcast %broadcast_in_dim3A_1551 : i32 to vector<16xi32>
      %add3A_1553 = arith.addi %broadcast_in_dim3A_1552, %iota3A : vector<16xi32>
      %gather3A_1554 = tpu.vector_load_idx %arg7[%add3A_1553] : memref<704xf32, #tpu.memory_space<vmem>>[vector<16xi32>], vector<16xf32>,
      %broadcast_in_dim3A_1555 = arith.constant 209 : i32
      %broadcast_in_dim3A_1556 = vector.broadcast %broadcast_in_dim3A_1555 : i32 to vector<16xi32>
      %add3A_1557 = arith.addi %broadcast_in_dim3A_1556, %iota3A : vector<16xi32>
      %gather3A_1558 = tpu.vector_load_idx %arg7[%add3A_1557] : memref<704xf32, #tpu.memory_space<vmem>>[vector<16xi32>], vector<16xf32>,
      %add3A_1559 = arith.constant 144 : i32
      %add3A_1560 = vector.broadcast %add3A_1559 : i32 to vector<16xi32>
      %add3A_1561 = arith.addi %iota3A, %add3A_1560 : vector<16xi32>
      %jit3A_1562 = arith.constant 24 : i32
      %eq3A_1563 = arith.constant 0 : i32
      %eq3A_1564 = arith.cmpi eq, %jit3A_1562, %eq3A_1563 : i32
      %jit3A_1565 = arith.constant 1 : i32
      %select_n3A_1566 = arith.select %eq3A_1564, %jit3A_1565, %jit3A_1562 : i32
      %rem3A_1567 = vector.broadcast %select_n3A_1566 : i32 to vector<16xi32>
      %rem3A_1568 = arith.remsi %add3A_1561, %rem3A_1567 : vector<16xi32>
      %ne3A_1569 = arith.constant 0 : i32
      %ne3A_1570 = vector.broadcast %ne3A_1569 : i32 to vector<16xi32>
      %ne3A_1571 = arith.cmpi ne, %rem3A_1568, %ne3A_1570 : vector<16xi32>
      %lt3A_1572 = arith.constant 0 : i32
      %lt3A_1573 = vector.broadcast %lt3A_1572 : i32 to vector<16xi32>
      %lt3A_1574 = arith.cmpi slt, %rem3A_1568, %lt3A_1573 : vector<16xi32>
      %lt3A_1575 = arith.constant 0 : i32
      %lt3A_1576 = arith.cmpi slt, %select_n3A_1566, %lt3A_1575 : i32
      %ne3A_1577 = vector.broadcast %lt3A_1576 : i1 to vector<16xi1>
      %ne3A_1578 = vector.broadcast %ne3A_1577 : vector<16xi1> to vector<16xi1>
      %ne3A_1579 = arith.xori %lt3A_1574, %ne3A_1578 : vector<16xi1>
      %and3A_1580 = arith.andi %ne3A_1579, %ne3A_1571 : vector<16xi1>
      %add3A_1581 = vector.broadcast %select_n3A_1566 : i32 to vector<16xi32>
      %add3A_1582 = arith.addi %rem3A_1568, %add3A_1581 : vector<16xi32>
      %select_n3A_1583 = arith.select %and3A_1580, %add3A_1582, %rem3A_1568 : vector<16xi1>, vector<16xi32>
      %eq3A_1584 = arith.constant 0 : i32
      %eq3A_1585 = vector.broadcast %eq3A_1584 : i32 to vector<16xi32>
      %eq3A_1586 = arith.cmpi eq, %select_n3A_1583, %eq3A_1585 : vector<16xi32>
      %jit3A_1587 = arith.constant 0.000000e+00 : f32
      %broadcast_in_dim3A_1588 = vector.broadcast %jit3A_1587 : f32 to vector<16xf32>
      %select_n3A_1589 = arith.select %eq3A_1586, %broadcast_in_dim3A_1588, %gather3A_1554 : vector<16xi1>, vector<16xf32>
      %eq3A_1590 = arith.constant 23 : i32
      %eq3A_1591 = vector.broadcast %eq3A_1590 : i32 to vector<16xi32>
      %eq3A_1592 = arith.cmpi eq, %select_n3A_1583, %eq3A_1591 : vector<16xi32>
      %jit3A_1593 = arith.constant 0.000000e+00 : f32
      %broadcast_in_dim3A_1594 = vector.broadcast %jit3A_1593 : f32 to vector<16xf32>
      %select_n3A_1595 = arith.select %eq3A_1592, %broadcast_in_dim3A_1594, %gather3A_1558 : vector<16xi1>, vector<16xf32>
      %mul3A_1596 = arith.constant 2.000000e+00 : f32
      %mul3A_1597 = vector.broadcast %mul3A_1596 : f32 to vector<16xf32>
      %mul3A_1598 = arith.mulf %mul3A_1597, %get3A_1550 : vector<16xf32>
      %add3A_1599 = arith.addf %select_n3A_1589, %mul3A_1598 : vector<16xf32>
      %add3A_1600 = arith.addf %add3A_1599, %select_n3A_1595 : vector<16xf32>
      %swap3A_1601 = arith.constant 144 : index
      %swap3A_1602 = tpu.vector_load %arg8[%swap3A_1601] {strides = array<i32>} : memref<576xf32, #tpu.memory_space<vmem>>, vector<16xf32>,
      tpu.vector_store %arg8[%swap3A_1601], %add3A_1600 {strides = array<i32>} : memref<576xf32, #tpu.memory_space<vmem>>, vector<16xf32>,
      %mul3A_1603 = arith.constant 1.024000e+03 : f32
      %mul3A_1604 = vector.broadcast %mul3A_1603 : f32 to vector<16xf32>
      %mul3A_1605 = arith.mulf %add3A_1600, %mul3A_1604 : vector<16xf32>
      %sub3A_1606 = arith.constant 4.310000e+02 : f32
      %sub3A_1607 = vector.broadcast %sub3A_1606 : f32 to vector<16xf32>
      %sub3A_1608 = arith.subf %sub3A_1607, %convert_element_type3A : vector<16xf32>
      %add3A_1609 = arith.addf %mul3A_1605, %sub3A_1608 : vector<16xf32>
      %swap3A_1610 = arith.constant 144 : index
      %swap3A_1611 = tpu.vector_load %arg9[%swap3A_1610] {strides = array<i32>} : memref<576xf32, #tpu.memory_space<vmem>>, vector<16xf32>,
      tpu.vector_store %arg9[%swap3A_1610], %add3A_1609 {strides = array<i32>} : memref<576xf32, #tpu.memory_space<vmem>>, vector<16xf32>,
      %reduce_max3A_1612 = arith.constant true
      %reduce_max3A_1613 = vector.broadcast %reduce_max3A_1612 : i1 to vector<16xi1>
      %reduce_max3A_1614 = tpu.scan <max>, %add3A_1609 masked %reduce_max3A_1613 : vector<16xf32>, vector<16xi1> -> vector<16xf32>
      %reduce_max3A_1615 = vector.extract %reduce_max3A_1614[15] : f32 from vector<16xf32>
      %eq3A_1616 = arith.constant 9 : i32
      %eq3A_1617 = vector.broadcast %eq3A_1616 : i32 to vector<16xi32>
      %eq3A_1618 = arith.cmpi eq, %iota3A, %eq3A_1617 : vector<16xi32>
      %broadcast_in_dim3A_1619 = vector.broadcast %reduce_max3A_1615 : f32 to vector<16xf32>
      %select_n3A_1620 = arith.select %eq3A_1618, %broadcast_in_dim3A_1619, %select_n3A_1548 : vector<16xi1>, vector<16xf32>
      %get3A_1621 = arith.constant 224 : index
      %get3A_1622 = tpu.vector_load %arg7[%get3A_1621] {strides = array<i32>} : memref<704xf32, #tpu.memory_space<vmem>>, vector<16xf32>,
      %broadcast_in_dim3A_1623 = arith.constant 223 : i32
      %broadcast_in_dim3A_1624 = vector.broadcast %broadcast_in_dim3A_1623 : i32 to vector<16xi32>
      %add3A_1625 = arith.addi %broadcast_in_dim3A_1624, %iota3A : vector<16xi32>
      %gather3A_1626 = tpu.vector_load_idx %arg7[%add3A_1625] : memref<704xf32, #tpu.memory_space<vmem>>[vector<16xi32>], vector<16xf32>,
      %broadcast_in_dim3A_1627 = arith.constant 225 : i32
      %broadcast_in_dim3A_1628 = vector.broadcast %broadcast_in_dim3A_1627 : i32 to vector<16xi32>
      %add3A_1629 = arith.addi %broadcast_in_dim3A_1628, %iota3A : vector<16xi32>
      %gather3A_1630 = tpu.vector_load_idx %arg7[%add3A_1629] : memref<704xf32, #tpu.memory_space<vmem>>[vector<16xi32>], vector<16xf32>,
      %add3A_1631 = arith.constant 160 : i32
      %add3A_1632 = vector.broadcast %add3A_1631 : i32 to vector<16xi32>
      %add3A_1633 = arith.addi %iota3A, %add3A_1632 : vector<16xi32>
      %jit3A_1634 = arith.constant 24 : i32
      %eq3A_1635 = arith.constant 0 : i32
      %eq3A_1636 = arith.cmpi eq, %jit3A_1634, %eq3A_1635 : i32
      %jit3A_1637 = arith.constant 1 : i32
      %select_n3A_1638 = arith.select %eq3A_1636, %jit3A_1637, %jit3A_1634 : i32
      %rem3A_1639 = vector.broadcast %select_n3A_1638 : i32 to vector<16xi32>
      %rem3A_1640 = arith.remsi %add3A_1633, %rem3A_1639 : vector<16xi32>
      %ne3A_1641 = arith.constant 0 : i32
      %ne3A_1642 = vector.broadcast %ne3A_1641 : i32 to vector<16xi32>
      %ne3A_1643 = arith.cmpi ne, %rem3A_1640, %ne3A_1642 : vector<16xi32>
      %lt3A_1644 = arith.constant 0 : i32
      %lt3A_1645 = vector.broadcast %lt3A_1644 : i32 to vector<16xi32>
      %lt3A_1646 = arith.cmpi slt, %rem3A_1640, %lt3A_1645 : vector<16xi32>
      %lt3A_1647 = arith.constant 0 : i32
      %lt3A_1648 = arith.cmpi slt, %select_n3A_1638, %lt3A_1647 : i32
      %ne3A_1649 = vector.broadcast %lt3A_1648 : i1 to vector<16xi1>
      %ne3A_1650 = vector.broadcast %ne3A_1649 : vector<16xi1> to vector<16xi1>
      %ne3A_1651 = arith.xori %lt3A_1646, %ne3A_1650 : vector<16xi1>
      %and3A_1652 = arith.andi %ne3A_1651, %ne3A_1643 : vector<16xi1>
      %add3A_1653 = vector.broadcast %select_n3A_1638 : i32 to vector<16xi32>
      %add3A_1654 = arith.addi %rem3A_1640, %add3A_1653 : vector<16xi32>
      %select_n3A_1655 = arith.select %and3A_1652, %add3A_1654, %rem3A_1640 : vector<16xi1>, vector<16xi32>
      %eq3A_1656 = arith.constant 0 : i32
      %eq3A_1657 = vector.broadcast %eq3A_1656 : i32 to vector<16xi32>
      %eq3A_1658 = arith.cmpi eq, %select_n3A_1655, %eq3A_1657 : vector<16xi32>
      %jit3A_1659 = arith.constant 0.000000e+00 : f32
      %broadcast_in_dim3A_1660 = vector.broadcast %jit3A_1659 : f32 to vector<16xf32>
      %select_n3A_1661 = arith.select %eq3A_1658, %broadcast_in_dim3A_1660, %gather3A_1626 : vector<16xi1>, vector<16xf32>
      %eq3A_1662 = arith.constant 23 : i32
      %eq3A_1663 = vector.broadcast %eq3A_1662 : i32 to vector<16xi32>
      %eq3A_1664 = arith.cmpi eq, %select_n3A_1655, %eq3A_1663 : vector<16xi32>
      %jit3A_1665 = arith.constant 0.000000e+00 : f32
      %broadcast_in_dim3A_1666 = vector.broadcast %jit3A_1665 : f32 to vector<16xf32>
      %select_n3A_1667 = arith.select %eq3A_1664, %broadcast_in_dim3A_1666, %gather3A_1630 : vector<16xi1>, vector<16xf32>
      %mul3A_1668 = arith.constant 2.000000e+00 : f32
      %mul3A_1669 = vector.broadcast %mul3A_1668 : f32 to vector<16xf32>
      %mul3A_1670 = arith.mulf %mul3A_1669, %get3A_1622 : vector<16xf32>
      %add3A_1671 = arith.addf %select_n3A_1661, %mul3A_1670 : vector<16xf32>
      %add3A_1672 = arith.addf %add3A_1671, %select_n3A_1667 : vector<16xf32>
      %swap3A_1673 = arith.constant 160 : index
      %swap3A_1674 = tpu.vector_load %arg8[%swap3A_1673] {strides = array<i32>} : memref<576xf32, #tpu.memory_space<vmem>>, vector<16xf32>,
      tpu.vector_store %arg8[%swap3A_1673], %add3A_1672 {strides = array<i32>} : memref<576xf32, #tpu.memory_space<vmem>>, vector<16xf32>,
      %mul3A_1675 = arith.constant 1.024000e+03 : f32
      %mul3A_1676 = vector.broadcast %mul3A_1675 : f32 to vector<16xf32>
      %mul3A_1677 = arith.mulf %add3A_1672, %mul3A_1676 : vector<16xf32>
      %sub3A_1678 = arith.constant 4.150000e+02 : f32
      %sub3A_1679 = vector.broadcast %sub3A_1678 : f32 to vector<16xf32>
      %sub3A_1680 = arith.subf %sub3A_1679, %convert_element_type3A : vector<16xf32>
      %add3A_1681 = arith.addf %mul3A_1677, %sub3A_1680 : vector<16xf32>
      %swap3A_1682 = arith.constant 160 : index
      %swap3A_1683 = tpu.vector_load %arg9[%swap3A_1682] {strides = array<i32>} : memref<576xf32, #tpu.memory_space<vmem>>, vector<16xf32>,
      tpu.vector_store %arg9[%swap3A_1682], %add3A_1681 {strides = array<i32>} : memref<576xf32, #tpu.memory_space<vmem>>, vector<16xf32>,
      %reduce_max3A_1684 = arith.constant true
      %reduce_max3A_1685 = vector.broadcast %reduce_max3A_1684 : i1 to vector<16xi1>
      %reduce_max3A_1686 = tpu.scan <max>, %add3A_1681 masked %reduce_max3A_1685 : vector<16xf32>, vector<16xi1> -> vector<16xf32>
      %reduce_max3A_1687 = vector.extract %reduce_max3A_1686[15] : f32 from vector<16xf32>
      %eq3A_1688 = arith.constant 10 : i32
      %eq3A_1689 = vector.broadcast %eq3A_1688 : i32 to vector<16xi32>
      %eq3A_1690 = arith.cmpi eq, %iota3A, %eq3A_1689 : vector<16xi32>
      %broadcast_in_dim3A_1691 = vector.broadcast %reduce_max3A_1687 : f32 to vector<16xf32>
      %select_n3A_1692 = arith.select %eq3A_1690, %broadcast_in_dim3A_1691, %select_n3A_1620 : vector<16xi1>, vector<16xf32>
      %get3A_1693 = arith.constant 240 : index
      %get3A_1694 = tpu.vector_load %arg7[%get3A_1693] {strides = array<i32>} : memref<704xf32, #tpu.memory_space<vmem>>, vector<16xf32>,
      %broadcast_in_dim3A_1695 = arith.constant 239 : i32
      %broadcast_in_dim3A_1696 = vector.broadcast %broadcast_in_dim3A_1695 : i32 to vector<16xi32>
      %add3A_1697 = arith.addi %broadcast_in_dim3A_1696, %iota3A : vector<16xi32>
      %gather3A_1698 = tpu.vector_load_idx %arg7[%add3A_1697] : memref<704xf32, #tpu.memory_space<vmem>>[vector<16xi32>], vector<16xf32>,
      %broadcast_in_dim3A_1699 = arith.constant 241 : i32
      %broadcast_in_dim3A_1700 = vector.broadcast %broadcast_in_dim3A_1699 : i32 to vector<16xi32>
      %add3A_1701 = arith.addi %broadcast_in_dim3A_1700, %iota3A : vector<16xi32>
      %gather3A_1702 = tpu.vector_load_idx %arg7[%add3A_1701] : memref<704xf32, #tpu.memory_space<vmem>>[vector<16xi32>], vector<16xf32>,
      %add3A_1703 = arith.constant 176 : i32
      %add3A_1704 = vector.broadcast %add3A_1703 : i32 to vector<16xi32>
      %add3A_1705 = arith.addi %iota3A, %add3A_1704 : vector<16xi32>
      %jit3A_1706 = arith.constant 24 : i32
      %eq3A_1707 = arith.constant 0 : i32
      %eq3A_1708 = arith.cmpi eq, %jit3A_1706, %eq3A_1707 : i32
      %jit3A_1709 = arith.constant 1 : i32
      %select_n3A_1710 = arith.select %eq3A_1708, %jit3A_1709, %jit3A_1706 : i32
      %rem3A_1711 = vector.broadcast %select_n3A_1710 : i32 to vector<16xi32>
      %rem3A_1712 = arith.remsi %add3A_1705, %rem3A_1711 : vector<16xi32>
      %ne3A_1713 = arith.constant 0 : i32
      %ne3A_1714 = vector.broadcast %ne3A_1713 : i32 to vector<16xi32>
      %ne3A_1715 = arith.cmpi ne, %rem3A_1712, %ne3A_1714 : vector<16xi32>
      %lt3A_1716 = arith.constant 0 : i32
      %lt3A_1717 = vector.broadcast %lt3A_1716 : i32 to vector<16xi32>
      %lt3A_1718 = arith.cmpi slt, %rem3A_1712, %lt3A_1717 : vector<16xi32>
      %lt3A_1719 = arith.constant 0 : i32
      %lt3A_1720 = arith.cmpi slt, %select_n3A_1710, %lt3A_1719 : i32
      %ne3A_1721 = vector.broadcast %lt3A_1720 : i1 to vector<16xi1>
      %ne3A_1722 = vector.broadcast %ne3A_1721 : vector<16xi1> to vector<16xi1>
      %ne3A_1723 = arith.xori %lt3A_1718, %ne3A_1722 : vector<16xi1>
      %and3A_1724 = arith.andi %ne3A_1723, %ne3A_1715 : vector<16xi1>
      %add3A_1725 = vector.broadcast %select_n3A_1710 : i32 to vector<16xi32>
      %add3A_1726 = arith.addi %rem3A_1712, %add3A_1725 : vector<16xi32>
      %select_n3A_1727 = arith.select %and3A_1724, %add3A_1726, %rem3A_1712 : vector<16xi1>, vector<16xi32>
      %eq3A_1728 = arith.constant 0 : i32
      %eq3A_1729 = vector.broadcast %eq3A_1728 : i32 to vector<16xi32>
      %eq3A_1730 = arith.cmpi eq, %select_n3A_1727, %eq3A_1729 : vector<16xi32>
      %jit3A_1731 = arith.constant 0.000000e+00 : f32
      %broadcast_in_dim3A_1732 = vector.broadcast %jit3A_1731 : f32 to vector<16xf32>
      %select_n3A_1733 = arith.select %eq3A_1730, %broadcast_in_dim3A_1732, %gather3A_1698 : vector<16xi1>, vector<16xf32>
      %eq3A_1734 = arith.constant 23 : i32
      %eq3A_1735 = vector.broadcast %eq3A_1734 : i32 to vector<16xi32>
      %eq3A_1736 = arith.cmpi eq, %select_n3A_1727, %eq3A_1735 : vector<16xi32>
      %jit3A_1737 = arith.constant 0.000000e+00 : f32
      %broadcast_in_dim3A_1738 = vector.broadcast %jit3A_1737 : f32 to vector<16xf32>
      %select_n3A_1739 = arith.select %eq3A_1736, %broadcast_in_dim3A_1738, %gather3A_1702 : vector<16xi1>, vector<16xf32>
      %mul3A_1740 = arith.constant 2.000000e+00 : f32
      %mul3A_1741 = vector.broadcast %mul3A_1740 : f32 to vector<16xf32>
      %mul3A_1742 = arith.mulf %mul3A_1741, %get3A_1694 : vector<16xf32>
      %add3A_1743 = arith.addf %select_n3A_1733, %mul3A_1742 : vector<16xf32>
      %add3A_1744 = arith.addf %add3A_1743, %select_n3A_1739 : vector<16xf32>
      %swap3A_1745 = arith.constant 176 : index
      %swap3A_1746 = tpu.vector_load %arg8[%swap3A_1745] {strides = array<i32>} : memref<576xf32, #tpu.memory_space<vmem>>, vector<16xf32>,
      tpu.vector_store %arg8[%swap3A_1745], %add3A_1744 {strides = array<i32>} : memref<576xf32, #tpu.memory_space<vmem>>, vector<16xf32>,
      %mul3A_1747 = arith.constant 1.024000e+03 : f32
      %mul3A_1748 = vector.broadcast %mul3A_1747 : f32 to vector<16xf32>
      %mul3A_1749 = arith.mulf %add3A_1744, %mul3A_1748 : vector<16xf32>
      %sub3A_1750 = arith.constant 3.990000e+02 : f32
      %sub3A_1751 = vector.broadcast %sub3A_1750 : f32 to vector<16xf32>
      %sub3A_1752 = arith.subf %sub3A_1751, %convert_element_type3A : vector<16xf32>
      %add3A_1753 = arith.addf %mul3A_1749, %sub3A_1752 : vector<16xf32>
      %swap3A_1754 = arith.constant 176 : index
      %swap3A_1755 = tpu.vector_load %arg9[%swap3A_1754] {strides = array<i32>} : memref<576xf32, #tpu.memory_space<vmem>>, vector<16xf32>,
      tpu.vector_store %arg9[%swap3A_1754], %add3A_1753 {strides = array<i32>} : memref<576xf32, #tpu.memory_space<vmem>>, vector<16xf32>,
      %reduce_max3A_1756 = arith.constant true
      %reduce_max3A_1757 = vector.broadcast %reduce_max3A_1756 : i1 to vector<16xi1>
      %reduce_max3A_1758 = tpu.scan <max>, %add3A_1753 masked %reduce_max3A_1757 : vector<16xf32>, vector<16xi1> -> vector<16xf32>
      %reduce_max3A_1759 = vector.extract %reduce_max3A_1758[15] : f32 from vector<16xf32>
      %eq3A_1760 = arith.constant 11 : i32
      %eq3A_1761 = vector.broadcast %eq3A_1760 : i32 to vector<16xi32>
      %eq3A_1762 = arith.cmpi eq, %iota3A, %eq3A_1761 : vector<16xi32>
      %broadcast_in_dim3A_1763 = vector.broadcast %reduce_max3A_1759 : f32 to vector<16xf32>
      %select_n3A_1764 = arith.select %eq3A_1762, %broadcast_in_dim3A_1763, %select_n3A_1692 : vector<16xi1>, vector<16xf32>
      %get3A_1765 = arith.constant 256 : index
      %get3A_1766 = tpu.vector_load %arg7[%get3A_1765] {strides = array<i32>} : memref<704xf32, #tpu.memory_space<vmem>>, vector<16xf32>,
      %broadcast_in_dim3A_1767 = arith.constant 255 : i32
      %broadcast_in_dim3A_1768 = vector.broadcast %broadcast_in_dim3A_1767 : i32 to vector<16xi32>
      %add3A_1769 = arith.addi %broadcast_in_dim3A_1768, %iota3A : vector<16xi32>
      %gather3A_1770 = tpu.vector_load_idx %arg7[%add3A_1769] : memref<704xf32, #tpu.memory_space<vmem>>[vector<16xi32>], vector<16xf32>,
      %broadcast_in_dim3A_1771 = arith.constant 257 : i32
      %broadcast_in_dim3A_1772 = vector.broadcast %broadcast_in_dim3A_1771 : i32 to vector<16xi32>
      %add3A_1773 = arith.addi %broadcast_in_dim3A_1772, %iota3A : vector<16xi32>
      %gather3A_1774 = tpu.vector_load_idx %arg7[%add3A_1773] : memref<704xf32, #tpu.memory_space<vmem>>[vector<16xi32>], vector<16xf32>,
      %add3A_1775 = arith.constant 192 : i32
      %add3A_1776 = vector.broadcast %add3A_1775 : i32 to vector<16xi32>
      %add3A_1777 = arith.addi %iota3A, %add3A_1776 : vector<16xi32>
      %jit3A_1778 = arith.constant 24 : i32
      %eq3A_1779 = arith.constant 0 : i32
      %eq3A_1780 = arith.cmpi eq, %jit3A_1778, %eq3A_1779 : i32
      %jit3A_1781 = arith.constant 1 : i32
      %select_n3A_1782 = arith.select %eq3A_1780, %jit3A_1781, %jit3A_1778 : i32
      %rem3A_1783 = vector.broadcast %select_n3A_1782 : i32 to vector<16xi32>
      %rem3A_1784 = arith.remsi %add3A_1777, %rem3A_1783 : vector<16xi32>
      %ne3A_1785 = arith.constant 0 : i32
      %ne3A_1786 = vector.broadcast %ne3A_1785 : i32 to vector<16xi32>
      %ne3A_1787 = arith.cmpi ne, %rem3A_1784, %ne3A_1786 : vector<16xi32>
      %lt3A_1788 = arith.constant 0 : i32
      %lt3A_1789 = vector.broadcast %lt3A_1788 : i32 to vector<16xi32>
      %lt3A_1790 = arith.cmpi slt, %rem3A_1784, %lt3A_1789 : vector<16xi32>
      %lt3A_1791 = arith.constant 0 : i32
      %lt3A_1792 = arith.cmpi slt, %select_n3A_1782, %lt3A_1791 : i32
      %ne3A_1793 = vector.broadcast %lt3A_1792 : i1 to vector<16xi1>
      %ne3A_1794 = vector.broadcast %ne3A_1793 : vector<16xi1> to vector<16xi1>
      %ne3A_1795 = arith.xori %lt3A_1790, %ne3A_1794 : vector<16xi1>
      %and3A_1796 = arith.andi %ne3A_1795, %ne3A_1787 : vector<16xi1>
      %add3A_1797 = vector.broadcast %select_n3A_1782 : i32 to vector<16xi32>
      %add3A_1798 = arith.addi %rem3A_1784, %add3A_1797 : vector<16xi32>
      %select_n3A_1799 = arith.select %and3A_1796, %add3A_1798, %rem3A_1784 : vector<16xi1>, vector<16xi32>
      %eq3A_1800 = arith.constant 0 : i32
      %eq3A_1801 = vector.broadcast %eq3A_1800 : i32 to vector<16xi32>
      %eq3A_1802 = arith.cmpi eq, %select_n3A_1799, %eq3A_1801 : vector<16xi32>
      %jit3A_1803 = arith.constant 0.000000e+00 : f32
      %broadcast_in_dim3A_1804 = vector.broadcast %jit3A_1803 : f32 to vector<16xf32>
      %select_n3A_1805 = arith.select %eq3A_1802, %broadcast_in_dim3A_1804, %gather3A_1770 : vector<16xi1>, vector<16xf32>
      %eq3A_1806 = arith.constant 23 : i32
      %eq3A_1807 = vector.broadcast %eq3A_1806 : i32 to vector<16xi32>
      %eq3A_1808 = arith.cmpi eq, %select_n3A_1799, %eq3A_1807 : vector<16xi32>
      %jit3A_1809 = arith.constant 0.000000e+00 : f32
      %broadcast_in_dim3A_1810 = vector.broadcast %jit3A_1809 : f32 to vector<16xf32>
      %select_n3A_1811 = arith.select %eq3A_1808, %broadcast_in_dim3A_1810, %gather3A_1774 : vector<16xi1>, vector<16xf32>
      %mul3A_1812 = arith.constant 2.000000e+00 : f32
      %mul3A_1813 = vector.broadcast %mul3A_1812 : f32 to vector<16xf32>
      %mul3A_1814 = arith.mulf %mul3A_1813, %get3A_1766 : vector<16xf32>
      %add3A_1815 = arith.addf %select_n3A_1805, %mul3A_1814 : vector<16xf32>
      %add3A_1816 = arith.addf %add3A_1815, %select_n3A_1811 : vector<16xf32>
      %swap3A_1817 = arith.constant 192 : index
      %swap3A_1818 = tpu.vector_load %arg8[%swap3A_1817] {strides = array<i32>} : memref<576xf32, #tpu.memory_space<vmem>>, vector<16xf32>,
      tpu.vector_store %arg8[%swap3A_1817], %add3A_1816 {strides = array<i32>} : memref<576xf32, #tpu.memory_space<vmem>>, vector<16xf32>,
      %mul3A_1819 = arith.constant 1.024000e+03 : f32
      %mul3A_1820 = vector.broadcast %mul3A_1819 : f32 to vector<16xf32>
      %mul3A_1821 = arith.mulf %add3A_1816, %mul3A_1820 : vector<16xf32>
      %sub3A_1822 = arith.constant 3.830000e+02 : f32
      %sub3A_1823 = vector.broadcast %sub3A_1822 : f32 to vector<16xf32>
      %sub3A_1824 = arith.subf %sub3A_1823, %convert_element_type3A : vector<16xf32>
      %add3A_1825 = arith.addf %mul3A_1821, %sub3A_1824 : vector<16xf32>
      %swap3A_1826 = arith.constant 192 : index
      %swap3A_1827 = tpu.vector_load %arg9[%swap3A_1826] {strides = array<i32>} : memref<576xf32, #tpu.memory_space<vmem>>, vector<16xf32>,
      tpu.vector_store %arg9[%swap3A_1826], %add3A_1825 {strides = array<i32>} : memref<576xf32, #tpu.memory_space<vmem>>, vector<16xf32>,
      %reduce_max3A_1828 = arith.constant true
      %reduce_max3A_1829 = vector.broadcast %reduce_max3A_1828 : i1 to vector<16xi1>
      %reduce_max3A_1830 = tpu.scan <max>, %add3A_1825 masked %reduce_max3A_1829 : vector<16xf32>, vector<16xi1> -> vector<16xf32>
      %reduce_max3A_1831 = vector.extract %reduce_max3A_1830[15] : f32 from vector<16xf32>
      %eq3A_1832 = arith.constant 12 : i32
      %eq3A_1833 = vector.broadcast %eq3A_1832 : i32 to vector<16xi32>
      %eq3A_1834 = arith.cmpi eq, %iota3A, %eq3A_1833 : vector<16xi32>
      %broadcast_in_dim3A_1835 = vector.broadcast %reduce_max3A_1831 : f32 to vector<16xf32>
      %select_n3A_1836 = arith.select %eq3A_1834, %broadcast_in_dim3A_1835, %select_n3A_1764 : vector<16xi1>, vector<16xf32>
      %get3A_1837 = arith.constant 272 : index
      %get3A_1838 = tpu.vector_load %arg7[%get3A_1837] {strides = array<i32>} : memref<704xf32, #tpu.memory_space<vmem>>, vector<16xf32>,
      %broadcast_in_dim3A_1839 = arith.constant 271 : i32
      %broadcast_in_dim3A_1840 = vector.broadcast %broadcast_in_dim3A_1839 : i32 to vector<16xi32>
      %add3A_1841 = arith.addi %broadcast_in_dim3A_1840, %iota3A : vector<16xi32>
      %gather3A_1842 = tpu.vector_load_idx %arg7[%add3A_1841] : memref<704xf32, #tpu.memory_space<vmem>>[vector<16xi32>], vector<16xf32>,
      %broadcast_in_dim3A_1843 = arith.constant 273 : i32
      %broadcast_in_dim3A_1844 = vector.broadcast %broadcast_in_dim3A_1843 : i32 to vector<16xi32>
      %add3A_1845 = arith.addi %broadcast_in_dim3A_1844, %iota3A : vector<16xi32>
      %gather3A_1846 = tpu.vector_load_idx %arg7[%add3A_1845] : memref<704xf32, #tpu.memory_space<vmem>>[vector<16xi32>], vector<16xf32>,
      %add3A_1847 = arith.constant 208 : i32
      %add3A_1848 = vector.broadcast %add3A_1847 : i32 to vector<16xi32>
      %add3A_1849 = arith.addi %iota3A, %add3A_1848 : vector<16xi32>
      %jit3A_1850 = arith.constant 24 : i32
      %eq3A_1851 = arith.constant 0 : i32
      %eq3A_1852 = arith.cmpi eq, %jit3A_1850, %eq3A_1851 : i32
      %jit3A_1853 = arith.constant 1 : i32
      %select_n3A_1854 = arith.select %eq3A_1852, %jit3A_1853, %jit3A_1850 : i32
      %rem3A_1855 = vector.broadcast %select_n3A_1854 : i32 to vector<16xi32>
      %rem3A_1856 = arith.remsi %add3A_1849, %rem3A_1855 : vector<16xi32>
      %ne3A_1857 = arith.constant 0 : i32
      %ne3A_1858 = vector.broadcast %ne3A_1857 : i32 to vector<16xi32>
      %ne3A_1859 = arith.cmpi ne, %rem3A_1856, %ne3A_1858 : vector<16xi32>
      %lt3A_1860 = arith.constant 0 : i32
      %lt3A_1861 = vector.broadcast %lt3A_1860 : i32 to vector<16xi32>
      %lt3A_1862 = arith.cmpi slt, %rem3A_1856, %lt3A_1861 : vector<16xi32>
      %lt3A_1863 = arith.constant 0 : i32
      %lt3A_1864 = arith.cmpi slt, %select_n3A_1854, %lt3A_1863 : i32
      %ne3A_1865 = vector.broadcast %lt3A_1864 : i1 to vector<16xi1>
      %ne3A_1866 = vector.broadcast %ne3A_1865 : vector<16xi1> to vector<16xi1>
      %ne3A_1867 = arith.xori %lt3A_1862, %ne3A_1866 : vector<16xi1>
      %and3A_1868 = arith.andi %ne3A_1867, %ne3A_1859 : vector<16xi1>
      %add3A_1869 = vector.broadcast %select_n3A_1854 : i32 to vector<16xi32>
      %add3A_1870 = arith.addi %rem3A_1856, %add3A_1869 : vector<16xi32>
      %select_n3A_1871 = arith.select %and3A_1868, %add3A_1870, %rem3A_1856 : vector<16xi1>, vector<16xi32>
      %eq3A_1872 = arith.constant 0 : i32
      %eq3A_1873 = vector.broadcast %eq3A_1872 : i32 to vector<16xi32>
      %eq3A_1874 = arith.cmpi eq, %select_n3A_1871, %eq3A_1873 : vector<16xi32>
      %jit3A_1875 = arith.constant 0.000000e+00 : f32
      %broadcast_in_dim3A_1876 = vector.broadcast %jit3A_1875 : f32 to vector<16xf32>
      %select_n3A_1877 = arith.select %eq3A_1874, %broadcast_in_dim3A_1876, %gather3A_1842 : vector<16xi1>, vector<16xf32>
      %eq3A_1878 = arith.constant 23 : i32
      %eq3A_1879 = vector.broadcast %eq3A_1878 : i32 to vector<16xi32>
      %eq3A_1880 = arith.cmpi eq, %select_n3A_1871, %eq3A_1879 : vector<16xi32>
      %jit3A_1881 = arith.constant 0.000000e+00 : f32
      %broadcast_in_dim3A_1882 = vector.broadcast %jit3A_1881 : f32 to vector<16xf32>
      %select_n3A_1883 = arith.select %eq3A_1880, %broadcast_in_dim3A_1882, %gather3A_1846 : vector<16xi1>, vector<16xf32>
      %mul3A_1884 = arith.constant 2.000000e+00 : f32
      %mul3A_1885 = vector.broadcast %mul3A_1884 : f32 to vector<16xf32>
      %mul3A_1886 = arith.mulf %mul3A_1885, %get3A_1838 : vector<16xf32>
      %add3A_1887 = arith.addf %select_n3A_1877, %mul3A_1886 : vector<16xf32>
      %add3A_1888 = arith.addf %add3A_1887, %select_n3A_1883 : vector<16xf32>
      %swap3A_1889 = arith.constant 208 : index
      %swap3A_1890 = tpu.vector_load %arg8[%swap3A_1889] {strides = array<i32>} : memref<576xf32, #tpu.memory_space<vmem>>, vector<16xf32>,
      tpu.vector_store %arg8[%swap3A_1889], %add3A_1888 {strides = array<i32>} : memref<576xf32, #tpu.memory_space<vmem>>, vector<16xf32>,
      %mul3A_1891 = arith.constant 1.024000e+03 : f32
      %mul3A_1892 = vector.broadcast %mul3A_1891 : f32 to vector<16xf32>
      %mul3A_1893 = arith.mulf %add3A_1888, %mul3A_1892 : vector<16xf32>
      %sub3A_1894 = arith.constant 3.670000e+02 : f32
      %sub3A_1895 = vector.broadcast %sub3A_1894 : f32 to vector<16xf32>
      %sub3A_1896 = arith.subf %sub3A_1895, %convert_element_type3A : vector<16xf32>
      %add3A_1897 = arith.addf %mul3A_1893, %sub3A_1896 : vector<16xf32>
      %swap3A_1898 = arith.constant 208 : index
      %swap3A_1899 = tpu.vector_load %arg9[%swap3A_1898] {strides = array<i32>} : memref<576xf32, #tpu.memory_space<vmem>>, vector<16xf32>,
      tpu.vector_store %arg9[%swap3A_1898], %add3A_1897 {strides = array<i32>} : memref<576xf32, #tpu.memory_space<vmem>>, vector<16xf32>,
      %reduce_max3A_1900 = arith.constant true
      %reduce_max3A_1901 = vector.broadcast %reduce_max3A_1900 : i1 to vector<16xi1>
      %reduce_max3A_1902 = tpu.scan <max>, %add3A_1897 masked %reduce_max3A_1901 : vector<16xf32>, vector<16xi1> -> vector<16xf32>
      %reduce_max3A_1903 = vector.extract %reduce_max3A_1902[15] : f32 from vector<16xf32>
      %eq3A_1904 = arith.constant 13 : i32
      %eq3A_1905 = vector.broadcast %eq3A_1904 : i32 to vector<16xi32>
      %eq3A_1906 = arith.cmpi eq, %iota3A, %eq3A_1905 : vector<16xi32>
      %broadcast_in_dim3A_1907 = vector.broadcast %reduce_max3A_1903 : f32 to vector<16xf32>
      %select_n3A_1908 = arith.select %eq3A_1906, %broadcast_in_dim3A_1907, %select_n3A_1836 : vector<16xi1>, vector<16xf32>
      %get3A_1909 = arith.constant 288 : index
      %get3A_1910 = tpu.vector_load %arg7[%get3A_1909] {strides = array<i32>} : memref<704xf32, #tpu.memory_space<vmem>>, vector<16xf32>,
      %broadcast_in_dim3A_1911 = arith.constant 287 : i32
      %broadcast_in_dim3A_1912 = vector.broadcast %broadcast_in_dim3A_1911 : i32 to vector<16xi32>
      %add3A_1913 = arith.addi %broadcast_in_dim3A_1912, %iota3A : vector<16xi32>
      %gather3A_1914 = tpu.vector_load_idx %arg7[%add3A_1913] : memref<704xf32, #tpu.memory_space<vmem>>[vector<16xi32>], vector<16xf32>,
      %broadcast_in_dim3A_1915 = arith.constant 289 : i32
      %broadcast_in_dim3A_1916 = vector.broadcast %broadcast_in_dim3A_1915 : i32 to vector<16xi32>
      %add3A_1917 = arith.addi %broadcast_in_dim3A_1916, %iota3A : vector<16xi32>
      %gather3A_1918 = tpu.vector_load_idx %arg7[%add3A_1917] : memref<704xf32, #tpu.memory_space<vmem>>[vector<16xi32>], vector<16xf32>,
      %add3A_1919 = arith.constant 224 : i32
      %add3A_1920 = vector.broadcast %add3A_1919 : i32 to vector<16xi32>
      %add3A_1921 = arith.addi %iota3A, %add3A_1920 : vector<16xi32>
      %jit3A_1922 = arith.constant 24 : i32
      %eq3A_1923 = arith.constant 0 : i32
      %eq3A_1924 = arith.cmpi eq, %jit3A_1922, %eq3A_1923 : i32
      %jit3A_1925 = arith.constant 1 : i32
      %select_n3A_1926 = arith.select %eq3A_1924, %jit3A_1925, %jit3A_1922 : i32
      %rem3A_1927 = vector.broadcast %select_n3A_1926 : i32 to vector<16xi32>
      %rem3A_1928 = arith.remsi %add3A_1921, %rem3A_1927 : vector<16xi32>
      %ne3A_1929 = arith.constant 0 : i32
      %ne3A_1930 = vector.broadcast %ne3A_1929 : i32 to vector<16xi32>
      %ne3A_1931 = arith.cmpi ne, %rem3A_1928, %ne3A_1930 : vector<16xi32>
      %lt3A_1932 = arith.constant 0 : i32
      %lt3A_1933 = vector.broadcast %lt3A_1932 : i32 to vector<16xi32>
      %lt3A_1934 = arith.cmpi slt, %rem3A_1928, %lt3A_1933 : vector<16xi32>
      %lt3A_1935 = arith.constant 0 : i32
      %lt3A_1936 = arith.cmpi slt, %select_n3A_1926, %lt3A_1935 : i32
      %ne3A_1937 = vector.broadcast %lt3A_1936 : i1 to vector<16xi1>
      %ne3A_1938 = vector.broadcast %ne3A_1937 : vector<16xi1> to vector<16xi1>
      %ne3A_1939 = arith.xori %lt3A_1934, %ne3A_1938 : vector<16xi1>
      %and3A_1940 = arith.andi %ne3A_1939, %ne3A_1931 : vector<16xi1>
      %add3A_1941 = vector.broadcast %select_n3A_1926 : i32 to vector<16xi32>
      %add3A_1942 = arith.addi %rem3A_1928, %add3A_1941 : vector<16xi32>
      %select_n3A_1943 = arith.select %and3A_1940, %add3A_1942, %rem3A_1928 : vector<16xi1>, vector<16xi32>
      %eq3A_1944 = arith.constant 0 : i32
      %eq3A_1945 = vector.broadcast %eq3A_1944 : i32 to vector<16xi32>
      %eq3A_1946 = arith.cmpi eq, %select_n3A_1943, %eq3A_1945 : vector<16xi32>
      %jit3A_1947 = arith.constant 0.000000e+00 : f32
      %broadcast_in_dim3A_1948 = vector.broadcast %jit3A_1947 : f32 to vector<16xf32>
      %select_n3A_1949 = arith.select %eq3A_1946, %broadcast_in_dim3A_1948, %gather3A_1914 : vector<16xi1>, vector<16xf32>
      %eq3A_1950 = arith.constant 23 : i32
      %eq3A_1951 = vector.broadcast %eq3A_1950 : i32 to vector<16xi32>
      %eq3A_1952 = arith.cmpi eq, %select_n3A_1943, %eq3A_1951 : vector<16xi32>
      %jit3A_1953 = arith.constant 0.000000e+00 : f32
      %broadcast_in_dim3A_1954 = vector.broadcast %jit3A_1953 : f32 to vector<16xf32>
      %select_n3A_1955 = arith.select %eq3A_1952, %broadcast_in_dim3A_1954, %gather3A_1918 : vector<16xi1>, vector<16xf32>
      %mul3A_1956 = arith.constant 2.000000e+00 : f32
      %mul3A_1957 = vector.broadcast %mul3A_1956 : f32 to vector<16xf32>
      %mul3A_1958 = arith.mulf %mul3A_1957, %get3A_1910 : vector<16xf32>
      %add3A_1959 = arith.addf %select_n3A_1949, %mul3A_1958 : vector<16xf32>
      %add3A_1960 = arith.addf %add3A_1959, %select_n3A_1955 : vector<16xf32>
      %swap3A_1961 = arith.constant 224 : index
      %swap3A_1962 = tpu.vector_load %arg8[%swap3A_1961] {strides = array<i32>} : memref<576xf32, #tpu.memory_space<vmem>>, vector<16xf32>,
      tpu.vector_store %arg8[%swap3A_1961], %add3A_1960 {strides = array<i32>} : memref<576xf32, #tpu.memory_space<vmem>>, vector<16xf32>,
      %mul3A_1963 = arith.constant 1.024000e+03 : f32
      %mul3A_1964 = vector.broadcast %mul3A_1963 : f32 to vector<16xf32>
      %mul3A_1965 = arith.mulf %add3A_1960, %mul3A_1964 : vector<16xf32>
      %sub3A_1966 = arith.constant 3.510000e+02 : f32
      %sub3A_1967 = vector.broadcast %sub3A_1966 : f32 to vector<16xf32>
      %sub3A_1968 = arith.subf %sub3A_1967, %convert_element_type3A : vector<16xf32>
      %add3A_1969 = arith.addf %mul3A_1965, %sub3A_1968 : vector<16xf32>
      %swap3A_1970 = arith.constant 224 : index
      %swap3A_1971 = tpu.vector_load %arg9[%swap3A_1970] {strides = array<i32>} : memref<576xf32, #tpu.memory_space<vmem>>, vector<16xf32>,
      tpu.vector_store %arg9[%swap3A_1970], %add3A_1969 {strides = array<i32>} : memref<576xf32, #tpu.memory_space<vmem>>, vector<16xf32>,
      %reduce_max3A_1972 = arith.constant true
      %reduce_max3A_1973 = vector.broadcast %reduce_max3A_1972 : i1 to vector<16xi1>
      %reduce_max3A_1974 = tpu.scan <max>, %add3A_1969 masked %reduce_max3A_1973 : vector<16xf32>, vector<16xi1> -> vector<16xf32>
      %reduce_max3A_1975 = vector.extract %reduce_max3A_1974[15] : f32 from vector<16xf32>
      %eq3A_1976 = arith.constant 14 : i32
      %eq3A_1977 = vector.broadcast %eq3A_1976 : i32 to vector<16xi32>
      %eq3A_1978 = arith.cmpi eq, %iota3A, %eq3A_1977 : vector<16xi32>
      %broadcast_in_dim3A_1979 = vector.broadcast %reduce_max3A_1975 : f32 to vector<16xf32>
      %select_n3A_1980 = arith.select %eq3A_1978, %broadcast_in_dim3A_1979, %select_n3A_1908 : vector<16xi1>, vector<16xf32>
      %get3A_1981 = arith.constant 304 : index
      %get3A_1982 = tpu.vector_load %arg7[%get3A_1981] {strides = array<i32>} : memref<704xf32, #tpu.memory_space<vmem>>, vector<16xf32>,
      %broadcast_in_dim3A_1983 = arith.constant 303 : i32
      %broadcast_in_dim3A_1984 = vector.broadcast %broadcast_in_dim3A_1983 : i32 to vector<16xi32>
      %add3A_1985 = arith.addi %broadcast_in_dim3A_1984, %iota3A : vector<16xi32>
      %gather3A_1986 = tpu.vector_load_idx %arg7[%add3A_1985] : memref<704xf32, #tpu.memory_space<vmem>>[vector<16xi32>], vector<16xf32>,
      %broadcast_in_dim3A_1987 = arith.constant 305 : i32
      %broadcast_in_dim3A_1988 = vector.broadcast %broadcast_in_dim3A_1987 : i32 to vector<16xi32>
      %add3A_1989 = arith.addi %broadcast_in_dim3A_1988, %iota3A : vector<16xi32>
      %gather3A_1990 = tpu.vector_load_idx %arg7[%add3A_1989] : memref<704xf32, #tpu.memory_space<vmem>>[vector<16xi32>], vector<16xf32>,
      %add3A_1991 = arith.constant 240 : i32
      %add3A_1992 = vector.broadcast %add3A_1991 : i32 to vector<16xi32>
      %add3A_1993 = arith.addi %iota3A, %add3A_1992 : vector<16xi32>
      %jit3A_1994 = arith.constant 24 : i32
      %eq3A_1995 = arith.constant 0 : i32
      %eq3A_1996 = arith.cmpi eq, %jit3A_1994, %eq3A_1995 : i32
      %jit3A_1997 = arith.constant 1 : i32
      %select_n3A_1998 = arith.select %eq3A_1996, %jit3A_1997, %jit3A_1994 : i32
      %rem3A_1999 = vector.broadcast %select_n3A_1998 : i32 to vector<16xi32>
      %rem3A_2000 = arith.remsi %add3A_1993, %rem3A_1999 : vector<16xi32>
      %ne3A_2001 = arith.constant 0 : i32
      %ne3A_2002 = vector.broadcast %ne3A_2001 : i32 to vector<16xi32>
      %ne3A_2003 = arith.cmpi ne, %rem3A_2000, %ne3A_2002 : vector<16xi32>
      %lt3A_2004 = arith.constant 0 : i32
      %lt3A_2005 = vector.broadcast %lt3A_2004 : i32 to vector<16xi32>
      %lt3A_2006 = arith.cmpi slt, %rem3A_2000, %lt3A_2005 : vector<16xi32>
      %lt3A_2007 = arith.constant 0 : i32
      %lt3A_2008 = arith.cmpi slt, %select_n3A_1998, %lt3A_2007 : i32
      %ne3A_2009 = vector.broadcast %lt3A_2008 : i1 to vector<16xi1>
      %ne3A_2010 = vector.broadcast %ne3A_2009 : vector<16xi1> to vector<16xi1>
      %ne3A_2011 = arith.xori %lt3A_2006, %ne3A_2010 : vector<16xi1>
      %and3A_2012 = arith.andi %ne3A_2011, %ne3A_2003 : vector<16xi1>
      %add3A_2013 = vector.broadcast %select_n3A_1998 : i32 to vector<16xi32>
      %add3A_2014 = arith.addi %rem3A_2000, %add3A_2013 : vector<16xi32>
      %select_n3A_2015 = arith.select %and3A_2012, %add3A_2014, %rem3A_2000 : vector<16xi1>, vector<16xi32>
      %eq3A_2016 = arith.constant 0 : i32
      %eq3A_2017 = vector.broadcast %eq3A_2016 : i32 to vector<16xi32>
      %eq3A_2018 = arith.cmpi eq, %select_n3A_2015, %eq3A_2017 : vector<16xi32>
      %jit3A_2019 = arith.constant 0.000000e+00 : f32
      %broadcast_in_dim3A_2020 = vector.broadcast %jit3A_2019 : f32 to vector<16xf32>
      %select_n3A_2021 = arith.select %eq3A_2018, %broadcast_in_dim3A_2020, %gather3A_1986 : vector<16xi1>, vector<16xf32>
      %eq3A_2022 = arith.constant 23 : i32
      %eq3A_2023 = vector.broadcast %eq3A_2022 : i32 to vector<16xi32>
      %eq3A_2024 = arith.cmpi eq, %select_n3A_2015, %eq3A_2023 : vector<16xi32>
      %jit3A_2025 = arith.constant 0.000000e+00 : f32
      %broadcast_in_dim3A_2026 = vector.broadcast %jit3A_2025 : f32 to vector<16xf32>
      %select_n3A_2027 = arith.select %eq3A_2024, %broadcast_in_dim3A_2026, %gather3A_1990 : vector<16xi1>, vector<16xf32>
      %mul3A_2028 = arith.constant 2.000000e+00 : f32
      %mul3A_2029 = vector.broadcast %mul3A_2028 : f32 to vector<16xf32>
      %mul3A_2030 = arith.mulf %mul3A_2029, %get3A_1982 : vector<16xf32>
      %add3A_2031 = arith.addf %select_n3A_2021, %mul3A_2030 : vector<16xf32>
      %add3A_2032 = arith.addf %add3A_2031, %select_n3A_2027 : vector<16xf32>
      %swap3A_2033 = arith.constant 240 : index
      %swap3A_2034 = tpu.vector_load %arg8[%swap3A_2033] {strides = array<i32>} : memref<576xf32, #tpu.memory_space<vmem>>, vector<16xf32>,
      tpu.vector_store %arg8[%swap3A_2033], %add3A_2032 {strides = array<i32>} : memref<576xf32, #tpu.memory_space<vmem>>, vector<16xf32>,
      %mul3A_2035 = arith.constant 1.024000e+03 : f32
      %mul3A_2036 = vector.broadcast %mul3A_2035 : f32 to vector<16xf32>
      %mul3A_2037 = arith.mulf %add3A_2032, %mul3A_2036 : vector<16xf32>
      %sub3A_2038 = arith.constant 3.350000e+02 : f32
      %sub3A_2039 = vector.broadcast %sub3A_2038 : f32 to vector<16xf32>
      %sub3A_2040 = arith.subf %sub3A_2039, %convert_element_type3A : vector<16xf32>
      %add3A_2041 = arith.addf %mul3A_2037, %sub3A_2040 : vector<16xf32>
      %swap3A_2042 = arith.constant 240 : index
      %swap3A_2043 = tpu.vector_load %arg9[%swap3A_2042] {strides = array<i32>} : memref<576xf32, #tpu.memory_space<vmem>>, vector<16xf32>,
      tpu.vector_store %arg9[%swap3A_2042], %add3A_2041 {strides = array<i32>} : memref<576xf32, #tpu.memory_space<vmem>>, vector<16xf32>,
      %reduce_max3A_2044 = arith.constant true
      %reduce_max3A_2045 = vector.broadcast %reduce_max3A_2044 : i1 to vector<16xi1>
      %reduce_max3A_2046 = tpu.scan <max>, %add3A_2041 masked %reduce_max3A_2045 : vector<16xf32>, vector<16xi1> -> vector<16xf32>
      %reduce_max3A_2047 = vector.extract %reduce_max3A_2046[15] : f32 from vector<16xf32>
      %eq3A_2048 = arith.constant 15 : i32
      %eq3A_2049 = vector.broadcast %eq3A_2048 : i32 to vector<16xi32>
      %eq3A_2050 = arith.cmpi eq, %iota3A, %eq3A_2049 : vector<16xi32>
      %broadcast_in_dim3A_2051 = vector.broadcast %reduce_max3A_2047 : f32 to vector<16xf32>
      %select_n3A_2052 = arith.select %eq3A_2050, %broadcast_in_dim3A_2051, %select_n3A_1980 : vector<16xi1>, vector<16xf32>
      %get3A_2053 = arith.constant 320 : index
      %get3A_2054 = tpu.vector_load %arg7[%get3A_2053] {strides = array<i32>} : memref<704xf32, #tpu.memory_space<vmem>>, vector<16xf32>,
      %broadcast_in_dim3A_2055 = arith.constant 319 : i32
      %broadcast_in_dim3A_2056 = vector.broadcast %broadcast_in_dim3A_2055 : i32 to vector<16xi32>
      %add3A_2057 = arith.addi %broadcast_in_dim3A_2056, %iota3A : vector<16xi32>
      %gather3A_2058 = tpu.vector_load_idx %arg7[%add3A_2057] : memref<704xf32, #tpu.memory_space<vmem>>[vector<16xi32>], vector<16xf32>,
      %broadcast_in_dim3A_2059 = arith.constant 321 : i32
      %broadcast_in_dim3A_2060 = vector.broadcast %broadcast_in_dim3A_2059 : i32 to vector<16xi32>
      %add3A_2061 = arith.addi %broadcast_in_dim3A_2060, %iota3A : vector<16xi32>
      %gather3A_2062 = tpu.vector_load_idx %arg7[%add3A_2061] : memref<704xf32, #tpu.memory_space<vmem>>[vector<16xi32>], vector<16xf32>,
      %add3A_2063 = arith.constant 256 : i32
      %add3A_2064 = vector.broadcast %add3A_2063 : i32 to vector<16xi32>
      %add3A_2065 = arith.addi %iota3A, %add3A_2064 : vector<16xi32>
      %jit3A_2066 = arith.constant 24 : i32
      %eq3A_2067 = arith.constant 0 : i32
      %eq3A_2068 = arith.cmpi eq, %jit3A_2066, %eq3A_2067 : i32
      %jit3A_2069 = arith.constant 1 : i32
      %select_n3A_2070 = arith.select %eq3A_2068, %jit3A_2069, %jit3A_2066 : i32
      %rem3A_2071 = vector.broadcast %select_n3A_2070 : i32 to vector<16xi32>
      %rem3A_2072 = arith.remsi %add3A_2065, %rem3A_2071 : vector<16xi32>
      %ne3A_2073 = arith.constant 0 : i32
      %ne3A_2074 = vector.broadcast %ne3A_2073 : i32 to vector<16xi32>
      %ne3A_2075 = arith.cmpi ne, %rem3A_2072, %ne3A_2074 : vector<16xi32>
      %lt3A_2076 = arith.constant 0 : i32
      %lt3A_2077 = vector.broadcast %lt3A_2076 : i32 to vector<16xi32>
      %lt3A_2078 = arith.cmpi slt, %rem3A_2072, %lt3A_2077 : vector<16xi32>
      %lt3A_2079 = arith.constant 0 : i32
      %lt3A_2080 = arith.cmpi slt, %select_n3A_2070, %lt3A_2079 : i32
      %ne3A_2081 = vector.broadcast %lt3A_2080 : i1 to vector<16xi1>
      %ne3A_2082 = vector.broadcast %ne3A_2081 : vector<16xi1> to vector<16xi1>
      %ne3A_2083 = arith.xori %lt3A_2078, %ne3A_2082 : vector<16xi1>
      %and3A_2084 = arith.andi %ne3A_2083, %ne3A_2075 : vector<16xi1>
      %add3A_2085 = vector.broadcast %select_n3A_2070 : i32 to vector<16xi32>
      %add3A_2086 = arith.addi %rem3A_2072, %add3A_2085 : vector<16xi32>
      %select_n3A_2087 = arith.select %and3A_2084, %add3A_2086, %rem3A_2072 : vector<16xi1>, vector<16xi32>
      %eq3A_2088 = arith.constant 0 : i32
      %eq3A_2089 = vector.broadcast %eq3A_2088 : i32 to vector<16xi32>
      %eq3A_2090 = arith.cmpi eq, %select_n3A_2087, %eq3A_2089 : vector<16xi32>
      %jit3A_2091 = arith.constant 0.000000e+00 : f32
      %broadcast_in_dim3A_2092 = vector.broadcast %jit3A_2091 : f32 to vector<16xf32>
      %select_n3A_2093 = arith.select %eq3A_2090, %broadcast_in_dim3A_2092, %gather3A_2058 : vector<16xi1>, vector<16xf32>
      %eq3A_2094 = arith.constant 23 : i32
      %eq3A_2095 = vector.broadcast %eq3A_2094 : i32 to vector<16xi32>
      %eq3A_2096 = arith.cmpi eq, %select_n3A_2087, %eq3A_2095 : vector<16xi32>
      %jit3A_2097 = arith.constant 0.000000e+00 : f32
      %broadcast_in_dim3A_2098 = vector.broadcast %jit3A_2097 : f32 to vector<16xf32>
      %select_n3A_2099 = arith.select %eq3A_2096, %broadcast_in_dim3A_2098, %gather3A_2062 : vector<16xi1>, vector<16xf32>
      %mul3A_2100 = arith.constant 2.000000e+00 : f32
      %mul3A_2101 = vector.broadcast %mul3A_2100 : f32 to vector<16xf32>
      %mul3A_2102 = arith.mulf %mul3A_2101, %get3A_2054 : vector<16xf32>
      %add3A_2103 = arith.addf %select_n3A_2093, %mul3A_2102 : vector<16xf32>
      %add3A_2104 = arith.addf %add3A_2103, %select_n3A_2099 : vector<16xf32>
      %swap3A_2105 = arith.constant 256 : index
      %swap3A_2106 = tpu.vector_load %arg8[%swap3A_2105] {strides = array<i32>} : memref<576xf32, #tpu.memory_space<vmem>>, vector<16xf32>,
      tpu.vector_store %arg8[%swap3A_2105], %add3A_2104 {strides = array<i32>} : memref<576xf32, #tpu.memory_space<vmem>>, vector<16xf32>,
      %mul3A_2107 = arith.constant 1.024000e+03 : f32
      %mul3A_2108 = vector.broadcast %mul3A_2107 : f32 to vector<16xf32>
      %mul3A_2109 = arith.mulf %add3A_2104, %mul3A_2108 : vector<16xf32>
      %sub3A_2110 = arith.constant 3.190000e+02 : f32
      %sub3A_2111 = vector.broadcast %sub3A_2110 : f32 to vector<16xf32>
      %sub3A_2112 = arith.subf %sub3A_2111, %convert_element_type3A : vector<16xf32>
      %add3A_2113 = arith.addf %mul3A_2109, %sub3A_2112 : vector<16xf32>
      %swap3A_2114 = arith.constant 256 : index
      %swap3A_2115 = tpu.vector_load %arg9[%swap3A_2114] {strides = array<i32>} : memref<576xf32, #tpu.memory_space<vmem>>, vector<16xf32>,
      tpu.vector_store %arg9[%swap3A_2114], %add3A_2113 {strides = array<i32>} : memref<576xf32, #tpu.memory_space<vmem>>, vector<16xf32>,
      %reduce_max3A_2116 = arith.constant true
      %reduce_max3A_2117 = vector.broadcast %reduce_max3A_2116 : i1 to vector<16xi1>
      %reduce_max3A_2118 = tpu.scan <max>, %add3A_2113 masked %reduce_max3A_2117 : vector<16xf32>, vector<16xi1> -> vector<16xf32>
      %reduce_max3A_2119 = vector.extract %reduce_max3A_2118[15] : f32 from vector<16xf32>
      %eq3A_2120 = arith.constant 0 : i32
      %eq3A_2121 = vector.broadcast %eq3A_2120 : i32 to vector<16xi32>
      %eq3A_2122 = arith.cmpi eq, %iota3A, %eq3A_2121 : vector<16xi32>
      %broadcast_in_dim3A_2123 = vector.broadcast %reduce_max3A_2119 : f32 to vector<16xf32>
      %select_n3A_2124 = arith.select %eq3A_2122, %broadcast_in_dim3A_2123, %broadcast_in_dim3A_37 : vector<16xi1>, vector<16xf32>
      %get3A_2125 = arith.constant 336 : index
      %get3A_2126 = tpu.vector_load %arg7[%get3A_2125] {strides = array<i32>} : memref<704xf32, #tpu.memory_space<vmem>>, vector<16xf32>,
      %broadcast_in_dim3A_2127 = arith.constant 335 : i32
      %broadcast_in_dim3A_2128 = vector.broadcast %broadcast_in_dim3A_2127 : i32 to vector<16xi32>
      %add3A_2129 = arith.addi %broadcast_in_dim3A_2128, %iota3A : vector<16xi32>
      %gather3A_2130 = tpu.vector_load_idx %arg7[%add3A_2129] : memref<704xf32, #tpu.memory_space<vmem>>[vector<16xi32>], vector<16xf32>,
      %broadcast_in_dim3A_2131 = arith.constant 337 : i32
      %broadcast_in_dim3A_2132 = vector.broadcast %broadcast_in_dim3A_2131 : i32 to vector<16xi32>
      %add3A_2133 = arith.addi %broadcast_in_dim3A_2132, %iota3A : vector<16xi32>
      %gather3A_2134 = tpu.vector_load_idx %arg7[%add3A_2133] : memref<704xf32, #tpu.memory_space<vmem>>[vector<16xi32>], vector<16xf32>,
      %add3A_2135 = arith.constant 272 : i32
      %add3A_2136 = vector.broadcast %add3A_2135 : i32 to vector<16xi32>
      %add3A_2137 = arith.addi %iota3A, %add3A_2136 : vector<16xi32>
      %jit3A_2138 = arith.constant 24 : i32
      %eq3A_2139 = arith.constant 0 : i32
      %eq3A_2140 = arith.cmpi eq, %jit3A_2138, %eq3A_2139 : i32
      %jit3A_2141 = arith.constant 1 : i32
      %select_n3A_2142 = arith.select %eq3A_2140, %jit3A_2141, %jit3A_2138 : i32
      %rem3A_2143 = vector.broadcast %select_n3A_2142 : i32 to vector<16xi32>
      %rem3A_2144 = arith.remsi %add3A_2137, %rem3A_2143 : vector<16xi32>
      %ne3A_2145 = arith.constant 0 : i32
      %ne3A_2146 = vector.broadcast %ne3A_2145 : i32 to vector<16xi32>
      %ne3A_2147 = arith.cmpi ne, %rem3A_2144, %ne3A_2146 : vector<16xi32>
      %lt3A_2148 = arith.constant 0 : i32
      %lt3A_2149 = vector.broadcast %lt3A_2148 : i32 to vector<16xi32>
      %lt3A_2150 = arith.cmpi slt, %rem3A_2144, %lt3A_2149 : vector<16xi32>
      %lt3A_2151 = arith.constant 0 : i32
      %lt3A_2152 = arith.cmpi slt, %select_n3A_2142, %lt3A_2151 : i32
      %ne3A_2153 = vector.broadcast %lt3A_2152 : i1 to vector<16xi1>
      %ne3A_2154 = vector.broadcast %ne3A_2153 : vector<16xi1> to vector<16xi1>
      %ne3A_2155 = arith.xori %lt3A_2150, %ne3A_2154 : vector<16xi1>
      %and3A_2156 = arith.andi %ne3A_2155, %ne3A_2147 : vector<16xi1>
      %add3A_2157 = vector.broadcast %select_n3A_2142 : i32 to vector<16xi32>
      %add3A_2158 = arith.addi %rem3A_2144, %add3A_2157 : vector<16xi32>
      %select_n3A_2159 = arith.select %and3A_2156, %add3A_2158, %rem3A_2144 : vector<16xi1>, vector<16xi32>
      %eq3A_2160 = arith.constant 0 : i32
      %eq3A_2161 = vector.broadcast %eq3A_2160 : i32 to vector<16xi32>
      %eq3A_2162 = arith.cmpi eq, %select_n3A_2159, %eq3A_2161 : vector<16xi32>
      %jit3A_2163 = arith.constant 0.000000e+00 : f32
      %broadcast_in_dim3A_2164 = vector.broadcast %jit3A_2163 : f32 to vector<16xf32>
      %select_n3A_2165 = arith.select %eq3A_2162, %broadcast_in_dim3A_2164, %gather3A_2130 : vector<16xi1>, vector<16xf32>
      %eq3A_2166 = arith.constant 23 : i32
      %eq3A_2167 = vector.broadcast %eq3A_2166 : i32 to vector<16xi32>
      %eq3A_2168 = arith.cmpi eq, %select_n3A_2159, %eq3A_2167 : vector<16xi32>
      %jit3A_2169 = arith.constant 0.000000e+00 : f32
      %broadcast_in_dim3A_2170 = vector.broadcast %jit3A_2169 : f32 to vector<16xf32>
      %select_n3A_2171 = arith.select %eq3A_2168, %broadcast_in_dim3A_2170, %gather3A_2134 : vector<16xi1>, vector<16xf32>
      %mul3A_2172 = arith.constant 2.000000e+00 : f32
      %mul3A_2173 = vector.broadcast %mul3A_2172 : f32 to vector<16xf32>
      %mul3A_2174 = arith.mulf %mul3A_2173, %get3A_2126 : vector<16xf32>
      %add3A_2175 = arith.addf %select_n3A_2165, %mul3A_2174 : vector<16xf32>
      %add3A_2176 = arith.addf %add3A_2175, %select_n3A_2171 : vector<16xf32>
      %swap3A_2177 = arith.constant 272 : index
      %swap3A_2178 = tpu.vector_load %arg8[%swap3A_2177] {strides = array<i32>} : memref<576xf32, #tpu.memory_space<vmem>>, vector<16xf32>,
      tpu.vector_store %arg8[%swap3A_2177], %add3A_2176 {strides = array<i32>} : memref<576xf32, #tpu.memory_space<vmem>>, vector<16xf32>,
      %mul3A_2179 = arith.constant 1.024000e+03 : f32
      %mul3A_2180 = vector.broadcast %mul3A_2179 : f32 to vector<16xf32>
      %mul3A_2181 = arith.mulf %add3A_2176, %mul3A_2180 : vector<16xf32>
      %sub3A_2182 = arith.constant 3.030000e+02 : f32
      %sub3A_2183 = vector.broadcast %sub3A_2182 : f32 to vector<16xf32>
      %sub3A_2184 = arith.subf %sub3A_2183, %convert_element_type3A : vector<16xf32>
      %add3A_2185 = arith.addf %mul3A_2181, %sub3A_2184 : vector<16xf32>
      %swap3A_2186 = arith.constant 272 : index
      %swap3A_2187 = tpu.vector_load %arg9[%swap3A_2186] {strides = array<i32>} : memref<576xf32, #tpu.memory_space<vmem>>, vector<16xf32>,
      tpu.vector_store %arg9[%swap3A_2186], %add3A_2185 {strides = array<i32>} : memref<576xf32, #tpu.memory_space<vmem>>, vector<16xf32>,
      %reduce_max3A_2188 = arith.constant true
      %reduce_max3A_2189 = vector.broadcast %reduce_max3A_2188 : i1 to vector<16xi1>
      %reduce_max3A_2190 = tpu.scan <max>, %add3A_2185 masked %reduce_max3A_2189 : vector<16xf32>, vector<16xi1> -> vector<16xf32>
      %reduce_max3A_2191 = vector.extract %reduce_max3A_2190[15] : f32 from vector<16xf32>
      %eq3A_2192 = arith.constant 1 : i32
      %eq3A_2193 = vector.broadcast %eq3A_2192 : i32 to vector<16xi32>
      %eq3A_2194 = arith.cmpi eq, %iota3A, %eq3A_2193 : vector<16xi32>
      %broadcast_in_dim3A_2195 = vector.broadcast %reduce_max3A_2191 : f32 to vector<16xf32>
      %select_n3A_2196 = arith.select %eq3A_2194, %broadcast_in_dim3A_2195, %select_n3A_2124 : vector<16xi1>, vector<16xf32>
      %get3A_2197 = arith.constant 352 : index
      %get3A_2198 = tpu.vector_load %arg7[%get3A_2197] {strides = array<i32>} : memref<704xf32, #tpu.memory_space<vmem>>, vector<16xf32>,
      %broadcast_in_dim3A_2199 = arith.constant 351 : i32
      %broadcast_in_dim3A_2200 = vector.broadcast %broadcast_in_dim3A_2199 : i32 to vector<16xi32>
      %add3A_2201 = arith.addi %broadcast_in_dim3A_2200, %iota3A : vector<16xi32>
      %gather3A_2202 = tpu.vector_load_idx %arg7[%add3A_2201] : memref<704xf32, #tpu.memory_space<vmem>>[vector<16xi32>], vector<16xf32>,
      %broadcast_in_dim3A_2203 = arith.constant 353 : i32
      %broadcast_in_dim3A_2204 = vector.broadcast %broadcast_in_dim3A_2203 : i32 to vector<16xi32>
      %add3A_2205 = arith.addi %broadcast_in_dim3A_2204, %iota3A : vector<16xi32>
      %gather3A_2206 = tpu.vector_load_idx %arg7[%add3A_2205] : memref<704xf32, #tpu.memory_space<vmem>>[vector<16xi32>], vector<16xf32>,
      %add3A_2207 = arith.constant 288 : i32
      %add3A_2208 = vector.broadcast %add3A_2207 : i32 to vector<16xi32>
      %add3A_2209 = arith.addi %iota3A, %add3A_2208 : vector<16xi32>
      %jit3A_2210 = arith.constant 24 : i32
      %eq3A_2211 = arith.constant 0 : i32
      %eq3A_2212 = arith.cmpi eq, %jit3A_2210, %eq3A_2211 : i32
      %jit3A_2213 = arith.constant 1 : i32
      %select_n3A_2214 = arith.select %eq3A_2212, %jit3A_2213, %jit3A_2210 : i32
      %rem3A_2215 = vector.broadcast %select_n3A_2214 : i32 to vector<16xi32>
      %rem3A_2216 = arith.remsi %add3A_2209, %rem3A_2215 : vector<16xi32>
      %ne3A_2217 = arith.constant 0 : i32
      %ne3A_2218 = vector.broadcast %ne3A_2217 : i32 to vector<16xi32>
      %ne3A_2219 = arith.cmpi ne, %rem3A_2216, %ne3A_2218 : vector<16xi32>
      %lt3A_2220 = arith.constant 0 : i32
      %lt3A_2221 = vector.broadcast %lt3A_2220 : i32 to vector<16xi32>
      %lt3A_2222 = arith.cmpi slt, %rem3A_2216, %lt3A_2221 : vector<16xi32>
      %lt3A_2223 = arith.constant 0 : i32
      %lt3A_2224 = arith.cmpi slt, %select_n3A_2214, %lt3A_2223 : i32
      %ne3A_2225 = vector.broadcast %lt3A_2224 : i1 to vector<16xi1>
      %ne3A_2226 = vector.broadcast %ne3A_2225 : vector<16xi1> to vector<16xi1>
      %ne3A_2227 = arith.xori %lt3A_2222, %ne3A_2226 : vector<16xi1>
      %and3A_2228 = arith.andi %ne3A_2227, %ne3A_2219 : vector<16xi1>
      %add3A_2229 = vector.broadcast %select_n3A_2214 : i32 to vector<16xi32>
      %add3A_2230 = arith.addi %rem3A_2216, %add3A_2229 : vector<16xi32>
      %select_n3A_2231 = arith.select %and3A_2228, %add3A_2230, %rem3A_2216 : vector<16xi1>, vector<16xi32>
      %eq3A_2232 = arith.constant 0 : i32
      %eq3A_2233 = vector.broadcast %eq3A_2232 : i32 to vector<16xi32>
      %eq3A_2234 = arith.cmpi eq, %select_n3A_2231, %eq3A_2233 : vector<16xi32>
      %jit3A_2235 = arith.constant 0.000000e+00 : f32
      %broadcast_in_dim3A_2236 = vector.broadcast %jit3A_2235 : f32 to vector<16xf32>
      %select_n3A_2237 = arith.select %eq3A_2234, %broadcast_in_dim3A_2236, %gather3A_2202 : vector<16xi1>, vector<16xf32>
      %eq3A_2238 = arith.constant 23 : i32
      %eq3A_2239 = vector.broadcast %eq3A_2238 : i32 to vector<16xi32>
      %eq3A_2240 = arith.cmpi eq, %select_n3A_2231, %eq3A_2239 : vector<16xi32>
      %jit3A_2241 = arith.constant 0.000000e+00 : f32
      %broadcast_in_dim3A_2242 = vector.broadcast %jit3A_2241 : f32 to vector<16xf32>
      %select_n3A_2243 = arith.select %eq3A_2240, %broadcast_in_dim3A_2242, %gather3A_2206 : vector<16xi1>, vector<16xf32>
      %mul3A_2244 = arith.constant 2.000000e+00 : f32
      %mul3A_2245 = vector.broadcast %mul3A_2244 : f32 to vector<16xf32>
      %mul3A_2246 = arith.mulf %mul3A_2245, %get3A_2198 : vector<16xf32>
      %add3A_2247 = arith.addf %select_n3A_2237, %mul3A_2246 : vector<16xf32>
      %add3A_2248 = arith.addf %add3A_2247, %select_n3A_2243 : vector<16xf32>
      %swap3A_2249 = arith.constant 288 : index
      %swap3A_2250 = tpu.vector_load %arg8[%swap3A_2249] {strides = array<i32>} : memref<576xf32, #tpu.memory_space<vmem>>, vector<16xf32>,
      tpu.vector_store %arg8[%swap3A_2249], %add3A_2248 {strides = array<i32>} : memref<576xf32, #tpu.memory_space<vmem>>, vector<16xf32>,
      %mul3A_2251 = arith.constant 1.024000e+03 : f32
      %mul3A_2252 = vector.broadcast %mul3A_2251 : f32 to vector<16xf32>
      %mul3A_2253 = arith.mulf %add3A_2248, %mul3A_2252 : vector<16xf32>
      %sub3A_2254 = arith.constant 2.870000e+02 : f32
      %sub3A_2255 = vector.broadcast %sub3A_2254 : f32 to vector<16xf32>
      %sub3A_2256 = arith.subf %sub3A_2255, %convert_element_type3A : vector<16xf32>
      %add3A_2257 = arith.addf %mul3A_2253, %sub3A_2256 : vector<16xf32>
      %swap3A_2258 = arith.constant 288 : index
      %swap3A_2259 = tpu.vector_load %arg9[%swap3A_2258] {strides = array<i32>} : memref<576xf32, #tpu.memory_space<vmem>>, vector<16xf32>,
      tpu.vector_store %arg9[%swap3A_2258], %add3A_2257 {strides = array<i32>} : memref<576xf32, #tpu.memory_space<vmem>>, vector<16xf32>,
      %reduce_max3A_2260 = arith.constant true
      %reduce_max3A_2261 = vector.broadcast %reduce_max3A_2260 : i1 to vector<16xi1>
      %reduce_max3A_2262 = tpu.scan <max>, %add3A_2257 masked %reduce_max3A_2261 : vector<16xf32>, vector<16xi1> -> vector<16xf32>
      %reduce_max3A_2263 = vector.extract %reduce_max3A_2262[15] : f32 from vector<16xf32>
      %eq3A_2264 = arith.constant 2 : i32
      %eq3A_2265 = vector.broadcast %eq3A_2264 : i32 to vector<16xi32>
      %eq3A_2266 = arith.cmpi eq, %iota3A, %eq3A_2265 : vector<16xi32>
      %broadcast_in_dim3A_2267 = vector.broadcast %reduce_max3A_2263 : f32 to vector<16xf32>
      %select_n3A_2268 = arith.select %eq3A_2266, %broadcast_in_dim3A_2267, %select_n3A_2196 : vector<16xi1>, vector<16xf32>
      %get3A_2269 = arith.constant 368 : index
      %get3A_2270 = tpu.vector_load %arg7[%get3A_2269] {strides = array<i32>} : memref<704xf32, #tpu.memory_space<vmem>>, vector<16xf32>,
      %broadcast_in_dim3A_2271 = arith.constant 367 : i32
      %broadcast_in_dim3A_2272 = vector.broadcast %broadcast_in_dim3A_2271 : i32 to vector<16xi32>
      %add3A_2273 = arith.addi %broadcast_in_dim3A_2272, %iota3A : vector<16xi32>
      %gather3A_2274 = tpu.vector_load_idx %arg7[%add3A_2273] : memref<704xf32, #tpu.memory_space<vmem>>[vector<16xi32>], vector<16xf32>,
      %broadcast_in_dim3A_2275 = arith.constant 369 : i32
      %broadcast_in_dim3A_2276 = vector.broadcast %broadcast_in_dim3A_2275 : i32 to vector<16xi32>
      %add3A_2277 = arith.addi %broadcast_in_dim3A_2276, %iota3A : vector<16xi32>
      %gather3A_2278 = tpu.vector_load_idx %arg7[%add3A_2277] : memref<704xf32, #tpu.memory_space<vmem>>[vector<16xi32>], vector<16xf32>,
      %add3A_2279 = arith.constant 304 : i32
      %add3A_2280 = vector.broadcast %add3A_2279 : i32 to vector<16xi32>
      %add3A_2281 = arith.addi %iota3A, %add3A_2280 : vector<16xi32>
      %jit3A_2282 = arith.constant 24 : i32
      %eq3A_2283 = arith.constant 0 : i32
      %eq3A_2284 = arith.cmpi eq, %jit3A_2282, %eq3A_2283 : i32
      %jit3A_2285 = arith.constant 1 : i32
      %select_n3A_2286 = arith.select %eq3A_2284, %jit3A_2285, %jit3A_2282 : i32
      %rem3A_2287 = vector.broadcast %select_n3A_2286 : i32 to vector<16xi32>
      %rem3A_2288 = arith.remsi %add3A_2281, %rem3A_2287 : vector<16xi32>
      %ne3A_2289 = arith.constant 0 : i32
      %ne3A_2290 = vector.broadcast %ne3A_2289 : i32 to vector<16xi32>
      %ne3A_2291 = arith.cmpi ne, %rem3A_2288, %ne3A_2290 : vector<16xi32>
      %lt3A_2292 = arith.constant 0 : i32
      %lt3A_2293 = vector.broadcast %lt3A_2292 : i32 to vector<16xi32>
      %lt3A_2294 = arith.cmpi slt, %rem3A_2288, %lt3A_2293 : vector<16xi32>
      %lt3A_2295 = arith.constant 0 : i32
      %lt3A_2296 = arith.cmpi slt, %select_n3A_2286, %lt3A_2295 : i32
      %ne3A_2297 = vector.broadcast %lt3A_2296 : i1 to vector<16xi1>
      %ne3A_2298 = vector.broadcast %ne3A_2297 : vector<16xi1> to vector<16xi1>
      %ne3A_2299 = arith.xori %lt3A_2294, %ne3A_2298 : vector<16xi1>
      %and3A_2300 = arith.andi %ne3A_2299, %ne3A_2291 : vector<16xi1>
      %add3A_2301 = vector.broadcast %select_n3A_2286 : i32 to vector<16xi32>
      %add3A_2302 = arith.addi %rem3A_2288, %add3A_2301 : vector<16xi32>
      %select_n3A_2303 = arith.select %and3A_2300, %add3A_2302, %rem3A_2288 : vector<16xi1>, vector<16xi32>
      %eq3A_2304 = arith.constant 0 : i32
      %eq3A_2305 = vector.broadcast %eq3A_2304 : i32 to vector<16xi32>
      %eq3A_2306 = arith.cmpi eq, %select_n3A_2303, %eq3A_2305 : vector<16xi32>
      %jit3A_2307 = arith.constant 0.000000e+00 : f32
      %broadcast_in_dim3A_2308 = vector.broadcast %jit3A_2307 : f32 to vector<16xf32>
      %select_n3A_2309 = arith.select %eq3A_2306, %broadcast_in_dim3A_2308, %gather3A_2274 : vector<16xi1>, vector<16xf32>
      %eq3A_2310 = arith.constant 23 : i32
      %eq3A_2311 = vector.broadcast %eq3A_2310 : i32 to vector<16xi32>
      %eq3A_2312 = arith.cmpi eq, %select_n3A_2303, %eq3A_2311 : vector<16xi32>
      %jit3A_2313 = arith.constant 0.000000e+00 : f32
      %broadcast_in_dim3A_2314 = vector.broadcast %jit3A_2313 : f32 to vector<16xf32>
      %select_n3A_2315 = arith.select %eq3A_2312, %broadcast_in_dim3A_2314, %gather3A_2278 : vector<16xi1>, vector<16xf32>
      %mul3A_2316 = arith.constant 2.000000e+00 : f32
      %mul3A_2317 = vector.broadcast %mul3A_2316 : f32 to vector<16xf32>
      %mul3A_2318 = arith.mulf %mul3A_2317, %get3A_2270 : vector<16xf32>
      %add3A_2319 = arith.addf %select_n3A_2309, %mul3A_2318 : vector<16xf32>
      %add3A_2320 = arith.addf %add3A_2319, %select_n3A_2315 : vector<16xf32>
      %swap3A_2321 = arith.constant 304 : index
      %swap3A_2322 = tpu.vector_load %arg8[%swap3A_2321] {strides = array<i32>} : memref<576xf32, #tpu.memory_space<vmem>>, vector<16xf32>,
      tpu.vector_store %arg8[%swap3A_2321], %add3A_2320 {strides = array<i32>} : memref<576xf32, #tpu.memory_space<vmem>>, vector<16xf32>,
      %mul3A_2323 = arith.constant 1.024000e+03 : f32
      %mul3A_2324 = vector.broadcast %mul3A_2323 : f32 to vector<16xf32>
      %mul3A_2325 = arith.mulf %add3A_2320, %mul3A_2324 : vector<16xf32>
      %sub3A_2326 = arith.constant 2.710000e+02 : f32
      %sub3A_2327 = vector.broadcast %sub3A_2326 : f32 to vector<16xf32>
      %sub3A_2328 = arith.subf %sub3A_2327, %convert_element_type3A : vector<16xf32>
      %add3A_2329 = arith.addf %mul3A_2325, %sub3A_2328 : vector<16xf32>
      %swap3A_2330 = arith.constant 304 : index
      %swap3A_2331 = tpu.vector_load %arg9[%swap3A_2330] {strides = array<i32>} : memref<576xf32, #tpu.memory_space<vmem>>, vector<16xf32>,
      tpu.vector_store %arg9[%swap3A_2330], %add3A_2329 {strides = array<i32>} : memref<576xf32, #tpu.memory_space<vmem>>, vector<16xf32>,
      %reduce_max3A_2332 = arith.constant true
      %reduce_max3A_2333 = vector.broadcast %reduce_max3A_2332 : i1 to vector<16xi1>
      %reduce_max3A_2334 = tpu.scan <max>, %add3A_2329 masked %reduce_max3A_2333 : vector<16xf32>, vector<16xi1> -> vector<16xf32>
      %reduce_max3A_2335 = vector.extract %reduce_max3A_2334[15] : f32 from vector<16xf32>
      %eq3A_2336 = arith.constant 3 : i32
      %eq3A_2337 = vector.broadcast %eq3A_2336 : i32 to vector<16xi32>
      %eq3A_2338 = arith.cmpi eq, %iota3A, %eq3A_2337 : vector<16xi32>
      %broadcast_in_dim3A_2339 = vector.broadcast %reduce_max3A_2335 : f32 to vector<16xf32>
      %select_n3A_2340 = arith.select %eq3A_2338, %broadcast_in_dim3A_2339, %select_n3A_2268 : vector<16xi1>, vector<16xf32>
      %get3A_2341 = arith.constant 384 : index
      %get3A_2342 = tpu.vector_load %arg7[%get3A_2341] {strides = array<i32>} : memref<704xf32, #tpu.memory_space<vmem>>, vector<16xf32>,
      %broadcast_in_dim3A_2343 = arith.constant 383 : i32
      %broadcast_in_dim3A_2344 = vector.broadcast %broadcast_in_dim3A_2343 : i32 to vector<16xi32>
      %add3A_2345 = arith.addi %broadcast_in_dim3A_2344, %iota3A : vector<16xi32>
      %gather3A_2346 = tpu.vector_load_idx %arg7[%add3A_2345] : memref<704xf32, #tpu.memory_space<vmem>>[vector<16xi32>], vector<16xf32>,
      %broadcast_in_dim3A_2347 = arith.constant 385 : i32
      %broadcast_in_dim3A_2348 = vector.broadcast %broadcast_in_dim3A_2347 : i32 to vector<16xi32>
      %add3A_2349 = arith.addi %broadcast_in_dim3A_2348, %iota3A : vector<16xi32>
      %gather3A_2350 = tpu.vector_load_idx %arg7[%add3A_2349] : memref<704xf32, #tpu.memory_space<vmem>>[vector<16xi32>], vector<16xf32>,
      %add3A_2351 = arith.constant 320 : i32
      %add3A_2352 = vector.broadcast %add3A_2351 : i32 to vector<16xi32>
      %add3A_2353 = arith.addi %iota3A, %add3A_2352 : vector<16xi32>
      %jit3A_2354 = arith.constant 24 : i32
      %eq3A_2355 = arith.constant 0 : i32
      %eq3A_2356 = arith.cmpi eq, %jit3A_2354, %eq3A_2355 : i32
      %jit3A_2357 = arith.constant 1 : i32
      %select_n3A_2358 = arith.select %eq3A_2356, %jit3A_2357, %jit3A_2354 : i32
      %rem3A_2359 = vector.broadcast %select_n3A_2358 : i32 to vector<16xi32>
      %rem3A_2360 = arith.remsi %add3A_2353, %rem3A_2359 : vector<16xi32>
      %ne3A_2361 = arith.constant 0 : i32
      %ne3A_2362 = vector.broadcast %ne3A_2361 : i32 to vector<16xi32>
      %ne3A_2363 = arith.cmpi ne, %rem3A_2360, %ne3A_2362 : vector<16xi32>
      %lt3A_2364 = arith.constant 0 : i32
      %lt3A_2365 = vector.broadcast %lt3A_2364 : i32 to vector<16xi32>
      %lt3A_2366 = arith.cmpi slt, %rem3A_2360, %lt3A_2365 : vector<16xi32>
      %lt3A_2367 = arith.constant 0 : i32
      %lt3A_2368 = arith.cmpi slt, %select_n3A_2358, %lt3A_2367 : i32
      %ne3A_2369 = vector.broadcast %lt3A_2368 : i1 to vector<16xi1>
      %ne3A_2370 = vector.broadcast %ne3A_2369 : vector<16xi1> to vector<16xi1>
      %ne3A_2371 = arith.xori %lt3A_2366, %ne3A_2370 : vector<16xi1>
      %and3A_2372 = arith.andi %ne3A_2371, %ne3A_2363 : vector<16xi1>
      %add3A_2373 = vector.broadcast %select_n3A_2358 : i32 to vector<16xi32>
      %add3A_2374 = arith.addi %rem3A_2360, %add3A_2373 : vector<16xi32>
      %select_n3A_2375 = arith.select %and3A_2372, %add3A_2374, %rem3A_2360 : vector<16xi1>, vector<16xi32>
      %eq3A_2376 = arith.constant 0 : i32
      %eq3A_2377 = vector.broadcast %eq3A_2376 : i32 to vector<16xi32>
      %eq3A_2378 = arith.cmpi eq, %select_n3A_2375, %eq3A_2377 : vector<16xi32>
      %jit3A_2379 = arith.constant 0.000000e+00 : f32
      %broadcast_in_dim3A_2380 = vector.broadcast %jit3A_2379 : f32 to vector<16xf32>
      %select_n3A_2381 = arith.select %eq3A_2378, %broadcast_in_dim3A_2380, %gather3A_2346 : vector<16xi1>, vector<16xf32>
      %eq3A_2382 = arith.constant 23 : i32
      %eq3A_2383 = vector.broadcast %eq3A_2382 : i32 to vector<16xi32>
      %eq3A_2384 = arith.cmpi eq, %select_n3A_2375, %eq3A_2383 : vector<16xi32>
      %jit3A_2385 = arith.constant 0.000000e+00 : f32
      %broadcast_in_dim3A_2386 = vector.broadcast %jit3A_2385 : f32 to vector<16xf32>
      %select_n3A_2387 = arith.select %eq3A_2384, %broadcast_in_dim3A_2386, %gather3A_2350 : vector<16xi1>, vector<16xf32>
      %mul3A_2388 = arith.constant 2.000000e+00 : f32
      %mul3A_2389 = vector.broadcast %mul3A_2388 : f32 to vector<16xf32>
      %mul3A_2390 = arith.mulf %mul3A_2389, %get3A_2342 : vector<16xf32>
      %add3A_2391 = arith.addf %select_n3A_2381, %mul3A_2390 : vector<16xf32>
      %add3A_2392 = arith.addf %add3A_2391, %select_n3A_2387 : vector<16xf32>
      %swap3A_2393 = arith.constant 320 : index
      %swap3A_2394 = tpu.vector_load %arg8[%swap3A_2393] {strides = array<i32>} : memref<576xf32, #tpu.memory_space<vmem>>, vector<16xf32>,
      tpu.vector_store %arg8[%swap3A_2393], %add3A_2392 {strides = array<i32>} : memref<576xf32, #tpu.memory_space<vmem>>, vector<16xf32>,
      %mul3A_2395 = arith.constant 1.024000e+03 : f32
      %mul3A_2396 = vector.broadcast %mul3A_2395 : f32 to vector<16xf32>
      %mul3A_2397 = arith.mulf %add3A_2392, %mul3A_2396 : vector<16xf32>
      %sub3A_2398 = arith.constant 2.550000e+02 : f32
      %sub3A_2399 = vector.broadcast %sub3A_2398 : f32 to vector<16xf32>
      %sub3A_2400 = arith.subf %sub3A_2399, %convert_element_type3A : vector<16xf32>
      %add3A_2401 = arith.addf %mul3A_2397, %sub3A_2400 : vector<16xf32>
      %swap3A_2402 = arith.constant 320 : index
      %swap3A_2403 = tpu.vector_load %arg9[%swap3A_2402] {strides = array<i32>} : memref<576xf32, #tpu.memory_space<vmem>>, vector<16xf32>,
      tpu.vector_store %arg9[%swap3A_2402], %add3A_2401 {strides = array<i32>} : memref<576xf32, #tpu.memory_space<vmem>>, vector<16xf32>,
      %reduce_max3A_2404 = arith.constant true
      %reduce_max3A_2405 = vector.broadcast %reduce_max3A_2404 : i1 to vector<16xi1>
      %reduce_max3A_2406 = tpu.scan <max>, %add3A_2401 masked %reduce_max3A_2405 : vector<16xf32>, vector<16xi1> -> vector<16xf32>
      %reduce_max3A_2407 = vector.extract %reduce_max3A_2406[15] : f32 from vector<16xf32>
      %eq3A_2408 = arith.constant 4 : i32
      %eq3A_2409 = vector.broadcast %eq3A_2408 : i32 to vector<16xi32>
      %eq3A_2410 = arith.cmpi eq, %iota3A, %eq3A_2409 : vector<16xi32>
      %broadcast_in_dim3A_2411 = vector.broadcast %reduce_max3A_2407 : f32 to vector<16xf32>
      %select_n3A_2412 = arith.select %eq3A_2410, %broadcast_in_dim3A_2411, %select_n3A_2340 : vector<16xi1>, vector<16xf32>
      %get3A_2413 = arith.constant 400 : index
      %get3A_2414 = tpu.vector_load %arg7[%get3A_2413] {strides = array<i32>} : memref<704xf32, #tpu.memory_space<vmem>>, vector<16xf32>,
      %broadcast_in_dim3A_2415 = arith.constant 399 : i32
      %broadcast_in_dim3A_2416 = vector.broadcast %broadcast_in_dim3A_2415 : i32 to vector<16xi32>
      %add3A_2417 = arith.addi %broadcast_in_dim3A_2416, %iota3A : vector<16xi32>
      %gather3A_2418 = tpu.vector_load_idx %arg7[%add3A_2417] : memref<704xf32, #tpu.memory_space<vmem>>[vector<16xi32>], vector<16xf32>,
      %broadcast_in_dim3A_2419 = arith.constant 401 : i32
      %broadcast_in_dim3A_2420 = vector.broadcast %broadcast_in_dim3A_2419 : i32 to vector<16xi32>
      %add3A_2421 = arith.addi %broadcast_in_dim3A_2420, %iota3A : vector<16xi32>
      %gather3A_2422 = tpu.vector_load_idx %arg7[%add3A_2421] : memref<704xf32, #tpu.memory_space<vmem>>[vector<16xi32>], vector<16xf32>,
      %add3A_2423 = arith.constant 336 : i32
      %add3A_2424 = vector.broadcast %add3A_2423 : i32 to vector<16xi32>
      %add3A_2425 = arith.addi %iota3A, %add3A_2424 : vector<16xi32>
      %jit3A_2426 = arith.constant 24 : i32
      %eq3A_2427 = arith.constant 0 : i32
      %eq3A_2428 = arith.cmpi eq, %jit3A_2426, %eq3A_2427 : i32
      %jit3A_2429 = arith.constant 1 : i32
      %select_n3A_2430 = arith.select %eq3A_2428, %jit3A_2429, %jit3A_2426 : i32
      %rem3A_2431 = vector.broadcast %select_n3A_2430 : i32 to vector<16xi32>
      %rem3A_2432 = arith.remsi %add3A_2425, %rem3A_2431 : vector<16xi32>
      %ne3A_2433 = arith.constant 0 : i32
      %ne3A_2434 = vector.broadcast %ne3A_2433 : i32 to vector<16xi32>
      %ne3A_2435 = arith.cmpi ne, %rem3A_2432, %ne3A_2434 : vector<16xi32>
      %lt3A_2436 = arith.constant 0 : i32
      %lt3A_2437 = vector.broadcast %lt3A_2436 : i32 to vector<16xi32>
      %lt3A_2438 = arith.cmpi slt, %rem3A_2432, %lt3A_2437 : vector<16xi32>
      %lt3A_2439 = arith.constant 0 : i32
      %lt3A_2440 = arith.cmpi slt, %select_n3A_2430, %lt3A_2439 : i32
      %ne3A_2441 = vector.broadcast %lt3A_2440 : i1 to vector<16xi1>
      %ne3A_2442 = vector.broadcast %ne3A_2441 : vector<16xi1> to vector<16xi1>
      %ne3A_2443 = arith.xori %lt3A_2438, %ne3A_2442 : vector<16xi1>
      %and3A_2444 = arith.andi %ne3A_2443, %ne3A_2435 : vector<16xi1>
      %add3A_2445 = vector.broadcast %select_n3A_2430 : i32 to vector<16xi32>
      %add3A_2446 = arith.addi %rem3A_2432, %add3A_2445 : vector<16xi32>
      %select_n3A_2447 = arith.select %and3A_2444, %add3A_2446, %rem3A_2432 : vector<16xi1>, vector<16xi32>
      %eq3A_2448 = arith.constant 0 : i32
      %eq3A_2449 = vector.broadcast %eq3A_2448 : i32 to vector<16xi32>
      %eq3A_2450 = arith.cmpi eq, %select_n3A_2447, %eq3A_2449 : vector<16xi32>
      %jit3A_2451 = arith.constant 0.000000e+00 : f32
      %broadcast_in_dim3A_2452 = vector.broadcast %jit3A_2451 : f32 to vector<16xf32>
      %select_n3A_2453 = arith.select %eq3A_2450, %broadcast_in_dim3A_2452, %gather3A_2418 : vector<16xi1>, vector<16xf32>
      %eq3A_2454 = arith.constant 23 : i32
      %eq3A_2455 = vector.broadcast %eq3A_2454 : i32 to vector<16xi32>
      %eq3A_2456 = arith.cmpi eq, %select_n3A_2447, %eq3A_2455 : vector<16xi32>
      %jit3A_2457 = arith.constant 0.000000e+00 : f32
      %broadcast_in_dim3A_2458 = vector.broadcast %jit3A_2457 : f32 to vector<16xf32>
      %select_n3A_2459 = arith.select %eq3A_2456, %broadcast_in_dim3A_2458, %gather3A_2422 : vector<16xi1>, vector<16xf32>
      %mul3A_2460 = arith.constant 2.000000e+00 : f32
      %mul3A_2461 = vector.broadcast %mul3A_2460 : f32 to vector<16xf32>
      %mul3A_2462 = arith.mulf %mul3A_2461, %get3A_2414 : vector<16xf32>
      %add3A_2463 = arith.addf %select_n3A_2453, %mul3A_2462 : vector<16xf32>
      %add3A_2464 = arith.addf %add3A_2463, %select_n3A_2459 : vector<16xf32>
      %swap3A_2465 = arith.constant 336 : index
      %swap3A_2466 = tpu.vector_load %arg8[%swap3A_2465] {strides = array<i32>} : memref<576xf32, #tpu.memory_space<vmem>>, vector<16xf32>,
      tpu.vector_store %arg8[%swap3A_2465], %add3A_2464 {strides = array<i32>} : memref<576xf32, #tpu.memory_space<vmem>>, vector<16xf32>,
      %mul3A_2467 = arith.constant 1.024000e+03 : f32
      %mul3A_2468 = vector.broadcast %mul3A_2467 : f32 to vector<16xf32>
      %mul3A_2469 = arith.mulf %add3A_2464, %mul3A_2468 : vector<16xf32>
      %sub3A_2470 = arith.constant 2.390000e+02 : f32
      %sub3A_2471 = vector.broadcast %sub3A_2470 : f32 to vector<16xf32>
      %sub3A_2472 = arith.subf %sub3A_2471, %convert_element_type3A : vector<16xf32>
      %add3A_2473 = arith.addf %mul3A_2469, %sub3A_2472 : vector<16xf32>
      %swap3A_2474 = arith.constant 336 : index
      %swap3A_2475 = tpu.vector_load %arg9[%swap3A_2474] {strides = array<i32>} : memref<576xf32, #tpu.memory_space<vmem>>, vector<16xf32>,
      tpu.vector_store %arg9[%swap3A_2474], %add3A_2473 {strides = array<i32>} : memref<576xf32, #tpu.memory_space<vmem>>, vector<16xf32>,
      %reduce_max3A_2476 = arith.constant true
      %reduce_max3A_2477 = vector.broadcast %reduce_max3A_2476 : i1 to vector<16xi1>
      %reduce_max3A_2478 = tpu.scan <max>, %add3A_2473 masked %reduce_max3A_2477 : vector<16xf32>, vector<16xi1> -> vector<16xf32>
      %reduce_max3A_2479 = vector.extract %reduce_max3A_2478[15] : f32 from vector<16xf32>
      %eq3A_2480 = arith.constant 5 : i32
      %eq3A_2481 = vector.broadcast %eq3A_2480 : i32 to vector<16xi32>
      %eq3A_2482 = arith.cmpi eq, %iota3A, %eq3A_2481 : vector<16xi32>
      %broadcast_in_dim3A_2483 = vector.broadcast %reduce_max3A_2479 : f32 to vector<16xf32>
      %select_n3A_2484 = arith.select %eq3A_2482, %broadcast_in_dim3A_2483, %select_n3A_2412 : vector<16xi1>, vector<16xf32>
      %get3A_2485 = arith.constant 416 : index
      %get3A_2486 = tpu.vector_load %arg7[%get3A_2485] {strides = array<i32>} : memref<704xf32, #tpu.memory_space<vmem>>, vector<16xf32>,
      %broadcast_in_dim3A_2487 = arith.constant 415 : i32
      %broadcast_in_dim3A_2488 = vector.broadcast %broadcast_in_dim3A_2487 : i32 to vector<16xi32>
      %add3A_2489 = arith.addi %broadcast_in_dim3A_2488, %iota3A : vector<16xi32>
      %gather3A_2490 = tpu.vector_load_idx %arg7[%add3A_2489] : memref<704xf32, #tpu.memory_space<vmem>>[vector<16xi32>], vector<16xf32>,
      %broadcast_in_dim3A_2491 = arith.constant 417 : i32
      %broadcast_in_dim3A_2492 = vector.broadcast %broadcast_in_dim3A_2491 : i32 to vector<16xi32>
      %add3A_2493 = arith.addi %broadcast_in_dim3A_2492, %iota3A : vector<16xi32>
      %gather3A_2494 = tpu.vector_load_idx %arg7[%add3A_2493] : memref<704xf32, #tpu.memory_space<vmem>>[vector<16xi32>], vector<16xf32>,
      %add3A_2495 = arith.constant 352 : i32
      %add3A_2496 = vector.broadcast %add3A_2495 : i32 to vector<16xi32>
      %add3A_2497 = arith.addi %iota3A, %add3A_2496 : vector<16xi32>
      %jit3A_2498 = arith.constant 24 : i32
      %eq3A_2499 = arith.constant 0 : i32
      %eq3A_2500 = arith.cmpi eq, %jit3A_2498, %eq3A_2499 : i32
      %jit3A_2501 = arith.constant 1 : i32
      %select_n3A_2502 = arith.select %eq3A_2500, %jit3A_2501, %jit3A_2498 : i32
      %rem3A_2503 = vector.broadcast %select_n3A_2502 : i32 to vector<16xi32>
      %rem3A_2504 = arith.remsi %add3A_2497, %rem3A_2503 : vector<16xi32>
      %ne3A_2505 = arith.constant 0 : i32
      %ne3A_2506 = vector.broadcast %ne3A_2505 : i32 to vector<16xi32>
      %ne3A_2507 = arith.cmpi ne, %rem3A_2504, %ne3A_2506 : vector<16xi32>
      %lt3A_2508 = arith.constant 0 : i32
      %lt3A_2509 = vector.broadcast %lt3A_2508 : i32 to vector<16xi32>
      %lt3A_2510 = arith.cmpi slt, %rem3A_2504, %lt3A_2509 : vector<16xi32>
      %lt3A_2511 = arith.constant 0 : i32
      %lt3A_2512 = arith.cmpi slt, %select_n3A_2502, %lt3A_2511 : i32
      %ne3A_2513 = vector.broadcast %lt3A_2512 : i1 to vector<16xi1>
      %ne3A_2514 = vector.broadcast %ne3A_2513 : vector<16xi1> to vector<16xi1>
      %ne3A_2515 = arith.xori %lt3A_2510, %ne3A_2514 : vector<16xi1>
      %and3A_2516 = arith.andi %ne3A_2515, %ne3A_2507 : vector<16xi1>
      %add3A_2517 = vector.broadcast %select_n3A_2502 : i32 to vector<16xi32>
      %add3A_2518 = arith.addi %rem3A_2504, %add3A_2517 : vector<16xi32>
      %select_n3A_2519 = arith.select %and3A_2516, %add3A_2518, %rem3A_2504 : vector<16xi1>, vector<16xi32>
      %eq3A_2520 = arith.constant 0 : i32
      %eq3A_2521 = vector.broadcast %eq3A_2520 : i32 to vector<16xi32>
      %eq3A_2522 = arith.cmpi eq, %select_n3A_2519, %eq3A_2521 : vector<16xi32>
      %jit3A_2523 = arith.constant 0.000000e+00 : f32
      %broadcast_in_dim3A_2524 = vector.broadcast %jit3A_2523 : f32 to vector<16xf32>
      %select_n3A_2525 = arith.select %eq3A_2522, %broadcast_in_dim3A_2524, %gather3A_2490 : vector<16xi1>, vector<16xf32>
      %eq3A_2526 = arith.constant 23 : i32
      %eq3A_2527 = vector.broadcast %eq3A_2526 : i32 to vector<16xi32>
      %eq3A_2528 = arith.cmpi eq, %select_n3A_2519, %eq3A_2527 : vector<16xi32>
      %jit3A_2529 = arith.constant 0.000000e+00 : f32
      %broadcast_in_dim3A_2530 = vector.broadcast %jit3A_2529 : f32 to vector<16xf32>
      %select_n3A_2531 = arith.select %eq3A_2528, %broadcast_in_dim3A_2530, %gather3A_2494 : vector<16xi1>, vector<16xf32>
      %mul3A_2532 = arith.constant 2.000000e+00 : f32
      %mul3A_2533 = vector.broadcast %mul3A_2532 : f32 to vector<16xf32>
      %mul3A_2534 = arith.mulf %mul3A_2533, %get3A_2486 : vector<16xf32>
      %add3A_2535 = arith.addf %select_n3A_2525, %mul3A_2534 : vector<16xf32>
      %add3A_2536 = arith.addf %add3A_2535, %select_n3A_2531 : vector<16xf32>
      %swap3A_2537 = arith.constant 352 : index
      %swap3A_2538 = tpu.vector_load %arg8[%swap3A_2537] {strides = array<i32>} : memref<576xf32, #tpu.memory_space<vmem>>, vector<16xf32>,
      tpu.vector_store %arg8[%swap3A_2537], %add3A_2536 {strides = array<i32>} : memref<576xf32, #tpu.memory_space<vmem>>, vector<16xf32>,
      %mul3A_2539 = arith.constant 1.024000e+03 : f32
      %mul3A_2540 = vector.broadcast %mul3A_2539 : f32 to vector<16xf32>
      %mul3A_2541 = arith.mulf %add3A_2536, %mul3A_2540 : vector<16xf32>
      %sub3A_2542 = arith.constant 2.230000e+02 : f32
      %sub3A_2543 = vector.broadcast %sub3A_2542 : f32 to vector<16xf32>
      %sub3A_2544 = arith.subf %sub3A_2543, %convert_element_type3A : vector<16xf32>
      %add3A_2545 = arith.addf %mul3A_2541, %sub3A_2544 : vector<16xf32>
      %swap3A_2546 = arith.constant 352 : index
      %swap3A_2547 = tpu.vector_load %arg9[%swap3A_2546] {strides = array<i32>} : memref<576xf32, #tpu.memory_space<vmem>>, vector<16xf32>,
      tpu.vector_store %arg9[%swap3A_2546], %add3A_2545 {strides = array<i32>} : memref<576xf32, #tpu.memory_space<vmem>>, vector<16xf32>,
      %reduce_max3A_2548 = arith.constant true
      %reduce_max3A_2549 = vector.broadcast %reduce_max3A_2548 : i1 to vector<16xi1>
      %reduce_max3A_2550 = tpu.scan <max>, %add3A_2545 masked %reduce_max3A_2549 : vector<16xf32>, vector<16xi1> -> vector<16xf32>
      %reduce_max3A_2551 = vector.extract %reduce_max3A_2550[15] : f32 from vector<16xf32>
      %eq3A_2552 = arith.constant 6 : i32
      %eq3A_2553 = vector.broadcast %eq3A_2552 : i32 to vector<16xi32>
      %eq3A_2554 = arith.cmpi eq, %iota3A, %eq3A_2553 : vector<16xi32>
      %broadcast_in_dim3A_2555 = vector.broadcast %reduce_max3A_2551 : f32 to vector<16xf32>
      %select_n3A_2556 = arith.select %eq3A_2554, %broadcast_in_dim3A_2555, %select_n3A_2484 : vector<16xi1>, vector<16xf32>
      %get3A_2557 = arith.constant 432 : index
      %get3A_2558 = tpu.vector_load %arg7[%get3A_2557] {strides = array<i32>} : memref<704xf32, #tpu.memory_space<vmem>>, vector<16xf32>,
      %broadcast_in_dim3A_2559 = arith.constant 431 : i32
      %broadcast_in_dim3A_2560 = vector.broadcast %broadcast_in_dim3A_2559 : i32 to vector<16xi32>
      %add3A_2561 = arith.addi %broadcast_in_dim3A_2560, %iota3A : vector<16xi32>
      %gather3A_2562 = tpu.vector_load_idx %arg7[%add3A_2561] : memref<704xf32, #tpu.memory_space<vmem>>[vector<16xi32>], vector<16xf32>,
      %broadcast_in_dim3A_2563 = arith.constant 433 : i32
      %broadcast_in_dim3A_2564 = vector.broadcast %broadcast_in_dim3A_2563 : i32 to vector<16xi32>
      %add3A_2565 = arith.addi %broadcast_in_dim3A_2564, %iota3A : vector<16xi32>
      %gather3A_2566 = tpu.vector_load_idx %arg7[%add3A_2565] : memref<704xf32, #tpu.memory_space<vmem>>[vector<16xi32>], vector<16xf32>,
      %add3A_2567 = arith.constant 368 : i32
      %add3A_2568 = vector.broadcast %add3A_2567 : i32 to vector<16xi32>
      %add3A_2569 = arith.addi %iota3A, %add3A_2568 : vector<16xi32>
      %jit3A_2570 = arith.constant 24 : i32
      %eq3A_2571 = arith.constant 0 : i32
      %eq3A_2572 = arith.cmpi eq, %jit3A_2570, %eq3A_2571 : i32
      %jit3A_2573 = arith.constant 1 : i32
      %select_n3A_2574 = arith.select %eq3A_2572, %jit3A_2573, %jit3A_2570 : i32
      %rem3A_2575 = vector.broadcast %select_n3A_2574 : i32 to vector<16xi32>
      %rem3A_2576 = arith.remsi %add3A_2569, %rem3A_2575 : vector<16xi32>
      %ne3A_2577 = arith.constant 0 : i32
      %ne3A_2578 = vector.broadcast %ne3A_2577 : i32 to vector<16xi32>
      %ne3A_2579 = arith.cmpi ne, %rem3A_2576, %ne3A_2578 : vector<16xi32>
      %lt3A_2580 = arith.constant 0 : i32
      %lt3A_2581 = vector.broadcast %lt3A_2580 : i32 to vector<16xi32>
      %lt3A_2582 = arith.cmpi slt, %rem3A_2576, %lt3A_2581 : vector<16xi32>
      %lt3A_2583 = arith.constant 0 : i32
      %lt3A_2584 = arith.cmpi slt, %select_n3A_2574, %lt3A_2583 : i32
      %ne3A_2585 = vector.broadcast %lt3A_2584 : i1 to vector<16xi1>
      %ne3A_2586 = vector.broadcast %ne3A_2585 : vector<16xi1> to vector<16xi1>
      %ne3A_2587 = arith.xori %lt3A_2582, %ne3A_2586 : vector<16xi1>
      %and3A_2588 = arith.andi %ne3A_2587, %ne3A_2579 : vector<16xi1>
      %add3A_2589 = vector.broadcast %select_n3A_2574 : i32 to vector<16xi32>
      %add3A_2590 = arith.addi %rem3A_2576, %add3A_2589 : vector<16xi32>
      %select_n3A_2591 = arith.select %and3A_2588, %add3A_2590, %rem3A_2576 : vector<16xi1>, vector<16xi32>
      %eq3A_2592 = arith.constant 0 : i32
      %eq3A_2593 = vector.broadcast %eq3A_2592 : i32 to vector<16xi32>
      %eq3A_2594 = arith.cmpi eq, %select_n3A_2591, %eq3A_2593 : vector<16xi32>
      %jit3A_2595 = arith.constant 0.000000e+00 : f32
      %broadcast_in_dim3A_2596 = vector.broadcast %jit3A_2595 : f32 to vector<16xf32>
      %select_n3A_2597 = arith.select %eq3A_2594, %broadcast_in_dim3A_2596, %gather3A_2562 : vector<16xi1>, vector<16xf32>
      %eq3A_2598 = arith.constant 23 : i32
      %eq3A_2599 = vector.broadcast %eq3A_2598 : i32 to vector<16xi32>
      %eq3A_2600 = arith.cmpi eq, %select_n3A_2591, %eq3A_2599 : vector<16xi32>
      %jit3A_2601 = arith.constant 0.000000e+00 : f32
      %broadcast_in_dim3A_2602 = vector.broadcast %jit3A_2601 : f32 to vector<16xf32>
      %select_n3A_2603 = arith.select %eq3A_2600, %broadcast_in_dim3A_2602, %gather3A_2566 : vector<16xi1>, vector<16xf32>
      %mul3A_2604 = arith.constant 2.000000e+00 : f32
      %mul3A_2605 = vector.broadcast %mul3A_2604 : f32 to vector<16xf32>
      %mul3A_2606 = arith.mulf %mul3A_2605, %get3A_2558 : vector<16xf32>
      %add3A_2607 = arith.addf %select_n3A_2597, %mul3A_2606 : vector<16xf32>
      %add3A_2608 = arith.addf %add3A_2607, %select_n3A_2603 : vector<16xf32>
      %swap3A_2609 = arith.constant 368 : index
      %swap3A_2610 = tpu.vector_load %arg8[%swap3A_2609] {strides = array<i32>} : memref<576xf32, #tpu.memory_space<vmem>>, vector<16xf32>,
      tpu.vector_store %arg8[%swap3A_2609], %add3A_2608 {strides = array<i32>} : memref<576xf32, #tpu.memory_space<vmem>>, vector<16xf32>,
      %mul3A_2611 = arith.constant 1.024000e+03 : f32
      %mul3A_2612 = vector.broadcast %mul3A_2611 : f32 to vector<16xf32>
      %mul3A_2613 = arith.mulf %add3A_2608, %mul3A_2612 : vector<16xf32>
      %sub3A_2614 = arith.constant 2.070000e+02 : f32
      %sub3A_2615 = vector.broadcast %sub3A_2614 : f32 to vector<16xf32>
      %sub3A_2616 = arith.subf %sub3A_2615, %convert_element_type3A : vector<16xf32>
      %add3A_2617 = arith.addf %mul3A_2613, %sub3A_2616 : vector<16xf32>
      %swap3A_2618 = arith.constant 368 : index
      %swap3A_2619 = tpu.vector_load %arg9[%swap3A_2618] {strides = array<i32>} : memref<576xf32, #tpu.memory_space<vmem>>, vector<16xf32>,
      tpu.vector_store %arg9[%swap3A_2618], %add3A_2617 {strides = array<i32>} : memref<576xf32, #tpu.memory_space<vmem>>, vector<16xf32>,
      %reduce_max3A_2620 = arith.constant true
      %reduce_max3A_2621 = vector.broadcast %reduce_max3A_2620 : i1 to vector<16xi1>
      %reduce_max3A_2622 = tpu.scan <max>, %add3A_2617 masked %reduce_max3A_2621 : vector<16xf32>, vector<16xi1> -> vector<16xf32>
      %reduce_max3A_2623 = vector.extract %reduce_max3A_2622[15] : f32 from vector<16xf32>
      %eq3A_2624 = arith.constant 7 : i32
      %eq3A_2625 = vector.broadcast %eq3A_2624 : i32 to vector<16xi32>
      %eq3A_2626 = arith.cmpi eq, %iota3A, %eq3A_2625 : vector<16xi32>
      %broadcast_in_dim3A_2627 = vector.broadcast %reduce_max3A_2623 : f32 to vector<16xf32>
      %select_n3A_2628 = arith.select %eq3A_2626, %broadcast_in_dim3A_2627, %select_n3A_2556 : vector<16xi1>, vector<16xf32>
      %get3A_2629 = arith.constant 448 : index
      %get3A_2630 = tpu.vector_load %arg7[%get3A_2629] {strides = array<i32>} : memref<704xf32, #tpu.memory_space<vmem>>, vector<16xf32>,
      %broadcast_in_dim3A_2631 = arith.constant 447 : i32
      %broadcast_in_dim3A_2632 = vector.broadcast %broadcast_in_dim3A_2631 : i32 to vector<16xi32>
      %add3A_2633 = arith.addi %broadcast_in_dim3A_2632, %iota3A : vector<16xi32>
      %gather3A_2634 = tpu.vector_load_idx %arg7[%add3A_2633] : memref<704xf32, #tpu.memory_space<vmem>>[vector<16xi32>], vector<16xf32>,
      %broadcast_in_dim3A_2635 = arith.constant 449 : i32
      %broadcast_in_dim3A_2636 = vector.broadcast %broadcast_in_dim3A_2635 : i32 to vector<16xi32>
      %add3A_2637 = arith.addi %broadcast_in_dim3A_2636, %iota3A : vector<16xi32>
      %gather3A_2638 = tpu.vector_load_idx %arg7[%add3A_2637] : memref<704xf32, #tpu.memory_space<vmem>>[vector<16xi32>], vector<16xf32>,
      %add3A_2639 = arith.constant 384 : i32
      %add3A_2640 = vector.broadcast %add3A_2639 : i32 to vector<16xi32>
      %add3A_2641 = arith.addi %iota3A, %add3A_2640 : vector<16xi32>
      %jit3A_2642 = arith.constant 24 : i32
      %eq3A_2643 = arith.constant 0 : i32
      %eq3A_2644 = arith.cmpi eq, %jit3A_2642, %eq3A_2643 : i32
      %jit3A_2645 = arith.constant 1 : i32
      %select_n3A_2646 = arith.select %eq3A_2644, %jit3A_2645, %jit3A_2642 : i32
      %rem3A_2647 = vector.broadcast %select_n3A_2646 : i32 to vector<16xi32>
      %rem3A_2648 = arith.remsi %add3A_2641, %rem3A_2647 : vector<16xi32>
      %ne3A_2649 = arith.constant 0 : i32
      %ne3A_2650 = vector.broadcast %ne3A_2649 : i32 to vector<16xi32>
      %ne3A_2651 = arith.cmpi ne, %rem3A_2648, %ne3A_2650 : vector<16xi32>
      %lt3A_2652 = arith.constant 0 : i32
      %lt3A_2653 = vector.broadcast %lt3A_2652 : i32 to vector<16xi32>
      %lt3A_2654 = arith.cmpi slt, %rem3A_2648, %lt3A_2653 : vector<16xi32>
      %lt3A_2655 = arith.constant 0 : i32
      %lt3A_2656 = arith.cmpi slt, %select_n3A_2646, %lt3A_2655 : i32
      %ne3A_2657 = vector.broadcast %lt3A_2656 : i1 to vector<16xi1>
      %ne3A_2658 = vector.broadcast %ne3A_2657 : vector<16xi1> to vector<16xi1>
      %ne3A_2659 = arith.xori %lt3A_2654, %ne3A_2658 : vector<16xi1>
      %and3A_2660 = arith.andi %ne3A_2659, %ne3A_2651 : vector<16xi1>
      %add3A_2661 = vector.broadcast %select_n3A_2646 : i32 to vector<16xi32>
      %add3A_2662 = arith.addi %rem3A_2648, %add3A_2661 : vector<16xi32>
      %select_n3A_2663 = arith.select %and3A_2660, %add3A_2662, %rem3A_2648 : vector<16xi1>, vector<16xi32>
      %eq3A_2664 = arith.constant 0 : i32
      %eq3A_2665 = vector.broadcast %eq3A_2664 : i32 to vector<16xi32>
      %eq3A_2666 = arith.cmpi eq, %select_n3A_2663, %eq3A_2665 : vector<16xi32>
      %jit3A_2667 = arith.constant 0.000000e+00 : f32
      %broadcast_in_dim3A_2668 = vector.broadcast %jit3A_2667 : f32 to vector<16xf32>
      %select_n3A_2669 = arith.select %eq3A_2666, %broadcast_in_dim3A_2668, %gather3A_2634 : vector<16xi1>, vector<16xf32>
      %eq3A_2670 = arith.constant 23 : i32
      %eq3A_2671 = vector.broadcast %eq3A_2670 : i32 to vector<16xi32>
      %eq3A_2672 = arith.cmpi eq, %select_n3A_2663, %eq3A_2671 : vector<16xi32>
      %jit3A_2673 = arith.constant 0.000000e+00 : f32
      %broadcast_in_dim3A_2674 = vector.broadcast %jit3A_2673 : f32 to vector<16xf32>
      %select_n3A_2675 = arith.select %eq3A_2672, %broadcast_in_dim3A_2674, %gather3A_2638 : vector<16xi1>, vector<16xf32>
      %mul3A_2676 = arith.constant 2.000000e+00 : f32
      %mul3A_2677 = vector.broadcast %mul3A_2676 : f32 to vector<16xf32>
      %mul3A_2678 = arith.mulf %mul3A_2677, %get3A_2630 : vector<16xf32>
      %add3A_2679 = arith.addf %select_n3A_2669, %mul3A_2678 : vector<16xf32>
      %add3A_2680 = arith.addf %add3A_2679, %select_n3A_2675 : vector<16xf32>
      %swap3A_2681 = arith.constant 384 : index
      %swap3A_2682 = tpu.vector_load %arg8[%swap3A_2681] {strides = array<i32>} : memref<576xf32, #tpu.memory_space<vmem>>, vector<16xf32>,
      tpu.vector_store %arg8[%swap3A_2681], %add3A_2680 {strides = array<i32>} : memref<576xf32, #tpu.memory_space<vmem>>, vector<16xf32>,
      %mul3A_2683 = arith.constant 1.024000e+03 : f32
      %mul3A_2684 = vector.broadcast %mul3A_2683 : f32 to vector<16xf32>
      %mul3A_2685 = arith.mulf %add3A_2680, %mul3A_2684 : vector<16xf32>
      %sub3A_2686 = arith.constant 1.910000e+02 : f32
      %sub3A_2687 = vector.broadcast %sub3A_2686 : f32 to vector<16xf32>
      %sub3A_2688 = arith.subf %sub3A_2687, %convert_element_type3A : vector<16xf32>
      %add3A_2689 = arith.addf %mul3A_2685, %sub3A_2688 : vector<16xf32>
      %swap3A_2690 = arith.constant 384 : index
      %swap3A_2691 = tpu.vector_load %arg9[%swap3A_2690] {strides = array<i32>} : memref<576xf32, #tpu.memory_space<vmem>>, vector<16xf32>,
      tpu.vector_store %arg9[%swap3A_2690], %add3A_2689 {strides = array<i32>} : memref<576xf32, #tpu.memory_space<vmem>>, vector<16xf32>,
      %reduce_max3A_2692 = arith.constant true
      %reduce_max3A_2693 = vector.broadcast %reduce_max3A_2692 : i1 to vector<16xi1>
      %reduce_max3A_2694 = tpu.scan <max>, %add3A_2689 masked %reduce_max3A_2693 : vector<16xf32>, vector<16xi1> -> vector<16xf32>
      %reduce_max3A_2695 = vector.extract %reduce_max3A_2694[15] : f32 from vector<16xf32>
      %eq3A_2696 = arith.constant 8 : i32
      %eq3A_2697 = vector.broadcast %eq3A_2696 : i32 to vector<16xi32>
      %eq3A_2698 = arith.cmpi eq, %iota3A, %eq3A_2697 : vector<16xi32>
      %broadcast_in_dim3A_2699 = vector.broadcast %reduce_max3A_2695 : f32 to vector<16xf32>
      %select_n3A_2700 = arith.select %eq3A_2698, %broadcast_in_dim3A_2699, %select_n3A_2628 : vector<16xi1>, vector<16xf32>
      %get3A_2701 = arith.constant 464 : index
      %get3A_2702 = tpu.vector_load %arg7[%get3A_2701] {strides = array<i32>} : memref<704xf32, #tpu.memory_space<vmem>>, vector<16xf32>,
      %broadcast_in_dim3A_2703 = arith.constant 463 : i32
      %broadcast_in_dim3A_2704 = vector.broadcast %broadcast_in_dim3A_2703 : i32 to vector<16xi32>
      %add3A_2705 = arith.addi %broadcast_in_dim3A_2704, %iota3A : vector<16xi32>
      %gather3A_2706 = tpu.vector_load_idx %arg7[%add3A_2705] : memref<704xf32, #tpu.memory_space<vmem>>[vector<16xi32>], vector<16xf32>,
      %broadcast_in_dim3A_2707 = arith.constant 465 : i32
      %broadcast_in_dim3A_2708 = vector.broadcast %broadcast_in_dim3A_2707 : i32 to vector<16xi32>
      %add3A_2709 = arith.addi %broadcast_in_dim3A_2708, %iota3A : vector<16xi32>
      %gather3A_2710 = tpu.vector_load_idx %arg7[%add3A_2709] : memref<704xf32, #tpu.memory_space<vmem>>[vector<16xi32>], vector<16xf32>,
      %add3A_2711 = arith.constant 400 : i32
      %add3A_2712 = vector.broadcast %add3A_2711 : i32 to vector<16xi32>
      %add3A_2713 = arith.addi %iota3A, %add3A_2712 : vector<16xi32>
      %jit3A_2714 = arith.constant 24 : i32
      %eq3A_2715 = arith.constant 0 : i32
      %eq3A_2716 = arith.cmpi eq, %jit3A_2714, %eq3A_2715 : i32
      %jit3A_2717 = arith.constant 1 : i32
      %select_n3A_2718 = arith.select %eq3A_2716, %jit3A_2717, %jit3A_2714 : i32
      %rem3A_2719 = vector.broadcast %select_n3A_2718 : i32 to vector<16xi32>
      %rem3A_2720 = arith.remsi %add3A_2713, %rem3A_2719 : vector<16xi32>
      %ne3A_2721 = arith.constant 0 : i32
      %ne3A_2722 = vector.broadcast %ne3A_2721 : i32 to vector<16xi32>
      %ne3A_2723 = arith.cmpi ne, %rem3A_2720, %ne3A_2722 : vector<16xi32>
      %lt3A_2724 = arith.constant 0 : i32
      %lt3A_2725 = vector.broadcast %lt3A_2724 : i32 to vector<16xi32>
      %lt3A_2726 = arith.cmpi slt, %rem3A_2720, %lt3A_2725 : vector<16xi32>
      %lt3A_2727 = arith.constant 0 : i32
      %lt3A_2728 = arith.cmpi slt, %select_n3A_2718, %lt3A_2727 : i32
      %ne3A_2729 = vector.broadcast %lt3A_2728 : i1 to vector<16xi1>
      %ne3A_2730 = vector.broadcast %ne3A_2729 : vector<16xi1> to vector<16xi1>
      %ne3A_2731 = arith.xori %lt3A_2726, %ne3A_2730 : vector<16xi1>
      %and3A_2732 = arith.andi %ne3A_2731, %ne3A_2723 : vector<16xi1>
      %add3A_2733 = vector.broadcast %select_n3A_2718 : i32 to vector<16xi32>
      %add3A_2734 = arith.addi %rem3A_2720, %add3A_2733 : vector<16xi32>
      %select_n3A_2735 = arith.select %and3A_2732, %add3A_2734, %rem3A_2720 : vector<16xi1>, vector<16xi32>
      %eq3A_2736 = arith.constant 0 : i32
      %eq3A_2737 = vector.broadcast %eq3A_2736 : i32 to vector<16xi32>
      %eq3A_2738 = arith.cmpi eq, %select_n3A_2735, %eq3A_2737 : vector<16xi32>
      %jit3A_2739 = arith.constant 0.000000e+00 : f32
      %broadcast_in_dim3A_2740 = vector.broadcast %jit3A_2739 : f32 to vector<16xf32>
      %select_n3A_2741 = arith.select %eq3A_2738, %broadcast_in_dim3A_2740, %gather3A_2706 : vector<16xi1>, vector<16xf32>
      %eq3A_2742 = arith.constant 23 : i32
      %eq3A_2743 = vector.broadcast %eq3A_2742 : i32 to vector<16xi32>
      %eq3A_2744 = arith.cmpi eq, %select_n3A_2735, %eq3A_2743 : vector<16xi32>
      %jit3A_2745 = arith.constant 0.000000e+00 : f32
      %broadcast_in_dim3A_2746 = vector.broadcast %jit3A_2745 : f32 to vector<16xf32>
      %select_n3A_2747 = arith.select %eq3A_2744, %broadcast_in_dim3A_2746, %gather3A_2710 : vector<16xi1>, vector<16xf32>
      %mul3A_2748 = arith.constant 2.000000e+00 : f32
      %mul3A_2749 = vector.broadcast %mul3A_2748 : f32 to vector<16xf32>
      %mul3A_2750 = arith.mulf %mul3A_2749, %get3A_2702 : vector<16xf32>
      %add3A_2751 = arith.addf %select_n3A_2741, %mul3A_2750 : vector<16xf32>
      %add3A_2752 = arith.addf %add3A_2751, %select_n3A_2747 : vector<16xf32>
      %swap3A_2753 = arith.constant 400 : index
      %swap3A_2754 = tpu.vector_load %arg8[%swap3A_2753] {strides = array<i32>} : memref<576xf32, #tpu.memory_space<vmem>>, vector<16xf32>,
      tpu.vector_store %arg8[%swap3A_2753], %add3A_2752 {strides = array<i32>} : memref<576xf32, #tpu.memory_space<vmem>>, vector<16xf32>,
      %mul3A_2755 = arith.constant 1.024000e+03 : f32
      %mul3A_2756 = vector.broadcast %mul3A_2755 : f32 to vector<16xf32>
      %mul3A_2757 = arith.mulf %add3A_2752, %mul3A_2756 : vector<16xf32>
      %sub3A_2758 = arith.constant 1.750000e+02 : f32
      %sub3A_2759 = vector.broadcast %sub3A_2758 : f32 to vector<16xf32>
      %sub3A_2760 = arith.subf %sub3A_2759, %convert_element_type3A : vector<16xf32>
      %add3A_2761 = arith.addf %mul3A_2757, %sub3A_2760 : vector<16xf32>
      %swap3A_2762 = arith.constant 400 : index
      %swap3A_2763 = tpu.vector_load %arg9[%swap3A_2762] {strides = array<i32>} : memref<576xf32, #tpu.memory_space<vmem>>, vector<16xf32>,
      tpu.vector_store %arg9[%swap3A_2762], %add3A_2761 {strides = array<i32>} : memref<576xf32, #tpu.memory_space<vmem>>, vector<16xf32>,
      %reduce_max3A_2764 = arith.constant true
      %reduce_max3A_2765 = vector.broadcast %reduce_max3A_2764 : i1 to vector<16xi1>
      %reduce_max3A_2766 = tpu.scan <max>, %add3A_2761 masked %reduce_max3A_2765 : vector<16xf32>, vector<16xi1> -> vector<16xf32>
      %reduce_max3A_2767 = vector.extract %reduce_max3A_2766[15] : f32 from vector<16xf32>
      %eq3A_2768 = arith.constant 9 : i32
      %eq3A_2769 = vector.broadcast %eq3A_2768 : i32 to vector<16xi32>
      %eq3A_2770 = arith.cmpi eq, %iota3A, %eq3A_2769 : vector<16xi32>
      %broadcast_in_dim3A_2771 = vector.broadcast %reduce_max3A_2767 : f32 to vector<16xf32>
      %select_n3A_2772 = arith.select %eq3A_2770, %broadcast_in_dim3A_2771, %select_n3A_2700 : vector<16xi1>, vector<16xf32>
      %get3A_2773 = arith.constant 480 : index
      %get3A_2774 = tpu.vector_load %arg7[%get3A_2773] {strides = array<i32>} : memref<704xf32, #tpu.memory_space<vmem>>, vector<16xf32>,
      %broadcast_in_dim3A_2775 = arith.constant 479 : i32
      %broadcast_in_dim3A_2776 = vector.broadcast %broadcast_in_dim3A_2775 : i32 to vector<16xi32>
      %add3A_2777 = arith.addi %broadcast_in_dim3A_2776, %iota3A : vector<16xi32>
      %gather3A_2778 = tpu.vector_load_idx %arg7[%add3A_2777] : memref<704xf32, #tpu.memory_space<vmem>>[vector<16xi32>], vector<16xf32>,
      %broadcast_in_dim3A_2779 = arith.constant 481 : i32
      %broadcast_in_dim3A_2780 = vector.broadcast %broadcast_in_dim3A_2779 : i32 to vector<16xi32>
      %add3A_2781 = arith.addi %broadcast_in_dim3A_2780, %iota3A : vector<16xi32>
      %gather3A_2782 = tpu.vector_load_idx %arg7[%add3A_2781] : memref<704xf32, #tpu.memory_space<vmem>>[vector<16xi32>], vector<16xf32>,
      %add3A_2783 = arith.constant 416 : i32
      %add3A_2784 = vector.broadcast %add3A_2783 : i32 to vector<16xi32>
      %add3A_2785 = arith.addi %iota3A, %add3A_2784 : vector<16xi32>
      %jit3A_2786 = arith.constant 24 : i32
      %eq3A_2787 = arith.constant 0 : i32
      %eq3A_2788 = arith.cmpi eq, %jit3A_2786, %eq3A_2787 : i32
      %jit3A_2789 = arith.constant 1 : i32
      %select_n3A_2790 = arith.select %eq3A_2788, %jit3A_2789, %jit3A_2786 : i32
      %rem3A_2791 = vector.broadcast %select_n3A_2790 : i32 to vector<16xi32>
      %rem3A_2792 = arith.remsi %add3A_2785, %rem3A_2791 : vector<16xi32>
      %ne3A_2793 = arith.constant 0 : i32
      %ne3A_2794 = vector.broadcast %ne3A_2793 : i32 to vector<16xi32>
      %ne3A_2795 = arith.cmpi ne, %rem3A_2792, %ne3A_2794 : vector<16xi32>
      %lt3A_2796 = arith.constant 0 : i32
      %lt3A_2797 = vector.broadcast %lt3A_2796 : i32 to vector<16xi32>
      %lt3A_2798 = arith.cmpi slt, %rem3A_2792, %lt3A_2797 : vector<16xi32>
      %lt3A_2799 = arith.constant 0 : i32
      %lt3A_2800 = arith.cmpi slt, %select_n3A_2790, %lt3A_2799 : i32
      %ne3A_2801 = vector.broadcast %lt3A_2800 : i1 to vector<16xi1>
      %ne3A_2802 = vector.broadcast %ne3A_2801 : vector<16xi1> to vector<16xi1>
      %ne3A_2803 = arith.xori %lt3A_2798, %ne3A_2802 : vector<16xi1>
      %and3A_2804 = arith.andi %ne3A_2803, %ne3A_2795 : vector<16xi1>
      %add3A_2805 = vector.broadcast %select_n3A_2790 : i32 to vector<16xi32>
      %add3A_2806 = arith.addi %rem3A_2792, %add3A_2805 : vector<16xi32>
      %select_n3A_2807 = arith.select %and3A_2804, %add3A_2806, %rem3A_2792 : vector<16xi1>, vector<16xi32>
      %eq3A_2808 = arith.constant 0 : i32
      %eq3A_2809 = vector.broadcast %eq3A_2808 : i32 to vector<16xi32>
      %eq3A_2810 = arith.cmpi eq, %select_n3A_2807, %eq3A_2809 : vector<16xi32>
      %jit3A_2811 = arith.constant 0.000000e+00 : f32
      %broadcast_in_dim3A_2812 = vector.broadcast %jit3A_2811 : f32 to vector<16xf32>
      %select_n3A_2813 = arith.select %eq3A_2810, %broadcast_in_dim3A_2812, %gather3A_2778 : vector<16xi1>, vector<16xf32>
      %eq3A_2814 = arith.constant 23 : i32
      %eq3A_2815 = vector.broadcast %eq3A_2814 : i32 to vector<16xi32>
      %eq3A_2816 = arith.cmpi eq, %select_n3A_2807, %eq3A_2815 : vector<16xi32>
      %jit3A_2817 = arith.constant 0.000000e+00 : f32
      %broadcast_in_dim3A_2818 = vector.broadcast %jit3A_2817 : f32 to vector<16xf32>
      %select_n3A_2819 = arith.select %eq3A_2816, %broadcast_in_dim3A_2818, %gather3A_2782 : vector<16xi1>, vector<16xf32>
      %mul3A_2820 = arith.constant 2.000000e+00 : f32
      %mul3A_2821 = vector.broadcast %mul3A_2820 : f32 to vector<16xf32>
      %mul3A_2822 = arith.mulf %mul3A_2821, %get3A_2774 : vector<16xf32>
      %add3A_2823 = arith.addf %select_n3A_2813, %mul3A_2822 : vector<16xf32>
      %add3A_2824 = arith.addf %add3A_2823, %select_n3A_2819 : vector<16xf32>
      %swap3A_2825 = arith.constant 416 : index
      %swap3A_2826 = tpu.vector_load %arg8[%swap3A_2825] {strides = array<i32>} : memref<576xf32, #tpu.memory_space<vmem>>, vector<16xf32>,
      tpu.vector_store %arg8[%swap3A_2825], %add3A_2824 {strides = array<i32>} : memref<576xf32, #tpu.memory_space<vmem>>, vector<16xf32>,
      %mul3A_2827 = arith.constant 1.024000e+03 : f32
      %mul3A_2828 = vector.broadcast %mul3A_2827 : f32 to vector<16xf32>
      %mul3A_2829 = arith.mulf %add3A_2824, %mul3A_2828 : vector<16xf32>
      %sub3A_2830 = arith.constant 1.590000e+02 : f32
      %sub3A_2831 = vector.broadcast %sub3A_2830 : f32 to vector<16xf32>
      %sub3A_2832 = arith.subf %sub3A_2831, %convert_element_type3A : vector<16xf32>
      %add3A_2833 = arith.addf %mul3A_2829, %sub3A_2832 : vector<16xf32>
      %swap3A_2834 = arith.constant 416 : index
      %swap3A_2835 = tpu.vector_load %arg9[%swap3A_2834] {strides = array<i32>} : memref<576xf32, #tpu.memory_space<vmem>>, vector<16xf32>,
      tpu.vector_store %arg9[%swap3A_2834], %add3A_2833 {strides = array<i32>} : memref<576xf32, #tpu.memory_space<vmem>>, vector<16xf32>,
      %reduce_max3A_2836 = arith.constant true
      %reduce_max3A_2837 = vector.broadcast %reduce_max3A_2836 : i1 to vector<16xi1>
      %reduce_max3A_2838 = tpu.scan <max>, %add3A_2833 masked %reduce_max3A_2837 : vector<16xf32>, vector<16xi1> -> vector<16xf32>
      %reduce_max3A_2839 = vector.extract %reduce_max3A_2838[15] : f32 from vector<16xf32>
      %eq3A_2840 = arith.constant 10 : i32
      %eq3A_2841 = vector.broadcast %eq3A_2840 : i32 to vector<16xi32>
      %eq3A_2842 = arith.cmpi eq, %iota3A, %eq3A_2841 : vector<16xi32>
      %broadcast_in_dim3A_2843 = vector.broadcast %reduce_max3A_2839 : f32 to vector<16xf32>
      %select_n3A_2844 = arith.select %eq3A_2842, %broadcast_in_dim3A_2843, %select_n3A_2772 : vector<16xi1>, vector<16xf32>
      %get3A_2845 = arith.constant 496 : index
      %get3A_2846 = tpu.vector_load %arg7[%get3A_2845] {strides = array<i32>} : memref<704xf32, #tpu.memory_space<vmem>>, vector<16xf32>,
      %broadcast_in_dim3A_2847 = arith.constant 495 : i32
      %broadcast_in_dim3A_2848 = vector.broadcast %broadcast_in_dim3A_2847 : i32 to vector<16xi32>
      %add3A_2849 = arith.addi %broadcast_in_dim3A_2848, %iota3A : vector<16xi32>
      %gather3A_2850 = tpu.vector_load_idx %arg7[%add3A_2849] : memref<704xf32, #tpu.memory_space<vmem>>[vector<16xi32>], vector<16xf32>,
      %broadcast_in_dim3A_2851 = arith.constant 497 : i32
      %broadcast_in_dim3A_2852 = vector.broadcast %broadcast_in_dim3A_2851 : i32 to vector<16xi32>
      %add3A_2853 = arith.addi %broadcast_in_dim3A_2852, %iota3A : vector<16xi32>
      %gather3A_2854 = tpu.vector_load_idx %arg7[%add3A_2853] : memref<704xf32, #tpu.memory_space<vmem>>[vector<16xi32>], vector<16xf32>,
      %add3A_2855 = arith.constant 432 : i32
      %add3A_2856 = vector.broadcast %add3A_2855 : i32 to vector<16xi32>
      %add3A_2857 = arith.addi %iota3A, %add3A_2856 : vector<16xi32>
      %jit3A_2858 = arith.constant 24 : i32
      %eq3A_2859 = arith.constant 0 : i32
      %eq3A_2860 = arith.cmpi eq, %jit3A_2858, %eq3A_2859 : i32
      %jit3A_2861 = arith.constant 1 : i32
      %select_n3A_2862 = arith.select %eq3A_2860, %jit3A_2861, %jit3A_2858 : i32
      %rem3A_2863 = vector.broadcast %select_n3A_2862 : i32 to vector<16xi32>
      %rem3A_2864 = arith.remsi %add3A_2857, %rem3A_2863 : vector<16xi32>
      %ne3A_2865 = arith.constant 0 : i32
      %ne3A_2866 = vector.broadcast %ne3A_2865 : i32 to vector<16xi32>
      %ne3A_2867 = arith.cmpi ne, %rem3A_2864, %ne3A_2866 : vector<16xi32>
      %lt3A_2868 = arith.constant 0 : i32
      %lt3A_2869 = vector.broadcast %lt3A_2868 : i32 to vector<16xi32>
      %lt3A_2870 = arith.cmpi slt, %rem3A_2864, %lt3A_2869 : vector<16xi32>
      %lt3A_2871 = arith.constant 0 : i32
      %lt3A_2872 = arith.cmpi slt, %select_n3A_2862, %lt3A_2871 : i32
      %ne3A_2873 = vector.broadcast %lt3A_2872 : i1 to vector<16xi1>
      %ne3A_2874 = vector.broadcast %ne3A_2873 : vector<16xi1> to vector<16xi1>
      %ne3A_2875 = arith.xori %lt3A_2870, %ne3A_2874 : vector<16xi1>
      %and3A_2876 = arith.andi %ne3A_2875, %ne3A_2867 : vector<16xi1>
      %add3A_2877 = vector.broadcast %select_n3A_2862 : i32 to vector<16xi32>
      %add3A_2878 = arith.addi %rem3A_2864, %add3A_2877 : vector<16xi32>
      %select_n3A_2879 = arith.select %and3A_2876, %add3A_2878, %rem3A_2864 : vector<16xi1>, vector<16xi32>
      %eq3A_2880 = arith.constant 0 : i32
      %eq3A_2881 = vector.broadcast %eq3A_2880 : i32 to vector<16xi32>
      %eq3A_2882 = arith.cmpi eq, %select_n3A_2879, %eq3A_2881 : vector<16xi32>
      %jit3A_2883 = arith.constant 0.000000e+00 : f32
      %broadcast_in_dim3A_2884 = vector.broadcast %jit3A_2883 : f32 to vector<16xf32>
      %select_n3A_2885 = arith.select %eq3A_2882, %broadcast_in_dim3A_2884, %gather3A_2850 : vector<16xi1>, vector<16xf32>
      %eq3A_2886 = arith.constant 23 : i32
      %eq3A_2887 = vector.broadcast %eq3A_2886 : i32 to vector<16xi32>
      %eq3A_2888 = arith.cmpi eq, %select_n3A_2879, %eq3A_2887 : vector<16xi32>
      %jit3A_2889 = arith.constant 0.000000e+00 : f32
      %broadcast_in_dim3A_2890 = vector.broadcast %jit3A_2889 : f32 to vector<16xf32>
      %select_n3A_2891 = arith.select %eq3A_2888, %broadcast_in_dim3A_2890, %gather3A_2854 : vector<16xi1>, vector<16xf32>
      %mul3A_2892 = arith.constant 2.000000e+00 : f32
      %mul3A_2893 = vector.broadcast %mul3A_2892 : f32 to vector<16xf32>
      %mul3A_2894 = arith.mulf %mul3A_2893, %get3A_2846 : vector<16xf32>
      %add3A_2895 = arith.addf %select_n3A_2885, %mul3A_2894 : vector<16xf32>
      %add3A_2896 = arith.addf %add3A_2895, %select_n3A_2891 : vector<16xf32>
      %swap3A_2897 = arith.constant 432 : index
      %swap3A_2898 = tpu.vector_load %arg8[%swap3A_2897] {strides = array<i32>} : memref<576xf32, #tpu.memory_space<vmem>>, vector<16xf32>,
      tpu.vector_store %arg8[%swap3A_2897], %add3A_2896 {strides = array<i32>} : memref<576xf32, #tpu.memory_space<vmem>>, vector<16xf32>,
      %mul3A_2899 = arith.constant 1.024000e+03 : f32
      %mul3A_2900 = vector.broadcast %mul3A_2899 : f32 to vector<16xf32>
      %mul3A_2901 = arith.mulf %add3A_2896, %mul3A_2900 : vector<16xf32>
      %sub3A_2902 = arith.constant 1.430000e+02 : f32
      %sub3A_2903 = vector.broadcast %sub3A_2902 : f32 to vector<16xf32>
      %sub3A_2904 = arith.subf %sub3A_2903, %convert_element_type3A : vector<16xf32>
      %add3A_2905 = arith.addf %mul3A_2901, %sub3A_2904 : vector<16xf32>
      %swap3A_2906 = arith.constant 432 : index
      %swap3A_2907 = tpu.vector_load %arg9[%swap3A_2906] {strides = array<i32>} : memref<576xf32, #tpu.memory_space<vmem>>, vector<16xf32>,
      tpu.vector_store %arg9[%swap3A_2906], %add3A_2905 {strides = array<i32>} : memref<576xf32, #tpu.memory_space<vmem>>, vector<16xf32>,
      %reduce_max3A_2908 = arith.constant true
      %reduce_max3A_2909 = vector.broadcast %reduce_max3A_2908 : i1 to vector<16xi1>
      %reduce_max3A_2910 = tpu.scan <max>, %add3A_2905 masked %reduce_max3A_2909 : vector<16xf32>, vector<16xi1> -> vector<16xf32>
      %reduce_max3A_2911 = vector.extract %reduce_max3A_2910[15] : f32 from vector<16xf32>
      %eq3A_2912 = arith.constant 11 : i32
      %eq3A_2913 = vector.broadcast %eq3A_2912 : i32 to vector<16xi32>
      %eq3A_2914 = arith.cmpi eq, %iota3A, %eq3A_2913 : vector<16xi32>
      %broadcast_in_dim3A_2915 = vector.broadcast %reduce_max3A_2911 : f32 to vector<16xf32>
      %select_n3A_2916 = arith.select %eq3A_2914, %broadcast_in_dim3A_2915, %select_n3A_2844 : vector<16xi1>, vector<16xf32>
      %get3A_2917 = arith.constant 512 : index
      %get3A_2918 = tpu.vector_load %arg7[%get3A_2917] {strides = array<i32>} : memref<704xf32, #tpu.memory_space<vmem>>, vector<16xf32>,
      %broadcast_in_dim3A_2919 = arith.constant 511 : i32
      %broadcast_in_dim3A_2920 = vector.broadcast %broadcast_in_dim3A_2919 : i32 to vector<16xi32>
      %add3A_2921 = arith.addi %broadcast_in_dim3A_2920, %iota3A : vector<16xi32>
      %gather3A_2922 = tpu.vector_load_idx %arg7[%add3A_2921] : memref<704xf32, #tpu.memory_space<vmem>>[vector<16xi32>], vector<16xf32>,
      %broadcast_in_dim3A_2923 = arith.constant 513 : i32
      %broadcast_in_dim3A_2924 = vector.broadcast %broadcast_in_dim3A_2923 : i32 to vector<16xi32>
      %add3A_2925 = arith.addi %broadcast_in_dim3A_2924, %iota3A : vector<16xi32>
      %gather3A_2926 = tpu.vector_load_idx %arg7[%add3A_2925] : memref<704xf32, #tpu.memory_space<vmem>>[vector<16xi32>], vector<16xf32>,
      %add3A_2927 = arith.constant 448 : i32
      %add3A_2928 = vector.broadcast %add3A_2927 : i32 to vector<16xi32>
      %add3A_2929 = arith.addi %iota3A, %add3A_2928 : vector<16xi32>
      %jit3A_2930 = arith.constant 24 : i32
      %eq3A_2931 = arith.constant 0 : i32
      %eq3A_2932 = arith.cmpi eq, %jit3A_2930, %eq3A_2931 : i32
      %jit3A_2933 = arith.constant 1 : i32
      %select_n3A_2934 = arith.select %eq3A_2932, %jit3A_2933, %jit3A_2930 : i32
      %rem3A_2935 = vector.broadcast %select_n3A_2934 : i32 to vector<16xi32>
      %rem3A_2936 = arith.remsi %add3A_2929, %rem3A_2935 : vector<16xi32>
      %ne3A_2937 = arith.constant 0 : i32
      %ne3A_2938 = vector.broadcast %ne3A_2937 : i32 to vector<16xi32>
      %ne3A_2939 = arith.cmpi ne, %rem3A_2936, %ne3A_2938 : vector<16xi32>
      %lt3A_2940 = arith.constant 0 : i32
      %lt3A_2941 = vector.broadcast %lt3A_2940 : i32 to vector<16xi32>
      %lt3A_2942 = arith.cmpi slt, %rem3A_2936, %lt3A_2941 : vector<16xi32>
      %lt3A_2943 = arith.constant 0 : i32
      %lt3A_2944 = arith.cmpi slt, %select_n3A_2934, %lt3A_2943 : i32
      %ne3A_2945 = vector.broadcast %lt3A_2944 : i1 to vector<16xi1>
      %ne3A_2946 = vector.broadcast %ne3A_2945 : vector<16xi1> to vector<16xi1>
      %ne3A_2947 = arith.xori %lt3A_2942, %ne3A_2946 : vector<16xi1>
      %and3A_2948 = arith.andi %ne3A_2947, %ne3A_2939 : vector<16xi1>
      %add3A_2949 = vector.broadcast %select_n3A_2934 : i32 to vector<16xi32>
      %add3A_2950 = arith.addi %rem3A_2936, %add3A_2949 : vector<16xi32>
      %select_n3A_2951 = arith.select %and3A_2948, %add3A_2950, %rem3A_2936 : vector<16xi1>, vector<16xi32>
      %eq3A_2952 = arith.constant 0 : i32
      %eq3A_2953 = vector.broadcast %eq3A_2952 : i32 to vector<16xi32>
      %eq3A_2954 = arith.cmpi eq, %select_n3A_2951, %eq3A_2953 : vector<16xi32>
      %jit3A_2955 = arith.constant 0.000000e+00 : f32
      %broadcast_in_dim3A_2956 = vector.broadcast %jit3A_2955 : f32 to vector<16xf32>
      %select_n3A_2957 = arith.select %eq3A_2954, %broadcast_in_dim3A_2956, %gather3A_2922 : vector<16xi1>, vector<16xf32>
      %eq3A_2958 = arith.constant 23 : i32
      %eq3A_2959 = vector.broadcast %eq3A_2958 : i32 to vector<16xi32>
      %eq3A_2960 = arith.cmpi eq, %select_n3A_2951, %eq3A_2959 : vector<16xi32>
      %jit3A_2961 = arith.constant 0.000000e+00 : f32
      %broadcast_in_dim3A_2962 = vector.broadcast %jit3A_2961 : f32 to vector<16xf32>
      %select_n3A_2963 = arith.select %eq3A_2960, %broadcast_in_dim3A_2962, %gather3A_2926 : vector<16xi1>, vector<16xf32>
      %mul3A_2964 = arith.constant 2.000000e+00 : f32
      %mul3A_2965 = vector.broadcast %mul3A_2964 : f32 to vector<16xf32>
      %mul3A_2966 = arith.mulf %mul3A_2965, %get3A_2918 : vector<16xf32>
      %add3A_2967 = arith.addf %select_n3A_2957, %mul3A_2966 : vector<16xf32>
      %add3A_2968 = arith.addf %add3A_2967, %select_n3A_2963 : vector<16xf32>
      %swap3A_2969 = arith.constant 448 : index
      %swap3A_2970 = tpu.vector_load %arg8[%swap3A_2969] {strides = array<i32>} : memref<576xf32, #tpu.memory_space<vmem>>, vector<16xf32>,
      tpu.vector_store %arg8[%swap3A_2969], %add3A_2968 {strides = array<i32>} : memref<576xf32, #tpu.memory_space<vmem>>, vector<16xf32>,
      %mul3A_2971 = arith.constant 1.024000e+03 : f32
      %mul3A_2972 = vector.broadcast %mul3A_2971 : f32 to vector<16xf32>
      %mul3A_2973 = arith.mulf %add3A_2968, %mul3A_2972 : vector<16xf32>
      %sub3A_2974 = arith.constant 1.270000e+02 : f32
      %sub3A_2975 = vector.broadcast %sub3A_2974 : f32 to vector<16xf32>
      %sub3A_2976 = arith.subf %sub3A_2975, %convert_element_type3A : vector<16xf32>
      %add3A_2977 = arith.addf %mul3A_2973, %sub3A_2976 : vector<16xf32>
      %swap3A_2978 = arith.constant 448 : index
      %swap3A_2979 = tpu.vector_load %arg9[%swap3A_2978] {strides = array<i32>} : memref<576xf32, #tpu.memory_space<vmem>>, vector<16xf32>,
      tpu.vector_store %arg9[%swap3A_2978], %add3A_2977 {strides = array<i32>} : memref<576xf32, #tpu.memory_space<vmem>>, vector<16xf32>,
      %reduce_max3A_2980 = arith.constant true
      %reduce_max3A_2981 = vector.broadcast %reduce_max3A_2980 : i1 to vector<16xi1>
      %reduce_max3A_2982 = tpu.scan <max>, %add3A_2977 masked %reduce_max3A_2981 : vector<16xf32>, vector<16xi1> -> vector<16xf32>
      %reduce_max3A_2983 = vector.extract %reduce_max3A_2982[15] : f32 from vector<16xf32>
      %eq3A_2984 = arith.constant 12 : i32
      %eq3A_2985 = vector.broadcast %eq3A_2984 : i32 to vector<16xi32>
      %eq3A_2986 = arith.cmpi eq, %iota3A, %eq3A_2985 : vector<16xi32>
      %broadcast_in_dim3A_2987 = vector.broadcast %reduce_max3A_2983 : f32 to vector<16xf32>
      %select_n3A_2988 = arith.select %eq3A_2986, %broadcast_in_dim3A_2987, %select_n3A_2916 : vector<16xi1>, vector<16xf32>
      %get3A_2989 = arith.constant 528 : index
      %get3A_2990 = tpu.vector_load %arg7[%get3A_2989] {strides = array<i32>} : memref<704xf32, #tpu.memory_space<vmem>>, vector<16xf32>,
      %broadcast_in_dim3A_2991 = arith.constant 527 : i32
      %broadcast_in_dim3A_2992 = vector.broadcast %broadcast_in_dim3A_2991 : i32 to vector<16xi32>
      %add3A_2993 = arith.addi %broadcast_in_dim3A_2992, %iota3A : vector<16xi32>
      %gather3A_2994 = tpu.vector_load_idx %arg7[%add3A_2993] : memref<704xf32, #tpu.memory_space<vmem>>[vector<16xi32>], vector<16xf32>,
      %broadcast_in_dim3A_2995 = arith.constant 529 : i32
      %broadcast_in_dim3A_2996 = vector.broadcast %broadcast_in_dim3A_2995 : i32 to vector<16xi32>
      %add3A_2997 = arith.addi %broadcast_in_dim3A_2996, %iota3A : vector<16xi32>
      %gather3A_2998 = tpu.vector_load_idx %arg7[%add3A_2997] : memref<704xf32, #tpu.memory_space<vmem>>[vector<16xi32>], vector<16xf32>,
      %add3A_2999 = arith.constant 464 : i32
      %add3A_3000 = vector.broadcast %add3A_2999 : i32 to vector<16xi32>
      %add3A_3001 = arith.addi %iota3A, %add3A_3000 : vector<16xi32>
      %jit3A_3002 = arith.constant 24 : i32
      %eq3A_3003 = arith.constant 0 : i32
      %eq3A_3004 = arith.cmpi eq, %jit3A_3002, %eq3A_3003 : i32
      %jit3A_3005 = arith.constant 1 : i32
      %select_n3A_3006 = arith.select %eq3A_3004, %jit3A_3005, %jit3A_3002 : i32
      %rem3A_3007 = vector.broadcast %select_n3A_3006 : i32 to vector<16xi32>
      %rem3A_3008 = arith.remsi %add3A_3001, %rem3A_3007 : vector<16xi32>
      %ne3A_3009 = arith.constant 0 : i32
      %ne3A_3010 = vector.broadcast %ne3A_3009 : i32 to vector<16xi32>
      %ne3A_3011 = arith.cmpi ne, %rem3A_3008, %ne3A_3010 : vector<16xi32>
      %lt3A_3012 = arith.constant 0 : i32
      %lt3A_3013 = vector.broadcast %lt3A_3012 : i32 to vector<16xi32>
      %lt3A_3014 = arith.cmpi slt, %rem3A_3008, %lt3A_3013 : vector<16xi32>
      %lt3A_3015 = arith.constant 0 : i32
      %lt3A_3016 = arith.cmpi slt, %select_n3A_3006, %lt3A_3015 : i32
      %ne3A_3017 = vector.broadcast %lt3A_3016 : i1 to vector<16xi1>
      %ne3A_3018 = vector.broadcast %ne3A_3017 : vector<16xi1> to vector<16xi1>
      %ne3A_3019 = arith.xori %lt3A_3014, %ne3A_3018 : vector<16xi1>
      %and3A_3020 = arith.andi %ne3A_3019, %ne3A_3011 : vector<16xi1>
      %add3A_3021 = vector.broadcast %select_n3A_3006 : i32 to vector<16xi32>
      %add3A_3022 = arith.addi %rem3A_3008, %add3A_3021 : vector<16xi32>
      %select_n3A_3023 = arith.select %and3A_3020, %add3A_3022, %rem3A_3008 : vector<16xi1>, vector<16xi32>
      %eq3A_3024 = arith.constant 0 : i32
      %eq3A_3025 = vector.broadcast %eq3A_3024 : i32 to vector<16xi32>
      %eq3A_3026 = arith.cmpi eq, %select_n3A_3023, %eq3A_3025 : vector<16xi32>
      %jit3A_3027 = arith.constant 0.000000e+00 : f32
      %broadcast_in_dim3A_3028 = vector.broadcast %jit3A_3027 : f32 to vector<16xf32>
      %select_n3A_3029 = arith.select %eq3A_3026, %broadcast_in_dim3A_3028, %gather3A_2994 : vector<16xi1>, vector<16xf32>
      %eq3A_3030 = arith.constant 23 : i32
      %eq3A_3031 = vector.broadcast %eq3A_3030 : i32 to vector<16xi32>
      %eq3A_3032 = arith.cmpi eq, %select_n3A_3023, %eq3A_3031 : vector<16xi32>
      %jit3A_3033 = arith.constant 0.000000e+00 : f32
      %broadcast_in_dim3A_3034 = vector.broadcast %jit3A_3033 : f32 to vector<16xf32>
      %select_n3A_3035 = arith.select %eq3A_3032, %broadcast_in_dim3A_3034, %gather3A_2998 : vector<16xi1>, vector<16xf32>
      %mul3A_3036 = arith.constant 2.000000e+00 : f32
      %mul3A_3037 = vector.broadcast %mul3A_3036 : f32 to vector<16xf32>
      %mul3A_3038 = arith.mulf %mul3A_3037, %get3A_2990 : vector<16xf32>
      %add3A_3039 = arith.addf %select_n3A_3029, %mul3A_3038 : vector<16xf32>
      %add3A_3040 = arith.addf %add3A_3039, %select_n3A_3035 : vector<16xf32>
      %swap3A_3041 = arith.constant 464 : index
      %swap3A_3042 = tpu.vector_load %arg8[%swap3A_3041] {strides = array<i32>} : memref<576xf32, #tpu.memory_space<vmem>>, vector<16xf32>,
      tpu.vector_store %arg8[%swap3A_3041], %add3A_3040 {strides = array<i32>} : memref<576xf32, #tpu.memory_space<vmem>>, vector<16xf32>,
      %mul3A_3043 = arith.constant 1.024000e+03 : f32
      %mul3A_3044 = vector.broadcast %mul3A_3043 : f32 to vector<16xf32>
      %mul3A_3045 = arith.mulf %add3A_3040, %mul3A_3044 : vector<16xf32>
      %sub3A_3046 = arith.constant 1.110000e+02 : f32
      %sub3A_3047 = vector.broadcast %sub3A_3046 : f32 to vector<16xf32>
      %sub3A_3048 = arith.subf %sub3A_3047, %convert_element_type3A : vector<16xf32>
      %add3A_3049 = arith.addf %mul3A_3045, %sub3A_3048 : vector<16xf32>
      %swap3A_3050 = arith.constant 464 : index
      %swap3A_3051 = tpu.vector_load %arg9[%swap3A_3050] {strides = array<i32>} : memref<576xf32, #tpu.memory_space<vmem>>, vector<16xf32>,
      tpu.vector_store %arg9[%swap3A_3050], %add3A_3049 {strides = array<i32>} : memref<576xf32, #tpu.memory_space<vmem>>, vector<16xf32>,
      %reduce_max3A_3052 = arith.constant true
      %reduce_max3A_3053 = vector.broadcast %reduce_max3A_3052 : i1 to vector<16xi1>
      %reduce_max3A_3054 = tpu.scan <max>, %add3A_3049 masked %reduce_max3A_3053 : vector<16xf32>, vector<16xi1> -> vector<16xf32>
      %reduce_max3A_3055 = vector.extract %reduce_max3A_3054[15] : f32 from vector<16xf32>
      %eq3A_3056 = arith.constant 13 : i32
      %eq3A_3057 = vector.broadcast %eq3A_3056 : i32 to vector<16xi32>
      %eq3A_3058 = arith.cmpi eq, %iota3A, %eq3A_3057 : vector<16xi32>
      %broadcast_in_dim3A_3059 = vector.broadcast %reduce_max3A_3055 : f32 to vector<16xf32>
      %select_n3A_3060 = arith.select %eq3A_3058, %broadcast_in_dim3A_3059, %select_n3A_2988 : vector<16xi1>, vector<16xf32>
      %get3A_3061 = arith.constant 544 : index
      %get3A_3062 = tpu.vector_load %arg7[%get3A_3061] {strides = array<i32>} : memref<704xf32, #tpu.memory_space<vmem>>, vector<16xf32>,
      %broadcast_in_dim3A_3063 = arith.constant 543 : i32
      %broadcast_in_dim3A_3064 = vector.broadcast %broadcast_in_dim3A_3063 : i32 to vector<16xi32>
      %add3A_3065 = arith.addi %broadcast_in_dim3A_3064, %iota3A : vector<16xi32>
      %gather3A_3066 = tpu.vector_load_idx %arg7[%add3A_3065] : memref<704xf32, #tpu.memory_space<vmem>>[vector<16xi32>], vector<16xf32>,
      %broadcast_in_dim3A_3067 = arith.constant 545 : i32
      %broadcast_in_dim3A_3068 = vector.broadcast %broadcast_in_dim3A_3067 : i32 to vector<16xi32>
      %add3A_3069 = arith.addi %broadcast_in_dim3A_3068, %iota3A : vector<16xi32>
      %gather3A_3070 = tpu.vector_load_idx %arg7[%add3A_3069] : memref<704xf32, #tpu.memory_space<vmem>>[vector<16xi32>], vector<16xf32>,
      %add3A_3071 = arith.constant 480 : i32
      %add3A_3072 = vector.broadcast %add3A_3071 : i32 to vector<16xi32>
      %add3A_3073 = arith.addi %iota3A, %add3A_3072 : vector<16xi32>
      %jit3A_3074 = arith.constant 24 : i32
      %eq3A_3075 = arith.constant 0 : i32
      %eq3A_3076 = arith.cmpi eq, %jit3A_3074, %eq3A_3075 : i32
      %jit3A_3077 = arith.constant 1 : i32
      %select_n3A_3078 = arith.select %eq3A_3076, %jit3A_3077, %jit3A_3074 : i32
      %rem3A_3079 = vector.broadcast %select_n3A_3078 : i32 to vector<16xi32>
      %rem3A_3080 = arith.remsi %add3A_3073, %rem3A_3079 : vector<16xi32>
      %ne3A_3081 = arith.constant 0 : i32
      %ne3A_3082 = vector.broadcast %ne3A_3081 : i32 to vector<16xi32>
      %ne3A_3083 = arith.cmpi ne, %rem3A_3080, %ne3A_3082 : vector<16xi32>
      %lt3A_3084 = arith.constant 0 : i32
      %lt3A_3085 = vector.broadcast %lt3A_3084 : i32 to vector<16xi32>
      %lt3A_3086 = arith.cmpi slt, %rem3A_3080, %lt3A_3085 : vector<16xi32>
      %lt3A_3087 = arith.constant 0 : i32
      %lt3A_3088 = arith.cmpi slt, %select_n3A_3078, %lt3A_3087 : i32
      %ne3A_3089 = vector.broadcast %lt3A_3088 : i1 to vector<16xi1>
      %ne3A_3090 = vector.broadcast %ne3A_3089 : vector<16xi1> to vector<16xi1>
      %ne3A_3091 = arith.xori %lt3A_3086, %ne3A_3090 : vector<16xi1>
      %and3A_3092 = arith.andi %ne3A_3091, %ne3A_3083 : vector<16xi1>
      %add3A_3093 = vector.broadcast %select_n3A_3078 : i32 to vector<16xi32>
      %add3A_3094 = arith.addi %rem3A_3080, %add3A_3093 : vector<16xi32>
      %select_n3A_3095 = arith.select %and3A_3092, %add3A_3094, %rem3A_3080 : vector<16xi1>, vector<16xi32>
      %eq3A_3096 = arith.constant 0 : i32
      %eq3A_3097 = vector.broadcast %eq3A_3096 : i32 to vector<16xi32>
      %eq3A_3098 = arith.cmpi eq, %select_n3A_3095, %eq3A_3097 : vector<16xi32>
      %jit3A_3099 = arith.constant 0.000000e+00 : f32
      %broadcast_in_dim3A_3100 = vector.broadcast %jit3A_3099 : f32 to vector<16xf32>
      %select_n3A_3101 = arith.select %eq3A_3098, %broadcast_in_dim3A_3100, %gather3A_3066 : vector<16xi1>, vector<16xf32>
      %eq3A_3102 = arith.constant 23 : i32
      %eq3A_3103 = vector.broadcast %eq3A_3102 : i32 to vector<16xi32>
      %eq3A_3104 = arith.cmpi eq, %select_n3A_3095, %eq3A_3103 : vector<16xi32>
      %jit3A_3105 = arith.constant 0.000000e+00 : f32
      %broadcast_in_dim3A_3106 = vector.broadcast %jit3A_3105 : f32 to vector<16xf32>
      %select_n3A_3107 = arith.select %eq3A_3104, %broadcast_in_dim3A_3106, %gather3A_3070 : vector<16xi1>, vector<16xf32>
      %mul3A_3108 = arith.constant 2.000000e+00 : f32
      %mul3A_3109 = vector.broadcast %mul3A_3108 : f32 to vector<16xf32>
      %mul3A_3110 = arith.mulf %mul3A_3109, %get3A_3062 : vector<16xf32>
      %add3A_3111 = arith.addf %select_n3A_3101, %mul3A_3110 : vector<16xf32>
      %add3A_3112 = arith.addf %add3A_3111, %select_n3A_3107 : vector<16xf32>
      %swap3A_3113 = arith.constant 480 : index
      %swap3A_3114 = tpu.vector_load %arg8[%swap3A_3113] {strides = array<i32>} : memref<576xf32, #tpu.memory_space<vmem>>, vector<16xf32>,
      tpu.vector_store %arg8[%swap3A_3113], %add3A_3112 {strides = array<i32>} : memref<576xf32, #tpu.memory_space<vmem>>, vector<16xf32>,
      %mul3A_3115 = arith.constant 1.024000e+03 : f32
      %mul3A_3116 = vector.broadcast %mul3A_3115 : f32 to vector<16xf32>
      %mul3A_3117 = arith.mulf %add3A_3112, %mul3A_3116 : vector<16xf32>
      %sub3A_3118 = arith.constant 9.500000e+01 : f32
      %sub3A_3119 = vector.broadcast %sub3A_3118 : f32 to vector<16xf32>
      %sub3A_3120 = arith.subf %sub3A_3119, %convert_element_type3A : vector<16xf32>
      %add3A_3121 = arith.addf %mul3A_3117, %sub3A_3120 : vector<16xf32>
      %swap3A_3122 = arith.constant 480 : index
      %swap3A_3123 = tpu.vector_load %arg9[%swap3A_3122] {strides = array<i32>} : memref<576xf32, #tpu.memory_space<vmem>>, vector<16xf32>,
      tpu.vector_store %arg9[%swap3A_3122], %add3A_3121 {strides = array<i32>} : memref<576xf32, #tpu.memory_space<vmem>>, vector<16xf32>,
      %reduce_max3A_3124 = arith.constant true
      %reduce_max3A_3125 = vector.broadcast %reduce_max3A_3124 : i1 to vector<16xi1>
      %reduce_max3A_3126 = tpu.scan <max>, %add3A_3121 masked %reduce_max3A_3125 : vector<16xf32>, vector<16xi1> -> vector<16xf32>
      %reduce_max3A_3127 = vector.extract %reduce_max3A_3126[15] : f32 from vector<16xf32>
      %eq3A_3128 = arith.constant 14 : i32
      %eq3A_3129 = vector.broadcast %eq3A_3128 : i32 to vector<16xi32>
      %eq3A_3130 = arith.cmpi eq, %iota3A, %eq3A_3129 : vector<16xi32>
      %broadcast_in_dim3A_3131 = vector.broadcast %reduce_max3A_3127 : f32 to vector<16xf32>
      %select_n3A_3132 = arith.select %eq3A_3130, %broadcast_in_dim3A_3131, %select_n3A_3060 : vector<16xi1>, vector<16xf32>
      %get3A_3133 = arith.constant 560 : index
      %get3A_3134 = tpu.vector_load %arg7[%get3A_3133] {strides = array<i32>} : memref<704xf32, #tpu.memory_space<vmem>>, vector<16xf32>,
      %broadcast_in_dim3A_3135 = arith.constant 559 : i32
      %broadcast_in_dim3A_3136 = vector.broadcast %broadcast_in_dim3A_3135 : i32 to vector<16xi32>
      %add3A_3137 = arith.addi %broadcast_in_dim3A_3136, %iota3A : vector<16xi32>
      %gather3A_3138 = tpu.vector_load_idx %arg7[%add3A_3137] : memref<704xf32, #tpu.memory_space<vmem>>[vector<16xi32>], vector<16xf32>,
      %broadcast_in_dim3A_3139 = arith.constant 561 : i32
      %broadcast_in_dim3A_3140 = vector.broadcast %broadcast_in_dim3A_3139 : i32 to vector<16xi32>
      %add3A_3141 = arith.addi %broadcast_in_dim3A_3140, %iota3A : vector<16xi32>
      %gather3A_3142 = tpu.vector_load_idx %arg7[%add3A_3141] : memref<704xf32, #tpu.memory_space<vmem>>[vector<16xi32>], vector<16xf32>,
      %add3A_3143 = arith.constant 496 : i32
      %add3A_3144 = vector.broadcast %add3A_3143 : i32 to vector<16xi32>
      %add3A_3145 = arith.addi %iota3A, %add3A_3144 : vector<16xi32>
      %jit3A_3146 = arith.constant 24 : i32
      %eq3A_3147 = arith.constant 0 : i32
      %eq3A_3148 = arith.cmpi eq, %jit3A_3146, %eq3A_3147 : i32
      %jit3A_3149 = arith.constant 1 : i32
      %select_n3A_3150 = arith.select %eq3A_3148, %jit3A_3149, %jit3A_3146 : i32
      %rem3A_3151 = vector.broadcast %select_n3A_3150 : i32 to vector<16xi32>
      %rem3A_3152 = arith.remsi %add3A_3145, %rem3A_3151 : vector<16xi32>
      %ne3A_3153 = arith.constant 0 : i32
      %ne3A_3154 = vector.broadcast %ne3A_3153 : i32 to vector<16xi32>
      %ne3A_3155 = arith.cmpi ne, %rem3A_3152, %ne3A_3154 : vector<16xi32>
      %lt3A_3156 = arith.constant 0 : i32
      %lt3A_3157 = vector.broadcast %lt3A_3156 : i32 to vector<16xi32>
      %lt3A_3158 = arith.cmpi slt, %rem3A_3152, %lt3A_3157 : vector<16xi32>
      %lt3A_3159 = arith.constant 0 : i32
      %lt3A_3160 = arith.cmpi slt, %select_n3A_3150, %lt3A_3159 : i32
      %ne3A_3161 = vector.broadcast %lt3A_3160 : i1 to vector<16xi1>
      %ne3A_3162 = vector.broadcast %ne3A_3161 : vector<16xi1> to vector<16xi1>
      %ne3A_3163 = arith.xori %lt3A_3158, %ne3A_3162 : vector<16xi1>
      %and3A_3164 = arith.andi %ne3A_3163, %ne3A_3155 : vector<16xi1>
      %add3A_3165 = vector.broadcast %select_n3A_3150 : i32 to vector<16xi32>
      %add3A_3166 = arith.addi %rem3A_3152, %add3A_3165 : vector<16xi32>
      %select_n3A_3167 = arith.select %and3A_3164, %add3A_3166, %rem3A_3152 : vector<16xi1>, vector<16xi32>
      %eq3A_3168 = arith.constant 0 : i32
      %eq3A_3169 = vector.broadcast %eq3A_3168 : i32 to vector<16xi32>
      %eq3A_3170 = arith.cmpi eq, %select_n3A_3167, %eq3A_3169 : vector<16xi32>
      %jit3A_3171 = arith.constant 0.000000e+00 : f32
      %broadcast_in_dim3A_3172 = vector.broadcast %jit3A_3171 : f32 to vector<16xf32>
      %select_n3A_3173 = arith.select %eq3A_3170, %broadcast_in_dim3A_3172, %gather3A_3138 : vector<16xi1>, vector<16xf32>
      %eq3A_3174 = arith.constant 23 : i32
      %eq3A_3175 = vector.broadcast %eq3A_3174 : i32 to vector<16xi32>
      %eq3A_3176 = arith.cmpi eq, %select_n3A_3167, %eq3A_3175 : vector<16xi32>
      %jit3A_3177 = arith.constant 0.000000e+00 : f32
      %broadcast_in_dim3A_3178 = vector.broadcast %jit3A_3177 : f32 to vector<16xf32>
      %select_n3A_3179 = arith.select %eq3A_3176, %broadcast_in_dim3A_3178, %gather3A_3142 : vector<16xi1>, vector<16xf32>
      %mul3A_3180 = arith.constant 2.000000e+00 : f32
      %mul3A_3181 = vector.broadcast %mul3A_3180 : f32 to vector<16xf32>
      %mul3A_3182 = arith.mulf %mul3A_3181, %get3A_3134 : vector<16xf32>
      %add3A_3183 = arith.addf %select_n3A_3173, %mul3A_3182 : vector<16xf32>
      %add3A_3184 = arith.addf %add3A_3183, %select_n3A_3179 : vector<16xf32>
      %swap3A_3185 = arith.constant 496 : index
      %swap3A_3186 = tpu.vector_load %arg8[%swap3A_3185] {strides = array<i32>} : memref<576xf32, #tpu.memory_space<vmem>>, vector<16xf32>,
      tpu.vector_store %arg8[%swap3A_3185], %add3A_3184 {strides = array<i32>} : memref<576xf32, #tpu.memory_space<vmem>>, vector<16xf32>,
      %mul3A_3187 = arith.constant 1.024000e+03 : f32
      %mul3A_3188 = vector.broadcast %mul3A_3187 : f32 to vector<16xf32>
      %mul3A_3189 = arith.mulf %add3A_3184, %mul3A_3188 : vector<16xf32>
      %sub3A_3190 = arith.constant 7.900000e+01 : f32
      %sub3A_3191 = vector.broadcast %sub3A_3190 : f32 to vector<16xf32>
      %sub3A_3192 = arith.subf %sub3A_3191, %convert_element_type3A : vector<16xf32>
      %add3A_3193 = arith.addf %mul3A_3189, %sub3A_3192 : vector<16xf32>
      %swap3A_3194 = arith.constant 496 : index
      %swap3A_3195 = tpu.vector_load %arg9[%swap3A_3194] {strides = array<i32>} : memref<576xf32, #tpu.memory_space<vmem>>, vector<16xf32>,
      tpu.vector_store %arg9[%swap3A_3194], %add3A_3193 {strides = array<i32>} : memref<576xf32, #tpu.memory_space<vmem>>, vector<16xf32>,
      %reduce_max3A_3196 = arith.constant true
      %reduce_max3A_3197 = vector.broadcast %reduce_max3A_3196 : i1 to vector<16xi1>
      %reduce_max3A_3198 = tpu.scan <max>, %add3A_3193 masked %reduce_max3A_3197 : vector<16xf32>, vector<16xi1> -> vector<16xf32>
      %reduce_max3A_3199 = vector.extract %reduce_max3A_3198[15] : f32 from vector<16xf32>
      %eq3A_3200 = arith.constant 15 : i32
      %eq3A_3201 = vector.broadcast %eq3A_3200 : i32 to vector<16xi32>
      %eq3A_3202 = arith.cmpi eq, %iota3A, %eq3A_3201 : vector<16xi32>
      %broadcast_in_dim3A_3203 = vector.broadcast %reduce_max3A_3199 : f32 to vector<16xf32>
      %select_n3A_3204 = arith.select %eq3A_3202, %broadcast_in_dim3A_3203, %select_n3A_3132 : vector<16xi1>, vector<16xf32>
      %get3A_3205 = arith.constant 576 : index
      %get3A_3206 = tpu.vector_load %arg7[%get3A_3205] {strides = array<i32>} : memref<704xf32, #tpu.memory_space<vmem>>, vector<16xf32>,
      %broadcast_in_dim3A_3207 = arith.constant 575 : i32
      %broadcast_in_dim3A_3208 = vector.broadcast %broadcast_in_dim3A_3207 : i32 to vector<16xi32>
      %add3A_3209 = arith.addi %broadcast_in_dim3A_3208, %iota3A : vector<16xi32>
      %gather3A_3210 = tpu.vector_load_idx %arg7[%add3A_3209] : memref<704xf32, #tpu.memory_space<vmem>>[vector<16xi32>], vector<16xf32>,
      %broadcast_in_dim3A_3211 = arith.constant 577 : i32
      %broadcast_in_dim3A_3212 = vector.broadcast %broadcast_in_dim3A_3211 : i32 to vector<16xi32>
      %add3A_3213 = arith.addi %broadcast_in_dim3A_3212, %iota3A : vector<16xi32>
      %gather3A_3214 = tpu.vector_load_idx %arg7[%add3A_3213] : memref<704xf32, #tpu.memory_space<vmem>>[vector<16xi32>], vector<16xf32>,
      %add3A_3215 = arith.constant 512 : i32
      %add3A_3216 = vector.broadcast %add3A_3215 : i32 to vector<16xi32>
      %add3A_3217 = arith.addi %iota3A, %add3A_3216 : vector<16xi32>
      %jit3A_3218 = arith.constant 24 : i32
      %eq3A_3219 = arith.constant 0 : i32
      %eq3A_3220 = arith.cmpi eq, %jit3A_3218, %eq3A_3219 : i32
      %jit3A_3221 = arith.constant 1 : i32
      %select_n3A_3222 = arith.select %eq3A_3220, %jit3A_3221, %jit3A_3218 : i32
      %rem3A_3223 = vector.broadcast %select_n3A_3222 : i32 to vector<16xi32>
      %rem3A_3224 = arith.remsi %add3A_3217, %rem3A_3223 : vector<16xi32>
      %ne3A_3225 = arith.constant 0 : i32
      %ne3A_3226 = vector.broadcast %ne3A_3225 : i32 to vector<16xi32>
      %ne3A_3227 = arith.cmpi ne, %rem3A_3224, %ne3A_3226 : vector<16xi32>
      %lt3A_3228 = arith.constant 0 : i32
      %lt3A_3229 = vector.broadcast %lt3A_3228 : i32 to vector<16xi32>
      %lt3A_3230 = arith.cmpi slt, %rem3A_3224, %lt3A_3229 : vector<16xi32>
      %lt3A_3231 = arith.constant 0 : i32
      %lt3A_3232 = arith.cmpi slt, %select_n3A_3222, %lt3A_3231 : i32
      %ne3A_3233 = vector.broadcast %lt3A_3232 : i1 to vector<16xi1>
      %ne3A_3234 = vector.broadcast %ne3A_3233 : vector<16xi1> to vector<16xi1>
      %ne3A_3235 = arith.xori %lt3A_3230, %ne3A_3234 : vector<16xi1>
      %and3A_3236 = arith.andi %ne3A_3235, %ne3A_3227 : vector<16xi1>
      %add3A_3237 = vector.broadcast %select_n3A_3222 : i32 to vector<16xi32>
      %add3A_3238 = arith.addi %rem3A_3224, %add3A_3237 : vector<16xi32>
      %select_n3A_3239 = arith.select %and3A_3236, %add3A_3238, %rem3A_3224 : vector<16xi1>, vector<16xi32>
      %eq3A_3240 = arith.constant 0 : i32
      %eq3A_3241 = vector.broadcast %eq3A_3240 : i32 to vector<16xi32>
      %eq3A_3242 = arith.cmpi eq, %select_n3A_3239, %eq3A_3241 : vector<16xi32>
      %jit3A_3243 = arith.constant 0.000000e+00 : f32
      %broadcast_in_dim3A_3244 = vector.broadcast %jit3A_3243 : f32 to vector<16xf32>
      %select_n3A_3245 = arith.select %eq3A_3242, %broadcast_in_dim3A_3244, %gather3A_3210 : vector<16xi1>, vector<16xf32>
      %eq3A_3246 = arith.constant 23 : i32
      %eq3A_3247 = vector.broadcast %eq3A_3246 : i32 to vector<16xi32>
      %eq3A_3248 = arith.cmpi eq, %select_n3A_3239, %eq3A_3247 : vector<16xi32>
      %jit3A_3249 = arith.constant 0.000000e+00 : f32
      %broadcast_in_dim3A_3250 = vector.broadcast %jit3A_3249 : f32 to vector<16xf32>
      %select_n3A_3251 = arith.select %eq3A_3248, %broadcast_in_dim3A_3250, %gather3A_3214 : vector<16xi1>, vector<16xf32>
      %mul3A_3252 = arith.constant 2.000000e+00 : f32
      %mul3A_3253 = vector.broadcast %mul3A_3252 : f32 to vector<16xf32>
      %mul3A_3254 = arith.mulf %mul3A_3253, %get3A_3206 : vector<16xf32>
      %add3A_3255 = arith.addf %select_n3A_3245, %mul3A_3254 : vector<16xf32>
      %add3A_3256 = arith.addf %add3A_3255, %select_n3A_3251 : vector<16xf32>
      %swap3A_3257 = arith.constant 512 : index
      %swap3A_3258 = tpu.vector_load %arg8[%swap3A_3257] {strides = array<i32>} : memref<576xf32, #tpu.memory_space<vmem>>, vector<16xf32>,
      tpu.vector_store %arg8[%swap3A_3257], %add3A_3256 {strides = array<i32>} : memref<576xf32, #tpu.memory_space<vmem>>, vector<16xf32>,
      %mul3A_3259 = arith.constant 1.024000e+03 : f32
      %mul3A_3260 = vector.broadcast %mul3A_3259 : f32 to vector<16xf32>
      %mul3A_3261 = arith.mulf %add3A_3256, %mul3A_3260 : vector<16xf32>
      %sub3A_3262 = arith.constant 6.300000e+01 : f32
      %sub3A_3263 = vector.broadcast %sub3A_3262 : f32 to vector<16xf32>
      %sub3A_3264 = arith.subf %sub3A_3263, %convert_element_type3A : vector<16xf32>
      %add3A_3265 = arith.addf %mul3A_3261, %sub3A_3264 : vector<16xf32>
      %swap3A_3266 = arith.constant 512 : index
      %swap3A_3267 = tpu.vector_load %arg9[%swap3A_3266] {strides = array<i32>} : memref<576xf32, #tpu.memory_space<vmem>>, vector<16xf32>,
      tpu.vector_store %arg9[%swap3A_3266], %add3A_3265 {strides = array<i32>} : memref<576xf32, #tpu.memory_space<vmem>>, vector<16xf32>,
      %reduce_max3A_3268 = arith.constant true
      %reduce_max3A_3269 = vector.broadcast %reduce_max3A_3268 : i1 to vector<16xi1>
      %reduce_max3A_3270 = tpu.scan <max>, %add3A_3265 masked %reduce_max3A_3269 : vector<16xf32>, vector<16xi1> -> vector<16xf32>
      %reduce_max3A_3271 = vector.extract %reduce_max3A_3270[15] : f32 from vector<16xf32>
      %eq3A_3272 = arith.constant 0 : i32
      %eq3A_3273 = vector.broadcast %eq3A_3272 : i32 to vector<16xi32>
      %eq3A_3274 = arith.cmpi eq, %iota3A, %eq3A_3273 : vector<16xi32>
      %broadcast_in_dim3A_3275 = vector.broadcast %reduce_max3A_3271 : f32 to vector<16xf32>
      %select_n3A_3276 = arith.select %eq3A_3274, %broadcast_in_dim3A_3275, %broadcast_in_dim3A_37 : vector<16xi1>, vector<16xf32>
      %get3A_3277 = arith.constant 592 : index
      %get3A_3278 = tpu.vector_load %arg7[%get3A_3277] {strides = array<i32>} : memref<704xf32, #tpu.memory_space<vmem>>, vector<16xf32>,
      %broadcast_in_dim3A_3279 = arith.constant 591 : i32
      %broadcast_in_dim3A_3280 = vector.broadcast %broadcast_in_dim3A_3279 : i32 to vector<16xi32>
      %add3A_3281 = arith.addi %broadcast_in_dim3A_3280, %iota3A : vector<16xi32>
      %gather3A_3282 = tpu.vector_load_idx %arg7[%add3A_3281] : memref<704xf32, #tpu.memory_space<vmem>>[vector<16xi32>], vector<16xf32>,
      %broadcast_in_dim3A_3283 = arith.constant 593 : i32
      %broadcast_in_dim3A_3284 = vector.broadcast %broadcast_in_dim3A_3283 : i32 to vector<16xi32>
      %add3A_3285 = arith.addi %broadcast_in_dim3A_3284, %iota3A : vector<16xi32>
      %gather3A_3286 = tpu.vector_load_idx %arg7[%add3A_3285] : memref<704xf32, #tpu.memory_space<vmem>>[vector<16xi32>], vector<16xf32>,
      %add3A_3287 = arith.constant 528 : i32
      %add3A_3288 = vector.broadcast %add3A_3287 : i32 to vector<16xi32>
      %add3A_3289 = arith.addi %iota3A, %add3A_3288 : vector<16xi32>
      %jit3A_3290 = arith.constant 24 : i32
      %eq3A_3291 = arith.constant 0 : i32
      %eq3A_3292 = arith.cmpi eq, %jit3A_3290, %eq3A_3291 : i32
      %jit3A_3293 = arith.constant 1 : i32
      %select_n3A_3294 = arith.select %eq3A_3292, %jit3A_3293, %jit3A_3290 : i32
      %rem3A_3295 = vector.broadcast %select_n3A_3294 : i32 to vector<16xi32>
      %rem3A_3296 = arith.remsi %add3A_3289, %rem3A_3295 : vector<16xi32>
      %ne3A_3297 = arith.constant 0 : i32
      %ne3A_3298 = vector.broadcast %ne3A_3297 : i32 to vector<16xi32>
      %ne3A_3299 = arith.cmpi ne, %rem3A_3296, %ne3A_3298 : vector<16xi32>
      %lt3A_3300 = arith.constant 0 : i32
      %lt3A_3301 = vector.broadcast %lt3A_3300 : i32 to vector<16xi32>
      %lt3A_3302 = arith.cmpi slt, %rem3A_3296, %lt3A_3301 : vector<16xi32>
      %lt3A_3303 = arith.constant 0 : i32
      %lt3A_3304 = arith.cmpi slt, %select_n3A_3294, %lt3A_3303 : i32
      %ne3A_3305 = vector.broadcast %lt3A_3304 : i1 to vector<16xi1>
      %ne3A_3306 = vector.broadcast %ne3A_3305 : vector<16xi1> to vector<16xi1>
      %ne3A_3307 = arith.xori %lt3A_3302, %ne3A_3306 : vector<16xi1>
      %and3A_3308 = arith.andi %ne3A_3307, %ne3A_3299 : vector<16xi1>
      %add3A_3309 = vector.broadcast %select_n3A_3294 : i32 to vector<16xi32>
      %add3A_3310 = arith.addi %rem3A_3296, %add3A_3309 : vector<16xi32>
      %select_n3A_3311 = arith.select %and3A_3308, %add3A_3310, %rem3A_3296 : vector<16xi1>, vector<16xi32>
      %eq3A_3312 = arith.constant 0 : i32
      %eq3A_3313 = vector.broadcast %eq3A_3312 : i32 to vector<16xi32>
      %eq3A_3314 = arith.cmpi eq, %select_n3A_3311, %eq3A_3313 : vector<16xi32>
      %jit3A_3315 = arith.constant 0.000000e+00 : f32
      %broadcast_in_dim3A_3316 = vector.broadcast %jit3A_3315 : f32 to vector<16xf32>
      %select_n3A_3317 = arith.select %eq3A_3314, %broadcast_in_dim3A_3316, %gather3A_3282 : vector<16xi1>, vector<16xf32>
      %eq3A_3318 = arith.constant 23 : i32
      %eq3A_3319 = vector.broadcast %eq3A_3318 : i32 to vector<16xi32>
      %eq3A_3320 = arith.cmpi eq, %select_n3A_3311, %eq3A_3319 : vector<16xi32>
      %jit3A_3321 = arith.constant 0.000000e+00 : f32
      %broadcast_in_dim3A_3322 = vector.broadcast %jit3A_3321 : f32 to vector<16xf32>
      %select_n3A_3323 = arith.select %eq3A_3320, %broadcast_in_dim3A_3322, %gather3A_3286 : vector<16xi1>, vector<16xf32>
      %mul3A_3324 = arith.constant 2.000000e+00 : f32
      %mul3A_3325 = vector.broadcast %mul3A_3324 : f32 to vector<16xf32>
      %mul3A_3326 = arith.mulf %mul3A_3325, %get3A_3278 : vector<16xf32>
      %add3A_3327 = arith.addf %select_n3A_3317, %mul3A_3326 : vector<16xf32>
      %add3A_3328 = arith.addf %add3A_3327, %select_n3A_3323 : vector<16xf32>
      %swap3A_3329 = arith.constant 528 : index
      %swap3A_3330 = tpu.vector_load %arg8[%swap3A_3329] {strides = array<i32>} : memref<576xf32, #tpu.memory_space<vmem>>, vector<16xf32>,
      tpu.vector_store %arg8[%swap3A_3329], %add3A_3328 {strides = array<i32>} : memref<576xf32, #tpu.memory_space<vmem>>, vector<16xf32>,
      %mul3A_3331 = arith.constant 1.024000e+03 : f32
      %mul3A_3332 = vector.broadcast %mul3A_3331 : f32 to vector<16xf32>
      %mul3A_3333 = arith.mulf %add3A_3328, %mul3A_3332 : vector<16xf32>
      %sub3A_3334 = arith.constant 4.700000e+01 : f32
      %sub3A_3335 = vector.broadcast %sub3A_3334 : f32 to vector<16xf32>
      %sub3A_3336 = arith.subf %sub3A_3335, %convert_element_type3A : vector<16xf32>
      %add3A_3337 = arith.addf %mul3A_3333, %sub3A_3336 : vector<16xf32>
      %swap3A_3338 = arith.constant 528 : index
      %swap3A_3339 = tpu.vector_load %arg9[%swap3A_3338] {strides = array<i32>} : memref<576xf32, #tpu.memory_space<vmem>>, vector<16xf32>,
      tpu.vector_store %arg9[%swap3A_3338], %add3A_3337 {strides = array<i32>} : memref<576xf32, #tpu.memory_space<vmem>>, vector<16xf32>,
      %reduce_max3A_3340 = arith.constant true
      %reduce_max3A_3341 = vector.broadcast %reduce_max3A_3340 : i1 to vector<16xi1>
      %reduce_max3A_3342 = tpu.scan <max>, %add3A_3337 masked %reduce_max3A_3341 : vector<16xf32>, vector<16xi1> -> vector<16xf32>
      %reduce_max3A_3343 = vector.extract %reduce_max3A_3342[15] : f32 from vector<16xf32>
      %eq3A_3344 = arith.constant 1 : i32
      %eq3A_3345 = vector.broadcast %eq3A_3344 : i32 to vector<16xi32>
      %eq3A_3346 = arith.cmpi eq, %iota3A, %eq3A_3345 : vector<16xi32>
      %broadcast_in_dim3A_3347 = vector.broadcast %reduce_max3A_3343 : f32 to vector<16xf32>
      %select_n3A_3348 = arith.select %eq3A_3346, %broadcast_in_dim3A_3347, %select_n3A_3276 : vector<16xi1>, vector<16xf32>
      %get3A_3349 = arith.constant 608 : index
      %get3A_3350 = tpu.vector_load %arg7[%get3A_3349] {strides = array<i32>} : memref<704xf32, #tpu.memory_space<vmem>>, vector<16xf32>,
      %broadcast_in_dim3A_3351 = arith.constant 607 : i32
      %broadcast_in_dim3A_3352 = vector.broadcast %broadcast_in_dim3A_3351 : i32 to vector<16xi32>
      %add3A_3353 = arith.addi %broadcast_in_dim3A_3352, %iota3A : vector<16xi32>
      %gather3A_3354 = tpu.vector_load_idx %arg7[%add3A_3353] : memref<704xf32, #tpu.memory_space<vmem>>[vector<16xi32>], vector<16xf32>,
      %broadcast_in_dim3A_3355 = arith.constant 609 : i32
      %broadcast_in_dim3A_3356 = vector.broadcast %broadcast_in_dim3A_3355 : i32 to vector<16xi32>
      %add3A_3357 = arith.addi %broadcast_in_dim3A_3356, %iota3A : vector<16xi32>
      %gather3A_3358 = tpu.vector_load_idx %arg7[%add3A_3357] : memref<704xf32, #tpu.memory_space<vmem>>[vector<16xi32>], vector<16xf32>,
      %add3A_3359 = arith.constant 544 : i32
      %add3A_3360 = vector.broadcast %add3A_3359 : i32 to vector<16xi32>
      %add3A_3361 = arith.addi %iota3A, %add3A_3360 : vector<16xi32>
      %jit3A_3362 = arith.constant 24 : i32
      %eq3A_3363 = arith.constant 0 : i32
      %eq3A_3364 = arith.cmpi eq, %jit3A_3362, %eq3A_3363 : i32
      %jit3A_3365 = arith.constant 1 : i32
      %select_n3A_3366 = arith.select %eq3A_3364, %jit3A_3365, %jit3A_3362 : i32
      %rem3A_3367 = vector.broadcast %select_n3A_3366 : i32 to vector<16xi32>
      %rem3A_3368 = arith.remsi %add3A_3361, %rem3A_3367 : vector<16xi32>
      %ne3A_3369 = arith.constant 0 : i32
      %ne3A_3370 = vector.broadcast %ne3A_3369 : i32 to vector<16xi32>
      %ne3A_3371 = arith.cmpi ne, %rem3A_3368, %ne3A_3370 : vector<16xi32>
      %lt3A_3372 = arith.constant 0 : i32
      %lt3A_3373 = vector.broadcast %lt3A_3372 : i32 to vector<16xi32>
      %lt3A_3374 = arith.cmpi slt, %rem3A_3368, %lt3A_3373 : vector<16xi32>
      %lt3A_3375 = arith.constant 0 : i32
      %lt3A_3376 = arith.cmpi slt, %select_n3A_3366, %lt3A_3375 : i32
      %ne3A_3377 = vector.broadcast %lt3A_3376 : i1 to vector<16xi1>
      %ne3A_3378 = vector.broadcast %ne3A_3377 : vector<16xi1> to vector<16xi1>
      %ne3A_3379 = arith.xori %lt3A_3374, %ne3A_3378 : vector<16xi1>
      %and3A_3380 = arith.andi %ne3A_3379, %ne3A_3371 : vector<16xi1>
      %add3A_3381 = vector.broadcast %select_n3A_3366 : i32 to vector<16xi32>
      %add3A_3382 = arith.addi %rem3A_3368, %add3A_3381 : vector<16xi32>
      %select_n3A_3383 = arith.select %and3A_3380, %add3A_3382, %rem3A_3368 : vector<16xi1>, vector<16xi32>
      %eq3A_3384 = arith.constant 0 : i32
      %eq3A_3385 = vector.broadcast %eq3A_3384 : i32 to vector<16xi32>
      %eq3A_3386 = arith.cmpi eq, %select_n3A_3383, %eq3A_3385 : vector<16xi32>
      %jit3A_3387 = arith.constant 0.000000e+00 : f32
      %broadcast_in_dim3A_3388 = vector.broadcast %jit3A_3387 : f32 to vector<16xf32>
      %select_n3A_3389 = arith.select %eq3A_3386, %broadcast_in_dim3A_3388, %gather3A_3354 : vector<16xi1>, vector<16xf32>
      %eq3A_3390 = arith.constant 23 : i32
      %eq3A_3391 = vector.broadcast %eq3A_3390 : i32 to vector<16xi32>
      %eq3A_3392 = arith.cmpi eq, %select_n3A_3383, %eq3A_3391 : vector<16xi32>
      %jit3A_3393 = arith.constant 0.000000e+00 : f32
      %broadcast_in_dim3A_3394 = vector.broadcast %jit3A_3393 : f32 to vector<16xf32>
      %select_n3A_3395 = arith.select %eq3A_3392, %broadcast_in_dim3A_3394, %gather3A_3358 : vector<16xi1>, vector<16xf32>
      %mul3A_3396 = arith.constant 2.000000e+00 : f32
      %mul3A_3397 = vector.broadcast %mul3A_3396 : f32 to vector<16xf32>
      %mul3A_3398 = arith.mulf %mul3A_3397, %get3A_3350 : vector<16xf32>
      %add3A_3399 = arith.addf %select_n3A_3389, %mul3A_3398 : vector<16xf32>
      %add3A_3400 = arith.addf %add3A_3399, %select_n3A_3395 : vector<16xf32>
      %swap3A_3401 = arith.constant 544 : index
      %swap3A_3402 = tpu.vector_load %arg8[%swap3A_3401] {strides = array<i32>} : memref<576xf32, #tpu.memory_space<vmem>>, vector<16xf32>,
      tpu.vector_store %arg8[%swap3A_3401], %add3A_3400 {strides = array<i32>} : memref<576xf32, #tpu.memory_space<vmem>>, vector<16xf32>,
      %mul3A_3403 = arith.constant 1.024000e+03 : f32
      %mul3A_3404 = vector.broadcast %mul3A_3403 : f32 to vector<16xf32>
      %mul3A_3405 = arith.mulf %add3A_3400, %mul3A_3404 : vector<16xf32>
      %sub3A_3406 = arith.constant 3.100000e+01 : f32
      %sub3A_3407 = vector.broadcast %sub3A_3406 : f32 to vector<16xf32>
      %sub3A_3408 = arith.subf %sub3A_3407, %convert_element_type3A : vector<16xf32>
      %add3A_3409 = arith.addf %mul3A_3405, %sub3A_3408 : vector<16xf32>
      %swap3A_3410 = arith.constant 544 : index
      %swap3A_3411 = tpu.vector_load %arg9[%swap3A_3410] {strides = array<i32>} : memref<576xf32, #tpu.memory_space<vmem>>, vector<16xf32>,
      tpu.vector_store %arg9[%swap3A_3410], %add3A_3409 {strides = array<i32>} : memref<576xf32, #tpu.memory_space<vmem>>, vector<16xf32>,
      %reduce_max3A_3412 = arith.constant true
      %reduce_max3A_3413 = vector.broadcast %reduce_max3A_3412 : i1 to vector<16xi1>
      %reduce_max3A_3414 = tpu.scan <max>, %add3A_3409 masked %reduce_max3A_3413 : vector<16xf32>, vector<16xi1> -> vector<16xf32>
      %reduce_max3A_3415 = vector.extract %reduce_max3A_3414[15] : f32 from vector<16xf32>
      %eq3A_3416 = arith.constant 2 : i32
      %eq3A_3417 = vector.broadcast %eq3A_3416 : i32 to vector<16xi32>
      %eq3A_3418 = arith.cmpi eq, %iota3A, %eq3A_3417 : vector<16xi32>
      %broadcast_in_dim3A_3419 = vector.broadcast %reduce_max3A_3415 : f32 to vector<16xf32>
      %select_n3A_3420 = arith.select %eq3A_3418, %broadcast_in_dim3A_3419, %select_n3A_3348 : vector<16xi1>, vector<16xf32>
      %get3A_3421 = arith.constant 624 : index
      %get3A_3422 = tpu.vector_load %arg7[%get3A_3421] {strides = array<i32>} : memref<704xf32, #tpu.memory_space<vmem>>, vector<16xf32>,
      %broadcast_in_dim3A_3423 = arith.constant 623 : i32
      %broadcast_in_dim3A_3424 = vector.broadcast %broadcast_in_dim3A_3423 : i32 to vector<16xi32>
      %add3A_3425 = arith.addi %broadcast_in_dim3A_3424, %iota3A : vector<16xi32>
      %gather3A_3426 = tpu.vector_load_idx %arg7[%add3A_3425] : memref<704xf32, #tpu.memory_space<vmem>>[vector<16xi32>], vector<16xf32>,
      %broadcast_in_dim3A_3427 = arith.constant 625 : i32
      %broadcast_in_dim3A_3428 = vector.broadcast %broadcast_in_dim3A_3427 : i32 to vector<16xi32>
      %add3A_3429 = arith.addi %broadcast_in_dim3A_3428, %iota3A : vector<16xi32>
      %gather3A_3430 = tpu.vector_load_idx %arg7[%add3A_3429] : memref<704xf32, #tpu.memory_space<vmem>>[vector<16xi32>], vector<16xf32>,
      %add3A_3431 = arith.constant 560 : i32
      %add3A_3432 = vector.broadcast %add3A_3431 : i32 to vector<16xi32>
      %add3A_3433 = arith.addi %iota3A, %add3A_3432 : vector<16xi32>
      %jit3A_3434 = arith.constant 24 : i32
      %eq3A_3435 = arith.constant 0 : i32
      %eq3A_3436 = arith.cmpi eq, %jit3A_3434, %eq3A_3435 : i32
      %jit3A_3437 = arith.constant 1 : i32
      %select_n3A_3438 = arith.select %eq3A_3436, %jit3A_3437, %jit3A_3434 : i32
      %rem3A_3439 = vector.broadcast %select_n3A_3438 : i32 to vector<16xi32>
      %rem3A_3440 = arith.remsi %add3A_3433, %rem3A_3439 : vector<16xi32>
      %ne3A_3441 = arith.constant 0 : i32
      %ne3A_3442 = vector.broadcast %ne3A_3441 : i32 to vector<16xi32>
      %ne3A_3443 = arith.cmpi ne, %rem3A_3440, %ne3A_3442 : vector<16xi32>
      %lt3A_3444 = arith.constant 0 : i32
      %lt3A_3445 = vector.broadcast %lt3A_3444 : i32 to vector<16xi32>
      %lt3A_3446 = arith.cmpi slt, %rem3A_3440, %lt3A_3445 : vector<16xi32>
      %lt3A_3447 = arith.constant 0 : i32
      %lt3A_3448 = arith.cmpi slt, %select_n3A_3438, %lt3A_3447 : i32
      %ne3A_3449 = vector.broadcast %lt3A_3448 : i1 to vector<16xi1>
      %ne3A_3450 = vector.broadcast %ne3A_3449 : vector<16xi1> to vector<16xi1>
      %ne3A_3451 = arith.xori %lt3A_3446, %ne3A_3450 : vector<16xi1>
      %and3A_3452 = arith.andi %ne3A_3451, %ne3A_3443 : vector<16xi1>
      %add3A_3453 = vector.broadcast %select_n3A_3438 : i32 to vector<16xi32>
      %add3A_3454 = arith.addi %rem3A_3440, %add3A_3453 : vector<16xi32>
      %select_n3A_3455 = arith.select %and3A_3452, %add3A_3454, %rem3A_3440 : vector<16xi1>, vector<16xi32>
      %eq3A_3456 = arith.constant 0 : i32
      %eq3A_3457 = vector.broadcast %eq3A_3456 : i32 to vector<16xi32>
      %eq3A_3458 = arith.cmpi eq, %select_n3A_3455, %eq3A_3457 : vector<16xi32>
      %jit3A_3459 = arith.constant 0.000000e+00 : f32
      %broadcast_in_dim3A_3460 = vector.broadcast %jit3A_3459 : f32 to vector<16xf32>
      %select_n3A_3461 = arith.select %eq3A_3458, %broadcast_in_dim3A_3460, %gather3A_3426 : vector<16xi1>, vector<16xf32>
      %eq3A_3462 = arith.constant 23 : i32
      %eq3A_3463 = vector.broadcast %eq3A_3462 : i32 to vector<16xi32>
      %eq3A_3464 = arith.cmpi eq, %select_n3A_3455, %eq3A_3463 : vector<16xi32>
      %jit3A_3465 = arith.constant 0.000000e+00 : f32
      %broadcast_in_dim3A_3466 = vector.broadcast %jit3A_3465 : f32 to vector<16xf32>
      %select_n3A_3467 = arith.select %eq3A_3464, %broadcast_in_dim3A_3466, %gather3A_3430 : vector<16xi1>, vector<16xf32>
      %mul3A_3468 = arith.constant 2.000000e+00 : f32
      %mul3A_3469 = vector.broadcast %mul3A_3468 : f32 to vector<16xf32>
      %mul3A_3470 = arith.mulf %mul3A_3469, %get3A_3422 : vector<16xf32>
      %add3A_3471 = arith.addf %select_n3A_3461, %mul3A_3470 : vector<16xf32>
      %add3A_3472 = arith.addf %add3A_3471, %select_n3A_3467 : vector<16xf32>
      %swap3A_3473 = arith.constant 560 : index
      %swap3A_3474 = tpu.vector_load %arg8[%swap3A_3473] {strides = array<i32>} : memref<576xf32, #tpu.memory_space<vmem>>, vector<16xf32>,
      tpu.vector_store %arg8[%swap3A_3473], %add3A_3472 {strides = array<i32>} : memref<576xf32, #tpu.memory_space<vmem>>, vector<16xf32>,
      %mul3A_3475 = arith.constant 1.024000e+03 : f32
      %mul3A_3476 = vector.broadcast %mul3A_3475 : f32 to vector<16xf32>
      %mul3A_3477 = arith.mulf %add3A_3472, %mul3A_3476 : vector<16xf32>
      %sub3A_3478 = arith.constant 1.500000e+01 : f32
      %sub3A_3479 = vector.broadcast %sub3A_3478 : f32 to vector<16xf32>
      %sub3A_3480 = arith.subf %sub3A_3479, %convert_element_type3A : vector<16xf32>
      %add3A_3481 = arith.addf %mul3A_3477, %sub3A_3480 : vector<16xf32>
      %swap3A_3482 = arith.constant 560 : index
      %swap3A_3483 = tpu.vector_load %arg9[%swap3A_3482] {strides = array<i32>} : memref<576xf32, #tpu.memory_space<vmem>>, vector<16xf32>,
      tpu.vector_store %arg9[%swap3A_3482], %add3A_3481 {strides = array<i32>} : memref<576xf32, #tpu.memory_space<vmem>>, vector<16xf32>,
      %reduce_max3A_3484 = arith.constant true
      %reduce_max3A_3485 = vector.broadcast %reduce_max3A_3484 : i1 to vector<16xi1>
      %reduce_max3A_3486 = tpu.scan <max>, %add3A_3481 masked %reduce_max3A_3485 : vector<16xf32>, vector<16xi1> -> vector<16xf32>
      %reduce_max3A_3487 = vector.extract %reduce_max3A_3486[15] : f32 from vector<16xf32>
      %eq3A_3488 = arith.constant 3 : i32
      %eq3A_3489 = vector.broadcast %eq3A_3488 : i32 to vector<16xi32>
      %eq3A_3490 = arith.cmpi eq, %iota3A, %eq3A_3489 : vector<16xi32>
      %broadcast_in_dim3A_3491 = vector.broadcast %reduce_max3A_3487 : f32 to vector<16xf32>
      %select_n3A_3492 = arith.select %eq3A_3490, %broadcast_in_dim3A_3491, %select_n3A_3420 : vector<16xi1>, vector<16xf32>
      %broadcast_in_dim3A_3493 = arith.constant 0 : i32
      %broadcast_in_dim3A_3494 = vector.broadcast %broadcast_in_dim3A_3493 : i32 to vector<16xi32>
      %swap3A_3495 = arith.constant 0 : index
      %swap3A_3496 = tpu.vector_load %arg10[%swap3A_3495] {strides = array<i32>} : memref<32xi32, #tpu.memory_space<vmem>>, vector<16xi32>,
      tpu.vector_store %arg10[%swap3A_3495], %broadcast_in_dim3A_3494 {strides = array<i32>} : memref<32xi32, #tpu.memory_space<vmem>>, vector<16xi32>,
      %broadcast_in_dim3A_3497 = arith.constant 0 : i32
      %broadcast_in_dim3A_3498 = vector.broadcast %broadcast_in_dim3A_3497 : i32 to vector<16xi32>
      %swap3A_3499 = arith.constant 16 : index
      %swap3A_3500 = tpu.vector_load %arg10[%swap3A_3499] {strides = array<i32>} : memref<32xi32, #tpu.memory_space<vmem>>, vector<16xi32>,
      tpu.vector_store %arg10[%swap3A_3499], %broadcast_in_dim3A_3498 {strides = array<i32>} : memref<32xi32, #tpu.memory_space<vmem>>, vector<16xi32>,
      %scan3A_3501 = arith.constant 0 : i32
      %scan3A_3502 = arith.constant 24 : i32
      %scan3A_3503 = arith.addi %scan3A_3501, %scan3A_3502 : i32
      %scan3A_3504 = arith.constant 1 : i32
      %scan3A_3505:3 = scf.for %scan3A_3507 = %scan3A_3501 to %scan3A_3503 step %scan3A_3504 iter_args(%scan3A_3508 = %select_n3A_2052, %scan3A_3509 = %select_n3A_3204, %scan3A_3510 = %select_n3A_3492) -> (vector<16xf32>, vector<16xf32>, vector<16xf32>)  : i32 {
        %max3A = arith.maximumf %scan3A_3508, %scan3A_3509 : vector<16xf32>
        %max3A_3511 = arith.maximumf %max3A, %scan3A_3510 : vector<16xf32>
        %reduce_max3A_3512 = arith.constant true
        %reduce_max3A_3513 = vector.broadcast %reduce_max3A_3512 : i1 to vector<16xi1>
        %reduce_max3A_3514 = tpu.scan <max>, %max3A_3511 masked %reduce_max3A_3513 : vector<16xf32>, vector<16xi1> -> vector<16xf32>
        %reduce_max3A_3515 = vector.extract %reduce_max3A_3514[15] : f32 from vector<16xf32>
        %convert_element_type3A_3516 = arith.fptosi %reduce_max3A_3515 : f32 to i32
        %and3A_3517 = arith.constant 1023 : i32
        %and3A_3518 = arith.andi %convert_element_type3A_3516, %and3A_3517 : i32
        %sub3A_3519 = arith.constant 575 : i32
        %sub3A_3520 = arith.subi %sub3A_3519, %and3A_3518 : i32
        %broadcast_in_dim3A_3521 = arith.constant 0 : i32
        %broadcast_in_dim3A_3522 = vector.broadcast %broadcast_in_dim3A_3521 : i32 to vector<16xi32>
        %add3A_3523 = vector.broadcast %sub3A_3520 : i32 to vector<16xi32>
        %add3A_3524 = arith.addi %broadcast_in_dim3A_3522, %add3A_3523 : vector<16xi32>
        %broadcast_in_dim3A_3525 = arith.constant -1.000000e+00 : f32
        %broadcast_in_dim3A_3526 = vector.broadcast %broadcast_in_dim3A_3525 : f32 to vector<16xf32>
        tpu.vector_store_idx %arg9[%add3A_3524], %broadcast_in_dim3A_3526 masked %eq3A_40 : memref<576xf32, #tpu.memory_space<vmem>>[vector<16xi32>], vector<16xf32>, vector<16xi1>
        %broadcast_in_dim3A_3527 = arith.constant 0 : i32
        %broadcast_in_dim3A_3528 = vector.broadcast %broadcast_in_dim3A_3527 : i32 to vector<16xi32>
        %add3A_3529 = vector.broadcast %scan3A_3507 : i32 to vector<16xi32>
        %add3A_3530 = arith.addi %broadcast_in_dim3A_3528, %add3A_3529 : vector<16xi32>
        %broadcast_in_dim3A_3531 = arith.constant 0 : i32
        %broadcast_in_dim3A_3532 = vector.broadcast %broadcast_in_dim3A_3531 : i32 to vector<16xi32>
        %add3A_3533 = arith.constant 1 : i32
        %add3A_3534 = arith.addi %sub3A_3520, %add3A_3533 : i32
        %add3A_3535 = vector.broadcast %add3A_3534 : i32 to vector<16xi32>
        %add3A_3536 = arith.addi %broadcast_in_dim3A_3532, %add3A_3535 : vector<16xi32>
        tpu.vector_store_idx %arg10[%add3A_3530], %add3A_3536 masked %eq3A_40 : memref<32xi32, #tpu.memory_space<vmem>>[vector<16xi32>], vector<16xi32>, vector<16xi1>
        %jit3A_3537 = arith.constant 16 : i32
        %div3A_3538 = arith.divsi %sub3A_3520, %jit3A_3537 : i32
        %sign3A_3539 = arith.constant 0 : i32
        %sign3A_3540 = arith.cmpi sgt, %sub3A_3520, %sign3A_3539 : i32
        %sign3A_3541 = arith.extui %sign3A_3540 : i1 to i32
        %sign3A_3542 = arith.constant 0 : i32
        %sign3A_3543 = arith.cmpi slt, %sub3A_3520, %sign3A_3542 : i32
        %sign3A_3544 = arith.extui %sign3A_3543 : i1 to i32
        %sign3A_3545 = arith.subi %sign3A_3541, %sign3A_3544 : i32
        %sign3A_3546 = arith.constant 0 : i32
        %sign3A_3547 = arith.cmpi sgt, %jit3A_3537, %sign3A_3546 : i32
        %sign3A_3548 = arith.extui %sign3A_3547 : i1 to i32
        %sign3A_3549 = arith.constant 0 : i32
        %sign3A_3550 = arith.cmpi slt, %jit3A_3537, %sign3A_3549 : i32
        %sign3A_3551 = arith.extui %sign3A_3550 : i1 to i32
        %sign3A_3552 = arith.subi %sign3A_3548, %sign3A_3551 : i32
        %ne3A_3553 = arith.cmpi ne, %sign3A_3545, %sign3A_3552 : i32
        %rem3A_3554 = arith.remsi %sub3A_3520, %jit3A_3537 : i32
        %ne3A_3555 = arith.constant 0 : i32
        %ne3A_3556 = arith.cmpi ne, %rem3A_3554, %ne3A_3555 : i32
        %and3A_3557 = arith.andi %ne3A_3553, %ne3A_3556 : i1
        %sub3A_3558 = arith.constant 1 : i32
        %sub3A_3559 = arith.subi %div3A_3538, %sub3A_3558 : i32
        %select_n3A_3560 = arith.select %and3A_3557, %sub3A_3559, %div3A_3538 : i32
        %mul3A_3561 = arith.constant 16 : i32
        %mul3A_3562 = arith.muli %select_n3A_3560, %mul3A_3561 : i32
        %get3A_3563 = arith.index_cast %mul3A_3562 : i32 to index
        %get3A_3564 = tpu.vector_load %arg9[%get3A_3563] {strides = array<i32>} : memref<576xf32, #tpu.memory_space<vmem>>, vector<16xf32>,
        %reduce_max3A_3565 = arith.constant true
        %reduce_max3A_3566 = vector.broadcast %reduce_max3A_3565 : i1 to vector<16xi1>
        %reduce_max3A_3567 = tpu.scan <max>, %get3A_3564 masked %reduce_max3A_3566 : vector<16xf32>, vector<16xi1> -> vector<16xf32>
        %reduce_max3A_3568 = vector.extract %reduce_max3A_3567[15] : f32 from vector<16xf32>
        %eq3A_3569 = vector.broadcast %select_n3A_3560 : i32 to vector<16xi32>
        %eq3A_3570 = arith.cmpi eq, %iota3A, %eq3A_3569 : vector<16xi32>
        %broadcast_in_dim3A_3571 = vector.broadcast %reduce_max3A_3568 : f32 to vector<16xf32>
        %select_n3A_3572 = arith.select %eq3A_3570, %broadcast_in_dim3A_3571, %scan3A_3508 : vector<16xi1>, vector<16xf32>
        %add3A_3573 = arith.constant 16 : i32
        %add3A_3574 = vector.broadcast %add3A_3573 : i32 to vector<16xi32>
        %add3A_3575 = arith.addi %iota3A, %add3A_3574 : vector<16xi32>
        %eq3A_3576 = vector.broadcast %select_n3A_3560 : i32 to vector<16xi32>
        %eq3A_3577 = arith.cmpi eq, %add3A_3575, %eq3A_3576 : vector<16xi32>
        %broadcast_in_dim3A_3578 = vector.broadcast %reduce_max3A_3568 : f32 to vector<16xf32>
        %select_n3A_3579 = arith.select %eq3A_3577, %broadcast_in_dim3A_3578, %scan3A_3509 : vector<16xi1>, vector<16xf32>
        %add3A_3580 = arith.constant 32 : i32
        %add3A_3581 = vector.broadcast %add3A_3580 : i32 to vector<16xi32>
        %add3A_3582 = arith.addi %iota3A, %add3A_3581 : vector<16xi32>
        %eq3A_3583 = vector.broadcast %select_n3A_3560 : i32 to vector<16xi32>
        %eq3A_3584 = arith.cmpi eq, %add3A_3582, %eq3A_3583 : vector<16xi32>
        %broadcast_in_dim3A_3585 = vector.broadcast %reduce_max3A_3568 : f32 to vector<16xf32>
        %select_n3A_3586 = arith.select %eq3A_3584, %broadcast_in_dim3A_3585, %scan3A_3510 : vector<16xi1>, vector<16xf32>
        scf.yield %select_n3A_3572, %select_n3A_3579, %select_n3A_3586 : vector<16xf32>, vector<16xf32>, vector<16xf32>
      }
      %scan3A_3506 = arith.constant 24 : i32
      "tpu.region"() ({
        %run_scoped3A = tpu.sem_alloc : memref<!tpu.dma_semaphore, #tpu.memory_space<semaphore_mem>>
        %dma_start3A = arith.constant 0 : i32
        %dma_start3A_3507 = tpu.memref_slice %arg4[%add3A_9, %dma_start3A] : memref<16x576xf32, #tpu.memory_space<hbm>> -> memref<1x576xf32, #tpu.memory_space<hbm>>
        %dma_start3A_3508 = tpu.memref_squeeze %dma_start3A_3507 : memref<1x576xf32, #tpu.memory_space<hbm>> -> memref<576xf32, #tpu.memory_space<hbm>>
        %dma_start3A_3509 = arith.constant 0 : i32
        %dma_start3A_3510 = tpu.memref_slice %arg4[%add3A_9, %dma_start3A_3509] : memref<16x576xf32, #tpu.memory_space<hbm>> -> memref<1x576xf32, #tpu.memory_space<hbm>>
        %dma_start3A_3511 = tpu.memref_squeeze %dma_start3A_3510 : memref<1x576xf32, #tpu.memory_space<hbm>> -> memref<576xf32, #tpu.memory_space<hbm>>
        tpu.enqueue_dma source(%arg8 : memref<576xf32, #tpu.memory_space<vmem>>) target(%dma_start3A_3511 : memref<576xf32, #tpu.memory_space<hbm>>) target_semaphore(%run_scoped3A : memref<!tpu.dma_semaphore, #tpu.memory_space<semaphore_mem>>)
        %dma_wait3A = arith.constant 0 : i32
        %dma_wait3A_3512 = tpu.memref_slice %arg4[%add3A_9, %dma_wait3A] : memref<16x576xf32, #tpu.memory_space<hbm>> -> memref<1x576xf32, #tpu.memory_space<hbm>>
        %dma_wait3A_3513 = tpu.memref_squeeze %dma_wait3A_3512 : memref<1x576xf32, #tpu.memory_space<hbm>> -> memref<576xf32, #tpu.memory_space<hbm>>
        %dma_wait3A_3514 = arith.constant 0 : i32
        %dma_wait3A_3515 = tpu.memref_slice %arg4[%add3A_9, %dma_wait3A_3514] : memref<16x576xf32, #tpu.memory_space<hbm>> -> memref<1x576xf32, #tpu.memory_space<hbm>>
        %dma_wait3A_3516 = tpu.memref_squeeze %dma_wait3A_3515 : memref<1x576xf32, #tpu.memory_space<hbm>> -> memref<576xf32, #tpu.memory_space<hbm>>
        tpu.wait_dma2 semaphore(%run_scoped3A : memref<!tpu.dma_semaphore, #tpu.memory_space<semaphore_mem>>) src(%arg8 : memref<576xf32, #tpu.memory_space<vmem>>) dst(%dma_wait3A_3516 : memref<576xf32, #tpu.memory_space<hbm>>)
        tpu.yield
      }) : () -> ()
      "tpu.region"() ({
        %run_scoped3A = tpu.sem_alloc : memref<!tpu.dma_semaphore, #tpu.memory_space<semaphore_mem>>
        %dma_start3A = arith.constant 0 : i32
        %dma_start3A_3507 = tpu.memref_slice %arg3[%add3A_9, %dma_start3A] : memref<16x32xi32, #tpu.memory_space<hbm>> -> memref<1x32xi32, #tpu.memory_space<hbm>>
        %dma_start3A_3508 = tpu.memref_squeeze %dma_start3A_3507 : memref<1x32xi32, #tpu.memory_space<hbm>> -> memref<32xi32, #tpu.memory_space<hbm>>
        %dma_start3A_3509 = arith.constant 0 : i32
        %dma_start3A_3510 = tpu.memref_slice %arg3[%add3A_9, %dma_start3A_3509] : memref<16x32xi32, #tpu.memory_space<hbm>> -> memref<1x32xi32, #tpu.memory_space<hbm>>
        %dma_start3A_3511 = tpu.memref_squeeze %dma_start3A_3510 : memref<1x32xi32, #tpu.memory_space<hbm>> -> memref<32xi32, #tpu.memory_space<hbm>>
        tpu.enqueue_dma source(%arg10 : memref<32xi32, #tpu.memory_space<vmem>>) target(%dma_start3A_3511 : memref<32xi32, #tpu.memory_space<hbm>>) target_semaphore(%run_scoped3A : memref<!tpu.dma_semaphore, #tpu.memory_space<semaphore_mem>>)
        %dma_wait3A = arith.constant 0 : i32
        %dma_wait3A_3512 = tpu.memref_slice %arg3[%add3A_9, %dma_wait3A] : memref<16x32xi32, #tpu.memory_space<hbm>> -> memref<1x32xi32, #tpu.memory_space<hbm>>
        %dma_wait3A_3513 = tpu.memref_squeeze %dma_wait3A_3512 : memref<1x32xi32, #tpu.memory_space<hbm>> -> memref<32xi32, #tpu.memory_space<hbm>>
        %dma_wait3A_3514 = arith.constant 0 : i32
        %dma_wait3A_3515 = tpu.memref_slice %arg3[%add3A_9, %dma_wait3A_3514] : memref<16x32xi32, #tpu.memory_space<hbm>> -> memref<1x32xi32, #tpu.memory_space<hbm>>
        %dma_wait3A_3516 = tpu.memref_squeeze %dma_wait3A_3515 : memref<1x32xi32, #tpu.memory_space<hbm>> -> memref<32xi32, #tpu.memory_space<hbm>>
        tpu.wait_dma2 semaphore(%run_scoped3A : memref<!tpu.dma_semaphore, #tpu.memory_space<semaphore_mem>>) src(%arg10 : memref<32xi32, #tpu.memory_space<vmem>>) dst(%dma_wait3A_3516 : memref<32xi32, #tpu.memory_space<hbm>>)
        tpu.yield
      }) : () -> ()
    } else {
    }
    return
  }
}

</mosaic_0001>

<sc_bundles>
// kernel: kernel.3.cloned.1.call-start
scs
__scs_entry_jumppad:
0x0: {  	(pc) =	sbr.rel $0x88, $3  }
0x1: {  	(tag) =	ssettag $0x0;
	lr =	simm.s32 $0x1  }
0x2: {  	[smem:$0x3FA0] =	sst lr;
	_ =	strace $0xD0000000  }
0x3: {  	_ = 	snop  }
0x4: {  	_ = 	snop  }
0x5: {  	_ = 	snop  }
0x6: {  	_ = 	snop  }
0x7: {  	_ = 	snop  }
__scs_overlays_trampoline_lowered:
0x8: {  	[smem:$0x3FAF] =	sst s0  }
0x9: {  	[smem:$0x3FB0] =	sst s1  }
0xa: {  	[smem:$0x3FB1] =	sst s2  }
0xb: {  	[smem:$0x3FB2] =	sst s3  }
0xc: {  	[smem:$0x3FB3] =	sst s4  }
0xd: {  	[smem:$0x3FB4] =	sst s5  }
0xe: {  	[smem:$0x3FB5] =	sst s6  }
0xf: {  	[smem:$0x3FB6] =	sst s7  }
0x10: {  	[smem:$0x3FB7] =	sst s8  }
0x11: {  	[smem:$0x3FB8] =	sst s9;
	s0 =	simm.s32 @!p0 $0x0  }
0x12: {  	s1 =	sld [smem:$0x3F9E];
	s0 =	simm.s32 @p0 $0x1  }
0x13: {  	[smem:$0x3FB9] =	sst s0;
	s0 =	simm.s32 @!p1 $0x0  }
0x14: {  	s2 =	sld [smem:$0x3F9D];
	s0 =	simm.s32 @p1 $0x1  }
0x15: {  	[smem:$0x3FBA] =	sst s0;
	s0 =	simm.s32 @!p2 $0x0  }
0x16: {  	s3 =	sld [smem:$0x3FDB];
	s0 =	simm.s32 @p2 $0x1  }
0x17: {  	s4 =	simm.s32 $0x1BF5;
	[smem:$0x3FBC] =	sst s0  }
0x18: {  	s0 =	sld [smem:$0x3F9F];
	_ =	swait.ge [sflag:s4], $0x0  }
0x19: {  	s7 =	sld [smem:$0x3FA0]  }
0x1a: {  	s8 =	sadd.s32 $0xFFFFE003, lr  }
0x1b: {  	s9 =	sadd.s32 $0xFFFFFEF7, lr;
	s5 =	simm.s32 $0xFFFFFFFF;
	p2 =	slt.u32 s8, $0xFFFFF086  }
0x1c: {  	p1 =	slt.u32 s9, $0xF7A;
	s5 =	simm.s32 @!p2 $0x0  }
0x1d: {  	s5 =	simm.s32 @p1 $0x1;
	p0 =	seq.s32 s7, s2  }
0x1e: {  	s7 =	smul.u32 @!p0 $0xF7A, s2;
	p2 =	seq.s32 @!p0 s5, $0x0  }
0x1f: {  	s9 =	smul.u32 $0xF7A, s1;
	s8 =	simm.s32 @!p0 $0x1BF5;
	p2 =	por !p2, p0  }
0x20: {  	[sflag:s8] =	ssyncset.s32 @!p0 $0xFFFFF086;
	s6 =	sadd.s32 @!p0 s3, s7;
	s7 =	simm.s32 @!p0 $0x108  }
0x21: {  	s3 =	sadd.s32 s3, s9;
	s6 =	sadd.s32 @!p0 $0x88, s6;
	s7 =	simm.s32 @p2 $0x1082  }
0x22: {  	[simem:s7], [sflag:s8] =	dma.local @!p0 [hbm:s6], $0xF7A  }
0x23: {  	s9 =	sor.u32 $0xD0000000, s2;
	s6 =	simm.s32 $0x108;
	_ =	swait.ge @!p0 [sflag:s8], $0x0  }
0x24: {  	s3 =	sadd.s32 $0x88, s3;
	s6 =	simm.s32 @!p1 $0x1082;
	[sflag:s4] =	ssyncset.s32 $0xFFFFF086  }
0x25: {  	[simem:s6], [sflag:s4] =	dma.local [hbm:s3], $0xF7A  }
0x26: {  	[smem:$0x3FA0] =	sst s1;
	(tag) =	ssettag s2;
	_ =	strace s9  }
0x27: {  	s1 =	sld [smem:$0x3FB0]  }
0x28: {  	s2 =	sld [smem:$0x3FB1]  }
0x29: {  	s4 =	sld [smem:$0x3FB3]  }
0x2a: {  	p0 =	seq.s32 s5, $0x0;
	s5 =	sld [smem:$0x3FB4]  }
0x2b: {  	s6 =	sld [smem:$0x3FB5]  }
0x2c: {  	s7 =	sld [smem:$0x3FB6]  }
0x2d: {  	s3 =	simm.s32 $0x108;
	s8 =	sld [smem:$0x3FB7]  }
0x2e: {  	s3 =	simm.s32 @!p0 $0x1082;
	s9 =	sld [smem:$0x3FB8]  }
0x2f: {  	lr =	sadd.s32 s0, s3;
	s0 =	sld [smem:$0x3FAF]  }
0x30: {  	s3 =	sld [smem:$0x3FB2]  }
0x31: {  	[smem:$0x3FBB] =	sst s10  }
0x32: {  	s10 =	sld [smem:$0x3FB9];
	_ =	sdelay $0x3  }
0x33: {  	p0 =	seq.s32 s10, $0x1;
	s10 =	sld [smem:$0x3FBB];
	_ =	sdelay $0x3  }
0x34: {  	[smem:$0x3FBB] =	sst s10  }
0x35: {  	s10 =	sld [smem:$0x3FBA];
	_ =	sdelay $0x3  }
0x36: {  	p1 =	seq.s32 s10, $0x1;
	s10 =	sld [smem:$0x3FBB];
	_ =	sdelay $0x3  }
0x37: {  	[smem:$0x3FBB] =	sst s10  }
0x38: {  	s10 =	sld [smem:$0x3FBC]  }
0x39: {  	_ = 	snop;
	(pc) =	sbr.ind lr, $3  }
0x3a: {  	_ = 	snop  }
0x3b: {  	_ = 	snop  }
0x3c: {  	p2 =	seq.s32 s10, $0x1;
	s10 =	sld [smem:$0x3FBB]  }
0x3d: {  	_ =	shalt  }
0x3e: {  	_ =	shalt  }
0x3f: {  	_ =	shalt  }
0x40: {  	_ =	shalt  }
0x41: {  	_ =	shalt  }
0x42: {  	_ =	shalt  }
0x43: {  	_ =	shalt  }
0x44: {  	_ =	shalt  }
0x45: {  	_ =	shalt  }
0x46: {  	_ =	shalt  }
0x47: {  	_ =	shalt  }
0x48: {  	_ =	shalt  }
0x49: {  	_ =	shalt  }
0x4a: {  	_ =	shalt  }
0x4b: {  	_ =	shalt  }
0x4c: {  	_ =	shalt  }
0x4d: {  	_ =	shalt  }
0x4e: {  	_ =	shalt  }
0x4f: {  	_ =	shalt  }
0x50: {  	_ =	shalt  }
0x51: {  	_ =	shalt  }
0x52: {  	_ =	shalt  }
0x53: {  	_ =	shalt  }
0x54: {  	_ =	shalt  }
0x55: {  	_ =	shalt  }
0x56: {  	_ =	shalt  }
0x57: {  	_ =	shalt  }
0x58: {  	_ =	shalt  }
0x59: {  	_ =	shalt  }
0x5a: {  	_ =	shalt  }
0x5b: {  	_ =	shalt  }
0x5c: {  	_ =	shalt  }
0x5d: {  	_ =	shalt  }
0x5e: {  	_ =	shalt  }
0x5f: {  	_ =	shalt  }
0x60: {  	_ =	shalt  }
0x61: {  	_ =	shalt  }
0x62: {  	_ =	shalt  }
0x63: {  	_ =	shalt  }
0x64: {  	_ =	shalt  }
0x65: {  	_ =	shalt  }
0x66: {  	_ =	shalt  }
0x67: {  	_ =	shalt  }
0x68: {  	_ =	shalt  }
0x69: {  	_ =	shalt  }
0x6a: {  	_ =	shalt  }
0x6b: {  	_ =	shalt  }
0x6c: {  	_ =	shalt  }
0x6d: {  	_ =	shalt  }
0x6e: {  	_ =	shalt  }
0x6f: {  	_ =	shalt  }
0x70: {  	_ =	shalt  }
0x71: {  	_ =	shalt  }
0x72: {  	_ =	shalt  }
0x73: {  	_ =	shalt  }
0x74: {  	_ =	shalt  }
0x75: {  	_ =	shalt  }
0x76: {  	_ =	shalt  }
0x77: {  	_ =	shalt  }
0x78: {  	_ =	shalt  }
0x79: {  	_ =	shalt  }
0x7a: {  	_ =	shalt  }
0x7b: {  	_ =	shalt  }
0x7c: {  	_ =	shalt  }
0x7d: {  	_ =	shalt  }
0x7e: {  	_ =	shalt  }
0x7f: {  	_ =	shalt  }
0x80: {  	_ =	shalt  }
0x81: {  	_ =	shalt  }
0x82: {  	_ =	shalt  }
0x83: {  	_ =	shalt  }
0x84: {  	_ =	shalt  }
0x85: {  	_ =	shalt  }
0x86: {  	_ =	shalt  }
0x87: {  	_ =	shalt  }
.Lfunc_end0:
.L_simem_size_0:
called_computation_lowered:
.L_overlay_start_0:
0x88: {  	s2 =	sld [smem:$0x3FD9]  }
0x89: {  	s3 =	sld [smem:$0x3FFE];
	_ =	sdelay $0x1  }
0x8a: {  	s1 =	srdreg.scid  }
0x8b: {  	s0 =	sand.u32 $0x1, s1  }
0x8c: {  	s14 =	sshll.u32 s0, $0xA;
	s2 =	sadd.s32 s3, s2  }
0x8d: {  	s2 =	sadd.s32 s2, s14  }
0x8e: {  	[smem:$0x3FC7] =	sst s2  }
0x8f: {  	_ = 	snop  }
0x90: {  	s2 =	sld [smem:$0x3FD0];
	_ =	sdelay $0x2  }
0x91: {  	s15 =	simm.s32 $0xA;
	s4 =	simm.s32 $0x10  }
0x92: {  	[smem:s4], [sflag:s15] =	dma.local [hbm:s2], $0x1  }
0x93: {  	_ =	swait.eq [sflag:s15], $0x1  }
0x94: {  	[sflag:s15] =	ssyncset.done $0x0  }
0x95: {  	s16 =	sld [smem:$0x10];
	[sflag:s15] =	ssyncadd.s32 $0xFFFFFFFF  }
0x96: {  	s17 =	sld [smem:$0x11];
	(tm) =	ssettm $0x1  }
0x97: {  	s18 =	sld [smem:$0x3FFB];
	_ =	sdelay $0x3  }
0x98: {  	_ =	strace s18  }
0x99: {  	s4 =	sld [smem:$0x3FFC];
	_ =	sdelay $0x3  }
0x9a: {  	_ =	strace s4  }
0x9b: {  	s4 =	sld [smem:$0x3FFD];
	_ =	sdelay $0x3  }
0x9c: {  	_ =	strace s4  }
0x9d: {  	_ =	strace $0x8FFFFFFF  }
0x9e: {  	s19 =	sld [smem:$0x3FDB];
	_ =	sdelay $0x1  }
0x9f: {  	s5 =	simm.s32 $_scs_section_size  }
0xa0: {  	s6 =	simm.s32 $_size__tile_overlayer_lowered;
	s7 =	simm.s32 $_tile_overlayer_lowered  }
0xa1: {  	s22 =	simm.s32 $0x1BFF;
	s21 =	sshll.u32 s7, $0x1;
	s4 =	sadd.s32 s5, s19  }
0xa2: {  	s8 =	simm.s32 $0x0;
	s20 =	sshll.u32 s6, $0x1;
	s6 =	sadd.s32 s21, s4  }
0xa3: {  	[timem:s8], [sflag:s22] =	dma.local [hbm:s6], s20  }
0xa4: {  	_ =	swait.ge [sflag:s22], s20  }
0xa5: {  	s5 =	ssub.s32 $0x0, s20;
	[sflag:s22] =	ssyncset.done $0x0  }
0xa6: {  	[sflag:s22] =	ssyncadd.s32 s5;
	_ =	sdelay $0x1  }
0xa7: {  	s23 =	simm.s32 $0x1B8B  }
0xa8: {  	_ =	swait.ge [sflag:s23], $0x1  }
0xa9: {  	[sflag:s23] =	ssyncset.done $0x0  }
0xaa: {  	s25 =	simm.s32 $0x1B8E;
	s24 =	sld [smem:$0x3FFE];
	[sflag:s23] =	ssyncadd.s32 $0xFFFFFFFF  }
0xab: {  	s26 =	simm.s32 $execute0_lowered;
	[smem:$0x3FD2] =	sst s25  }
0xac: {  	s6 =	sshll.u32 s26, $0x1;
	_ =	strace $0x80000046;
	[dreg:$0x1] =	wrdreg $0xFFFFFFFF  }
0xad: {  	s28 =	simm.s32 $_size_execute0_lowered;
	s4 =	sadd.s32 s4, s6;
	[dreg:$0x0] =	wrdreg $0x0  }
0xae: {  	s6 =	sshll.u32 s28, $0x1;
	[dreg:$0x2] =	wrdreg s4  }
0xaf: {  	[dreg:$0x3] =	wrdreg s6  }
0xb0: {  	[dreg:$0x4] =	wrdreg $0xC0  }
0xb1: {  	_ =	task [dreg:s8], $0x5FFFF  }
0xb2: {  	[dreg:$0x1] =	wrdreg $0xFFFFFFFF  }
0xb3: {  	[dreg:$0x0] =	wrdreg $0x60  }
0xb4: {  	[dreg:$0x2] =	wrdreg s24  }
0xb5: {  	[dreg:$0x3] =	wrdreg s16  }
0xb6: {  	[dreg:$0x4] =	wrdreg s17  }
0xb7: {  	[dreg:$0x5] =	wrdreg $0x1B800  }
0xb8: {  	[dreg:$0x6] =	wrdreg $0x9  }
0xb9: {  	_ =	task.clear_ibuf [dreg:s8], $0x7FFFF;
	_ =	strace $0x90000046  }
0xba: {  	s29 =	simm.s32 $0x9;
	_ =	strace $0x80000048  }
0xbb: {  	_ =	swait.ge [sflag:s29], $0x1  }
0xbc: {  	[sflag:s29] =	ssyncadd.s32 $0xFFFFFFFF  }
0xbd: {  	_ =	strace $0x90000048  }
0xbe: {  	_ =	sfence  }
0xbf: {  	s30 =	sld [smem:$0x0];
	_ =	sdelay $0x2  }
0xc0: {  	s31 =	sshll.u32 s1, $0xD;
	s1 =	sshrl.u32 s1, $0x2  }
0xc1: {  	s3 =	sand.u32 $0x4000, s31;
	s1 =	sadd.s32 s1, s30  }
0xc2: {  	s0 =	sor.u32 s3, s0;
	s1 =	sshll.u32 s1, $0x11  }
0xc3: {  	s0 =	sor.u32 s1, s0  }
0xc4: {  	s0 =	sadd.s32 $0x8F2B, s0  }
0xc5: {  	[sflag:s0] =	ssyncadd.remote.s32 $0x1  }
0xc6: {  	_ =	sfence.sel $0xFFFF  }
0xc7: {  	[dreg:$0x0] =	wrdreg $0xFFFFFFFF;
	(pc) =	sbr.abs _section_cstart, $3  }
0xc8: {  	[dreg:$0x1] =	wrdreg $0xFFFFFFFF  }
0xc9: {  	_ =	task.clear_ibuf [dreg:s8], $0x2FFFF;
	_ =	strace $0x9FFFFFFF  }
0xca: {  	(tm) =	ssettm $0x7FFFFFFF  }
0xcb: {  	_ =	shalt  }
tec
execute0_lowered:
.L_overlay_start_1:
0x0: {  	(tag) =	ssettag $0x1  }
0x1: {  	v8 =	vimm.f32 $5.600000000e+02;
	vm0 =	vcmask $0x300  }
0x2: {  	vm1 =	vcmask $0x704;
	v9 =	vimm.f32 $5.440000000e+02;
	v8 =	vsel vm0, $0x440FC000, v8  }
0x3: {  	vm2 =	vcmask $0xB08;
	v9 =	vsel vm0, $0x440BC000, v9;
	v8 =	vsel vm1, $0x440F8000, v8  }
0x4: {  	vm3 =	vcmask $0xF0C;
	v9 =	vsel vm1, $0x440B8000, v9;
	v8 =	vsel vm2, $0x440F4000, v8  }
0x5: {  	vm4 =	vcmask $0x1310;
	v9 =	vsel vm2, $0x440B4000, v9;
	v8 =	vsel vm3, $0x440F0000, v8  }
0x6: {  	vm5 =	vcmask $0x1714;
	v9 =	vsel vm3, $0x440B0000, v9;
	v8 =	vsel vm4, $0x440EC000, v8  }
0x7: {  	vm6 =	vcmask $0x1B18;
	v9 =	vsel vm4, $0x440AC000, v9;
	v8 =	vsel vm5, $0x440E8000, v8  }
0x8: {  	vm7 =	vcmask $0x1F1C;
	v9 =	vsel vm5, $0x440A8000, v9;
	v8 =	vsel vm6, $0x440E4000, v8  }
0x9: {  	vm8 =	vcmask $0x2320;
	v9 =	vsel vm6, $0x440A4000, v9;
	v8 =	vsel vm7, $0x440E0000, v8  }
0xa: {  	vm9 =	vcmask $0x2724;
	v9 =	vsel vm7, $0x440A0000, v9;
	v8 =	vsel vm8, $0x440DC000, v8  }
0xb: {  	vm10 =	vcmask $0x2B28;
	v9 =	vsel vm8, $0x4409C000, v9;
	v8 =	vsel vm9, $0x440D8000, v8  }
0xc: {  	vm11 =	vcmask $0x2F2C;
	v9 =	vsel vm9, $0x44098000, v9;
	v8 =	vsel vm10, $0x440D4000, v8  }
0xd: {  	vm12 =	vcmask $0x3330;
	v9 =	vsel vm10, $0x44094000, v9;
	v8 =	vsel vm11, $0x440D0000, v8  }
0xe: {  	vm13 =	vcmask $0x3734;
	v9 =	vsel vm11, $0x44090000, v9;
	v8 =	vsel vm12, $0x440CC000, v8  }
0xf: {  	vm14 =	vcmask $0x3B38;
	v9 =	vsel vm12, $0x4408C000, v9;
	v10 =	vsel vm13, $0x440C8000, v8  }
0x10: {  	v9 =	vsel vm13, $0x44088000, v9;
	v1 =	vsel vm14, $0x440C4000, v10  }
0x11: {  	[tilespmem:$0x1FDD0] =	vst v1;
	v1 =	vsel vm14, $0x44084000, v9;
	v9 =	vimm.f32 $5.280000000e+02  }
0x12: {  	v10 =	vimm.f32 $5.120000000e+02;
	v9 =	vsel vm0, $0x4407C000, v9  }
0x13: {  	v11 =	vimm.f32 $4.960000000e+02;
	v10 =	vsel vm0, $0x4403C000, v10;
	v9 =	vsel vm1, $0x44078000, v9  }
0x14: {  	v11 =	vsel vm0, $0x43FF8000, v11;
	v10 =	vsel vm1, $0x44038000, v10;
	v9 =	vsel vm2, $0x44074000, v9  }
0x15: {  	v11 =	vsel vm1, $0x43FF0000, v11;
	v10 =	vsel vm2, $0x44034000, v10;
	v9 =	vsel vm3, $0x44070000, v9  }
0x16: {  	v11 =	vsel vm2, $0x43FE8000, v11;
	v10 =	vsel vm3, $0x44030000, v10;
	v9 =	vsel vm4, $0x4406C000, v9  }
0x17: {  	v11 =	vsel vm3, $0x43FE0000, v11;
	v10 =	vsel vm4, $0x4402C000, v10;
	v9 =	vsel vm5, $0x44068000, v9  }
0x18: {  	v11 =	vsel vm4, $0x43FD8000, v11;
	v10 =	vsel vm5, $0x44028000, v10;
	v9 =	vsel vm6, $0x44064000, v9  }
0x19: {  	v11 =	vsel vm5, $0x43FD0000, v11;
	v10 =	vsel vm6, $0x44024000, v10;
	v9 =	vsel vm7, $0x44060000, v9  }
0x1a: {  	v11 =	vsel vm6, $0x43FC8000, v11;
	v10 =	vsel vm7, $0x44020000, v10;
	v9 =	vsel vm8, $0x4405C000, v9  }
0x1b: {  	v11 =	vsel vm7, $0x43FC0000, v11;
	v10 =	vsel vm8, $0x4401C000, v10;
	v9 =	vsel vm9, $0x44058000, v9  }
0x1c: {  	v11 =	vsel vm8, $0x43FB8000, v11;
	v10 =	vsel vm9, $0x44018000, v10;
	v9 =	vsel vm10, $0x44054000, v9  }
0x1d: {  	v11 =	vsel vm9, $0x43FB0000, v11;
	v10 =	vsel vm10, $0x44014000, v10;
	v9 =	vsel vm11, $0x44050000, v9  }
0x1e: {  	v11 =	vsel vm10, $0x43FA8000, v11;
	v10 =	vsel vm11, $0x44010000, v10;
	v9 =	vsel vm12, $0x4404C000, v9  }
0x1f: {  	v11 =	vsel vm11, $0x43FA0000, v11;
	v10 =	vsel vm12, $0x4400C000, v10;
	v9 =	vsel vm13, $0x44048000, v9  }
0x20: {  	v11 =	vsel vm12, $0x43F98000, v11;
	[tilespmem:$0x1FDE0] =	vst v1;
	v10 =	vsel vm13, $0x44008000, v10;
	v1 =	vsel vm14, $0x44044000, v9  }
0x21: {  	v9 =	vsel vm13, $0x43F90000, v11;
	[tilespmem:$0x1FDF0] =	vst v1;
	v1 =	vsel vm14, $0x44004000, v10  }
0x22: {  	[tilespmem:$0x1FE00] =	vst v1;
	v1 =	vsel vm14, $0x43F88000, v9;
	v9 =	vimm.f32 $4.800000000e+02  }
0x23: {  	v10 =	vimm.f32 $4.640000000e+02;
	v9 =	vsel vm0, $0x43F78000, v9  }
0x24: {  	v11 =	vimm.f32 $4.480000000e+02;
	v10 =	vsel vm0, $0x43EF8000, v10;
	v9 =	vsel vm1, $0x43F70000, v9  }
0x25: {  	v11 =	vsel vm0, $0x43E78000, v11;
	v10 =	vsel vm1, $0x43EF0000, v10;
	v9 =	vsel vm2, $0x43F68000, v9  }
0x26: {  	v11 =	vsel vm1, $0x43E70000, v11;
	v10 =	vsel vm2, $0x43EE8000, v10;
	v9 =	vsel vm3, $0x43F60000, v9  }
0x27: {  	v11 =	vsel vm2, $0x43E68000, v11;
	v10 =	vsel vm3, $0x43EE0000, v10;
	v9 =	vsel vm4, $0x43F58000, v9  }
0x28: {  	v11 =	vsel vm3, $0x43E60000, v11;
	v10 =	vsel vm4, $0x43ED8000, v10;
	v9 =	vsel vm5, $0x43F50000, v9  }
0x29: {  	v11 =	vsel vm4, $0x43E58000, v11;
	v10 =	vsel vm5, $0x43ED0000, v10;
	v9 =	vsel vm6, $0x43F48000, v9  }
0x2a: {  	v11 =	vsel vm5, $0x43E50000, v11;
	v10 =	vsel vm6, $0x43EC8000, v10;
	v9 =	vsel vm7, $0x43F40000, v9  }
0x2b: {  	v11 =	vsel vm6, $0x43E48000, v11;
	v10 =	vsel vm7, $0x43EC0000, v10;
	v9 =	vsel vm8, $0x43F38000, v9  }
0x2c: {  	v11 =	vsel vm7, $0x43E40000, v11;
	v10 =	vsel vm8, $0x43EB8000, v10;
	v9 =	vsel vm9, $0x43F30000, v9  }
0x2d: {  	v11 =	vsel vm8, $0x43E38000, v11;
	v10 =	vsel vm9, $0x43EB0000, v10;
	v9 =	vsel vm10, $0x43F28000, v9  }
0x2e: {  	v11 =	vsel vm9, $0x43E30000, v11;
	v10 =	vsel vm10, $0x43EA8000, v10;
	v9 =	vsel vm11, $0x43F20000, v9  }
0x2f: {  	v11 =	vsel vm10, $0x43E28000, v11;
	v10 =	vsel vm11, $0x43EA0000, v10;
	v9 =	vsel vm12, $0x43F18000, v9  }
0x30: {  	v11 =	vsel vm11, $0x43E20000, v11;
	v10 =	vsel vm12, $0x43E98000, v10;
	v9 =	vsel vm13, $0x43F10000, v9  }
0x31: {  	[tilespmem:$0x1FE10] =	vst v1;
	v11 =	vsel vm12, $0x43E18000, v11;
	v10 =	vsel vm13, $0x43E90000, v10;
	v1 =	vsel vm14, $0x43F08000, v9  }
0x32: {  	v9 =	vsel vm13, $0x43E10000, v11;
	[tilespmem:$0x1FE20] =	vst v1;
	v1 =	vsel vm14, $0x43E88000, v10  }
0x33: {  	[tilespmem:$0x1FE30] =	vst v1;
	v1 =	vsel vm14, $0x43E08000, v9;
	v9 =	vimm.f32 $4.320000000e+02  }
0x34: {  	v10 =	vimm.f32 $4.160000000e+02;
	v9 =	vsel vm0, $0x43DF8000, v9  }
0x35: {  	v11 =	vimm.f32 $4.000000000e+02;
	v10 =	vsel vm0, $0x43D78000, v10;
	v9 =	vsel vm1, $0x43DF0000, v9  }
0x36: {  	v11 =	vsel vm0, $0x43CF8000, v11;
	v10 =	vsel vm1, $0x43D70000, v10;
	v9 =	vsel vm2, $0x43DE8000, v9  }
0x37: {  	v11 =	vsel vm1, $0x43CF0000, v11;
	v10 =	vsel vm2, $0x43D68000, v10;
	v9 =	vsel vm3, $0x43DE0000, v9  }
0x38: {  	v11 =	vsel vm2, $0x43CE8000, v11;
	v10 =	vsel vm3, $0x43D60000, v10;
	v9 =	vsel vm4, $0x43DD8000, v9  }
0x39: {  	v11 =	vsel vm3, $0x43CE0000, v11;
	v10 =	vsel vm4, $0x43D58000, v10;
	v9 =	vsel vm5, $0x43DD0000, v9  }
0x3a: {  	v11 =	vsel vm4, $0x43CD8000, v11;
	v10 =	vsel vm5, $0x43D50000, v10;
	v9 =	vsel vm6, $0x43DC8000, v9  }
0x3b: {  	v11 =	vsel vm5, $0x43CD0000, v11;
	v10 =	vsel vm6, $0x43D48000, v10;
	v9 =	vsel vm7, $0x43DC0000, v9  }
0x3c: {  	v11 =	vsel vm6, $0x43CC8000, v11;
	v10 =	vsel vm7, $0x43D40000, v10;
	v9 =	vsel vm8, $0x43DB8000, v9  }
0x3d: {  	v11 =	vsel vm7, $0x43CC0000, v11;
	v10 =	vsel vm8, $0x43D38000, v10;
	v9 =	vsel vm9, $0x43DB0000, v9  }
0x3e: {  	v11 =	vsel vm8, $0x43CB8000, v11;
	v10 =	vsel vm9, $0x43D30000, v10;
	v9 =	vsel vm10, $0x43DA8000, v9  }
0x3f: {  	v11 =	vsel vm9, $0x43CB0000, v11;
	v10 =	vsel vm10, $0x43D28000, v10;
	v9 =	vsel vm11, $0x43DA0000, v9  }
0x40: {  	v11 =	vsel vm10, $0x43CA8000, v11;
	v10 =	vsel vm11, $0x43D20000, v10;
	v9 =	vsel vm12, $0x43D98000, v9  }
0x41: {  	v11 =	vsel vm11, $0x43CA0000, v11;
	v10 =	vsel vm12, $0x43D18000, v10;
	v9 =	vsel vm13, $0x43D90000, v9  }
0x42: {  	[tilespmem:$0x1FE40] =	vst v1;
	v11 =	vsel vm12, $0x43C98000, v11;
	v10 =	vsel vm13, $0x43D10000, v10;
	v1 =	vsel vm14, $0x43D88000, v9  }
0x43: {  	v9 =	vsel vm13, $0x43C90000, v11;
	[tilespmem:$0x1FE50] =	vst v1;
	v1 =	vsel vm14, $0x43D08000, v10  }
0x44: {  	[tilespmem:$0x1FE60] =	vst v1;
	v1 =	vsel vm14, $0x43C88000, v9;
	v9 =	vimm.f32 $3.840000000e+02  }
0x45: {  	v10 =	vimm.f32 $3.680000000e+02;
	v9 =	vsel vm0, $0x43C78000, v9  }
0x46: {  	v11 =	vimm.f32 $3.520000000e+02;
	v10 =	vsel vm0, $0x43BF8000, v10;
	v9 =	vsel vm1, $0x43C70000, v9  }
0x47: {  	v11 =	vsel vm0, $0x43B78000, v11;
	v10 =	vsel vm1, $0x43BF0000, v10;
	v9 =	vsel vm2, $0x43C68000, v9  }
0x48: {  	v11 =	vsel vm1, $0x43B70000, v11;
	v10 =	vsel vm2, $0x43BE8000, v10;
	v9 =	vsel vm3, $0x43C60000, v9  }
0x49: {  	v11 =	vsel vm2, $0x43B68000, v11;
	v10 =	vsel vm3, $0x43BE0000, v10;
	v9 =	vsel vm4, $0x43C58000, v9  }
0x4a: {  	v11 =	vsel vm3, $0x43B60000, v11;
	v10 =	vsel vm4, $0x43BD8000, v10;
	v9 =	vsel vm5, $0x43C50000, v9  }
0x4b: {  	v11 =	vsel vm4, $0x43B58000, v11;
	v10 =	vsel vm5, $0x43BD0000, v10;
	v9 =	vsel vm6, $0x43C48000, v9  }
0x4c: {  	v11 =	vsel vm5, $0x43B50000, v11;
	v10 =	vsel vm6, $0x43BC8000, v10;
	v9 =	vsel vm7, $0x43C40000, v9  }
0x4d: {  	v11 =	vsel vm6, $0x43B48000, v11;
	v10 =	vsel vm7, $0x43BC0000, v10;
	v9 =	vsel vm8, $0x43C38000, v9  }
0x4e: {  	v11 =	vsel vm7, $0x43B40000, v11;
	v10 =	vsel vm8, $0x43BB8000, v10;
	v9 =	vsel vm9, $0x43C30000, v9  }
0x4f: {  	v11 =	vsel vm8, $0x43B38000, v11;
	v10 =	vsel vm9, $0x43BB0000, v10;
	v9 =	vsel vm10, $0x43C28000, v9  }
0x50: {  	v11 =	vsel vm9, $0x43B30000, v11;
	v10 =	vsel vm10, $0x43BA8000, v10;
	v9 =	vsel vm11, $0x43C20000, v9  }
0x51: {  	v11 =	vsel vm10, $0x43B28000, v11;
	v10 =	vsel vm11, $0x43BA0000, v10;
	v9 =	vsel vm12, $0x43C18000, v9  }
0x52: {  	v11 =	vsel vm11, $0x43B20000, v11;
	v10 =	vsel vm12, $0x43B98000, v10;
	v9 =	vsel vm13, $0x43C10000, v9  }
0x53: {  	[tilespmem:$0x1FE70] =	vst v1;
	v11 =	vsel vm12, $0x43B18000, v11;
	v10 =	vsel vm13, $0x43B90000, v10;
	v1 =	vsel vm14, $0x43C08000, v9  }
0x54: {  	v9 =	vsel vm13, $0x43B10000, v11;
	[tilespmem:$0x1FE80] =	vst v1;
	v1 =	vsel vm14, $0x43B88000, v10  }
0x55: {  	[tilespmem:$0x1FE90] =	vst v1;
	v1 =	vsel vm14, $0x43B08000, v9;
	v9 =	vimm.f32 $3.360000000e+02  }
0x56: {  	v10 =	vimm.f32 $3.200000000e+02;
	v9 =	vsel vm0, $0x43AF8000, v9  }
0x57: {  	v11 =	vimm.f32 $3.040000000e+02;
	v10 =	vsel vm0, $0x43A78000, v10;
	v9 =	vsel vm1, $0x43AF0000, v9  }
0x58: {  	v11 =	vsel vm0, $0x439F8000, v11;
	v10 =	vsel vm1, $0x43A70000, v10;
	v9 =	vsel vm2, $0x43AE8000, v9  }
0x59: {  	v11 =	vsel vm1, $0x439F0000, v11;
	v10 =	vsel vm2, $0x43A68000, v10;
	v9 =	vsel vm3, $0x43AE0000, v9  }
0x5a: {  	v11 =	vsel vm2, $0x439E8000, v11;
	v10 =	vsel vm3, $0x43A60000, v10;
	v9 =	vsel vm4, $0x43AD8000, v9  }
0x5b: {  	v11 =	vsel vm3, $0x439E0000, v11;
	v10 =	vsel vm4, $0x43A58000, v10;
	v9 =	vsel vm5, $0x43AD0000, v9  }
0x5c: {  	v11 =	vsel vm4, $0x439D8000, v11;
	v10 =	vsel vm5, $0x43A50000, v10;
	v9 =	vsel vm6, $0x43AC8000, v9  }
0x5d: {  	v11 =	vsel vm5, $0x439D0000, v11;
	v10 =	vsel vm6, $0x43A48000, v10;
	v9 =	vsel vm7, $0x43AC0000, v9  }
0x5e: {  	v11 =	vsel vm6, $0x439C8000, v11;
	v10 =	vsel vm7, $0x43A40000, v10;
	v9 =	vsel vm8, $0x43AB8000, v9  }
0x5f: {  	v11 =	vsel vm7, $0x439C0000, v11;
	v10 =	vsel vm8, $0x43A38000, v10;
	v9 =	vsel vm9, $0x43AB0000, v9  }
0x60: {  	v11 =	vsel vm8, $0x439B8000, v11;
	v10 =	vsel vm9, $0x43A30000, v10;
	v9 =	vsel vm10, $0x43AA8000, v9  }
0x61: {  	v11 =	vsel vm9, $0x439B0000, v11;
	v10 =	vsel vm10, $0x43A28000, v10;
	v9 =	vsel vm11, $0x43AA0000, v9  }
0x62: {  	v11 =	vsel vm10, $0x439A8000, v11;
	v10 =	vsel vm11, $0x43A20000, v10;
	v9 =	vsel vm12, $0x43A98000, v9  }
0x63: {  	v11 =	vsel vm11, $0x439A0000, v11;
	v10 =	vsel vm12, $0x43A18000, v10;
	v9 =	vsel vm13, $0x43A90000, v9  }
0x64: {  	[tilespmem:$0x1FEA0] =	vst v1;
	v11 =	vsel vm12, $0x43998000, v11;
	v10 =	vsel vm13, $0x43A10000, v10;
	v1 =	vsel vm14, $0x43A88000, v9  }
0x65: {  	v9 =	vsel vm13, $0x43990000, v11;
	[tilespmem:$0x1FEB0] =	vst v1;
	v1 =	vsel vm14, $0x43A08000, v10  }
0x66: {  	[tilespmem:$0x1FEC0] =	vst v1;
	v1 =	vsel vm14, $0x43988000, v9;
	v9 =	vimm.f32 $2.880000000e+02  }
0x67: {  	v10 =	vimm.f32 $2.720000000e+02;
	v9 =	vsel vm0, $0x43978000, v9  }
0x68: {  	v11 =	vimm.f32 $2.560000000e+02;
	v10 =	vsel vm0, $0x438F8000, v10;
	v9 =	vsel vm1, $0x43970000, v9  }
0x69: {  	v11 =	vsel vm0, $0x43878000, v11;
	v10 =	vsel vm1, $0x438F0000, v10;
	v9 =	vsel vm2, $0x43968000, v9  }
0x6a: {  	v11 =	vsel vm1, $0x43870000, v11;
	v10 =	vsel vm2, $0x438E8000, v10;
	v9 =	vsel vm3, $0x43960000, v9  }
0x6b: {  	v11 =	vsel vm2, $0x43868000, v11;
	v10 =	vsel vm3, $0x438E0000, v10;
	v9 =	vsel vm4, $0x43958000, v9  }
0x6c: {  	v11 =	vsel vm3, $0x43860000, v11;
	v10 =	vsel vm4, $0x438D8000, v10;
	v9 =	vsel vm5, $0x43950000, v9  }
0x6d: {  	v11 =	vsel vm4, $0x43858000, v11;
	v10 =	vsel vm5, $0x438D0000, v10;
	v9 =	vsel vm6, $0x43948000, v9  }
0x6e: {  	v11 =	vsel vm5, $0x43850000, v11;
	v10 =	vsel vm6, $0x438C8000, v10;
	v9 =	vsel vm7, $0x43940000, v9  }
0x6f: {  	v11 =	vsel vm6, $0x43848000, v11;
	v10 =	vsel vm7, $0x438C0000, v10;
	v9 =	vsel vm8, $0x43938000, v9  }
0x70: {  	v11 =	vsel vm7, $0x43840000, v11;
	v10 =	vsel vm8, $0x438B8000, v10;
	v9 =	vsel vm9, $0x43930000, v9  }
0x71: {  	v11 =	vsel vm8, $0x43838000, v11;
	v10 =	vsel vm9, $0x438B0000, v10;
	v9 =	vsel vm10, $0x43928000, v9  }
0x72: {  	v11 =	vsel vm9, $0x43830000, v11;
	v10 =	vsel vm10, $0x438A8000, v10;
	v9 =	vsel vm11, $0x43920000, v9  }
0x73: {  	v11 =	vsel vm10, $0x43828000, v11;
	v10 =	vsel vm11, $0x438A0000, v10;
	v9 =	vsel vm12, $0x43918000, v9  }
0x74: {  	v11 =	vsel vm11, $0x43820000, v11;
	v10 =	vsel vm12, $0x43898000, v10;
	v9 =	vsel vm13, $0x43910000, v9  }
0x75: {  	[tilespmem:$0x1FED0] =	vst v1;
	v11 =	vsel vm12, $0x43818000, v11;
	v10 =	vsel vm13, $0x43890000, v10;
	v1 =	vsel vm14, $0x43908000, v9  }
0x76: {  	v9 =	vsel vm13, $0x43810000, v11;
	[tilespmem:$0x1FEE0] =	vst v1;
	v1 =	vsel vm14, $0x43888000, v10  }
0x77: {  	[tilespmem:$0x1FEF0] =	vst v1;
	v1 =	vsel vm14, $0x43808000, v9;
	v9 =	vimm.f32 $2.400000000e+02  }
0x78: {  	v10 =	vimm.f32 $2.240000000e+02;
	v9 =	vsel vm0, $0x437F0000, v9  }
0x79: {  	v11 =	vimm.f32 $2.080000000e+02;
	v10 =	vsel vm0, $0x436F0000, v10;
	v9 =	vsel vm1, $0x437E0000, v9  }
0x7a: {  	v11 =	vsel vm0, $0x435F0000, v11;
	v10 =	vsel vm1, $0x436E0000, v10;
	v9 =	vsel vm2, $0x437D0000, v9  }
0x7b: {  	v11 =	vsel vm1, $0x435E0000, v11;
	v10 =	vsel vm2, $0x436D0000, v10;
	v9 =	vsel vm3, $0x437C0000, v9  }
0x7c: {  	v11 =	vsel vm2, $0x435D0000, v11;
	v10 =	vsel vm3, $0x436C0000, v10;
	v9 =	vsel vm4, $0x437B0000, v9  }
0x7d: {  	v11 =	vsel vm3, $0x435C0000, v11;
	v10 =	vsel vm4, $0x436B0000, v10;
	v9 =	vsel vm5, $0x437A0000, v9  }
0x7e: {  	v11 =	vsel vm4, $0x435B0000, v11;
	v10 =	vsel vm5, $0x436A0000, v10;
	v9 =	vsel vm6, $0x43790000, v9  }
0x7f: {  	v11 =	vsel vm5, $0x435A0000, v11;
	v10 =	vsel vm6, $0x43690000, v10;
	v9 =	vsel vm7, $0x43780000, v9  }
0x80: {  	v11 =	vsel vm6, $0x43590000, v11;
	v10 =	vsel vm7, $0x43680000, v10;
	v9 =	vsel vm8, $0x43770000, v9  }
0x81: {  	v11 =	vsel vm7, $0x43580000, v11;
	v10 =	vsel vm8, $0x43670000, v10;
	v9 =	vsel vm9, $0x43760000, v9  }
0x82: {  	v11 =	vsel vm8, $0x43570000, v11;
	v10 =	vsel vm9, $0x43660000, v10;
	v9 =	vsel vm10, $0x43750000, v9  }
0x83: {  	v11 =	vsel vm9, $0x43560000, v11;
	v10 =	vsel vm10, $0x43650000, v10;
	v9 =	vsel vm11, $0x43740000, v9  }
0x84: {  	v11 =	vsel vm10, $0x43550000, v11;
	v10 =	vsel vm11, $0x43640000, v10;
	v9 =	vsel vm12, $0x43730000, v9  }
0x85: {  	v11 =	vsel vm11, $0x43540000, v11;
	v10 =	vsel vm12, $0x43630000, v10;
	v9 =	vsel vm13, $0x43720000, v9  }
0x86: {  	[tilespmem:$0x1FF00] =	vst v1;
	v11 =	vsel vm12, $0x43530000, v11;
	v10 =	vsel vm13, $0x43620000, v10;
	v1 =	vsel vm14, $0x43710000, v9  }
0x87: {  	v9 =	vsel vm13, $0x43520000, v11;
	[tilespmem:$0x1FF10] =	vst v1;
	v1 =	vsel vm14, $0x43610000, v10  }
0x88: {  	[tilespmem:$0x1FF20] =	vst v1;
	v1 =	vsel vm14, $0x43510000, v9;
	v9 =	vimm.f32 $1.920000000e+02  }
0x89: {  	v10 =	vimm.f32 $1.760000000e+02;
	v9 =	vsel vm0, $0x434F0000, v9  }
0x8a: {  	v11 =	vimm.f32 $1.600000000e+02;
	v10 =	vsel vm0, $0x433F0000, v10;
	v9 =	vsel vm1, $0x434E0000, v9  }
0x8b: {  	v11 =	vsel vm0, $0x432F0000, v11;
	v10 =	vsel vm1, $0x433E0000, v10;
	v9 =	vsel vm2, $0x434D0000, v9  }
0x8c: {  	v11 =	vsel vm1, $0x432E0000, v11;
	v10 =	vsel vm2, $0x433D0000, v10;
	v9 =	vsel vm3, $0x434C0000, v9  }
0x8d: {  	v11 =	vsel vm2, $0x432D0000, v11;
	v10 =	vsel vm3, $0x433C0000, v10;
	v9 =	vsel vm4, $0x434B0000, v9  }
0x8e: {  	v11 =	vsel vm3, $0x432C0000, v11;
	v10 =	vsel vm4, $0x433B0000, v10;
	v9 =	vsel vm5, $0x434A0000, v9  }
0x8f: {  	v11 =	vsel vm4, $0x432B0000, v11;
	v10 =	vsel vm5, $0x433A0000, v10;
	v9 =	vsel vm6, $0x43490000, v9  }
0x90: {  	v11 =	vsel vm5, $0x432A0000, v11;
	v10 =	vsel vm6, $0x43390000, v10;
	v9 =	vsel vm7, $0x43480000, v9  }
0x91: {  	v11 =	vsel vm6, $0x43290000, v11;
	v10 =	vsel vm7, $0x43380000, v10;
	v9 =	vsel vm8, $0x43470000, v9  }
0x92: {  	v11 =	vsel vm7, $0x43280000, v11;
	v10 =	vsel vm8, $0x43370000, v10;
	v9 =	vsel vm9, $0x43460000, v9  }
0x93: {  	v11 =	vsel vm8, $0x43270000, v11;
	v10 =	vsel vm9, $0x43360000, v10;
	v9 =	vsel vm10, $0x43450000, v9  }
0x94: {  	v11 =	vsel vm9, $0x43260000, v11;
	v10 =	vsel vm10, $0x43350000, v10;
	v9 =	vsel vm11, $0x43440000, v9  }
0x95: {  	v11 =	vsel vm10, $0x43250000, v11;
	v10 =	vsel vm11, $0x43340000, v10;
	v9 =	vsel vm12, $0x43430000, v9  }
0x96: {  	v11 =	vsel vm11, $0x43240000, v11;
	v10 =	vsel vm12, $0x43330000, v10;
	v9 =	vsel vm13, $0x43420000, v9  }
0x97: {  	[tilespmem:$0x1FF30] =	vst v1;
	v11 =	vsel vm12, $0x43230000, v11;
	v10 =	vsel vm13, $0x43320000, v10;
	v1 =	vsel vm14, $0x43410000, v9  }
0x98: {  	v9 =	vsel vm13, $0x43220000, v11;
	[tilespmem:$0x1FF40] =	vst v1;
	v1 =	vsel vm14, $0x43310000, v10  }
0x99: {  	[tilespmem:$0x1FF50] =	vst v1;
	v1 =	vsel vm14, $0x43210000, v9;
	v9 =	vimm.f32 $1.440000000e+02  }
0x9a: {  	v10 =	vimm.f32 $1.280000000e+02;
	v9 =	vsel vm0, $0x431F0000, v9  }
0x9b: {  	v11 =	vimm.f32 $1.120000000e+02;
	v10 =	vsel vm0, $0x430F0000, v10;
	v9 =	vsel vm1, $0x431E0000, v9  }
0x9c: {  	v11 =	vsel vm0, $0x42FE0000, v11;
	v10 =	vsel vm1, $0x430E0000, v10;
	v9 =	vsel vm2, $0x431D0000, v9  }
0x9d: {  	v11 =	vsel vm1, $0x42FC0000, v11;
	v10 =	vsel vm2, $0x430D0000, v10;
	v9 =	vsel vm3, $0x431C0000, v9  }
0x9e: {  	v11 =	vsel vm2, $0x42FA0000, v11;
	v10 =	vsel vm3, $0x430C0000, v10;
	v9 =	vsel vm4, $0x431B0000, v9  }
0x9f: {  	v11 =	vsel vm3, $0x42F80000, v11;
	v10 =	vsel vm4, $0x430B0000, v10;
	v9 =	vsel vm5, $0x431A0000, v9  }
0xa0: {  	v11 =	vsel vm4, $0x42F60000, v11;
	v10 =	vsel vm5, $0x430A0000, v10;
	v9 =	vsel vm6, $0x43190000, v9  }
0xa1: {  	v11 =	vsel vm5, $0x42F40000, v11;
	v10 =	vsel vm6, $0x43090000, v10;
	v9 =	vsel vm7, $0x43180000, v9  }
0xa2: {  	v11 =	vsel vm6, $0x42F20000, v11;
	v10 =	vsel vm7, $0x43080000, v10;
	v9 =	vsel vm8, $0x43170000, v9  }
0xa3: {  	v11 =	vsel vm7, $0x42F00000, v11;
	v10 =	vsel vm8, $0x43070000, v10;
	v9 =	vsel vm9, $0x43160000, v9  }
0xa4: {  	v11 =	vsel vm8, $0x42EE0000, v11;
	v10 =	vsel vm9, $0x43060000, v10;
	v9 =	vsel vm10, $0x43150000, v9  }
0xa5: {  	v11 =	vsel vm9, $0x42EC0000, v11;
	v10 =	vsel vm10, $0x43050000, v10;
	v9 =	vsel vm11, $0x43140000, v9  }
0xa6: {  	v11 =	vsel vm10, $0x42EA0000, v11;
	v10 =	vsel vm11, $0x43040000, v10;
	v9 =	vsel vm12, $0x43130000, v9  }
0xa7: {  	v11 =	vsel vm11, $0x42E80000, v11;
	v10 =	vsel vm12, $0x43030000, v10;
	v9 =	vsel vm13, $0x43120000, v9  }
0xa8: {  	[tilespmem:$0x1FF60] =	vst v1;
	v11 =	vsel vm12, $0x42E60000, v11;
	v10 =	vsel vm13, $0x43020000, v10;
	v1 =	vsel vm14, $0x43110000, v9  }
0xa9: {  	v9 =	vsel vm13, $0x42E40000, v11;
	[tilespmem:$0x1FF70] =	vst v1;
	v1 =	vsel vm14, $0x43010000, v10  }
0xaa: {  	[tilespmem:$0x1FF80] =	vst v1;
	v1 =	vsel vm14, $0x42E20000, v9;
	v9 =	vimm.f32 $9.600000000e+01  }
0xab: {  	v0 =	vlaneseq.u32;
	v10 =	vimm.f32 $8.000000000e+01;
	v9 =	vsel vm0, $0x42DE0000, v9  }
0xac: {  	v11 =	vimm.f32 $6.400000000e+01;
	v10 =	vsel vm0, $0x42BE0000, v10;
	v9 =	vsel vm1, $0x42DC0000, v9  }
0xad: {  	v11 =	vsel vm0, $0x429E0000, v11;
	v10 =	vsel vm1, $0x42BC0000, v10;
	v9 =	vsel vm2, $0x42DA0000, v9  }
0xae: {  	v11 =	vsel vm1, $0x429C0000, v11;
	v10 =	vsel vm2, $0x42BA0000, v10;
	v9 =	vsel vm3, $0x42D80000, v9  }
0xaf: {  	v11 =	vsel vm2, $0x429A0000, v11;
	v10 =	vsel vm3, $0x42B80000, v10;
	v9 =	vsel vm4, $0x42D60000, v9  }
0xb0: {  	v11 =	vsel vm3, $0x42980000, v11;
	v10 =	vsel vm4, $0x42B60000, v10;
	v9 =	vsel vm5, $0x42D40000, v9  }
0xb1: {  	v11 =	vsel vm4, $0x42960000, v11;
	v10 =	vsel vm5, $0x42B40000, v10;
	v9 =	vsel vm6, $0x42D20000, v9  }
0xb2: {  	v11 =	vsel vm5, $0x42940000, v11;
	v10 =	vsel vm6, $0x42B20000, v10;
	v9 =	vsel vm7, $0x42D00000, v9  }
0xb3: {  	v11 =	vsel vm6, $0x42920000, v11;
	v10 =	vsel vm7, $0x42B00000, v10;
	v9 =	vsel vm8, $0x42CE0000, v9  }
0xb4: {  	v11 =	vsel vm7, $0x42900000, v11;
	v10 =	vsel vm8, $0x42AE0000, v10;
	v9 =	vsel vm9, $0x42CC0000, v9  }
0xb5: {  	v11 =	vsel vm8, $0x428E0000, v11;
	v10 =	vsel vm9, $0x42AC0000, v10;
	v9 =	vsel vm10, $0x42CA0000, v9  }
0xb6: {  	v11 =	vsel vm9, $0x428C0000, v11;
	v10 =	vsel vm10, $0x42AA0000, v10;
	v9 =	vsel vm11, $0x42C80000, v9  }
0xb7: {  	v11 =	vsel vm10, $0x428A0000, v11;
	v10 =	vsel vm11, $0x42A80000, v10;
	v9 =	vsel vm12, $0x42C60000, v9  }
0xb8: {  	v11 =	vsel vm11, $0x42880000, v11;
	v10 =	vsel vm12, $0x42A60000, v10;
	v9 =	vsel vm13, $0x42C40000, v9  }
0xb9: {  	[tilespmem:$0x1FF90] =	vst v1;
	v11 =	vsel vm12, $0x42860000, v11;
	v10 =	vsel vm13, $0x42A40000, v10;
	v1 =	vsel vm14, $0x42C20000, v9  }
0xba: {  	v37 =	vimm.f32 $0.0e+00;
	v9 =	vsel vm13, $0x42840000, v11;
	[tilespmem:$0x1FFA0] =	vst v1;
	v1 =	vsel vm14, $0x42A20000, v10  }
0xbb: {  	v7 =	vimm.f32 $1.000000000e+00;
	[tilespmem:$0x1FFB0] =	vst v1;
	v1 =	vsel vm14, $0x42820000, v9;
	v9 =	vimm.f32 $4.800000000e+01  }
0xbc: {  	s3 =	rddreg [dreg:$0x0];
	v45 =	vimm.f32 $-1.000000000e+00;
	v10 =	vimm.f32 $3.200000000e+01;
	v9 =	vsel vm0, $0x427C0000, v9  }
0xbd: {  	s6 =	rddreg [dreg:$0x1];
	v11 =	vimm.f32 $1.600000000e+01;
	v10 =	vsel vm0, $0x423C0000, v10;
	v9 =	vsel vm1, $0x42780000, v9  }
0xbe: {  	s1 =	srdreg.scid;
	s5 =	rddreg [dreg:$0x2];
	v11 =	vsel vm0, $0x41F80000, v11;
	v10 =	vsel vm1, $0x42380000, v10;
	v9 =	vsel vm2, $0x42740000, v9  }
0xbf: {  	s0 =	stileid.u32;
	s8 =	rddreg [dreg:$0x3];
	s2 =	simm.s32 $0x0;
	v11 =	vsel vm1, $0x41F00000, v11;
	v10 =	vsel vm2, $0x42340000, v10;
	v9 =	vsel vm3, $0x42700000, v9  }
0xc0: {  	s14 =	simm.s32 $0x1600;
	s15 =	simm.s32 $0x1880;
	s16 =	simm.s32 $0x1380;
	v11 =	vsel vm2, $0x41E80000, v11;
	v10 =	vsel vm3, $0x42300000, v10;
	v9 =	vsel vm4, $0x426C0000, v9  }
0xc1: {  	s17 =	simm.s32 $0xDC0;
	s18 =	simm.s32 $0x0;
	s4 =	sand.u32 $0x1, s1;
	v11 =	vsel vm3, $0x41E00000, v11;
	v10 =	vsel vm4, $0x422C0000, v10;
	v9 =	vsel vm5, $0x42680000, v9  }
0xc2: {  	s12 =	sshrl.u32 s0, $0x3;
	s1 =	rddreg [dreg:$0x4];
	s7 =	smul.u32 $0xD800, s4;
	v11 =	vsel vm4, $0x41D80000, v11;
	v10 =	vsel vm5, $0x42280000, v10;
	v9 =	vsel vm6, $0x42640000, v9  }
0xc3: {  	s10 =	sand.u32 $0x7, s0;
	[smem:$0x7FF] =	sst s2;
	s9 =	smul.u32 $0x6C00, s12;
	v11 =	vsel vm5, $0x41D00000, v11;
	v10 =	vsel vm6, $0x42240000, v10;
	v9 =	vsel vm7, $0x42600000, v9  }
0xc4: {  	s11 =	sshll.u32 s10, $0x7;
	s25 =	ssub.s32 $0x2, s4;
	s10 =	smul.u32 $0x900, s10;
	v11 =	vsel vm6, $0x41C80000, v11;
	v10 =	vsel vm7, $0x42200000, v10;
	v9 =	vsel vm8, $0x425C0000, v9  }
0xc5: {  	s13 =	smul.u32 $0x1400, s4;
	s4 =	sshll.u32 s4, $0xA;
	p0 =	seq.s32 s12, $0x0;
	v11 =	vsel vm7, $0x41C00000, v11;
	v10 =	vsel vm8, $0x421C0000, v10;
	v9 =	vsel vm9, $0x42580000, v9  }
0xc6: {  	s12 =	simm.s32 $0x1900;
	s26 =	sshrl.u32 s25, $0x1;
	s7 =	sadd.s32 s7, s9;
	v11 =	vsel vm8, $0x41B80000, v11;
	v10 =	vsel vm9, $0x42180000, v10;
	v9 =	vsel vm10, $0x42540000, v9  }
0xc7: {  	s28 =	sshrl.u32 s10, $0x2;
	s29 =	sor.u32 s13, s11;
	s9 =	simm.s32 $0x400;
	v11 =	vsel vm9, $0x41B00000, v11;
	v10 =	vsel vm10, $0x42140000, v10;
	v9 =	vsel vm11, $0x42500000, v9  }
0xc8: {  	s10 =	simm.s32 $0x1;
	s13 =	simm.s32 $0x1080;
	s7 =	sor.u32 s11, s7;
	v11 =	vsel vm10, $0x41A80000, v11;
	v10 =	vsel vm11, $0x42100000, v10;
	v9 =	vsel vm12, $0x424C0000, v9  }
.Ltmp0:
0xc9: {  	s11 =	sor.u32 s4, s11;
	s4 =	sadd.s32 s28, s8;
	v11 =	vsel vm11, $0x41A00000, v11;
	v10 =	vsel vm12, $0x420C0000, v10;
	v9 =	vsel vm13, $0x42480000, v9;
	(pc) =	sbr.rel .LBB2_1-.Ltmp0, $4  }
0xca: {  	s30 =	sshrl.u32 s29, $0x3;
	s8 =	simm.s32 $0x80;
	s7 =	sshrl.u32 s7, $0x3;
	[tilespmem:$0x1FFC0] =	vst v1;
	v11 =	vsel vm12, $0x41980000, v11;
	v10 =	vsel vm13, $0x42080000, v10;
	v1 =	vsel vm14, $0x42440000, v9  }
0xcb: {  	v2 =	vor.u32 $0x10, v0;
	s31 =	sshrl.u32 s11, $0x3;
	s5 =	sadd.s32 s5, s30;
	_ =	strace $0x80000047;
	v9 =	vsel vm13, $0x41900000, v11;
	[tilespmem:$0x1FFD0] =	vst v1;
	v1 =	vsel vm14, $0x42040000, v10  }
0xcc: {  	v3 =	vor.u32 $0x20, v0;
	v4 =	vor.u32 $0x80000020, v0;
	s11 =	simm.s32 $0xD80;
	s3 =	sadd.s32 s7, s3;
	s7 =	ssub.s32 s25, s26;
	[tilespmem:$0x1FFE0] =	vst v1;
	v1 =	vsel vm14, $0x41880000, v9  }
0xcd: {  	v5 =	vor.u32 $0x80000010, v0;
	v6 =	vor.u32 $0x80000000, v0;
	s6 =	sadd.s32 s6, s31;
	s3 =	sadd.s32 $0x800, s3;
	s7 =	smax.u32 s7, $0x1;
	v8 =	vimm.f32 $-Inf;
	[tilespmem:$0x1FFF0] =	vst v1  }
.LBB2_16:
0xce: {  	[spmem:s4] =	stream.linear.scatter [tilespmem:s17], [sflag:$0x1], $0x240, $0x38;
	[tilespmem:$0x1CA0] =	vst v63  }
0xcf: {  	_ =	swait.ge [sflag:s10], $0x240  }
0xd0: {  	[sflag:s10] =	ssyncset.done $0x0  }
0xd1: {  	[sflag:s10] =	ssyncadd.s32 $0xFFFFFDC0  }
0xd2: {  	[bflag:$0x0] =	sbarrier.arrive $0xFFFF  }
.LBB2_20:
0xd3: {  	s18 =	sadd.s32 $0x1, s18  }
0xd4: {  	p1 =	sne.s32 s18, s7  }
.Ltmp1:
0xd5: {  	_ = 	snop;
	(pc) =	sbr.rel @!p1 .LBB2_21-.Ltmp1, $1  }
0xd6: {  	_ =	sdelay $0x3  }
.LBB2_1:
0xd7: {  	[tilespmem:s2], [sflag:$0x1] =	stream.strided.gather [hbm4b:s3+s8], $0xD80, s9, s8, $0x38;
	[tilespmem:$0x1CA0] =	vst v63  }
0xd8: {  	_ =	swait.ge [sflag:s10], $0xD80  }
0xd9: {  	[sflag:s10] =	ssyncset.done $0x0  }
0xda: {  	[sflag:s10] =	ssyncadd.s32 $0xFFFFF280  }
0xdb: {  	[tilespmem:$0xD80] =	vst v37  }
0xdc: {  	[tilespmem:$0xD90] =	vst v37  }
0xdd: {  	[tilespmem:$0xDA0] =	vst v37  }
0xde: {  	[tilespmem:$0xDB0] =	vst v37  }
0xdf: {  	[tilespmem:$0xDC0] =	vst v37  }
0xe0: {  	[tilespmem:$0xDD0] =	vst v37  }
0xe1: {  	[tilespmem:$0xDE0] =	vst v37  }
0xe2: {  	[tilespmem:$0xDF0] =	vst v37  }
0xe3: {  	[tilespmem:$0xE00] =	vst v37  }
0xe4: {  	[tilespmem:$0xE10] =	vst v37  }
0xe5: {  	[tilespmem:$0xE20] =	vst v37  }
0xe6: {  	[tilespmem:$0xE30] =	vst v37  }
0xe7: {  	[tilespmem:$0xE40] =	vst v37  }
0xe8: {  	[tilespmem:$0xE50] =	vst v37  }
0xe9: {  	[tilespmem:$0xE60] =	vst v37  }
0xea: {  	[tilespmem:$0xE70] =	vst v37  }
0xeb: {  	[tilespmem:$0xE80] =	vst v37  }
0xec: {  	[tilespmem:$0xE90] =	vst v37  }
0xed: {  	[tilespmem:$0xEA0] =	vst v37  }
0xee: {  	[tilespmem:$0xEB0] =	vst v37  }
0xef: {  	[tilespmem:$0xEC0] =	vst v37  }
0xf0: {  	[tilespmem:$0xED0] =	vst v37  }
0xf1: {  	[tilespmem:$0xEE0] =	vst v37  }
0xf2: {  	[tilespmem:$0xEF0] =	vst v37  }
0xf3: {  	[tilespmem:$0xF00] =	vst v37  }
0xf4: {  	[tilespmem:$0xF10] =	vst v37  }
0xf5: {  	[tilespmem:$0xF20] =	vst v37  }
0xf6: {  	[tilespmem:$0xF30] =	vst v37  }
0xf7: {  	[tilespmem:$0xF40] =	vst v37  }
0xf8: {  	[tilespmem:$0xF50] =	vst v37  }
0xf9: {  	[tilespmem:$0xF60] =	vst v37  }
0xfa: {  	[tilespmem:$0xF70] =	vst v37  }
0xfb: {  	[tilespmem:$0xF80] =	vst v37  }
0xfc: {  	[tilespmem:$0xF90] =	vst v37  }
0xfd: {  	[tilespmem:$0xFA0] =	vst v37  }
0xfe: {  	[tilespmem:$0xFB0] =	vst v37  }
0xff: {  	[tilespmem:$0xFC0] =	vst v37  }
0x100: {  	[tilespmem:$0xFD0] =	vst v37  }
0x101: {  	[tilespmem:$0xFE0] =	vst v37  }
0x102: {  	[tilespmem:$0xFF0] =	vst v37  }
0x103: {  	[tilespmem:$0x1000] =	vst v37  }
0x104: {  	[tilespmem:$0x1010] =	vst v37  }
0x105: {  	[tilespmem:$0x1020] =	vst v37  }
0x106: {  	s19 =	simm.s32 $0x240;
	[tilespmem:$0x1030] =	vst v37  }
0x107: {  	v9 =	vld [tilespmem:s19+$0xFFFFFDC0]  }
0x108: {  	s28 =	sand.u32 $0x3F0, s2;
	v10 =	vld [tilespmem:s19+$0x0]  }
0x109: {  	v11 =	vld [tilespmem:s28+$0x480];
	_ =	sdelay $0x1  }
0x10a: {  	s29 =	simm.s32 $0x250  }
0x10b: {  	s20 =	simm.s32 $0x10;
	(xrf0) =	vmax.scan.msk.f32 $0xffff, v9;
	v9 =	vld [tilespmem:s29+$0xFFFFFDC0]  }
0x10c: {  	s30 =	sand.u32 $0x3F0, s20;
	(xrf0) =	vmax.scan.msk.f32 $0xffff, v10;
	v10 =	vld [tilespmem:s29+$0x0]  }
0x10d: {  	v13 =	vld [tilespmem:s30+$0x480];
	(xrf0) =	vmax.scan.msk.f32 $0xffff, v11  }
0x10e: {  	s31 =	simm.s32 $0x260  }
0x10f: {  	v14 =	vld [tilespmem:s31+$0xFFFFFDC0]  }
0x110: {  	v16 =	vmov s2;
	(xrf0) =	vmax.scan.msk.f32 $0xffff, v9  }
0x111: {  	vm1 =	veq.s32 v16, v0;
	s19 =	simm.s32 $0x20;
	v11, _, _ =	vpop (xrf0);
	(xrf0) =	vmax.scan.msk.f32 $0xffff, v10  }
0x112: {  	vm2 =	veq.s32 v16, v2;
	vm0 =	veq.s32 v16, v3;
	v16 =	vld [tilespmem:s31+$0x0];
	s23 =	sand.u32 $0x3F0, s19;
	v9, _, _ =	vpop (xrf0);
	v15 =	vbroadcast v11, $0xF;
	(xrf0) =	vmax.scan.msk.f32 $0xffff, v13  }
0x113: {  	v17 =	vld [tilespmem:s23+$0x480];
	v13 =	vimm.f32 $-Inf;
	v11, _, _ =	vpop (xrf0);
	v12 =	vbroadcast v9, $0xF  }
0x114: {  	(xrf0) =	vmax.scan.msk.f32 $0xffff, v14;
	v14 =	vimm.f32 $-Inf;
	v11 =	vbroadcast v11, $0xF;
	v19 =	vsel vm1, v15, v8  }
0x115: {  	s21 =	simm.s32 $0x1;
	v20 =	vsel vm2, v15, v8;
	v18 =	vsel vm0, v15, v8;
	v15 =	vimm.f32 $-Inf  }
0x116: {  	s22 =	simm.s32 $0x3;
	s20 =	simm.s32 $0x2;
	s23 =	simm.s32 $0x270;
	v9 =	vsel vm1, v11, v8;
	v10 =	vsel vm2, v11, v8;
	v11 =	vsel vm0, v11, v8;
	v21, _, _ =	vpop (xrf0)  }
.LBB2_2:
0x117: {  	v22 =	vld [tilespmem:s23+$0xFFFFFDC0];
	s19 =	sadd.s32 $0x10, s19;
	(xrf0) =	vmax.scan.msk.f32 $0xffff, v16;
	v23, _, _ =	vpop (xrf0);
	v14 =	vsel vm1, v12, v14;
	v15 =	vsel vm2, v12, v15;
	v13 =	vsel vm0, v12, v13;
	s24 =	smov.u32 s22;
	p1 =	sne.s32 s22, $0x23  }
.Ltmp2:
0x118: {  	s22 =	sadd.s32 $0x1, s22;
	v46 =	vbroadcast v21, $0xF;
	v16 =	vld [tilespmem:s23+$0x0];
	s25 =	sand.u32 $0x3F0, s19;
	(xrf0) =	vmax.scan.msk.f32 $0xffff, v17;
	v21, _, _ =	vpop (xrf0);
	(pc) =	sbr.rel @p1 .LBB2_2-.Ltmp2, $4  }
0x119: {  	v47 =	vmov s21;
	s21 =	smov.u32 s20;
	v12 =	vbroadcast v23, $0xF;
	s20 =	smov.u32 s24;
	v17 =	vld [tilespmem:s25+$0x480];
	v1 =	vbroadcast v21, $0xF  }
0x11a: {  	vm1 =	veq.s32 v47, v0;
	vm2 =	veq.s32 v47, v2;
	vm0 =	veq.s32 v47, v3  }
0x11b: {  	v9 =	vsel vm1, v1, v9;
	v10 =	vsel vm2, v1, v10;
	v11 =	vsel vm0, v1, v11  }
0x11c: {  	s23 =	sadd.s32 $0x10, s23;
	v19 =	vsel vm1, v46, v19;
	v20 =	vsel vm2, v46, v20;
	v18 =	vsel vm0, v46, v18;
	(xrf0) =	vmax.scan.msk.f32 $0xffff, v22;
	v21, _, _ =	vpop (xrf0)  }
0x11d: {  	_ =	sdelay $0x2  }
0x11e: {  	v22, _, _ =	vpop (xrf0)  }
0x11f: {  	v21 =	vbroadcast v21, $0xF;
	v23 =	vmov s21;
	v47 =	vmov s20;
	v46, _, _ =	vpop (xrf0)  }
0x120: {  	vm3 =	veq.s32 v23, v0;
	vm4 =	veq.s32 v23, v2;
	vm5 =	veq.s32 v23, v3;
	v42, _, _ =	vpop (xrf0)  }
0x121: {  	vm6 =	veq.s32 v47, v0;
	vm7 =	veq.s32 v47, v2;
	v23 =	vbroadcast v42, $0xF  }
0x122: {  	vm15 =	veq.s32 v47, v3;
	v19 =	vsel vm3, v21, v19;
	v20 =	vsel vm4, v21, v20  }
0x123: {  	v18 =	vsel vm5, v21, v18;
	v19 =	vsel vm6, v23, v19;
	v20 =	vsel vm7, v23, v20  }
0x124: {  	(xrf0) =	vmax.scan.msk.f32 $0xffff, v16;
	v43 =	vsel vm15, v23, v18;
	v52 =	vmax.f32 v19, v20  }
0x125: {  	(xrf0) =	vmax.scan.msk.f32 $0xffff, v17;
	v53 =	vmax.f32 v52, v43  }
0x126: {  	(xrf0) =	vmax.scan.msk.f32 $0xffff, v53;
	_ =	sdelay $0x3  }
0x127: {  	v54, _, _ =	vpop (xrf0)  }
0x128: {  	v55 =	vbroadcast v22, $0xF;
	v56, _, _ =	vpop (xrf0)  }
0x129: {  	v14 =	vsel vm1, v12, v14;
	v15 =	vsel vm2, v12, v15;
	v17 =	vbroadcast v54, $0xF;
	v57, _, _ =	vpop (xrf0)  }
0x12a: {  	v12 =	vsel vm0, v12, v13;
	v13 =	vsel vm3, v55, v14;
	v14 =	vbroadcast v57, $0xF  }
0x12b: {  	v15 =	vsel vm4, v55, v15;
	v12 =	vsel vm5, v55, v12;
	v13 =	vsel vm6, v17, v13  }
0x12c: {  	v15 =	vsel vm7, v17, v15;
	v12 =	vsel vm15, v17, v12;
	vm0 =	veq.f32 v43, v14  }
0x12d: {  	v58 =	vmax.f32 v13, v15;
	v59 =	vnsel vm0, $0x80000040, v4;
	vm0 =	veq.f32 v20, v14  }
0x12e: {  	v17 =	vmax.f32 v58, v12;
	v18 =	vsel vm0, v5, v59;
	vm0 =	veq.f32 v19, v14  }
0x12f: {  	(xrf0) =	vmax.scan.msk.f32 $0xffff, v17;
	v18 =	vsel vm0, v6, v18  }
0x130: {  	(xrf0) =	vmin.scan.msk.u32 $0xffff, v18;
	_ =	sdelay $0x4  }
0x131: {  	v17, _, _ =	vpop (xrf0)  }
0x132: {  	v18, _, _ =	vpop (xrf0)  }
0x133: {  	(v2sf) =	vpush v18, $0xF;
	_ =	sdelay $0xe  }
0x134: {  	s31 =	spop (v2sf)  }
0x135: {  	s19 =	sshll.u32 s31, $0x4  }
0x136: {  	v60 =	vbroadcast v46, $0xF;
	v61 =	vld [tilespmem:s19+$0x0]  }
0x137: {  	v21 =	vbroadcast v56, $0xF  }
0x138: {  	v9 =	vsel vm3, v60, v9;
	v10 =	vsel vm4, v60, v10  }
0x139: {  	v11 =	vsel vm5, v60, v11;
	v46 =	vsel vm6, v21, v9;
	v47 =	vsel vm7, v21, v10  }
0x13a: {  	v48 =	vsel vm15, v21, v11;
	v9 =	vmax.f32 v46, v47  }
0x13b: {  	v9 =	vmax.f32 v9, v48;
	vm0 =	veq.f32 v61, v14  }
0x13c: {  	(xrf0) =	vmax.scan.msk.f32 $0xffff, v9;
	v10 =	vnsel vm0, $0x80000040, v6  }
0x13d: {  	(xrf0) =	vmin.scan.msk.u32 $0xffff, v10;
	_ =	sdelay $0x1  }
0x13e: {  	v9 =	vbroadcast v17, $0xF;
	_ =	sdelay $0x1  }
0x13f: {  	vm0 =	veq.f32 v12, v9  }
0x140: {  	vm1 =	veq.f32 v15, v9;
	v11, _, _ =	vpop (xrf0);
	v10 =	vnsel vm0, $0x80000040, v4  }
0x141: {  	vm0 =	veq.f32 v13, v9;
	v10 =	vsel vm1, v5, v10;
	v14, _, _ =	vpop (xrf0)  }
0x142: {  	v10 =	vsel vm0, v6, v10;
	(v2sf) =	vpush v14, $0xF  }
0x143: {  	(xrf0) =	vmin.scan.msk.u32 $0xffff, v10;
	_ =	sdelay $0x5  }
0x144: {  	v10, _, _ =	vpop (xrf0)  }
0x145: {  	(v2sf) =	vpush v10, $0xF;
	_ =	sdelay $0x6  }
0x146: {  	s24 =	spop (v2sf)  }
0x147: {  	s21 =	sxor.u32 $0x80000000, s24  }
0x148: {  	s19 =	sadd.s32 s19, s21  }
0x149: {  	v10 =	vmov s19  }
0x14a: {  	v14 =	vadd.s32 $0x40, v10;
	_ =	sdelay $0x2  }
0x14b: {  	v49 =	vimm.f32 $-Inf;
	s19 =	simm.s32 $0x0  }
0x14c: {  	s22 =	spop (v2sf);
	[tilespmem:v10+s19+$0x0] =	vst.idx.msk $0x1, v49  }
0x14d: {  	s23 =	sshll.u32 s22, $0x4;
	[tilespmem:v14+s11+$0x0] =	vst.idx.add.f32.msk $0x1, v7  }
0x14e: {  	v10 =	vld [tilespmem:s23+$0x240];
	_ =	sdelay $0x2  }
0x14f: {  	v14 =	vmov s21  }
0x150: {  	vm0 =	veq.s32 v14, v0  }
0x151: {  	v14 =	vsel vm0, $0xFF800000, v61;
	vm0 =	veq.f32 v10, v9  }
0x152: {  	(xrf0) =	vmax.scan.msk.f32 $0xffff, v14;
	v9 =	vnsel vm0, $0x80000040, v6  }
0x153: {  	(xrf0) =	vmin.scan.msk.u32 $0xffff, v9;
	_ =	sdelay $0x2  }
0x154: {  	v9 =	vbroadcast v11, $0xF;
	_ =	sdelay $0x1  }
0x155: {  	v11, _, _ =	vpop (xrf0);
	vm0 =	veq.f32 v48, v9  }
0x156: {  	vm1 =	veq.f32 v47, v9;
	v14 =	vnsel vm0, $0x80000040, v4;
	v62, _, _ =	vpop (xrf0)  }
0x157: {  	vm0 =	veq.f32 v46, v9;
	v14 =	vsel vm1, v5, v14;
	(v2sf) =	vpush v62, $0xF  }
0x158: {  	v14 =	vsel vm0, v6, v14  }
0x159: {  	(xrf0) =	vmin.scan.msk.u32 $0xffff, v14;
	_ =	sdelay $0x5  }
0x15a: {  	v14, _, _ =	vpop (xrf0)  }
0x15b: {  	(v2sf) =	vpush v14, $0xF;
	_ =	sdelay $0x5  }
0x15c: {  	s25 =	spop (v2sf)  }
0x15d: {  	s21 =	sxor.u32 $0x80000000, s25  }
0x15e: {  	s23 =	sadd.s32 s23, s21;
	v14 =	vmov s21  }
0x15f: {  	v63 =	vmov s23;
	vm0 =	veq.s32 v14, v0  }
0x160: {  	v14 =	vadd.s32 $0x240, v63;
	v10 =	vsel vm0, $0xFF800000, v10  }
0x161: {  	v17 =	vadd.s32 $0x40, v63;
	(xrf0) =	vmax.scan.msk.f32 $0xffff, v10;
	_ =	sdelay $0x1  }
0x162: {  	s20 =	sxor.u32 $0x80000000, s31  }
0x163: {  	v10 =	vmov s20  }
0x164: {  	v11 =	vbroadcast v11, $0xF;
	s28 =	spop (v2sf);
	vm0 =	veq.s32 v10, v0;
	[tilespmem:v14+s19+$0x0] =	vst.idx.msk $0x1, v49  }
0x165: {  	vm1 =	veq.s32 v10, v2;
	vm2 =	veq.s32 v10, v3;
	s29 =	sshll.u32 s28, $0x4;
	[tilespmem:v17+s11+$0x0] =	vst.idx.add.f32.msk $0x1, v7  }
0x166: {  	s26 =	sxor.u32 $0x80000000, s22;
	v52 =	vsel vm0, v11, v19;
	v54 =	vsel vm1, v11, v20;
	v55 =	vsel vm2, v11, v43;
	v17 =	vld [tilespmem:s29+$0x480];
	v10, _, _ =	vpop (xrf0)  }
0x167: {  	v11 =	vmax.f32 v52, v54;
	v14 =	vmov s26;
	v10 =	vbroadcast v10, $0xF  }
0x168: {  	v11 =	vmax.f32 v11, v55;
	vm0 =	veq.s32 v14, v0;
	vm1 =	veq.s32 v14, v2  }
0x169: {  	vm2 =	veq.s32 v14, v3;
	v50 =	vsel vm0, v10, v13;
	v51 =	vsel vm1, v10, v15  }
0x16a: {  	(xrf0) =	vmax.scan.msk.f32 $0xffff, v11;
	v53 =	vsel vm2, v10, v12;
	v10 =	vmax.f32 v50, v51  }
0x16b: {  	v10 =	vmax.f32 v10, v53;
	vm0 =	veq.f32 v17, v9  }
0x16c: {  	(xrf0) =	vmax.scan.msk.f32 $0xffff, v10;
	v9 =	vnsel vm0, $0x80000040, v6  }
0x16d: {  	(xrf0) =	vmin.scan.msk.u32 $0xffff, v9;
	_ =	sdelay $0x2  }
0x16e: {  	v9, _, _ =	vpop (xrf0)  }
0x16f: {  	v10 =	vbroadcast v9, $0xF  }
0x170: {  	v9, _, _ =	vpop (xrf0)  }
0x171: {  	vm0 =	veq.f32 v55, v10;
	v11, _, _ =	vpop (xrf0)  }
0x172: {  	vm1 =	veq.f32 v54, v10;
	(v2sf) =	vpush v11, $0xF;
	v11 =	vnsel vm0, $0x80000040, v4  }
0x173: {  	vm0 =	veq.f32 v52, v10;
	v11 =	vsel vm1, v5, v11  }
0x174: {  	v11 =	vsel vm0, v6, v11  }
0x175: {  	(xrf0) =	vmin.scan.msk.u32 $0xffff, v11;
	_ =	sdelay $0x5  }
0x176: {  	v11, _, _ =	vpop (xrf0)  }
0x177: {  	(v2sf) =	vpush v11, $0xF;
	_ =	sdelay $0x4  }
0x178: {  	s30 =	spop (v2sf)  }
0x179: {  	s22 =	sxor.u32 $0x80000000, s30  }
0x17a: {  	v11 =	vmov s22  }
0x17b: {  	s21 =	sadd.s32 s29, s22;
	vm0 =	veq.s32 v11, v0  }
0x17c: {  	v12 =	vmov s21;
	v11 =	vsel vm0, $0xFF800000, v17  }
0x17d: {  	(xrf0) =	vmax.scan.msk.f32 $0xffff, v11;
	v11 =	vadd.s32 $0x480, v12  }
0x17e: {  	v12 =	vadd.s32 $0x40, v12;
	_ =	sdelay $0x3  }
0x17f: {  	s31 =	spop (v2sf);
	[tilespmem:v11+s19+$0x0] =	vst.idx.msk $0x1, v49  }
0x180: {  	v11, _, _ =	vpop (xrf0);
	s21 =	sshll.u32 s31, $0x4;
	[tilespmem:v12+s11+$0x0] =	vst.idx.add.f32.msk $0x1, v7  }
0x181: {  	s20 =	sxor.u32 $0x80000000, s28;
	v12 =	vbroadcast v11, $0xF;
	v11 =	vld [tilespmem:s21+$0x0]  }
0x182: {  	v13 =	vmov s20  }
0x183: {  	s20 =	simm.s32 $0x16;
	vm2 =	veq.s32 v13, v3;
	vm1 =	veq.s32 v13, v2;
	vm0 =	veq.s32 v13, v0;
	s22 =	sxor.u32 $0x80000000, s31  }
.LBB2_4:
0x184: {  	p1 =	sne.s32 s20, $0x1;
	s20 =	sadd.s32 $0xFFFFFFFF, s20;
	v46 =	vsel vm0, v12, v46;
	v47 =	vsel vm1, v12, v47;
	v48 =	vsel vm2, v12, v48  }
0x185: {  	v12 =	vmax.f32 v46, v47  }
0x186: {  	vm0 =	veq.f32 v11, v10;
	v10 =	vmax.f32 v12, v48  }
0x187: {  	v12 =	vnsel vm0, $0x80000040, v6;
	(xrf0) =	vmax.scan.msk.f32 $0xffff, v10  }
0x188: {  	(xrf0) =	vmin.scan.msk.u32 $0xffff, v12;
	_ =	sdelay $0x1  }
0x189: {  	v9 =	vbroadcast v9, $0xF;
	_ =	sdelay $0x1  }
0x18a: {  	vm0 =	veq.f32 v53, v9  }
0x18b: {  	vm1 =	veq.f32 v51, v9;
	v10 =	vnsel vm0, $0x80000040, v4;
	v12, _, _ =	vpop (xrf0)  }
0x18c: {  	vm0 =	veq.f32 v50, v9;
	v10 =	vsel vm1, v5, v10;
	v13, _, _ =	vpop (xrf0)  }
0x18d: {  	v10 =	vsel vm0, v6, v10;
	(v2sf) =	vpush v13, $0xF  }
0x18e: {  	(xrf0) =	vmin.scan.msk.u32 $0xffff, v10;
	_ =	sdelay $0x5  }
0x18f: {  	v10, _, _ =	vpop (xrf0)  }
0x190: {  	(v2sf) =	vpush v10, $0xF;
	_ =	sdelay $0x6  }
0x191: {  	s23 =	spop (v2sf)  }
0x192: {  	s23 =	sxor.u32 $0x80000000, s23  }
0x193: {  	s21 =	sadd.s32 s21, s23;
	v10 =	vmov s23  }
0x194: {  	v13 =	vmov s21;
	vm0 =	veq.s32 v10, v0  }
0x195: {  	v10 =	vadd.s32 $0x40, v13;
	v11 =	vsel vm0, $0xFF800000, v11  }
0x196: {  	(xrf0) =	vmax.scan.msk.f32 $0xffff, v11;
	_ =	sdelay $0x2  }
0x197: {  	[tilespmem:v13+s19+$0x0] =	vst.idx.msk $0x1, v49;
	s21 =	spop (v2sf)  }
0x198: {  	[tilespmem:v10+s11+$0x0] =	vst.idx.add.f32.msk $0x1, v7;
	s23 =	sxor.u32 $0x80000000, s21;
	s21 =	sshll.u32 s21, $0x4  }
0x199: {  	v10 =	vld [tilespmem:s21+$0x240];
	v11 =	vmov s23  }
0x19a: {  	v13, _, _ =	vpop (xrf0)  }
0x19b: {  	v14 =	vmov s22;
	v13 =	vbroadcast v13, $0xF  }
0x19c: {  	vm2 =	veq.s32 v14, v3;
	vm1 =	veq.s32 v14, v2;
	vm0 =	veq.s32 v14, v0  }
0x19d: {  	v52 =	vsel vm0, v13, v52;
	v54 =	vsel vm1, v13, v54;
	v55 =	vsel vm2, v13, v55  }
0x19e: {  	vm0 =	veq.f32 v10, v9  }
0x19f: {  	v9 =	vnsel vm0, $0x80000040, v6  }
0x1a0: {  	(xrf0) =	vmin.scan.msk.u32 $0xffff, v9;
	_ =	sdelay $0x2  }
0x1a1: {  	v9 =	vbroadcast v12, $0xF;
	_ =	sdelay $0x1  }
0x1a2: {  	vm0 =	veq.f32 v48, v9  }
0x1a3: {  	vm1 =	veq.f32 v47, v9;
	v12 =	vnsel vm0, $0x80000040, v4;
	v13, _, _ =	vpop (xrf0)  }
0x1a4: {  	vm0 =	veq.f32 v46, v9;
	v12 =	vsel vm1, v5, v12;
	(v2sf) =	vpush v13, $0xF  }
0x1a5: {  	v12 =	vsel vm0, v6, v12  }
0x1a6: {  	(xrf0) =	vmin.scan.msk.u32 $0xffff, v12;
	_ =	sdelay $0x5  }
0x1a7: {  	v12, _, _ =	vpop (xrf0)  }
0x1a8: {  	(v2sf) =	vpush v12, $0xF;
	_ =	sdelay $0x5  }
0x1a9: {  	s22 =	spop (v2sf)  }
0x1aa: {  	s22 =	sxor.u32 $0x80000000, s22  }
0x1ab: {  	s21 =	sadd.s32 s21, s22;
	v12 =	vmov s22  }
0x1ac: {  	v13 =	vmov s21;
	vm0 =	veq.s32 v12, v0  }
0x1ad: {  	v12 =	vadd.s32 $0x240, v13;
	v10 =	vsel vm0, $0xFF800000, v10  }
0x1ae: {  	v13 =	vadd.s32 $0x40, v13;
	(xrf0) =	vmax.scan.msk.f32 $0xffff, v10;
	_ =	sdelay $0x3  }
0x1af: {  	[tilespmem:v12+s19+$0x0] =	vst.idx.msk $0x1, v49;
	s21 =	spop (v2sf)  }
0x1b0: {  	[tilespmem:v13+s11+$0x0] =	vst.idx.add.f32.msk $0x1, v7;
	s22 =	sxor.u32 $0x80000000, s21;
	s21 =	sshll.u32 s21, $0x4  }
0x1b1: {  	v12 =	vld [tilespmem:s21+$0x480];
	v13 =	vmov s22;
	v10, _, _ =	vpop (xrf0)  }
0x1b2: {  	v14 =	vmax.f32 v52, v54;
	vm0 =	veq.s32 v11, v3;
	v10 =	vbroadcast v10, $0xF  }
0x1b3: {  	vm2 =	veq.s32 v11, v2;
	v14 =	vmax.f32 v14, v55;
	vm1 =	veq.s32 v11, v0  }
0x1b4: {  	(xrf0) =	vmax.scan.msk.f32 $0xffff, v14;
	v50 =	vsel vm1, v10, v50;
	v51 =	vsel vm2, v10, v51;
	v53 =	vsel vm0, v10, v53  }
0x1b5: {  	v10 =	vmax.f32 v50, v51  }
0x1b6: {  	v10 =	vmax.f32 v10, v53;
	vm0 =	veq.f32 v12, v9  }
0x1b7: {  	(xrf0) =	vmax.scan.msk.f32 $0xffff, v10;
	v9 =	vnsel vm0, $0x80000040, v6  }
0x1b8: {  	(xrf0) =	vmin.scan.msk.u32 $0xffff, v9;
	_ =	sdelay $0x1  }
0x1b9: {  	v9, _, _ =	vpop (xrf0)  }
0x1ba: {  	v10 =	vbroadcast v9, $0xF;
	_ =	sdelay $0x1  }
0x1bb: {  	vm0 =	veq.f32 v55, v10;
	v9, _, _ =	vpop (xrf0)  }
0x1bc: {  	vm1 =	veq.f32 v54, v10;
	v11 =	vnsel vm0, $0x80000040, v4;
	v14, _, _ =	vpop (xrf0)  }
0x1bd: {  	vm0 =	veq.f32 v52, v10;
	v11 =	vsel vm1, v5, v11;
	(v2sf) =	vpush v14, $0xF  }
0x1be: {  	v11 =	vsel vm0, v6, v11  }
0x1bf: {  	(xrf0) =	vmin.scan.msk.u32 $0xffff, v11;
	_ =	sdelay $0x5  }
0x1c0: {  	v11, _, _ =	vpop (xrf0)  }
0x1c1: {  	(v2sf) =	vpush v11, $0xF;
	_ =	sdelay $0x5  }
0x1c2: {  	s22 =	spop (v2sf)  }
0x1c3: {  	s22 =	sxor.u32 $0x80000000, s22  }
0x1c4: {  	s21 =	sadd.s32 s21, s22;
	v11 =	vmov s22  }
0x1c5: {  	v14 =	vmov s21;
	vm0 =	veq.s32 v11, v0  }
0x1c6: {  	v11 =	vadd.s32 $0x480, v14;
	v12 =	vsel vm0, $0xFF800000, v12  }
0x1c7: {  	v14 =	vadd.s32 $0x40, v14;
	(xrf0) =	vmax.scan.msk.f32 $0xffff, v12;
	_ =	sdelay $0x3  }
.Ltmp3:
0x1c8: {  	s21 =	spop (v2sf);
	[tilespmem:v11+s19+$0x0] =	vst.idx.msk $0x1, v49;
	(pc) =	sbr.rel @p1 .LBB2_4-.Ltmp3, $4  }
0x1c9: {  	s22 =	sxor.u32 $0x80000000, s21;
	s21 =	sshll.u32 s21, $0x4;
	[tilespmem:v14+s11+$0x0] =	vst.idx.add.f32.msk $0x1, v7  }
0x1ca: {  	v11 =	vld [tilespmem:s21+$0x0];
	v12, _, _ =	vpop (xrf0)  }
0x1cb: {  	v12 =	vbroadcast v12, $0xF  }
0x1cc: {  	vm2 =	veq.s32 v13, v3;
	vm1 =	veq.s32 v13, v2;
	vm0 =	veq.s32 v13, v0  }
0x1cd: {  	v13 =	vsel vm0, v12, v46;
	v14 =	vsel vm1, v12, v47  }
0x1ce: {  	v55 =	vsel vm2, v12, v48;
	v15 =	vmax.f32 v13, v14  }
0x1cf: {  	vm4 =	veq.f32 v11, v10;
	v10 =	vmax.f32 v15, v55  }
0x1d0: {  	v56 =	vnsel vm4, $0x80000040, v6;
	(xrf0) =	vmax.scan.msk.f32 $0xffff, v10  }
0x1d1: {  	(xrf0) =	vmin.scan.msk.u32 $0xffff, v56;
	_ =	sdelay $0x1  }
0x1d2: {  	v9 =	vbroadcast v9, $0xF;
	_ =	sdelay $0x1  }
0x1d3: {  	vm5 =	veq.f32 v53, v9  }
0x1d4: {  	vm6 =	veq.f32 v51, v9;
	v10 =	vnsel vm5, $0x80000040, v4;
	v57, _, _ =	vpop (xrf0)  }
0x1d5: {  	vm7 =	veq.f32 v50, v9;
	v10 =	vsel vm6, v5, v10;
	v16, _, _ =	vpop (xrf0)  }
0x1d6: {  	v10 =	vsel vm7, v6, v10;
	(v2sf) =	vpush v16, $0xF  }
0x1d7: {  	(xrf0) =	vmin.scan.msk.u32 $0xffff, v10;
	_ =	sdelay $0x5  }
0x1d8: {  	v10, _, _ =	vpop (xrf0)  }
0x1d9: {  	(v2sf) =	vpush v10, $0xF;
	_ =	sdelay $0x6  }
0x1da: {  	s19 =	spop (v2sf)  }
0x1db: {  	s20 =	sxor.u32 $0x80000000, s19  }
0x1dc: {  	s19 =	sadd.s32 s21, s20  }
0x1dd: {  	v10 =	vmov s19  }
0x1de: {  	v58 =	vadd.s32 $0x40, v10;
	_ =	sdelay $0x2  }
0x1df: {  	v46 =	vimm.f32 $-Inf;
	s19 =	simm.s32 $0x0  }
0x1e0: {  	s25 =	spop (v2sf);
	[tilespmem:v10+s19+$0x0] =	vst.idx.msk $0x1, v46  }
0x1e1: {  	s21 =	sshll.u32 s25, $0x4;
	[tilespmem:v58+s11+$0x0] =	vst.idx.add.f32.msk $0x1, v7  }
0x1e2: {  	v10 =	vld [tilespmem:s21+$0x240];
	_ =	sdelay $0x2  }
0x1e3: {  	v59 =	vmov s20  }
0x1e4: {  	vm4 =	veq.s32 v59, v0  }
0x1e5: {  	v11 =	vsel vm4, $0xFF800000, v11;
	vm5 =	veq.f32 v10, v9  }
0x1e6: {  	(xrf0) =	vmax.scan.msk.f32 $0xffff, v11;
	v9 =	vnsel vm5, $0x80000040, v6  }
0x1e7: {  	(xrf0) =	vmin.scan.msk.u32 $0xffff, v9;
	_ =	sdelay $0x2  }
0x1e8: {  	v9 =	vbroadcast v57, $0xF;
	_ =	sdelay $0x1  }
0x1e9: {  	v11, _, _ =	vpop (xrf0);
	vm6 =	veq.f32 v55, v9  }
0x1ea: {  	vm7 =	veq.f32 v14, v9;
	v11 =	vnsel vm6, $0x80000040, v4;
	v60, _, _ =	vpop (xrf0)  }
0x1eb: {  	vm4 =	veq.f32 v13, v9;
	v11 =	vsel vm7, v5, v11;
	(v2sf) =	vpush v60, $0xF  }
0x1ec: {  	v11 =	vsel vm4, v6, v11  }
0x1ed: {  	(xrf0) =	vmin.scan.msk.u32 $0xffff, v11;
	_ =	sdelay $0x5  }
0x1ee: {  	v11, _, _ =	vpop (xrf0)  }
0x1ef: {  	(v2sf) =	vpush v11, $0xF;
	_ =	sdelay $0x5  }
0x1f0: {  	s26 =	spop (v2sf)  }
0x1f1: {  	s20 =	sxor.u32 $0x80000000, s26  }
0x1f2: {  	s21 =	sadd.s32 s21, s20  }
0x1f3: {  	v11 =	vmov s21  }
0x1f4: {  	v61 =	vadd.s32 $0x240, v11  }
0x1f5: {  	v11 =	vadd.s32 $0x40, v11;
	_ =	sdelay $0x3  }
0x1f6: {  	s28 =	spop (v2sf);
	[tilespmem:v61+s19+$0x0] =	vst.idx.msk $0x1, v46  }
0x1f7: {  	s21 =	sshll.u32 s28, $0x4;
	[tilespmem:v11+s11+$0x0] =	vst.idx.add.f32.msk $0x1, v7  }
0x1f8: {  	v11 =	vld [tilespmem:s21+$0x480];
	_ =	sdelay $0x2  }
0x1f9: {  	v62 =	vmov s20  }
0x1fa: {  	vm5 =	veq.s32 v62, v0  }
0x1fb: {  	v10 =	vsel vm5, $0xFF800000, v10;
	vm6 =	veq.f32 v11, v9  }
0x1fc: {  	(xrf0) =	vmax.scan.msk.f32 $0xffff, v10;
	v9 =	vnsel vm6, $0x80000040, v6  }
0x1fd: {  	(xrf0) =	vmin.scan.msk.u32 $0xffff, v9;
	_ =	sdelay $0x4  }
0x1fe: {  	v9, _, _ =	vpop (xrf0)  }
0x1ff: {  	v9, _, _ =	vpop (xrf0)  }
0x200: {  	(v2sf) =	vpush v9, $0xF;
	_ =	sdelay $0xe  }
0x201: {  	s29 =	spop (v2sf)  }
0x202: {  	s20 =	sxor.u32 $0x80000000, s29  }
0x203: {  	s21 =	sadd.s32 s21, s20  }
0x204: {  	v9 =	vmov s21  }
0x205: {  	v10 =	vadd.s32 $0x480, v9  }
0x206: {  	v9 =	vadd.s32 $0x40, v9  }
0x207: {  	v63 =	vmov s20  }
0x208: {  	vm7 =	veq.s32 v63, v0  }
0x209: {  	v11 =	vsel vm7, $0xFF800000, v11  }
0x20a: {  	(xrf0) =	vmax.scan.msk.f32 $0xffff, v11;
	[tilespmem:v10+s19+$0x0] =	vst.idx.msk $0x1, v46  }
0x20b: {  	s30 =	simm.s32 $0xB40;
	[tilespmem:v9+s11+$0x0] =	vst.idx.add.f32.msk $0x1, v7  }
0x20c: {  	p3 =	por $0x1, $0x1;
	v11 =	vld [tilespmem:s30+$0xFFFFFB80]  }
.Ltmp4:
0x20d: {  	_ = 	snop;
	(pc) =	sbr.rel @!p3 .LBB2_6-.Ltmp4, $3  }
0x20e: {  	_ =	sdelay $0x1  }
0x20f: {  	p1 =	por $0x0, $0x0;
	s31 =	sand.u32 $0x3F0, s19;
	v10 =	vld [tilespmem:s30+$0x0];
	v9, _, _ =	vpop (xrf0)  }
0x210: {  	p2 =	por $0x0, $0x0;
	s20 =	simm.s32 $0x1;
	s21 =	simm.s32 $0xB50;
	v9 =	vld [tilespmem:s31+$0x900];
	(xrf0) =	vmax.scan.msk.f32 $0xffff, v11  }
0x211: {  	v11 =	vld [tilespmem:s21+$0xFFFFFB80];
	p3 =	por $0x1, $0x1  }
.Ltmp5:
0x212: {  	_ = 	snop;
	(pc) =	sbr.rel @!p3 .LBB2_8-.Ltmp5, $4  }
0x213: {  	_ = 	snop  }
0x214: {  	s22 =	simm.s32 $0x10;
	(xrf0) =	vmax.scan.msk.f32 $0xffff, v10  }
0x215: {  	s22 =	sand.u32 $0x3F0, s22;
	v10 =	vld [tilespmem:s21+$0x0];
	(xrf0) =	vmax.scan.msk.f32 $0xffff, v9  }
0x216: {  	p1 =	por $0x1, $0x1;
	s21 =	simm.s32 $0x2;
	v9 =	vld [tilespmem:s22+$0x900];
	s22 =	simm.s32 $0xB60;
	(xrf0) =	vmax.scan.msk.f32 $0xffff, v11;
	v21, _, _ =	vpop (xrf0)  }
0x217: {  	_ =	sdelay $0x1  }
0x218: {  	v12 =	vld [tilespmem:s22+$0xFFFFFB80]  }
0x219: {  	v13 =	vbroadcast v21, $0xF;
	v15 =	vmov s19;
	s19 =	simm.s32 $0x20;
	p3 =	por $0x1, $0x1;
	v11, _, _ =	vpop (xrf0);
	(xrf0) =	vmax.scan.msk.f32 $0xffff, v10  }
.Ltmp6:
0x21a: {  	vm1 =	veq.s32 v15, v0;
	vm2 =	veq.s32 v15, v2;
	s23 =	sand.u32 $0x3F0, s19;
	v10 =	vld [tilespmem:s22+$0x0];
	v14, _, _ =	vpop (xrf0);
	(xrf0) =	vmax.scan.msk.f32 $0xffff, v9;
	(pc) =	sbr.rel @!p3 .LBB2_10-.Ltmp6, $4  }
0x21b: {  	vm0 =	veq.s32 v15, v3;
	v16 =	vsel vm1, v13, v46;
	v9 =	vld [tilespmem:s23+$0x900];
	v14 =	vbroadcast v14, $0xF  }
0x21c: {  	v19 =	vsel vm2, v13, v46;
	v20 =	vsel vm0, v13, v46;
	v13 =	vimm.f32 $-Inf  }
0x21d: {  	v11 =	vbroadcast v11, $0xF;
	(xrf0) =	vmax.scan.msk.f32 $0xffff, v12;
	v12 =	vimm.f32 $-Inf;
	v15 =	vsel vm1, v14, v46  }
0x21e: {  	p2 =	por $0x1, $0x1;
	s22 =	simm.s32 $0x3;
	s23 =	simm.s32 $0xB70;
	v21, _, _ =	vpop (xrf0);
	v17 =	vsel vm2, v14, v46;
	v18 =	vsel vm0, v14, v46;
	v14 =	vimm.f32 $-Inf  }
.LBB2_11:
0x21f: {  	v22 =	vld [tilespmem:s23+$0xFFFFFB80];
	s19 =	sadd.s32 $0x10, s19;
	(xrf0) =	vmax.scan.msk.f32 $0xffff, v10;
	v23, _, _ =	vpop (xrf0);
	v13 =	vsel vm1, v11, v13;
	v14 =	vsel vm2, v11, v14;
	v12 =	vsel vm0, v11, v12;
	s24 =	smov.u32 s22;
	p3 =	sne.s32 s22, $0x23  }
.Ltmp7:
0x220: {  	s22 =	sadd.s32 $0x1, s22;
	v47 =	vbroadcast v21, $0xF;
	s25 =	sand.u32 $0x3F0, s19;
	v10 =	vld [tilespmem:s23+$0x0];
	(xrf0) =	vmax.scan.msk.f32 $0xffff, v9;
	v11, _, _ =	vpop (xrf0);
	(pc) =	sbr.rel @p3 .LBB2_11-.Ltmp7, $4  }
0x221: {  	v21 =	vmov s20;
	s20 =	smov.u32 s21;
	s21 =	smov.u32 s24;
	v9 =	vld [tilespmem:s25+$0x900];
	v48 =	vbroadcast v11, $0xF;
	v11 =	vbroadcast v23, $0xF  }
0x222: {  	vm1 =	veq.s32 v21, v0;
	vm2 =	veq.s32 v21, v2;
	vm0 =	veq.s32 v21, v3  }
0x223: {  	v15 =	vsel vm1, v48, v15;
	v17 =	vsel vm2, v48, v17;
	v18 =	vsel vm0, v48, v18  }
0x224: {  	s23 =	sadd.s32 $0x10, s23;
	v16 =	vsel vm1, v47, v16;
	v19 =	vsel vm2, v47, v19;
	v20 =	vsel vm0, v47, v20;
	(xrf0) =	vmax.scan.msk.f32 $0xffff, v22;
	v21, _, _ =	vpop (xrf0)  }
0x225: {  	s19 =	smov.u32 s21  }
.LBB2_13:
0x226: {  	_ =	sdelay $0x1  }
0x227: {  	v21 =	vbroadcast @p1 v21, $0xF;
	v22 =	vmov @p1 s20;
	v23, _, _ =	vpop @p1 (xrf0);
	v40 =	vmov s19  }
0x228: {  	vm7 =	veq.s32 @p1 v22, v0;
	v47, _, _ =	vpop @p1 (xrf0);
	vm6 =	veq.s32 @p1 v22, v2;
	vm5 =	veq.s32 @p1 v22, v3  }
0x229: {  	vm15 =	veq.s32 v40, v0;
	vm3 =	veq.s32 v40, v2;
	vm4 =	veq.s32 v40, v3;
	v39, _, _ =	vpop (xrf0)  }
0x22a: {  	v16 =	vsel @p1 vm7, v21, v16;
	v19 =	vsel @p1 vm6, v21, v19;
	v22 =	vbroadcast v39, $0xF  }
0x22b: {  	v20 =	vsel @p1 vm5, v21, v20;
	v16 =	vpsel p1, v16, v46;
	v41 =	vpsel p1, v19, v46  }
0x22c: {  	v20 =	vpsel p1, v20, v46;
	v42 =	vsel vm15, v22, v16;
	v43 =	vsel vm3, v22, v41  }
0x22d: {  	(xrf0) =	vmax.scan.msk.f32 $0xffff, v10;
	v10 =	vsel vm4, v22, v20;
	v51 =	vmax.f32 v42, v43  }
0x22e: {  	(xrf0) =	vmax.scan.msk.f32 $0xffff, v9;
	v9 =	vmax.f32 v51, v10  }
0x22f: {  	(xrf0) =	vmax.scan.msk.f32 $0xffff, v9;
	_ =	sdelay $0x3  }
0x230: {  	v9 =	vbroadcast @p1 v47, $0xF;
	v52, _, _ =	vpop (xrf0)  }
0x231: {  	v53, _, _ =	vpop (xrf0)  }
0x232: {  	v15 =	vsel @p1 vm7, v9, v15;
	v17 =	vsel @p1 vm6, v9, v17;
	v21 =	vbroadcast v53, $0xF;
	v54, _, _ =	vpop (xrf0)  }
0x233: {  	v9 =	vsel @p1 vm5, v9, v18;
	v15 =	vpsel p1, v15, v46;
	v55 =	vbroadcast v54, $0xF  }
0x234: {  	v17 =	vpsel p1, v17, v46;
	v9 =	vpsel p1, v9, v46;
	v15 =	vsel vm15, v21, v15  }
0x235: {  	v17 =	vsel vm3, v21, v17;
	v9 =	vsel vm4, v21, v9;
	vm8 =	veq.f32 v10, v55  }
0x236: {  	v56 =	vmax.f32 v15, v17;
	v57 =	vnsel vm8, $0x80000040, v4;
	vm8 =	veq.f32 v43, v55  }
0x237: {  	v21 =	vmax.f32 v56, v9;
	v22 =	vsel vm8, v5, v57;
	vm8 =	veq.f32 v42, v55  }
0x238: {  	(xrf0) =	vmax.scan.msk.f32 $0xffff, v21;
	v22 =	vsel vm8, v6, v22  }
0x239: {  	(xrf0) =	vmin.scan.msk.u32 $0xffff, v22;
	_ =	sdelay $0x4  }
0x23a: {  	v21, _, _ =	vpop (xrf0)  }
0x23b: {  	v22, _, _ =	vpop (xrf0)  }
0x23c: {  	(v2sf) =	vpush v22, $0xF;
	_ =	sdelay $0xd  }
0x23d: {  	v13 =	vsel @p2 vm1, v11, v13;
	v14 =	vsel @p2 vm2, v11, v14;
	v22 =	vbroadcast @p1 v23, $0xF  }
0x23e: {  	v13 =	vpsel p2, v13, v46;
	v14 =	vpsel p2, v14, v46;
	s23 =	spop (v2sf)  }
0x23f: {  	vm1 =	vmmov @p1 vm7;
	vm2 =	vmmov @p1 vm6;
	v22 =	vpsel p1, v22, v0;
	s24 =	sshll.u32 s23, $0x4  }
0x240: {  	v11 =	vsel @p2 vm0, v11, v12;
	v12 =	vsel @p1 vm1, v22, v13;
	v13 =	vsel @p1 vm2, v22, v14;
	v14 =	vld [tilespmem:s24+$0x6C0]  }
0x241: {  	v11 =	vpsel p2, v11, v46;
	vm0 =	vmmov @p1 vm5;
	v20 =	vbroadcast v52, $0xF  }
0x242: {  	v11 =	vsel @p1 vm0, v22, v11;
	v12 =	vpsel p1, v12, v46;
	v13 =	vpsel p1, v13, v46  }
0x243: {  	v11 =	vpsel p1, v11, v46;
	v46 =	vsel vm15, v20, v12;
	v47 =	vsel vm3, v20, v13  }
0x244: {  	v48 =	vsel vm4, v20, v11;
	v11 =	vmax.f32 v46, v47  }
0x245: {  	v11 =	vmax.f32 v11, v48;
	vm0 =	veq.f32 v14, v55  }
0x246: {  	(xrf0) =	vmax.scan.msk.f32 $0xffff, v11;
	v12 =	vnsel vm0, $0x80000040, v6  }
0x247: {  	(xrf0) =	vmin.scan.msk.u32 $0xffff, v12;
	_ =	sdelay $0x2  }
0x248: {  	v11 =	vbroadcast v21, $0xF;
	_ =	sdelay $0x1  }
0x249: {  	vm0 =	veq.f32 v9, v11;
	v12, _, _ =	vpop (xrf0)  }
0x24a: {  	vm1 =	veq.f32 v17, v11;
	v13 =	vnsel vm0, $0x80000040, v4;
	v58, _, _ =	vpop (xrf0)  }
0x24b: {  	vm0 =	veq.f32 v15, v11;
	v13 =	vsel vm1, v5, v13;
	(v2sf) =	vpush v58, $0xF  }
0x24c: {  	v13 =	vsel vm0, v6, v13  }
0x24d: {  	(xrf0) =	vmin.scan.msk.u32 $0xffff, v13;
	_ =	sdelay $0x5  }
0x24e: {  	v13, _, _ =	vpop (xrf0)  }
0x24f: {  	(v2sf) =	vpush v13, $0xF;
	_ =	sdelay $0x5  }
0x250: {  	s21 =	spop (v2sf)  }
0x251: {  	s21 =	sxor.u32 $0x80000000, s21  }
0x252: {  	s20 =	sadd.s32 s24, s21  }
0x253: {  	v13 =	vmov s20  }
0x254: {  	v59 =	vadd.s32 $0x6C0, v13  }
0x255: {  	v13 =	vadd.s32 $0x40, v13;
	_ =	sdelay $0x3  }
0x256: {  	s25 =	spop (v2sf);
	[tilespmem:v59+s2+$0x0] =	vst.idx.msk $0x1, v8  }
0x257: {  	s22 =	sshll.u32 s25, $0x4;
	[tilespmem:v13+s11+$0x0] =	vst.idx.add.f32.msk $0x1, v7  }
0x258: {  	v13 =	vld [tilespmem:s22+$0x900];
	_ =	sdelay $0x2  }
0x259: {  	v60 =	vmov s21  }
0x25a: {  	vm0 =	veq.s32 v60, v0  }
0x25b: {  	v14 =	vsel vm0, $0xFF800000, v14;
	vm0 =	veq.f32 v13, v11  }
0x25c: {  	(xrf0) =	vmax.scan.msk.f32 $0xffff, v14;
	v11 =	vnsel vm0, $0x80000040, v6  }
0x25d: {  	(xrf0) =	vmin.scan.msk.u32 $0xffff, v11;
	_ =	sdelay $0x2  }
0x25e: {  	v11 =	vbroadcast v12, $0xF;
	_ =	sdelay $0x1  }
0x25f: {  	v12, _, _ =	vpop (xrf0);
	vm0 =	veq.f32 v48, v11  }
0x260: {  	vm1 =	veq.f32 v47, v11;
	v14 =	vnsel vm0, $0x80000040, v4;
	v61, _, _ =	vpop (xrf0)  }
0x261: {  	vm0 =	veq.f32 v46, v11;
	v14 =	vsel vm1, v5, v14;
	(v2sf) =	vpush v61, $0xF  }
0x262: {  	v14 =	vsel vm0, v6, v14  }
0x263: {  	(xrf0) =	vmin.scan.msk.u32 $0xffff, v14;
	_ =	sdelay $0x5  }
0x264: {  	v14, _, _ =	vpop (xrf0)  }
0x265: {  	(v2sf) =	vpush v14, $0xF;
	_ =	sdelay $0x5  }
0x266: {  	s26 =	spop (v2sf)  }
0x267: {  	s21 =	sxor.u32 $0x80000000, s26  }
0x268: {  	s22 =	sadd.s32 s22, s21;
	v14 =	vmov s21  }
0x269: {  	v62 =	vmov s22;
	vm0 =	veq.s32 v14, v0  }
0x26a: {  	v14 =	vadd.s32 $0x900, v62;
	v13 =	vsel vm0, $0xFF800000, v13  }
0x26b: {  	v18 =	vadd.s32 $0x40, v62;
	(xrf0) =	vmax.scan.msk.f32 $0xffff, v13;
	_ =	sdelay $0x1  }
0x26c: {  	s19 =	sxor.u32 $0x80000000, s23  }
0x26d: {  	v13 =	vmov s19  }
0x26e: {  	v12 =	vbroadcast v12, $0xF;
	s28 =	spop (v2sf);
	vm0 =	veq.s32 v13, v0;
	[tilespmem:v14+s2+$0x0] =	vst.idx.msk $0x1, v8  }
0x26f: {  	vm1 =	veq.s32 v13, v2;
	vm2 =	veq.s32 v13, v3;
	s29 =	sshll.u32 s28, $0x4;
	[tilespmem:v18+s11+$0x0] =	vst.idx.add.f32.msk $0x1, v7  }
0x270: {  	s20 =	sxor.u32 $0x80000000, s25;
	v51 =	vsel vm0, v12, v42;
	v53 =	vsel vm1, v12, v43;
	v54 =	vsel vm2, v12, v10;
	v13 =	vld [tilespmem:s29+$0xB40];
	v63, _, _ =	vpop (xrf0)  }
0x271: {  	v12 =	vmax.f32 v51, v53;
	v14 =	vmov s20;
	v10 =	vbroadcast v63, $0xF  }
0x272: {  	v12 =	vmax.f32 v12, v54;
	vm0 =	veq.s32 v14, v0;
	vm1 =	veq.s32 v14, v2  }
0x273: {  	vm2 =	veq.s32 v14, v3;
	v49 =	vsel vm0, v10, v15;
	v50 =	vsel vm1, v10, v17  }
0x274: {  	(xrf0) =	vmax.scan.msk.f32 $0xffff, v12;
	v52 =	vsel vm2, v10, v9;
	v9 =	vmax.f32 v49, v50  }
0x275: {  	v9 =	vmax.f32 v9, v52;
	vm0 =	veq.f32 v13, v11  }
0x276: {  	(xrf0) =	vmax.scan.msk.f32 $0xffff, v9;
	v9 =	vnsel vm0, $0x80000040, v6  }
0x277: {  	(xrf0) =	vmin.scan.msk.u32 $0xffff, v9;
	_ =	sdelay $0x2  }
0x278: {  	v9, _, _ =	vpop (xrf0)  }
0x279: {  	v10 =	vbroadcast v9, $0xF  }
0x27a: {  	v9, _, _ =	vpop (xrf0)  }
0x27b: {  	vm0 =	veq.f32 v54, v10;
	v11, _, _ =	vpop (xrf0)  }
0x27c: {  	vm1 =	veq.f32 v53, v10;
	(v2sf) =	vpush v11, $0xF;
	v11 =	vnsel vm0, $0x80000040, v4  }
0x27d: {  	vm0 =	veq.f32 v51, v10;
	v11 =	vsel vm1, v5, v11  }
0x27e: {  	v11 =	vsel vm0, v6, v11  }
0x27f: {  	(xrf0) =	vmin.scan.msk.u32 $0xffff, v11;
	_ =	sdelay $0x5  }
0x280: {  	v11, _, _ =	vpop (xrf0)  }
0x281: {  	(v2sf) =	vpush v11, $0xF;
	_ =	sdelay $0x4  }
0x282: {  	s30 =	spop (v2sf)  }
0x283: {  	s21 =	sxor.u32 $0x80000000, s30  }
0x284: {  	v11 =	vmov s21  }
0x285: {  	s20 =	sadd.s32 s29, s21;
	vm0 =	veq.s32 v11, v0  }
0x286: {  	v12 =	vmov s20;
	v11 =	vsel vm0, $0xFF800000, v13  }
0x287: {  	(xrf0) =	vmax.scan.msk.f32 $0xffff, v11;
	v11 =	vadd.s32 $0xB40, v12  }
0x288: {  	v12 =	vadd.s32 $0x40, v12;
	_ =	sdelay $0x3  }
0x289: {  	s31 =	spop (v2sf);
	[tilespmem:v11+s2+$0x0] =	vst.idx.msk $0x1, v8  }
0x28a: {  	v11, _, _ =	vpop (xrf0);
	s20 =	sshll.u32 s31, $0x4;
	[tilespmem:v12+s11+$0x0] =	vst.idx.add.f32.msk $0x1, v7  }
0x28b: {  	s19 =	sxor.u32 $0x80000000, s28;
	v12 =	vbroadcast v11, $0xF;
	v11 =	vld [tilespmem:s20+$0x6C0]  }
0x28c: {  	v13 =	vmov s19  }
0x28d: {  	s19 =	simm.s32 $0x16;
	vm0 =	veq.s32 v13, v0;
	vm1 =	veq.s32 v13, v2;
	vm2 =	veq.s32 v13, v3;
	s21 =	sxor.u32 $0x80000000, s31  }
.LBB2_14:
0x28e: {  	p1 =	sne.s32 s19, $0x1;
	s19 =	sadd.s32 $0xFFFFFFFF, s19;
	v46 =	vsel vm0, v12, v46;
	v47 =	vsel vm1, v12, v47;
	v48 =	vsel vm2, v12, v48  }
0x28f: {  	v12 =	vmax.f32 v46, v47  }
0x290: {  	vm0 =	veq.f32 v11, v10;
	v10 =	vmax.f32 v12, v48  }
0x291: {  	v12 =	vnsel vm0, $0x80000040, v6;
	(xrf0) =	vmax.scan.msk.f32 $0xffff, v10  }
0x292: {  	(xrf0) =	vmin.scan.msk.u32 $0xffff, v12;
	_ =	sdelay $0x2  }
0x293: {  	v9 =	vbroadcast v9, $0xF;
	_ =	sdelay $0x1  }
0x294: {  	vm0 =	veq.f32 v52, v9;
	v10, _, _ =	vpop (xrf0)  }
0x295: {  	vm1 =	veq.f32 v50, v9;
	v12 =	vnsel vm0, $0x80000040, v4;
	v13, _, _ =	vpop (xrf0)  }
0x296: {  	vm0 =	veq.f32 v49, v9;
	v12 =	vsel vm1, v5, v12;
	(v2sf) =	vpush v13, $0xF  }
0x297: {  	v12 =	vsel vm0, v6, v12  }
0x298: {  	(xrf0) =	vmin.scan.msk.u32 $0xffff, v12;
	_ =	sdelay $0x5  }
0x299: {  	v12, _, _ =	vpop (xrf0)  }
0x29a: {  	(v2sf) =	vpush v12, $0xF;
	_ =	sdelay $0x5  }
0x29b: {  	s22 =	spop (v2sf)  }
0x29c: {  	s22 =	sxor.u32 $0x80000000, s22  }
0x29d: {  	s20 =	sadd.s32 s20, s22;
	v12 =	vmov s22  }
0x29e: {  	v13 =	vmov s20;
	vm0 =	veq.s32 v12, v0  }
0x29f: {  	v12 =	vadd.s32 $0x6C0, v13;
	v11 =	vsel vm0, $0xFF800000, v11  }
0x2a0: {  	v13 =	vadd.s32 $0x40, v13;
	(xrf0) =	vmax.scan.msk.f32 $0xffff, v11;
	_ =	sdelay $0x3  }
0x2a1: {  	[tilespmem:v12+s2+$0x0] =	vst.idx.msk $0x1, v8;
	s20 =	spop (v2sf)  }
0x2a2: {  	[tilespmem:v13+s11+$0x0] =	vst.idx.add.f32.msk $0x1, v7;
	s22 =	sxor.u32 $0x80000000, s20;
	s20 =	sshll.u32 s20, $0x4  }
0x2a3: {  	v11 =	vld [tilespmem:s20+$0x900];
	v12 =	vmov s22;
	v13, _, _ =	vpop (xrf0)  }
0x2a4: {  	v14 =	vmov s21;
	v13 =	vbroadcast v13, $0xF  }
0x2a5: {  	vm2 =	veq.s32 v14, v3;
	vm1 =	veq.s32 v14, v2;
	vm0 =	veq.s32 v14, v0  }
0x2a6: {  	v51 =	vsel vm0, v13, v51;
	v53 =	vsel vm1, v13, v53;
	v54 =	vsel vm2, v13, v54;
	_ =	sdelay $0x1  }
0x2a7: {  	vm0 =	veq.f32 v11, v9  }
0x2a8: {  	v9 =	vnsel vm0, $0x80000040, v6  }
0x2a9: {  	(xrf0) =	vmin.scan.msk.u32 $0xffff, v9;
	_ =	sdelay $0x2  }
0x2aa: {  	v9 =	vbroadcast v10, $0xF;
	_ =	sdelay $0x1  }
0x2ab: {  	vm0 =	veq.f32 v48, v9  }
0x2ac: {  	vm1 =	veq.f32 v47, v9;
	v10 =	vnsel vm0, $0x80000040, v4;
	v13, _, _ =	vpop (xrf0)  }
0x2ad: {  	vm0 =	veq.f32 v46, v9;
	v10 =	vsel vm1, v5, v10;
	(v2sf) =	vpush v13, $0xF  }
0x2ae: {  	v10 =	vsel vm0, v6, v10  }
0x2af: {  	(xrf0) =	vmin.scan.msk.u32 $0xffff, v10;
	_ =	sdelay $0x5  }
0x2b0: {  	v10, _, _ =	vpop (xrf0)  }
0x2b1: {  	(v2sf) =	vpush v10, $0xF;
	_ =	sdelay $0x5  }
0x2b2: {  	s21 =	spop (v2sf)  }
0x2b3: {  	s21 =	sxor.u32 $0x80000000, s21  }
0x2b4: {  	s20 =	sadd.s32 s20, s21;
	v10 =	vmov s21  }
0x2b5: {  	v13 =	vmov s20;
	vm0 =	veq.s32 v10, v0  }
0x2b6: {  	v10 =	vadd.s32 $0x900, v13;
	v11 =	vsel vm0, $0xFF800000, v11  }
0x2b7: {  	v13 =	vadd.s32 $0x40, v13;
	(xrf0) =	vmax.scan.msk.f32 $0xffff, v11;
	_ =	sdelay $0x3  }
0x2b8: {  	[tilespmem:v10+s2+$0x0] =	vst.idx.msk $0x1, v8;
	s20 =	spop (v2sf)  }
0x2b9: {  	[tilespmem:v13+s11+$0x0] =	vst.idx.add.f32.msk $0x1, v7;
	s21 =	sxor.u32 $0x80000000, s20;
	s20 =	sshll.u32 s20, $0x4  }
0x2ba: {  	v11 =	vld [tilespmem:s20+$0xB40];
	v13 =	vmov s21;
	v10, _, _ =	vpop (xrf0)  }
0x2bb: {  	v14 =	vmax.f32 v51, v53;
	vm0 =	veq.s32 v12, v3;
	v10 =	vbroadcast v10, $0xF  }
0x2bc: {  	vm2 =	veq.s32 v12, v2;
	v14 =	vmax.f32 v14, v54;
	vm1 =	veq.s32 v12, v0  }
0x2bd: {  	(xrf0) =	vmax.scan.msk.f32 $0xffff, v14;
	v49 =	vsel vm1, v10, v49;
	v50 =	vsel vm2, v10, v50;
	v52 =	vsel vm0, v10, v52  }
0x2be: {  	v10 =	vmax.f32 v49, v50  }
0x2bf: {  	v10 =	vmax.f32 v10, v52;
	vm0 =	veq.f32 v11, v9  }
0x2c0: {  	(xrf0) =	vmax.scan.msk.f32 $0xffff, v10;
	v9 =	vnsel vm0, $0x80000040, v6  }
0x2c1: {  	(xrf0) =	vmin.scan.msk.u32 $0xffff, v9;
	_ =	sdelay $0x1  }
0x2c2: {  	v9, _, _ =	vpop (xrf0)  }
0x2c3: {  	v10 =	vbroadcast v9, $0xF;
	_ =	sdelay $0x1  }
0x2c4: {  	vm0 =	veq.f32 v54, v10;
	v9, _, _ =	vpop (xrf0)  }
0x2c5: {  	vm1 =	veq.f32 v53, v10;
	v12 =	vnsel vm0, $0x80000040, v4;
	v14, _, _ =	vpop (xrf0)  }
0x2c6: {  	vm0 =	veq.f32 v51, v10;
	v12 =	vsel vm1, v5, v12;
	(v2sf) =	vpush v14, $0xF  }
0x2c7: {  	v12 =	vsel vm0, v6, v12  }
0x2c8: {  	(xrf0) =	vmin.scan.msk.u32 $0xffff, v12;
	_ =	sdelay $0x5  }
0x2c9: {  	v12, _, _ =	vpop (xrf0)  }
0x2ca: {  	(v2sf) =	vpush v12, $0xF;
	_ =	sdelay $0x5  }
0x2cb: {  	s21 =	spop (v2sf)  }
0x2cc: {  	s21 =	sxor.u32 $0x80000000, s21  }
0x2cd: {  	s20 =	sadd.s32 s20, s21;
	v12 =	vmov s21  }
0x2ce: {  	v14 =	vmov s20;
	vm0 =	veq.s32 v12, v0  }
0x2cf: {  	v12 =	vadd.s32 $0xB40, v14;
	v11 =	vsel vm0, $0xFF800000, v11  }
0x2d0: {  	v14 =	vadd.s32 $0x40, v14;
	(xrf0) =	vmax.scan.msk.f32 $0xffff, v11;
	_ =	sdelay $0x3  }
.Ltmp8:
0x2d1: {  	s20 =	spop (v2sf);
	[tilespmem:v12+s2+$0x0] =	vst.idx.msk $0x1, v8;
	(pc) =	sbr.rel @p1 .LBB2_14-.Ltmp8, $4  }
0x2d2: {  	s21 =	sxor.u32 $0x80000000, s20;
	s20 =	sshll.u32 s20, $0x4;
	[tilespmem:v14+s11+$0x0] =	vst.idx.add.f32.msk $0x1, v7  }
0x2d3: {  	v11 =	vld [tilespmem:s20+$0x6C0];
	v12, _, _ =	vpop (xrf0)  }
0x2d4: {  	v12 =	vbroadcast v12, $0xF  }
0x2d5: {  	vm2 =	veq.s32 v13, v3;
	vm1 =	veq.s32 v13, v2;
	vm0 =	veq.s32 v13, v0  }
0x2d6: {  	v13 =	vsel vm0, v12, v46;
	v14 =	vsel vm1, v12, v47  }
0x2d7: {  	v58 =	vsel vm2, v12, v48;
	v15 =	vmax.f32 v13, v14  }
0x2d8: {  	vm4 =	veq.f32 v11, v10;
	v10 =	vmax.f32 v15, v58  }
0x2d9: {  	v59 =	vnsel vm4, $0x80000040, v6;
	(xrf0) =	vmax.scan.msk.f32 $0xffff, v10  }
0x2da: {  	(xrf0) =	vmin.scan.msk.u32 $0xffff, v59;
	_ =	sdelay $0x2  }
0x2db: {  	v9 =	vbroadcast v9, $0xF;
	_ =	sdelay $0x1  }
0x2dc: {  	vm5 =	veq.f32 v52, v9;
	v10, _, _ =	vpop (xrf0)  }
0x2dd: {  	vm6 =	veq.f32 v50, v9;
	v60 =	vnsel vm5, $0x80000040, v4;
	v16, _, _ =	vpop (xrf0)  }
0x2de: {  	vm7 =	veq.f32 v49, v9;
	v15 =	vsel vm6, v5, v60;
	(v2sf) =	vpush v16, $0xF  }
0x2df: {  	v15 =	vsel vm7, v6, v15  }
0x2e0: {  	(xrf0) =	vmin.scan.msk.u32 $0xffff, v15;
	_ =	sdelay $0x5  }
0x2e1: {  	v15, _, _ =	vpop (xrf0)  }
0x2e2: {  	(v2sf) =	vpush v15, $0xF;
	_ =	sdelay $0x5  }
0x2e3: {  	s19 =	spop (v2sf)  }
0x2e4: {  	s19 =	sxor.u32 $0x80000000, s19  }
0x2e5: {  	s20 =	sadd.s32 s20, s19  }
0x2e6: {  	v61 =	vmov s20  }
0x2e7: {  	v62 =	vadd.s32 $0x6C0, v61  }
0x2e8: {  	v15 =	vadd.s32 $0x40, v61;
	_ =	sdelay $0x3  }
0x2e9: {  	s28 =	spop (v2sf);
	[tilespmem:v62+s2+$0x0] =	vst.idx.msk $0x1, v8  }
0x2ea: {  	s20 =	sshll.u32 s28, $0x4;
	[tilespmem:v15+s11+$0x0] =	vst.idx.add.f32.msk $0x1, v7  }
0x2eb: {  	v15 =	vld [tilespmem:s20+$0x900];
	_ =	sdelay $0x2  }
0x2ec: {  	v63 =	vmov s19  }
0x2ed: {  	vm4 =	veq.s32 v63, v0  }
0x2ee: {  	v11 =	vsel vm4, $0xFF800000, v11;
	vm5 =	veq.f32 v15, v9  }
0x2ef: {  	(xrf0) =	vmax.scan.msk.f32 $0xffff, v11;
	v9 =	vnsel vm5, $0x80000040, v6  }
0x2f0: {  	(xrf0) =	vmin.scan.msk.u32 $0xffff, v9;
	_ =	sdelay $0x2  }
0x2f1: {  	v9 =	vbroadcast v10, $0xF;
	_ =	sdelay $0x1  }
0x2f2: {  	v10, _, _ =	vpop (xrf0);
	vm6 =	veq.f32 v58, v9  }
0x2f3: {  	vm7 =	veq.f32 v14, v9;
	v10 =	vnsel vm6, $0x80000040, v4;
	v11, _, _ =	vpop (xrf0)  }
0x2f4: {  	vm4 =	veq.f32 v13, v9;
	v10 =	vsel vm7, v5, v10;
	(v2sf) =	vpush v11, $0xF  }
0x2f5: {  	v10 =	vsel vm4, v6, v10  }
0x2f6: {  	(xrf0) =	vmin.scan.msk.u32 $0xffff, v10;
	_ =	sdelay $0x5  }
0x2f7: {  	v10, _, _ =	vpop (xrf0)  }
0x2f8: {  	(v2sf) =	vpush v10, $0xF;
	_ =	sdelay $0x5  }
0x2f9: {  	s29 =	spop (v2sf)  }
0x2fa: {  	s19 =	sxor.u32 $0x80000000, s29  }
0x2fb: {  	s20 =	sadd.s32 s20, s19  }
0x2fc: {  	v10 =	vmov s20  }
0x2fd: {  	v11 =	vadd.s32 $0x900, v10  }
0x2fe: {  	v10 =	vadd.s32 $0x40, v10;
	_ =	sdelay $0x3  }
0x2ff: {  	s30 =	spop (v2sf);
	[tilespmem:v11+s2+$0x0] =	vst.idx.msk $0x1, v8  }
0x300: {  	s20 =	sshll.u32 s30, $0x4;
	[tilespmem:v10+s11+$0x0] =	vst.idx.add.f32.msk $0x1, v7  }
0x301: {  	v10 =	vld [tilespmem:s20+$0xB40];
	_ =	sdelay $0x2  }
0x302: {  	v11 =	vmov s19  }
0x303: {  	vm5 =	veq.s32 v11, v0  }
0x304: {  	v11 =	vsel vm5, $0xFF800000, v15;
	vm6 =	veq.f32 v10, v9  }
0x305: {  	(xrf0) =	vmax.scan.msk.f32 $0xffff, v11;
	v9 =	vnsel vm6, $0x80000040, v6  }
0x306: {  	(xrf0) =	vmin.scan.msk.u32 $0xffff, v9;
	_ =	sdelay $0x4  }
0x307: {  	v9, _, _ =	vpop (xrf0)  }
0x308: {  	v9, _, _ =	vpop (xrf0)  }
0x309: {  	(v2sf) =	vpush v9, $0xF;
	_ =	sdelay $0xe  }
0x30a: {  	s31 =	spop (v2sf)  }
0x30b: {  	s19 =	sxor.u32 $0x80000000, s31  }
0x30c: {  	v9 =	vmov s19  }
0x30d: {  	s19 =	sadd.s32 s20, s19;
	vm7 =	veq.s32 v9, v0  }
0x30e: {  	v9 =	vmov s19;
	v10 =	vsel vm7, $0xFF800000, v10  }
0x30f: {  	v11 =	vadd.s32 $0xB40, v9;
	(xrf0) =	vmax.scan.msk.f32 $0xffff, v10  }
0x310: {  	v9 =	vadd.s32 $0x40, v9  }
.Ltmp9:
0x311: {  	_ = 	snop;
	(pc) =	sbr.rel @!p0 .LBB2_16-.Ltmp9, $3  }
0x312: {  	_ =	sdelay $0x1  }
0x313: {  	[tilespmem:v11+s2+$0x0] =	vst.idx.msk $0x1, v8  }
0x314: {  	[tilespmem:v9+s11+$0x0] =	vst.idx.add.f32.msk $0x1, v7;
	v9, _, _ =	vpop (xrf0)  }
0x315: {  	[bflag:$0x0] =	sbarrier.arrive $0xFFFF  }
0x316: {  	[tilespmem:s12], [sflag:$0x1] =	stream.linear.gather [spmem:s4], $0x240, $0x38;
	[tilespmem:$0x1CA0] =	vst v63  }
0x317: {  	_ =	swait.ge [sflag:s10], $0x240  }
0x318: {  	[sflag:s10] =	ssyncset.done $0x0  }
0x319: {  	[sflag:s10] =	ssyncadd.s32 $0xFFFFFDC0  }
0x31a: {  	v1 =	vld [tilespmem:$0xEE0];
	_ =	sdelay $0x4  }
0x31b: {  	[tilespmem:$0x1FB20] =	vst v1;
	v1 =	vld [tilespmem:$0x1A20];
	_ =	sdelay $0x4  }
0x31c: {  	[tilespmem:$0x1FB30] =	vst v1;
	v1 =	vld [tilespmem:$0xEF0];
	_ =	sdelay $0x4  }
0x31d: {  	[tilespmem:$0x1FB40] =	vst v1;
	v1 =	vld [tilespmem:$0x1A30];
	_ =	sdelay $0x4  }
0x31e: {  	[tilespmem:$0x1FB50] =	vst v1;
	v1 =	vld [tilespmem:$0xF00];
	_ =	sdelay $0x4  }
0x31f: {  	[tilespmem:$0x1FB60] =	vst v1;
	v1 =	vld [tilespmem:$0x1A40];
	_ =	sdelay $0x4  }
0x320: {  	[tilespmem:$0x1FB70] =	vst v1;
	v1 =	vld [tilespmem:$0xF10];
	_ =	sdelay $0x4  }
0x321: {  	[tilespmem:$0x1FB80] =	vst v1;
	v1 =	vld [tilespmem:$0x1A50];
	_ =	sdelay $0x4  }
0x322: {  	[tilespmem:$0x1FB90] =	vst v1;
	v1 =	vld [tilespmem:$0xF20];
	_ =	sdelay $0x4  }
0x323: {  	[tilespmem:$0x1FBA0] =	vst v1;
	v1 =	vld [tilespmem:$0x1A60];
	_ =	sdelay $0x4  }
0x324: {  	[tilespmem:$0x1FBB0] =	vst v1;
	v1 =	vld [tilespmem:$0xF30];
	_ =	sdelay $0x4  }
0x325: {  	[tilespmem:$0x1FBC0] =	vst v1;
	v1 =	vld [tilespmem:$0x1A70];
	_ =	sdelay $0x4  }
0x326: {  	[tilespmem:$0x1FBD0] =	vst v1;
	v1 =	vld [tilespmem:$0xF40];
	_ =	sdelay $0x4  }
0x327: {  	[tilespmem:$0x1FBE0] =	vst v1;
	v1 =	vld [tilespmem:$0x1A80];
	_ =	sdelay $0x4  }
0x328: {  	[tilespmem:$0x1FBF0] =	vst v1;
	v1 =	vld [tilespmem:$0xF50]  }
0x329: {  	v9 =	vld [tilespmem:$0xDC0]  }
0x32a: {  	v10 =	vld [tilespmem:$0x1900]  }
0x32b: {  	v11 =	vld [tilespmem:$0xDD0]  }
0x32c: {  	v12 =	vld [tilespmem:$0x1910]  }
0x32d: {  	[tilespmem:$0x1FC00] =	vst v1;
	v1 =	vld [tilespmem:$0xF60]  }
0x32e: {  	v13 =	vld [tilespmem:$0xE00]  }
0x32f: {  	v14 =	vld [tilespmem:$0x1940]  }
0x330: {  	v15 =	vld [tilespmem:$0xE10]  }
0x331: {  	v16 =	vld [tilespmem:$0x1950]  }
0x332: {  	[tilespmem:$0x1FC10] =	vst v1;
	v1 =	vld [tilespmem:$0x1AA0]  }
0x333: {  	v17 =	vld [tilespmem:$0xE20]  }
0x334: {  	v18 =	vld [tilespmem:$0x1960]  }
0x335: {  	v19 =	vld [tilespmem:$0xE30]  }
0x336: {  	v20 =	vld [tilespmem:$0x1970]  }
0x337: {  	[tilespmem:$0x1FC20] =	vst v1;
	v1 =	vld [tilespmem:$0xF70]  }
0x338: {  	v21 =	vld [tilespmem:$0xE40]  }
0x339: {  	v22 =	vld [tilespmem:$0x1980]  }
0x33a: {  	v23 =	vld [tilespmem:$0xE50]  }
0x33b: {  	v46 =	vld [tilespmem:$0x1990]  }
0x33c: {  	[tilespmem:$0x1FC30] =	vst v1;
	v1 =	vld [tilespmem:$0xF80]  }
0x33d: {  	v47 =	vld [tilespmem:$0xE60]  }
0x33e: {  	v48 =	vld [tilespmem:$0x19A0]  }
0x33f: {  	v49 =	vld [tilespmem:$0xE70]  }
0x340: {  	v50 =	vld [tilespmem:$0x19B0]  }
0x341: {  	[tilespmem:$0x1FC40] =	vst v1;
	v1 =	vld [tilespmem:$0xFA0]  }
0x342: {  	v51 =	vld [tilespmem:$0xE80]  }
0x343: {  	v52 =	vld [tilespmem:$0x19C0]  }
0x344: {  	v53 =	vld [tilespmem:$0xE90]  }
0x345: {  	v54 =	vld [tilespmem:$0x19D0];
	v9 =	vadd.f32 v10, v9  }
0x346: {  	v10 =	vadd.f32 v12, v11;
	[tilespmem:$0x1FC50] =	vst v1;
	v1 =	vld [tilespmem:$0xFF0]  }
0x347: {  	[tilespmem:$0xDC0] =	vst v9;
	v9 =	vld [tilespmem:$0xDE0]  }
0x348: {  	[tilespmem:$0xDD0] =	vst v10;
	v10 =	vld [tilespmem:$0x1920]  }
0x349: {  	v55 =	vld [tilespmem:$0xEA0]  }
0x34a: {  	v56 =	vld [tilespmem:$0x19E0]  }
0x34b: {  	[tilespmem:$0x1FC60] =	vst v1;
	v1 =	vld [tilespmem:$0xDA8]  }
0x34c: {  	v11 =	vld [tilespmem:$0xDF0]  }
0x34d: {  	v12 =	vld [tilespmem:$0x1930];
	v9 =	vadd.f32 v10, v9  }
0x34e: {  	v57 =	vld [tilespmem:$0xEB0]  }
0x34f: {  	v58 =	vld [tilespmem:$0x19F0];
	[tilespmem:$0xDE0] =	vst v9  }
0x350: {  	[tilespmem:$0x1FC70] =	vst v1;
	v1 =	vld [tilespmem:$0xDD8]  }
0x351: {  	v59 =	vld [tilespmem:$0xEC0]  }
0x352: {  	v60 =	vld [tilespmem:$0x1A00];
	v11 =	vadd.f32 v12, v11  }
0x353: {  	v61 =	vld [tilespmem:$0xED0]  }
0x354: {  	v62 =	vld [tilespmem:$0x1A10];
	[tilespmem:$0xDF0] =	vst v11  }
0x355: {  	[tilespmem:$0x1FC80] =	vst v1;
	v1 =	vld [tilespmem:$0xDE8]  }
0x356: {  	v44 =	vld [tilespmem:$0x1A90]  }
0x357: {  	v41 =	vld [tilespmem:$0x1AB0]  }
0x358: {  	v43 =	vld [tilespmem:$0x1AC0]  }
0x359: {  	v63 =	vld [tilespmem:$0xF90]  }
0x35a: {  	[tilespmem:$0x1FC90] =	vst v1;
	v1 =	vld [tilespmem:$0xDE8]  }
0x35b: {  	v28 =	vld [tilespmem:$0x1AD0];
	v15 =	vadd.f32 v16, v15  }
0x35c: {  	v39 =	vld [tilespmem:$0x1AE0];
	v17 =	vadd.f32 v18, v17  }
0x35d: {  	v42 =	vld [tilespmem:$0xFB0];
	[tilespmem:$0xE10] =	vst v15  }
0x35e: {  	v30 =	vld [tilespmem:$0x1AF0];
	[tilespmem:$0xE20] =	vst v17  }
0x35f: {  	[tilespmem:$0x1FCA0] =	vst v1;
	v1 =	vld [tilespmem:$0xE18]  }
0x360: {  	v38 =	vld [tilespmem:$0xFC0]  }
0x361: {  	v34 =	vld [tilespmem:$0x1B00];
	v13 =	vadd.f32 v14, v13  }
0x362: {  	v35 =	vld [tilespmem:$0xFD0]  }
0x363: {  	v26 =	vld [tilespmem:$0x1B10];
	[tilespmem:$0xE00] =	vst v13  }
0x364: {  	[tilespmem:$0x1FCC0] =	vst v1;
	v1 =	vld [tilespmem:$0xDF8]  }
0x365: {  	v29 =	vld [tilespmem:$0xFE0]  }
0x366: {  	v27 =	vld [tilespmem:$0x1B20];
	v19 =	vadd.f32 v20, v19  }
0x367: {  	v31 =	vld [tilespmem:$0x1B30]  }
0x368: {  	[tilespmem:$0xE30] =	vst v19;
	v25 =	vld [tilespmem:$0xDC0]  }
0x369: {  	[tilespmem:$0x1FCB0] =	vst v1;
	v1 =	vld [tilespmem:$0xE28]  }
0x36a: {  	v32 =	vld [tilespmem:$0xDB8]  }
0x36b: {  	v24 =	vld [tilespmem:$0xDD0]  }
0x36c: {  	v33 =	vld [tilespmem:$0xDC8]  }
0x36d: {  	v36 =	vld [tilespmem:$0xE08]  }
0x36e: {  	[tilespmem:$0x1FCE0] =	vst v1;
	v1 =	vld [tilespmem:$0xE08]  }
0x36f: {  	v17 =	vld [tilespmem:$0xE00]  }
0x370: {  	v19 =	vld [tilespmem:$0xE10]  }
0x371: {  	v40 =	vld [tilespmem:$0xDF8]  }
0x372: {  	v21 =	vadd.f32 v22, v21;
	v15 =	vld [tilespmem:$0xDF0]  }
0x373: {  	v14 =	vld [tilespmem:$0xDE0];
	[tilespmem:$0x1FCD0] =	vst v1  }
0x374: {  	v16 =	vld [tilespmem:$0xDD8];
	[tilespmem:$0xE40] =	vst v21  }
0x375: {  	v1 =	vld [tilespmem:$0xE28]  }
0x376: {  	v23 =	vadd.f32 v46, v23  }
0x377: {  	v47 =	vadd.f32 v48, v47  }
0x378: {  	[tilespmem:$0xE50] =	vst v23  }
0x379: {  	[tilespmem:$0xE60] =	vst v47  }
0x37a: {  	[tilespmem:$0x1FCF0] =	vst v1;
	v1 =	vld [tilespmem:$0xE58];
	_ =	sdelay $0x4  }
0x37b: {  	[tilespmem:$0x1FD10] =	vst v1;
	v1 =	vld [tilespmem:$0xE38];
	_ =	sdelay $0x1  }
0x37c: {  	v49 =	vadd.f32 v50, v49;
	_ =	sdelay $0x1  }
0x37d: {  	[tilespmem:$0xE70] =	vst v49  }
0x37e: {  	[tilespmem:$0x1FD00] =	vst v1;
	v1 =	vld [tilespmem:$0xE68];
	_ =	sdelay $0x4  }
0x37f: {  	[tilespmem:$0x1FD30] =	vst v1;
	v1 =	vld [tilespmem:$0xE48];
	_ =	sdelay $0x4  }
0x380: {  	[tilespmem:$0x1FD20] =	vst v1;
	v1 =	vld [tilespmem:$0xE68]  }
0x381: {  	v53 =	vadd.f32 v54, v53  }
0x382: {  	v55 =	vadd.f32 v56, v55  }
0x383: {  	[tilespmem:$0xE90] =	vst v53  }
0x384: {  	[tilespmem:$0xEA0] =	vst v55  }
0x385: {  	[tilespmem:$0x1FD40] =	vst v1;
	v1 =	vld [tilespmem:$0xE98];
	_ =	sdelay $0x1  }
0x386: {  	v51 =	vadd.f32 v52, v51;
	_ =	sdelay $0x1  }
0x387: {  	[tilespmem:$0xE80] =	vst v51  }
0x388: {  	[tilespmem:$0x1FD60] =	vst v1;
	v1 =	vld [tilespmem:$0xE78];
	_ =	sdelay $0x1  }
0x389: {  	v57 =	vadd.f32 v58, v57;
	_ =	sdelay $0x1  }
0x38a: {  	[tilespmem:$0xEB0] =	vst v57  }
0x38b: {  	[tilespmem:$0x1FD50] =	vst v1;
	v1 =	vld [tilespmem:$0xEA8];
	_ =	sdelay $0x1  }
0x38c: {  	v59 =	vadd.f32 v60, v59;
	_ =	sdelay $0x1  }
0x38d: {  	[tilespmem:$0xEC0] =	vst v59  }
0x38e: {  	[tilespmem:$0x1FD70] =	vst v1;
	v1 =	vld [tilespmem:$0xEB8];
	_ =	sdelay $0x1  }
0x38f: {  	v21 =	vld [tilespmem:$0xE20]  }
0x390: {  	v46 =	vld [tilespmem:$0xE38]  }
0x391: {  	v9 =	vld [tilespmem:$0x1FB30]  }
0x392: {  	[tilespmem:$0x1FD80] =	vst v1;
	v1 =	vld [tilespmem:$0x1FB20]  }
0x393: {  	v22 =	vld [tilespmem:$0xE18]  }
0x394: {  	v61 =	vadd.f32 v62, v61;
	v23 =	vld [tilespmem:$0xE30]  }
0x395: {  	v48 =	vld [tilespmem:$0xE48]  }
0x396: {  	[tilespmem:$0xED0] =	vst v61;
	v47 =	vld [tilespmem:$0xE40]  }
0x397: {  	v52 =	vadd.f32 v9, v1;
	v1 =	vld [tilespmem:$0xEC8]  }
0x398: {  	v49 =	vld [tilespmem:$0xE50]  }
0x399: {  	v51 =	vld [tilespmem:$0xE60]  }
0x39a: {  	v54 =	vld [tilespmem:$0xE78]  }
0x39b: {  	v50 =	vld [tilespmem:$0xE58]  }
0x39c: {  	[tilespmem:$0x1FD90] =	vst v1;
	v1 =	vld [tilespmem:$0xEA8]  }
0x39d: {  	v53 =	vld [tilespmem:$0xE70]  }
0x39e: {  	v56 =	vld [tilespmem:$0xE88]  }
0x39f: {  	v55 =	vld [tilespmem:$0xE80]  }
0x3a0: {  	v9 =	vld [tilespmem:$0x1FB50]  }
0x3a1: {  	[tilespmem:$0x1FDA0] =	vst v1;
	v1 =	vld [tilespmem:$0x1FB40]  }
0x3a2: {  	v57 =	vld [tilespmem:$0xE90]  }
0x3a3: {  	v60 =	vld [tilespmem:$0xE88]  }
0x3a4: {  	v59 =	vld [tilespmem:$0xEA0]  }
0x3a5: {  	v10 =	vld [tilespmem:$0x1FB70]  }
0x3a6: {  	v1 =	vadd.f32 v9, v1;
	v9 =	vld [tilespmem:$0x1FB60]  }
0x3a7: {  	v58 =	vld [tilespmem:$0xE98]  }
0x3a8: {  	v20 =	vld [tilespmem:$0xEB0]  }
0x3a9: {  	v11 =	vld [tilespmem:$0x1FB90]  }
0x3aa: {  	v12 =	vld [tilespmem:$0x1FBB0]  }
0x3ab: {  	v23 =	vadd.f32 v23, v23;
	v9 =	vadd.f32 v10, v9;
	v10 =	vld [tilespmem:$0x1FB80]  }
0x3ac: {  	v13 =	vld [tilespmem:$0x1FBD0]  }
0x3ad: {  	v61 =	vld [tilespmem:$0xEB8];
	v22 =	vadd.f32 v23, v22  }
0x3ae: {  	v34 =	vadd.f32 v34, v38;
	v38 =	vld [tilespmem:$0x1FC90]  }
0x3af: {  	v22 =	vadd.f32 v22, v48;
	v48 =	vadd.f32 v49, v49;
	v49 =	vld [tilespmem:$0x1FCF0];
	[tilespmem:$0xEE0] =	vst v52  }
0x3b0: {  	v24 =	vadd.f32 v24, v24;
	v10 =	vadd.f32 v11, v10;
	v11 =	vld [tilespmem:$0xED8]  }
0x3b1: {  	v18 =	vld [tilespmem:$0xED0]  }
0x3b2: {  	v24 =	vadd.f32 v24, v32;
	v62 =	vld [tilespmem:$0x1FC20];
	v47 =	vadd.f32 v47, v47  }
0x3b3: {  	v28 =	vadd.f32 v28, v63;
	v63 =	vld [tilespmem:$0xEC8]  }
0x3b4: {  	v24 =	vadd.f32 v24, v38;
	v38 =	vadd.f32 v47, v49;
	v49 =	vld [tilespmem:$0x1FD20]  }
0x3b5: {  	[tilespmem:$0x1FDB0] =	vst v11;
	v11 =	vld [tilespmem:$0x1FBA0]  }
0x3b6: {  	[tilespmem:$0xF00] =	vst v9;
	v9 =	vld [tilespmem:$0x1FC50]  }
0x3b7: {  	v52 =	vld [tilespmem:$0xEC0]  }
0x3b8: {  	v30 =	vadd.f32 v30, v42;
	v42 =	vld [tilespmem:$0xEE0]  }
0x3b9: {  	[tilespmem:$0xEF0] =	vst v1;
	v1 =	vld [tilespmem:$0x1FBE0]  }
0x3ba: {  	v11 =	vadd.f32 v12, v11;
	v12 =	vld [tilespmem:$0x1FBC0]  }
0x3bb: {  	v27 =	vadd.f32 v27, v29;
	v29 =	vld [tilespmem:$0xEF0];
	v39 =	vadd.f32 v39, v9  }
0x3bc: {  	v32 =	vld [tilespmem:$0xEE8]  }
0x3bd: {  	[tilespmem:$0xFA0] =	vst v39;
	v39 =	vadd.f32 v51, v51;
	v51 =	vld [tilespmem:$0x1FD00]  }
0x3be: {  	[tilespmem:$0xF10] =	vst v10;
	v10 =	vld [tilespmem:$0x1FC60]  }
0x3bf: {  	v12 =	vadd.f32 v13, v12;
	v13 =	vld [tilespmem:$0x1FBF0]  }
0x3c0: {  	v26 =	vadd.f32 v26, v35;
	v35 =	vld [tilespmem:$0xEF8]  }
0x3c1: {  	v9 =	vadd.f32 v25, v25;
	v25 =	vld [tilespmem:$0xED8]  }
0x3c2: {  	[tilespmem:$0xF90] =	vst v28;
	v28 =	vadd.f32 v48, v51;
	v48 =	vld [tilespmem:$0x1FD10]  }
0x3c3: {  	v10 =	vadd.f32 v31, v10;
	v31 =	vld [tilespmem:$0xF08]  }
0x3c4: {  	v15 =	vadd.f32 v15, v15;
	v1 =	vadd.f32 v13, v1;
	v13 =	vld [tilespmem:$0x1FC00]  }
0x3c5: {  	v51 =	vld [tilespmem:$0x1FD30]  }
0x3c6: {  	v15 =	vadd.f32 v15, v16;
	[tilespmem:$0xF20] =	vst v11;
	v11 =	vld [tilespmem:$0x1FC80]  }
0x3c7: {  	[tilespmem:$0xFC0] =	vst v34;
	v16 =	vld [tilespmem:$0xF18];
	v34 =	vadd.f32 v38, v48;
	v38 =	vadd.f32 v39, v49  }
0x3c8: {  	[tilespmem:$0xF30] =	vst v12;
	v12 =	vadd.f32 v15, v36;
	v15 =	vadd.f32 v19, v19;
	v19 =	vld [tilespmem:$0xF10]  }
0x3c9: {  	[tilespmem:$0xFE0] =	vst v27;
	v27 =	vadd.f32 v38, v54;
	v44 =	vadd.f32 v44, v13;
	v13 =	vld [tilespmem:$0x1FC10]  }
0x3ca: {  	v36 =	vld [tilespmem:$0xF08]  }
0x3cb: {  	[tilespmem:$0x1160] =	vst v27;
	v27 =	vld [tilespmem:$0xF98]  }
0x3cc: {  	[tilespmem:$0xF40] =	vst v1;
	v1 =	vld [tilespmem:$0x1FCA0]  }
0x3cd: {  	[tilespmem:$0x10F0] =	vst v12;
	v12 =	vld [tilespmem:$0x1FD60]  }
0x3ce: {  	v13 =	vadd.f32 v62, v13;
	v62 =	vld [tilespmem:$0x1FC30]  }
0x3cf: {  	v17 =	vadd.f32 v17, v17;
	v23 =	vld [tilespmem:$0xF38]  }
0x3d0: {  	v39 =	vld [tilespmem:$0xF40]  }
0x3d1: {  	v1 =	vadd.f32 v17, v1;
	v17 =	vld [tilespmem:$0xF20]  }
0x3d2: {  	[tilespmem:$0xF50] =	vst v44;
	v44 =	vld [tilespmem:$0x1FCE0]  }
0x3d3: {  	v41 =	vadd.f32 v41, v62;
	v62 =	vld [tilespmem:$0xEE8]  }
0x3d4: {  	v47 =	vld [tilespmem:$0xF50]  }
0x3d5: {  	[tilespmem:$0xFD0] =	vst v26;
	v26 =	vadd.f32 v28, v51;
	v28 =	vld [tilespmem:$0xF48]  }
0x3d6: {  	[tilespmem:$0xF60] =	vst v13;
	v13 =	vld [tilespmem:$0x1FCC0]  }
0x3d7: {  	[tilespmem:$0xFB0] =	vst v30;
	v30 =	vld [tilespmem:$0xF58]  }
0x3d8: {  	[tilespmem:$0x1FDC0] =	vst v62;
	v62 =	vld [tilespmem:$0x1FC40]  }
0x3d9: {  	v38 =	vld [tilespmem:$0xF60]  }
0x3da: {  	v49 =	vld [tilespmem:$0xF58]  }
0x3db: {  	v1 =	vadd.f32 v1, v13;
	v13 =	vld [tilespmem:$0x1FCD0]  }
0x3dc: {  	[tilespmem:$0xF70] =	vst v41;
	v41 =	vld [tilespmem:$0xF30]  }
0x3dd: {  	v43 =	vadd.f32 v43, v62;
	v62 =	vld [tilespmem:$0x1FC70]  }
0x3de: {  	v48 =	vld [tilespmem:$0xF68]  }
0x3df: {  	v54 =	vld [tilespmem:$0xF70]  }
0x3e0: {  	[tilespmem:$0x1140] =	vst v34;
	v34 =	vld [tilespmem:$0xF68]  }
0x3e1: {  	[tilespmem:$0x1100] =	vst v1;
	v1 =	vld [tilespmem:$0x1FD70]  }
0x3e2: {  	v14 =	vadd.f32 v14, v14;
	[tilespmem:$0xF80] =	vst v43;
	v43 =	vld [tilespmem:$0xF48];
	v9 =	vadd.f32 v9, v62  }
0x3e3: {  	v62 =	vadd.f32 v21, v21;
	v21 =	vld [tilespmem:$0xF28]  }
0x3e4: {  	v9 =	vadd.f32 v9, v11;
	v11 =	vadd.f32 v14, v33;
	v14 =	vld [tilespmem:$0xF00]  }
0x3e5: {  	v55 =	vadd.f32 v55, v55;
	v33 =	vld [tilespmem:$0xEF8];
	v13 =	vadd.f32 v62, v13  }
0x3e6: {  	v62 =	vadd.f32 v53, v53;
	v11 =	vadd.f32 v11, v40;
	v40 =	vld [tilespmem:$0x1FCB0]  }
0x3e7: {  	v29 =	vadd.f32 v29, v29;
	v13 =	vadd.f32 v13, v46;
	v46 =	vld [tilespmem:$0xF38]  }
0x3e8: {  	v53 =	vadd.f32 v62, v50;
	v62 =	vadd.f32 v59, v59;
	v59 =	vld [tilespmem:$0x1FDC0]  }
0x3e9: {  	v20 =	vadd.f32 v20, v20;
	v25 =	vadd.f32 v29, v25;
	v50 =	vld [tilespmem:$0xFB0]  }
0x3ea: {  	v19 =	vadd.f32 v19, v19;
	v47 =	vadd.f32 v47, v47;
	[tilespmem:$0x10E0] =	vst v11;
	v11 =	vld [tilespmem:$0x1FD50]  }
0x3eb: {  	[tilespmem:$0xFF0] =	vst v10;
	v10 =	vadd.f32 v53, v56;
	v56 =	vadd.f32 v57, v57;
	v57 =	vld [tilespmem:$0x1FD40]  }
0x3ec: {  	v51 =	vadd.f32 v62, v60;
	[tilespmem:$0x1120] =	vst v13;
	v13 =	vld [tilespmem:$0x1FD90];
	v19 =	vadd.f32 v19, v33  }
0x3ed: {  	v53 =	vadd.f32 v52, v52;
	v60 =	vld [tilespmem:$0xF90];
	v15 =	vadd.f32 v15, v40  }
0x3ee: {  	v62 =	vld [tilespmem:$0xF88];
	v14 =	vadd.f32 v14, v14;
	v19 =	vadd.f32 v19, v21  }
0x3ef: {  	v52 =	vld [tilespmem:$0xFC8];
	v15 =	vadd.f32 v15, v44;
	v11 =	vadd.f32 v56, v11  }
0x3f0: {  	[tilespmem:$0x10D0] =	vst v24;
	v40 =	vld [tilespmem:$0xF18];
	v24 =	vadd.f32 v55, v57;
	v56 =	vadd.f32 v42, v42  }
0x3f1: {  	[tilespmem:$0x10B0] =	vst v37;
	v55 =	vld [tilespmem:$0x1FDA0];
	v1 =	vadd.f32 v11, v1;
	v11 =	vadd.f32 v20, v58  }
0x3f2: {  	[tilespmem:$0x1170] =	vst v10;
	v44 =	vld [tilespmem:$0xF28];
	v12 =	vadd.f32 v24, v12;
	v24 =	vadd.f32 v56, v63  }
0x3f3: {  	[tilespmem:$0x1110] =	vst v15;
	v15 =	vld [tilespmem:$0x1FD80];
	v11 =	vadd.f32 v11, v13;
	v13 =	vadd.f32 v18, v18  }
0x3f4: {  	v57 =	vld [tilespmem:$0x1FDB0];
	v10 =	vadd.f32 v24, v35;
	[tilespmem:$0x1180] =	vst v12;
	v12 =	vadd.f32 v25, v31  }
0x3f5: {  	v42 =	vld [tilespmem:$0xF88];
	[tilespmem:$0x1190] =	vst v1;
	v1 =	vadd.f32 v14, v32;
	v14 =	vadd.f32 v17, v17  }
0x3f6: {  	[tilespmem:$0x1130] =	vst v22;
	v20 =	vld [tilespmem:$0xF78];
	v18 =	vadd.f32 v54, v54;
	v22 =	vadd.f32 v53, v55  }
0x3f7: {  	[tilespmem:$0x1300] =	vst v37;
	v58 =	vld [tilespmem:$0xF80];
	v13 =	vadd.f32 v13, v61;
	v61 =	vadd.f32 v41, v41  }
0x3f8: {  	[tilespmem:$0x1150] =	vst v26;
	v63 =	vld [tilespmem:$0xFA0];
	v1 =	vadd.f32 v1, v16;
	v15 =	vadd.f32 v51, v15  }
0x3f9: {  	[tilespmem:$0x10C0] =	vst v9;
	v56 =	vld [tilespmem:$0xFB8];
	v14 =	vadd.f32 v14, v36;
	v22 =	vadd.f32 v22, v57  }
0x3fa: {  	v24 =	vld [tilespmem:$0xF78];
	v51 =	vadd.f32 v38, v38;
	[tilespmem:$0x11A0] =	vst v15;
	v15 =	vadd.f32 v39, v39  }
0x3fb: {  	[tilespmem:$0x1210] =	vst v19;
	v17 =	vld [tilespmem:$0xFA8];
	v57 =	vadd.f32 v60, v60;
	v60 =	vadd.f32 v50, v50  }
0x3fc: {  	v54 =	vld [tilespmem:$0xFC0];
	[tilespmem:$0x11B0] =	vst v11;
	v13 =	vadd.f32 v13, v59;
	v15 =	vadd.f32 v15, v44  }
0x3fd: {  	v53 =	vld [tilespmem:$0xFA8];
	[tilespmem:$0x11E0] =	vst v10;
	v36 =	vadd.f32 v61, v40;
	v14 =	vadd.f32 v14, v23  }
0x3fe: {  	v55 =	vld [tilespmem:$0xFD8];
	[tilespmem:$0x11F0] =	vst v12;
	v10 =	vadd.f32 v15, v30;
	v15 =	vadd.f32 v51, v28  }
0x3ff: {  	v41 =	vld [tilespmem:$0xF98];
	v11 =	vadd.f32 v36, v43;
	[tilespmem:$0x11D0] =	vst v13;
	v13 =	vadd.f32 v47, v46  }
0x400: {  	v40 =	vld [tilespmem:$0xFB8];
	[tilespmem:$0x1200] =	vst v1;
	v1 =	vadd.f32 v15, v20;
	v15 =	vadd.f32 v58, v58  }
0x401: {  	v59 =	vld [tilespmem:$0xFE8];
	[tilespmem:$0x11C0] =	vst v22;
	v12 =	vadd.f32 v13, v48;
	v13 =	vadd.f32 v18, v49  }
0x402: {  	[tilespmem:$0x1220] =	vst v14;
	v58 =	vld [tilespmem:$0xFD0];
	v14 =	vadd.f32 v15, v34;
	v15 =	vadd.f32 v63, v63  }
0x403: {  	v61 =	vld [tilespmem:$0xFE0];
	[tilespmem:$0x1230] =	vst v11;
	v11 =	vadd.f32 v57, v24;
	v13 =	vadd.f32 v13, v42  }
0x404: {  	[tilespmem:$0x1240] =	vst v10;
	v10 =	vadd.f32 v14, v27;
	v14 =	vadd.f32 v15, v62;
	v15 =	vld [tilespmem:$0xFF0]  }
0x405: {  	[tilespmem:$0x1250] =	vst v12;
	v11 =	vadd.f32 v11, v17;
	v12 =	vadd.f32 v60, v41;
	v62 =	vld [tilespmem:$0xFC8]  }
0x406: {  	[tilespmem:$0x1260] =	vst v1;
	v63 =	vld [tilespmem:$0xFD8];
	v1 =	vadd.f32 v14, v40;
	v14 =	vadd.f32 v54, v54  }
0x407: {  	v26 =	vld [tilespmem:$0xFF8];
	[tilespmem:$0x1270] =	vst v13;
	v12 =	vadd.f32 v12, v52;
	v13 =	vadd.f32 v58, v58  }
0x408: {  	v27 =	vld [tilespmem:$0x1008];
	[tilespmem:$0x1280] =	vst v10;
	v10 =	vadd.f32 v14, v53;
	v14 =	vadd.f32 v61, v61  }
0x409: {  	[tilespmem:$0x1290] =	vst v11;
	v11 =	vadd.f32 v13, v56;
	v13 =	vadd.f32 v15, v15  }
0x40a: {  	[tilespmem:$0x12A0] =	vst v1;
	v1 =	vadd.f32 v10, v55;
	v10 =	vadd.f32 v14, v62  }
0x40b: {  	[tilespmem:$0x12B0] =	vst v12;
	v11 =	vadd.f32 v11, v59;
	v12 =	vadd.f32 v13, v63;
	v13 =	vadd.s32 $0x3F, v0  }
0x40c: {  	[tilespmem:$0x12C0] =	vst v1;
	v1 =	vadd.f32 v10, v26  }
0x40d: {  	[tilespmem:$0x12D0] =	vst v11;
	v10 =	vadd.f32 v12, v27  }
0x40e: {  	[tilespmem:$0x12E0] =	vst v1;
	v1 =	vadd.s32 $0x41, v0  }
0x40f: {  	[tilespmem:$0x12F0] =	vst v10  }
0x410: {  	v10 =	vld.idx.msk [tilespmem:v13+s13+$0x0], $0xffff;
	_ =	sdelay $0x2  }
0x411: {  	v1 =	vld.idx.msk [tilespmem:v1+s13+$0x0], $0xffff  }
0x412: {  	vm2 =	veq.s32 v0, $0x0;
	v9 =	vadd.f32 v9, v9  }
0x413: {  	v10 =	vsel vm2, $0x0, v10  }
0x414: {  	v9 =	vadd.f32 v10, v9  }
0x415: {  	v11 =	vld [tilespmem:$0x1FDD0]  }
0x416: {  	v1 =	vadd.f32 v9, v1;
	_ =	sdelay $0x1  }
0x417: {  	v10 =	vadd.s32 $0x4F, v0;
	v9 =	vmul.f32 $1.024000000e+03, v1;
	_ =	sdelay $0x1  }
0x418: {  	v46 =	vadd.f32 v11, v9;
	v9 =	vadd.s32 $0x51, v0  }
0x419: {  	[tilespmem:$0x1380] =	vst v1  }
0x41a: {  	v1 =	vld [tilespmem:$0x10D0];
	[tilespmem:$0x1600] =	vst v46  }
0x41b: {  	v10 =	vld.idx.msk [tilespmem:v10+s13+$0x0], $0xffff;
	_ =	sdelay $0x1  }
0x41c: {  	v9 =	vld.idx.msk [tilespmem:v9+s13+$0x0], $0xffff;
	_ =	sdelay $0x1  }
0x41d: {  	vm1 =	veq.s32 v0, $0x8;
	v1 =	vadd.f32 v1, v1  }
0x41e: {  	v10 =	vsel vm1, $0x0, v10  }
0x41f: {  	vm0 =	veq.s32 v0, $0x7;
	v1 =	vadd.f32 v10, v1  }
0x420: {  	v12 =	vld [tilespmem:$0x1FDE0];
	v9 =	vsel vm0, $0x0, v9  }
0x421: {  	v1 =	vadd.f32 v9, v1;
	_ =	sdelay $0x1  }
0x422: {  	v10 =	vadd.s32 $0x5F, v0;
	v9 =	vmul.f32 $1.024000000e+03, v1  }
0x423: {  	v11 =	vadd.s32 $0x61, v0  }
0x424: {  	v47 =	vadd.f32 v12, v9  }
0x425: {  	[tilespmem:$0x1390] =	vst v1;
	v1 =	vld [tilespmem:$0x10E0]  }
0x426: {  	[tilespmem:$0x1610] =	vst v47  }
0x427: {  	v9 =	vld.idx.msk [tilespmem:v10+s13+$0x0], $0xffff  }
0x428: {  	v10 =	vld.idx.msk [tilespmem:v11+s13+$0x0], $0xffff;
	_ =	sdelay $0x1  }
0x429: {  	v1 =	vadd.f32 v1, v1;
	_ =	sdelay $0x1  }
0x42a: {  	vm15 =	veq.s32 v0, $0xF;
	v1 =	vadd.f32 v1, v9  }
0x42b: {  	v11 =	vld [tilespmem:$0x1FDF0];
	v9 =	vsel vm15, $0x0, v10  }
0x42c: {  	v1 =	vadd.f32 v9, v1;
	_ =	sdelay $0x1  }
0x42d: {  	v10 =	vadd.s32 $0x6F, v0;
	v9 =	vmul.f32 $1.024000000e+03, v1;
	_ =	sdelay $0x1  }
0x42e: {  	v48 =	vadd.f32 v11, v9  }
0x42f: {  	[tilespmem:$0x13A0] =	vst v1;
	v1 =	vadd.s32 $0x71, v0  }
0x430: {  	v9 =	vld [tilespmem:$0x10F0];
	[tilespmem:$0x1620] =	vst v48  }
0x431: {  	v10 =	vld.idx.msk [tilespmem:v10+s13+$0x0], $0xffff;
	_ =	sdelay $0x2  }
0x432: {  	v1 =	vld.idx.msk [tilespmem:v1+s13+$0x0], $0xffff  }
0x433: {  	v9 =	vadd.f32 v9, v9  }
0x434: {  	v10 =	vsel vm2, $0x0, v10  }
0x435: {  	v9 =	vadd.f32 v10, v9  }
0x436: {  	v11 =	vld [tilespmem:$0x1FE00]  }
0x437: {  	v1 =	vadd.f32 v9, v1;
	_ =	sdelay $0x1  }
0x438: {  	v10 =	vadd.s32 $0x7F, v0;
	v9 =	vmul.f32 $1.024000000e+03, v1;
	_ =	sdelay $0x1  }
0x439: {  	v49 =	vadd.f32 v11, v9;
	v9 =	vadd.s32 $0x81, v0  }
0x43a: {  	[tilespmem:$0x13B0] =	vst v1  }
0x43b: {  	v1 =	vld [tilespmem:$0x1100];
	[tilespmem:$0x1630] =	vst v49  }
0x43c: {  	v10 =	vld.idx.msk [tilespmem:v10+s13+$0x0], $0xffff;
	_ =	sdelay $0x1  }
0x43d: {  	v9 =	vld.idx.msk [tilespmem:v9+s13+$0x0], $0xffff;
	_ =	sdelay $0x1  }
0x43e: {  	v1 =	vadd.f32 v1, v1  }
0x43f: {  	v10 =	vsel vm1, $0x0, v10  }
0x440: {  	v1 =	vadd.f32 v10, v1  }
0x441: {  	v12 =	vld [tilespmem:$0x1FE10];
	v9 =	vsel vm0, $0x0, v9  }
0x442: {  	v1 =	vadd.f32 v9, v1;
	_ =	sdelay $0x1  }
0x443: {  	v10 =	vadd.s32 $0x8F, v0;
	v9 =	vmul.f32 $1.024000000e+03, v1  }
0x444: {  	v11 =	vadd.s32 $0x91, v0  }
0x445: {  	v50 =	vadd.f32 v12, v9  }
0x446: {  	[tilespmem:$0x13C0] =	vst v1;
	v1 =	vld [tilespmem:$0x1110]  }
0x447: {  	[tilespmem:$0x1640] =	vst v50  }
0x448: {  	v9 =	vld.idx.msk [tilespmem:v10+s13+$0x0], $0xffff  }
0x449: {  	v10 =	vld.idx.msk [tilespmem:v11+s13+$0x0], $0xffff;
	_ =	sdelay $0x1  }
0x44a: {  	v1 =	vadd.f32 v1, v1;
	_ =	sdelay $0x1  }
0x44b: {  	v1 =	vadd.f32 v1, v9  }
0x44c: {  	v11 =	vld [tilespmem:$0x1FE20];
	v9 =	vsel vm15, $0x0, v10  }
0x44d: {  	v1 =	vadd.f32 v9, v1;
	_ =	sdelay $0x1  }
0x44e: {  	v10 =	vadd.s32 $0x9F, v0;
	v9 =	vmul.f32 $1.024000000e+03, v1;
	_ =	sdelay $0x1  }
0x44f: {  	v51 =	vadd.f32 v11, v9  }
0x450: {  	[tilespmem:$0x13D0] =	vst v1;
	v1 =	vadd.s32 $0xA1, v0  }
0x451: {  	v9 =	vld [tilespmem:$0x1120];
	[tilespmem:$0x1650] =	vst v51  }
0x452: {  	v10 =	vld.idx.msk [tilespmem:v10+s13+$0x0], $0xffff;
	_ =	sdelay $0x2  }
0x453: {  	v1 =	vld.idx.msk [tilespmem:v1+s13+$0x0], $0xffff  }
0x454: {  	v9 =	vadd.f32 v9, v9  }
0x455: {  	v10 =	vsel vm2, $0x0, v10  }
0x456: {  	v9 =	vadd.f32 v10, v9  }
0x457: {  	v11 =	vld [tilespmem:$0x1FE30]  }
0x458: {  	v1 =	vadd.f32 v9, v1;
	_ =	sdelay $0x1  }
0x459: {  	v10 =	vadd.s32 $0xAF, v0;
	v9 =	vmul.f32 $1.024000000e+03, v1;
	_ =	sdelay $0x1  }
0x45a: {  	v52 =	vadd.f32 v11, v9;
	v9 =	vadd.s32 $0xB1, v0  }
0x45b: {  	[tilespmem:$0x13E0] =	vst v1  }
0x45c: {  	v1 =	vld [tilespmem:$0x1130];
	[tilespmem:$0x1660] =	vst v52  }
0x45d: {  	v10 =	vld.idx.msk [tilespmem:v10+s13+$0x0], $0xffff;
	_ =	sdelay $0x1  }
0x45e: {  	v9 =	vld.idx.msk [tilespmem:v9+s13+$0x0], $0xffff;
	_ =	sdelay $0x1  }
0x45f: {  	v1 =	vadd.f32 v1, v1  }
0x460: {  	v10 =	vsel vm1, $0x0, v10  }
0x461: {  	v1 =	vadd.f32 v10, v1  }
0x462: {  	v12 =	vld [tilespmem:$0x1FE40];
	v9 =	vsel vm0, $0x0, v9  }
0x463: {  	v1 =	vadd.f32 v9, v1;
	_ =	sdelay $0x1  }
0x464: {  	v10 =	vadd.s32 $0xBF, v0;
	v9 =	vmul.f32 $1.024000000e+03, v1  }
0x465: {  	v11 =	vadd.s32 $0xC1, v0  }
0x466: {  	v53 =	vadd.f32 v12, v9  }
0x467: {  	[tilespmem:$0x13F0] =	vst v1;
	v1 =	vld [tilespmem:$0x1140]  }
0x468: {  	[tilespmem:$0x1670] =	vst v53  }
0x469: {  	v9 =	vld.idx.msk [tilespmem:v10+s13+$0x0], $0xffff  }
0x46a: {  	v10 =	vld.idx.msk [tilespmem:v11+s13+$0x0], $0xffff;
	_ =	sdelay $0x1  }
0x46b: {  	v1 =	vadd.f32 v1, v1;
	_ =	sdelay $0x1  }
0x46c: {  	v1 =	vadd.f32 v1, v9  }
0x46d: {  	v11 =	vld [tilespmem:$0x1FE50];
	v9 =	vsel vm15, $0x0, v10  }
0x46e: {  	v1 =	vadd.f32 v9, v1;
	_ =	sdelay $0x1  }
0x46f: {  	v10 =	vadd.s32 $0xCF, v0;
	v9 =	vmul.f32 $1.024000000e+03, v1;
	_ =	sdelay $0x1  }
0x470: {  	v54 =	vadd.f32 v11, v9  }
0x471: {  	[tilespmem:$0x1400] =	vst v1;
	v1 =	vadd.s32 $0xD1, v0  }
0x472: {  	v9 =	vld [tilespmem:$0x1150];
	[tilespmem:$0x1680] =	vst v54  }
0x473: {  	v10 =	vld.idx.msk [tilespmem:v10+s13+$0x0], $0xffff;
	_ =	sdelay $0x2  }
0x474: {  	v1 =	vld.idx.msk [tilespmem:v1+s13+$0x0], $0xffff  }
0x475: {  	v9 =	vadd.f32 v9, v9  }
0x476: {  	v10 =	vsel vm2, $0x0, v10  }
0x477: {  	v9 =	vadd.f32 v10, v9  }
0x478: {  	v11 =	vld [tilespmem:$0x1FE60]  }
0x479: {  	v1 =	vadd.f32 v9, v1;
	_ =	sdelay $0x1  }
0x47a: {  	v10 =	vadd.s32 $0xDF, v0;
	v9 =	vmul.f32 $1.024000000e+03, v1;
	_ =	sdelay $0x1  }
0x47b: {  	v55 =	vadd.f32 v11, v9;
	v9 =	vadd.s32 $0xE1, v0  }
0x47c: {  	[tilespmem:$0x1410] =	vst v1  }
0x47d: {  	v1 =	vld [tilespmem:$0x1160];
	[tilespmem:$0x1690] =	vst v55  }
0x47e: {  	v10 =	vld.idx.msk [tilespmem:v10+s13+$0x0], $0xffff;
	_ =	sdelay $0x1  }
0x47f: {  	v9 =	vld.idx.msk [tilespmem:v9+s13+$0x0], $0xffff;
	_ =	sdelay $0x1  }
0x480: {  	v1 =	vadd.f32 v1, v1  }
0x481: {  	v10 =	vsel vm1, $0x0, v10  }
0x482: {  	v1 =	vadd.f32 v10, v1  }
0x483: {  	v12 =	vld [tilespmem:$0x1FE70];
	v9 =	vsel vm0, $0x0, v9  }
0x484: {  	v1 =	vadd.f32 v9, v1;
	_ =	sdelay $0x1  }
0x485: {  	v10 =	vadd.s32 $0xEF, v0;
	v9 =	vmul.f32 $1.024000000e+03, v1  }
0x486: {  	v11 =	vadd.s32 $0xF1, v0  }
0x487: {  	v56 =	vadd.f32 v12, v9  }
0x488: {  	[tilespmem:$0x1420] =	vst v1;
	v1 =	vld [tilespmem:$0x1170]  }
0x489: {  	[tilespmem:$0x16A0] =	vst v56  }
0x48a: {  	v9 =	vld.idx.msk [tilespmem:v10+s13+$0x0], $0xffff  }
0x48b: {  	v10 =	vld.idx.msk [tilespmem:v11+s13+$0x0], $0xffff;
	_ =	sdelay $0x1  }
0x48c: {  	v1 =	vadd.f32 v1, v1;
	_ =	sdelay $0x1  }
0x48d: {  	v1 =	vadd.f32 v1, v9  }
0x48e: {  	v11 =	vld [tilespmem:$0x1FE80];
	v9 =	vsel vm15, $0x0, v10  }
0x48f: {  	v1 =	vadd.f32 v9, v1;
	_ =	sdelay $0x1  }
0x490: {  	v10 =	vadd.s32 $0xFF, v0;
	v9 =	vmul.f32 $1.024000000e+03, v1;
	_ =	sdelay $0x1  }
0x491: {  	v57 =	vadd.f32 v11, v9  }
0x492: {  	[tilespmem:$0x1430] =	vst v1;
	v1 =	vadd.s32 $0x101, v0  }
0x493: {  	v9 =	vld [tilespmem:$0x1180];
	[tilespmem:$0x16B0] =	vst v57  }
0x494: {  	v10 =	vld.idx.msk [tilespmem:v10+s13+$0x0], $0xffff;
	_ =	sdelay $0x2  }
0x495: {  	v1 =	vld.idx.msk [tilespmem:v1+s13+$0x0], $0xffff  }
0x496: {  	v9 =	vadd.f32 v9, v9  }
0x497: {  	v10 =	vsel vm2, $0x0, v10  }
0x498: {  	v9 =	vadd.f32 v10, v9  }
0x499: {  	v11 =	vld [tilespmem:$0x1FE90]  }
0x49a: {  	v1 =	vadd.f32 v9, v1;
	_ =	sdelay $0x1  }
0x49b: {  	v10 =	vadd.s32 $0x10F, v0;
	v9 =	vmul.f32 $1.024000000e+03, v1;
	_ =	sdelay $0x1  }
0x49c: {  	v58 =	vadd.f32 v11, v9;
	v9 =	vadd.s32 $0x111, v0  }
0x49d: {  	[tilespmem:$0x1440] =	vst v1  }
0x49e: {  	v1 =	vld [tilespmem:$0x1190];
	[tilespmem:$0x16C0] =	vst v58  }
0x49f: {  	v10 =	vld.idx.msk [tilespmem:v10+s13+$0x0], $0xffff;
	_ =	sdelay $0x1  }
0x4a0: {  	v9 =	vld.idx.msk [tilespmem:v9+s13+$0x0], $0xffff;
	_ =	sdelay $0x1  }
0x4a1: {  	v1 =	vadd.f32 v1, v1  }
0x4a2: {  	v10 =	vsel vm1, $0x0, v10  }
0x4a3: {  	v1 =	vadd.f32 v10, v1  }
0x4a4: {  	v12 =	vld [tilespmem:$0x1FEA0];
	v9 =	vsel vm0, $0x0, v9  }
0x4a5: {  	v1 =	vadd.f32 v9, v1;
	_ =	sdelay $0x1  }
0x4a6: {  	v10 =	vadd.s32 $0x11F, v0;
	v9 =	vmul.f32 $1.024000000e+03, v1  }
0x4a7: {  	v11 =	vadd.s32 $0x121, v0  }
0x4a8: {  	v59 =	vadd.f32 v12, v9  }
0x4a9: {  	[tilespmem:$0x1450] =	vst v1;
	v1 =	vld [tilespmem:$0x11A0]  }
0x4aa: {  	[tilespmem:$0x16D0] =	vst v59  }
0x4ab: {  	v9 =	vld.idx.msk [tilespmem:v10+s13+$0x0], $0xffff  }
0x4ac: {  	v10 =	vld.idx.msk [tilespmem:v11+s13+$0x0], $0xffff;
	_ =	sdelay $0x1  }
0x4ad: {  	v1 =	vadd.f32 v1, v1;
	_ =	sdelay $0x1  }
0x4ae: {  	v1 =	vadd.f32 v1, v9  }
0x4af: {  	v11 =	vld [tilespmem:$0x1FEB0];
	v9 =	vsel vm15, $0x0, v10  }
0x4b0: {  	v1 =	vadd.f32 v9, v1;
	_ =	sdelay $0x1  }
0x4b1: {  	v10 =	vadd.s32 $0x12F, v0;
	v9 =	vmul.f32 $1.024000000e+03, v1;
	_ =	sdelay $0x1  }
0x4b2: {  	v60 =	vadd.f32 v11, v9  }
0x4b3: {  	[tilespmem:$0x1460] =	vst v1;
	v1 =	vadd.s32 $0x131, v0  }
0x4b4: {  	v9 =	vld [tilespmem:$0x11B0];
	[tilespmem:$0x16E0] =	vst v60  }
0x4b5: {  	v10 =	vld.idx.msk [tilespmem:v10+s13+$0x0], $0xffff;
	_ =	sdelay $0x2  }
0x4b6: {  	v1 =	vld.idx.msk [tilespmem:v1+s13+$0x0], $0xffff  }
0x4b7: {  	v9 =	vadd.f32 v9, v9  }
0x4b8: {  	v10 =	vsel vm2, $0x0, v10  }
0x4b9: {  	v9 =	vadd.f32 v10, v9  }
0x4ba: {  	v11 =	vld [tilespmem:$0x1FEC0]  }
0x4bb: {  	v1 =	vadd.f32 v9, v1;
	_ =	sdelay $0x1  }
0x4bc: {  	v10 =	vadd.s32 $0x13F, v0;
	v9 =	vmul.f32 $1.024000000e+03, v1;
	_ =	sdelay $0x1  }
0x4bd: {  	v61 =	vadd.f32 v11, v9;
	v9 =	vadd.s32 $0x141, v0  }
0x4be: {  	[tilespmem:$0x1470] =	vst v1  }
0x4bf: {  	v1 =	vld [tilespmem:$0x11C0];
	[tilespmem:$0x16F0] =	vst v61  }
0x4c0: {  	v10 =	vld.idx.msk [tilespmem:v10+s13+$0x0], $0xffff;
	_ =	sdelay $0x1  }
0x4c1: {  	v9 =	vld.idx.msk [tilespmem:v9+s13+$0x0], $0xffff;
	_ =	sdelay $0x1  }
0x4c2: {  	v1 =	vadd.f32 v1, v1  }
0x4c3: {  	v10 =	vsel vm1, $0x0, v10  }
0x4c4: {  	v1 =	vadd.f32 v10, v1  }
0x4c5: {  	v12 =	vld [tilespmem:$0x1FED0];
	v9 =	vsel vm0, $0x0, v9  }
0x4c6: {  	v1 =	vadd.f32 v9, v1;
	_ =	sdelay $0x1  }
0x4c7: {  	v10 =	vadd.s32 $0x14F, v0;
	v9 =	vmul.f32 $1.024000000e+03, v1  }
0x4c8: {  	v11 =	vadd.s32 $0x151, v0  }
0x4c9: {  	v62 =	vadd.f32 v12, v9  }
0x4ca: {  	[tilespmem:$0x1480] =	vst v1;
	v1 =	vld [tilespmem:$0x11D0]  }
0x4cb: {  	[tilespmem:$0x1700] =	vst v62  }
0x4cc: {  	v9 =	vld.idx.msk [tilespmem:v10+s13+$0x0], $0xffff  }
0x4cd: {  	v10 =	vld.idx.msk [tilespmem:v11+s13+$0x0], $0xffff;
	_ =	sdelay $0x1  }
0x4ce: {  	v1 =	vadd.f32 v1, v1;
	_ =	sdelay $0x1  }
0x4cf: {  	v1 =	vadd.f32 v1, v9  }
0x4d0: {  	v11 =	vld [tilespmem:$0x1FEE0];
	v9 =	vsel vm15, $0x0, v10  }
0x4d1: {  	v1 =	vadd.f32 v9, v1;
	_ =	sdelay $0x1  }
0x4d2: {  	v10 =	vadd.s32 $0x15F, v0;
	v9 =	vmul.f32 $1.024000000e+03, v1;
	_ =	sdelay $0x1  }
0x4d3: {  	v63 =	vadd.f32 v11, v9  }
0x4d4: {  	[tilespmem:$0x1490] =	vst v1;
	v1 =	vadd.s32 $0x161, v0  }
0x4d5: {  	v9 =	vld [tilespmem:$0x11E0];
	[tilespmem:$0x1710] =	vst v63  }
0x4d6: {  	v10 =	vld.idx.msk [tilespmem:v10+s13+$0x0], $0xffff;
	_ =	sdelay $0x2  }
0x4d7: {  	v1 =	vld.idx.msk [tilespmem:v1+s13+$0x0], $0xffff  }
0x4d8: {  	v9 =	vadd.f32 v9, v9  }
0x4d9: {  	v10 =	vsel vm2, $0x0, v10  }
0x4da: {  	v9 =	vadd.f32 v10, v9  }
0x4db: {  	v11 =	vld [tilespmem:$0x1FEF0]  }
0x4dc: {  	v1 =	vadd.f32 v9, v1;
	_ =	sdelay $0x1  }
0x4dd: {  	v10 =	vadd.s32 $0x16F, v0;
	v9 =	vmul.f32 $1.024000000e+03, v1;
	_ =	sdelay $0x1  }
0x4de: {  	v9 =	vadd.f32 v11, v9;
	v11 =	vadd.s32 $0x171, v0  }
0x4df: {  	[tilespmem:$0x14A0] =	vst v1  }
0x4e0: {  	v1 =	vld [tilespmem:$0x11F0];
	[tilespmem:$0x1720] =	vst v9  }
0x4e1: {  	v10 =	vld.idx.msk [tilespmem:v10+s13+$0x0], $0xffff;
	_ =	sdelay $0x1  }
0x4e2: {  	v11 =	vld.idx.msk [tilespmem:v11+s13+$0x0], $0xffff;
	_ =	sdelay $0x1  }
0x4e3: {  	v1 =	vadd.f32 v1, v1  }
0x4e4: {  	v10 =	vsel vm1, $0x0, v10  }
0x4e5: {  	v1 =	vadd.f32 v10, v1  }
0x4e6: {  	v10 =	vsel vm0, $0x0, v11;
	v11 =	vld [tilespmem:$0x1FF00]  }
0x4e7: {  	v1 =	vadd.f32 v10, v1;
	_ =	sdelay $0x1  }
0x4e8: {  	v12 =	vadd.s32 $0x17F, v0;
	v10 =	vmul.f32 $1.024000000e+03, v1  }
0x4e9: {  	v13 =	vadd.s32 $0x181, v0  }
0x4ea: {  	v11 =	vadd.f32 v11, v10  }
0x4eb: {  	[tilespmem:$0x14B0] =	vst v1;
	v1 =	vld [tilespmem:$0x1200]  }
0x4ec: {  	[tilespmem:$0x1730] =	vst v11  }
0x4ed: {  	v10 =	vld.idx.msk [tilespmem:v12+s13+$0x0], $0xffff  }
0x4ee: {  	v12 =	vld.idx.msk [tilespmem:v13+s13+$0x0], $0xffff;
	_ =	sdelay $0x1  }
0x4ef: {  	v1 =	vadd.f32 v1, v1;
	_ =	sdelay $0x1  }
0x4f0: {  	v1 =	vadd.f32 v1, v10  }
0x4f1: {  	v13 =	vld [tilespmem:$0x1FF10];
	v10 =	vsel vm15, $0x0, v12  }
0x4f2: {  	v1 =	vadd.f32 v10, v1;
	_ =	sdelay $0x1  }
0x4f3: {  	v12 =	vadd.s32 $0x18F, v0;
	v10 =	vmul.f32 $1.024000000e+03, v1;
	_ =	sdelay $0x1  }
0x4f4: {  	v10 =	vadd.f32 v13, v10  }
0x4f5: {  	[tilespmem:$0x14C0] =	vst v1;
	v1 =	vadd.s32 $0x191, v0  }
0x4f6: {  	v13 =	vld [tilespmem:$0x1210];
	[tilespmem:$0x1740] =	vst v10  }
0x4f7: {  	v12 =	vld.idx.msk [tilespmem:v12+s13+$0x0], $0xffff;
	_ =	sdelay $0x2  }
0x4f8: {  	v1 =	vld.idx.msk [tilespmem:v1+s13+$0x0], $0xffff  }
0x4f9: {  	v13 =	vadd.f32 v13, v13  }
0x4fa: {  	v12 =	vsel vm2, $0x0, v12  }
0x4fb: {  	v12 =	vadd.f32 v12, v13  }
0x4fc: {  	v13 =	vld [tilespmem:$0x1FF20]  }
0x4fd: {  	v1 =	vadd.f32 v12, v1;
	_ =	sdelay $0x1  }
0x4fe: {  	v14 =	vadd.s32 $0x19F, v0;
	v12 =	vmul.f32 $1.024000000e+03, v1;
	_ =	sdelay $0x1  }
0x4ff: {  	v13 =	vadd.f32 v13, v12;
	v12 =	vadd.s32 $0x1A1, v0  }
0x500: {  	[tilespmem:$0x14D0] =	vst v1  }
0x501: {  	v1 =	vld [tilespmem:$0x1220];
	[tilespmem:$0x1750] =	vst v13  }
0x502: {  	v14 =	vld.idx.msk [tilespmem:v14+s13+$0x0], $0xffff;
	_ =	sdelay $0x1  }
0x503: {  	v12 =	vld.idx.msk [tilespmem:v12+s13+$0x0], $0xffff;
	_ =	sdelay $0x1  }
0x504: {  	v1 =	vadd.f32 v1, v1  }
0x505: {  	v14 =	vsel vm1, $0x0, v14  }
0x506: {  	v1 =	vadd.f32 v14, v1  }
0x507: {  	v15 =	vld [tilespmem:$0x1FF30];
	v12 =	vsel vm0, $0x0, v12  }
0x508: {  	v1 =	vadd.f32 v12, v1;
	_ =	sdelay $0x1  }
0x509: {  	v14 =	vadd.s32 $0x1AF, v0;
	v12 =	vmul.f32 $1.024000000e+03, v1  }
0x50a: {  	v28 =	vadd.s32 $0x1B1, v0  }
0x50b: {  	v15 =	vadd.f32 v15, v12  }
0x50c: {  	[tilespmem:$0x14E0] =	vst v1;
	v1 =	vld [tilespmem:$0x1230]  }
0x50d: {  	[tilespmem:$0x1760] =	vst v15  }
0x50e: {  	v12 =	vld.idx.msk [tilespmem:v14+s13+$0x0], $0xffff  }
0x50f: {  	v14 =	vld.idx.msk [tilespmem:v28+s13+$0x0], $0xffff;
	_ =	sdelay $0x1  }
0x510: {  	v1 =	vadd.f32 v1, v1;
	_ =	sdelay $0x1  }
0x511: {  	v1 =	vadd.f32 v1, v12  }
0x512: {  	v29 =	vld [tilespmem:$0x1FF40];
	v12 =	vsel vm15, $0x0, v14  }
0x513: {  	v1 =	vadd.f32 v12, v1;
	_ =	sdelay $0x1  }
0x514: {  	v14 =	vadd.s32 $0x1BF, v0;
	v12 =	vmul.f32 $1.024000000e+03, v1;
	_ =	sdelay $0x1  }
0x515: {  	v16 =	vadd.f32 v29, v12  }
0x516: {  	[tilespmem:$0x14F0] =	vst v1;
	v1 =	vadd.s32 $0x1C1, v0  }
0x517: {  	v12 =	vld [tilespmem:$0x1240];
	[tilespmem:$0x1770] =	vst v16  }
0x518: {  	v14 =	vld.idx.msk [tilespmem:v14+s13+$0x0], $0xffff;
	_ =	sdelay $0x2  }
0x519: {  	v1 =	vld.idx.msk [tilespmem:v1+s13+$0x0], $0xffff  }
0x51a: {  	v12 =	vadd.f32 v12, v12  }
0x51b: {  	v14 =	vsel vm2, $0x0, v14  }
0x51c: {  	v12 =	vadd.f32 v14, v12  }
0x51d: {  	v30 =	vld [tilespmem:$0x1FF50]  }
0x51e: {  	v1 =	vadd.f32 v12, v1;
	_ =	sdelay $0x1  }
0x51f: {  	v14 =	vadd.s32 $0x1CF, v0;
	v12 =	vmul.f32 $1.024000000e+03, v1;
	_ =	sdelay $0x1  }
0x520: {  	v31 =	vadd.s32 $0x1D1, v0;
	v12 =	vadd.f32 v30, v12  }
0x521: {  	[tilespmem:$0x1500] =	vst v1  }
0x522: {  	v1 =	vld [tilespmem:$0x1250];
	[tilespmem:$0x1780] =	vst v12  }
0x523: {  	v14 =	vld.idx.msk [tilespmem:v14+s13+$0x0], $0xffff;
	_ =	sdelay $0x1  }
0x524: {  	v17 =	vld.idx.msk [tilespmem:v31+s13+$0x0], $0xffff;
	_ =	sdelay $0x1  }
0x525: {  	v1 =	vadd.f32 v1, v1  }
0x526: {  	v14 =	vsel vm1, $0x0, v14  }
0x527: {  	v1 =	vadd.f32 v14, v1  }
0x528: {  	v34 =	vld [tilespmem:$0x1FF60];
	v14 =	vsel vm0, $0x0, v17  }
0x529: {  	v1 =	vadd.f32 v14, v1;
	_ =	sdelay $0x1  }
0x52a: {  	v32 =	vadd.s32 $0x1DF, v0;
	v14 =	vmul.f32 $1.024000000e+03, v1  }
0x52b: {  	v33 =	vadd.s32 $0x1E1, v0  }
0x52c: {  	v14 =	vadd.f32 v34, v14  }
0x52d: {  	[tilespmem:$0x1510] =	vst v1;
	v1 =	vld [tilespmem:$0x1260]  }
0x52e: {  	[tilespmem:$0x1790] =	vst v14  }
0x52f: {  	v17 =	vld.idx.msk [tilespmem:v32+s13+$0x0], $0xffff  }
0x530: {  	v18 =	vld.idx.msk [tilespmem:v33+s13+$0x0], $0xffff;
	_ =	sdelay $0x1  }
0x531: {  	v1 =	vadd.f32 v1, v1;
	_ =	sdelay $0x1  }
0x532: {  	v1 =	vadd.f32 v1, v17  }
0x533: {  	v38 =	vld [tilespmem:$0x1FF70];
	v35 =	vsel vm15, $0x0, v18  }
0x534: {  	v1 =	vadd.f32 v35, v1;
	_ =	sdelay $0x1  }
0x535: {  	v36 =	vadd.s32 $0x1EF, v0;
	v17 =	vmul.f32 $1.024000000e+03, v1;
	_ =	sdelay $0x1  }
0x536: {  	v17 =	vadd.f32 v38, v17  }
0x537: {  	[tilespmem:$0x1520] =	vst v1;
	v1 =	vadd.s32 $0x1F1, v0  }
0x538: {  	v39 =	vld [tilespmem:$0x1270];
	[tilespmem:$0x17A0] =	vst v17  }
0x539: {  	v18 =	vld.idx.msk [tilespmem:v36+s13+$0x0], $0xffff;
	_ =	sdelay $0x2  }
0x53a: {  	v1 =	vld.idx.msk [tilespmem:v1+s13+$0x0], $0xffff  }
0x53b: {  	v19 =	vadd.f32 v39, v39  }
0x53c: {  	v18 =	vsel vm2, $0x0, v18  }
0x53d: {  	v18 =	vadd.f32 v18, v19  }
0x53e: {  	v41 =	vld [tilespmem:$0x1FF80]  }
0x53f: {  	v1 =	vadd.f32 v18, v1;
	_ =	sdelay $0x1  }
0x540: {  	v40 =	vadd.s32 $0x1FF, v0;
	v18 =	vmul.f32 $1.024000000e+03, v1;
	_ =	sdelay $0x1  }
0x541: {  	v42 =	vadd.s32 $0x201, v0;
	v18 =	vadd.f32 v41, v18  }
0x542: {  	[tilespmem:$0x1530] =	vst v1  }
0x543: {  	v1 =	vld [tilespmem:$0x1280];
	[tilespmem:$0x17B0] =	vst v18  }
0x544: {  	v19 =	vld.idx.msk [tilespmem:v40+s13+$0x0], $0xffff;
	_ =	sdelay $0x1  }
0x545: {  	v20 =	vld.idx.msk [tilespmem:v42+s13+$0x0], $0xffff;
	_ =	sdelay $0x1  }
0x546: {  	v1 =	vadd.f32 v1, v1  }
0x547: {  	v19 =	vsel vm1, $0x0, v19  }
0x548: {  	v1 =	vadd.f32 v19, v1  }
0x549: {  	v25 =	vld [tilespmem:$0x1FF90];
	v43 =	vsel vm0, $0x0, v20  }
0x54a: {  	v1 =	vadd.f32 v43, v1;
	_ =	sdelay $0x1  }
0x54b: {  	v44 =	vadd.s32 $0x20F, v0;
	v19 =	vmul.f32 $1.024000000e+03, v1  }
0x54c: {  	v24 =	vadd.s32 $0x211, v0  }
0x54d: {  	v19 =	vadd.f32 v25, v19  }
0x54e: {  	[tilespmem:$0x1540] =	vst v1;
	v1 =	vld [tilespmem:$0x1290]  }
0x54f: {  	[tilespmem:$0x17C0] =	vst v19  }
0x550: {  	v20 =	vld.idx.msk [tilespmem:v44+s13+$0x0], $0xffff  }
0x551: {  	v21 =	vld.idx.msk [tilespmem:v24+s13+$0x0], $0xffff;
	_ =	sdelay $0x1  }
0x552: {  	v1 =	vadd.f32 v1, v1;
	_ =	sdelay $0x1  }
0x553: {  	v1 =	vadd.f32 v1, v20  }
0x554: {  	v28 =	vld [tilespmem:$0x1FFA0];
	v26 =	vsel vm15, $0x0, v21  }
0x555: {  	v1 =	vadd.f32 v26, v1;
	_ =	sdelay $0x1  }
0x556: {  	v27 =	vadd.s32 $0x21F, v0;
	v20 =	vmul.f32 $1.024000000e+03, v1;
	_ =	sdelay $0x1  }
0x557: {  	v20 =	vadd.f32 v28, v20  }
0x558: {  	[tilespmem:$0x1550] =	vst v1;
	v1 =	vadd.s32 $0x221, v0  }
0x559: {  	v29 =	vld [tilespmem:$0x12A0];
	[tilespmem:$0x17D0] =	vst v20  }
0x55a: {  	v21 =	vld.idx.msk [tilespmem:v27+s13+$0x0], $0xffff;
	_ =	sdelay $0x2  }
0x55b: {  	v1 =	vld.idx.msk [tilespmem:v1+s13+$0x0], $0xffff  }
0x55c: {  	v22 =	vadd.f32 v29, v29  }
0x55d: {  	v21 =	vsel vm2, $0x0, v21  }
0x55e: {  	v21 =	vadd.f32 v21, v22  }
0x55f: {  	v31 =	vld [tilespmem:$0x1FFB0]  }
0x560: {  	v1 =	vadd.f32 v21, v1;
	_ =	sdelay $0x1  }
0x561: {  	v30 =	vadd.s32 $0x22F, v0;
	v21 =	vmul.f32 $1.024000000e+03, v1;
	_ =	sdelay $0x1  }
0x562: {  	v32 =	vadd.s32 $0x231, v0;
	v21 =	vadd.f32 v31, v21  }
0x563: {  	[tilespmem:$0x1560] =	vst v1  }
0x564: {  	v1 =	vld [tilespmem:$0x12B0];
	[tilespmem:$0x17E0] =	vst v21  }
0x565: {  	v22 =	vld.idx.msk [tilespmem:v30+s13+$0x0], $0xffff;
	_ =	sdelay $0x1  }
0x566: {  	v23 =	vld.idx.msk [tilespmem:v32+s13+$0x0], $0xffff;
	_ =	sdelay $0x1  }
0x567: {  	v1 =	vadd.f32 v1, v1  }
0x568: {  	v22 =	vsel vm1, $0x0, v22  }
0x569: {  	v1 =	vadd.f32 v22, v1  }
0x56a: {  	v36 =	vld [tilespmem:$0x1FFC0];
	v33 =	vsel vm0, $0x0, v23  }
0x56b: {  	v1 =	vadd.f32 v33, v1;
	_ =	sdelay $0x1  }
0x56c: {  	v34 =	vadd.s32 $0x23F, v0;
	v22 =	vmul.f32 $1.024000000e+03, v1  }
0x56d: {  	v35 =	vadd.s32 $0x241, v0  }
0x56e: {  	v22 =	vadd.f32 v36, v22  }
0x56f: {  	[tilespmem:$0x1570] =	vst v1;
	v1 =	vld [tilespmem:$0x12C0]  }
0x570: {  	[tilespmem:$0x17F0] =	vst v22  }
0x571: {  	v23 =	vld.idx.msk [tilespmem:v34+s13+$0x0], $0xffff  }
0x572: {  	v24 =	vld.idx.msk [tilespmem:v35+s13+$0x0], $0xffff;
	_ =	sdelay $0x1  }
0x573: {  	v1 =	vadd.f32 v1, v1;
	_ =	sdelay $0x1  }
0x574: {  	v1 =	vadd.f32 v1, v23  }
0x575: {  	v40 =	vld [tilespmem:$0x1FFD0];
	v38 =	vsel vm15, $0x0, v24  }
0x576: {  	v1 =	vadd.f32 v38, v1;
	_ =	sdelay $0x1  }
0x577: {  	v39 =	vadd.s32 $0x24F, v0;
	v23 =	vmul.f32 $1.024000000e+03, v1  }
0x578: {  	(xrf0) =	vmax.scan.msk.f32 $0xffff, v46  }
0x579: {  	(xrf0) =	vmax.scan.msk.f32 $0xffff, v47;
	v23 =	vadd.f32 v40, v23  }
0x57a: {  	(xrf0) =	vmax.scan.msk.f32 $0xffff, v48;
	[tilespmem:$0x1580] =	vst v1;
	v1 =	vadd.s32 $0x251, v0  }
0x57b: {  	(xrf0) =	vmax.scan.msk.f32 $0xffff, v49;
	v41 =	vld [tilespmem:$0x12D0];
	[tilespmem:$0x1800] =	vst v23  }
0x57c: {  	(xrf0) =	vmax.scan.msk.f32 $0xffff, v50;
	v24 =	vld.idx.msk [tilespmem:v39+s13+$0x0], $0xffff  }
0x57d: {  	(xrf0) =	vmax.scan.msk.f32 $0xffff, v51  }
0x57e: {  	v42, _, _ =	vpop (xrf0);
	(xrf0) =	vmax.scan.msk.f32 $0xffff, v52  }
0x57f: {  	v43, _, _ =	vpop (xrf0);
	(xrf0) =	vmax.scan.msk.f32 $0xffff, v53;
	v1 =	vld.idx.msk [tilespmem:v1+s13+$0x0], $0xffff  }
0x580: {  	v48, _, _ =	vpop (xrf0);
	(xrf0) =	vmax.scan.msk.f32 $0xffff, v54;
	v25 =	vadd.f32 v41, v41  }
0x581: {  	v49, _, _ =	vpop (xrf0);
	(xrf0) =	vmax.scan.msk.f32 $0xffff, v55;
	v24 =	vsel vm2, $0x0, v24  }
0x582: {  	v50, _, _ =	vpop (xrf0);
	(xrf0) =	vmax.scan.msk.f32 $0xffff, v56;
	v24 =	vadd.f32 v24, v25  }
0x583: {  	v51, _, _ =	vpop (xrf0);
	(xrf0) =	vmax.scan.msk.f32 $0xffff, v57;
	v57 =	vld [tilespmem:$0x1FFE0]  }
0x584: {  	v1 =	vadd.f32 v24, v1  }
0x585: {  	v52, _, _ =	vpop (xrf0);
	(xrf0) =	vmax.scan.msk.f32 $0xffff, v58  }
0x586: {  	v54 =	vadd.s32 $0x25F, v0;
	v55, _, _ =	vpop (xrf0);
	(xrf0) =	vmax.scan.msk.f32 $0xffff, v59;
	v53 =	vmul.f32 $1.024000000e+03, v1  }
0x587: {  	v56 =	vadd.s32 $0x261, v0;
	v35, _, _ =	vpop (xrf0);
	(xrf0) =	vmax.scan.msk.f32 $0xffff, v60  }
0x588: {  	v31, _, _ =	vpop (xrf0);
	(xrf0) =	vmax.scan.msk.f32 $0xffff, v61;
	v46 =	vadd.f32 v57, v53  }
0x589: {  	[tilespmem:$0x1590] =	vst v1;
	v1, _, _ =	vpop (xrf0);
	(xrf0) =	vmax.scan.msk.f32 $0xffff, v62  }
0x58a: {  	v58 =	vld [tilespmem:$0x12E0];
	v59, _, _ =	vpop (xrf0);
	(xrf0) =	vmax.scan.msk.f32 $0xffff, v63;
	[tilespmem:$0x1810] =	vst v46  }
0x58b: {  	v60, _, _ =	vpop (xrf0);
	(xrf0) =	vmax.scan.msk.f32 $0xffff, v9;
	v9 =	vbroadcast v48, $0xF;
	v32 =	vld.idx.msk [tilespmem:v54+s13+$0x0], $0xffff  }
0x58c: {  	vm3 =	vmmov $0x3;
	v26 =	vbroadcast v42, $0xF;
	v27 =	vbroadcast v43, $0xF;
	v34 =	vld.idx.msk [tilespmem:v56+s13+$0x0], $0xffff  }
0x58d: {  	vm4 =	vmmov $0x7;
	vm7 =	vcmask $0x704;
	vm2 =	vmmov $0x1;
	v61, _, _ =	vpop (xrf0)  }
0x58e: {  	vm5 =	vcmask $0x1310;
	vm6 =	vcmask $0x1714;
	(xrf0) =	vmax.scan.msk.f32 $0xffff, v11;
	v11 =	vsel vm2, v26, v27;
	v62, _, _ =	vpop (xrf0)  }
0x58f: {  	v29 =	vbroadcast v50, $0xF;
	v25 =	vbroadcast v49, $0xF;
	v11 =	vsel vm3, v11, v9;
	v9, _, _ =	vpop (xrf0)  }
0x590: {  	v50 =	vadd.s32 $0x26F, v0;
	v42 =	vadd.f32 v58, v58;
	v58 =	vbroadcast v35, $0xF;
	v40, _, _ =	vpop (xrf0);
	(xrf0) =	vmax.scan.msk.f32 $0xffff, v10  }
0x591: {  	v11 =	vsel vm4, v11, v25;
	v63 =	vsel vm1, $0x0, v32;
	v10 =	vsel vm0, $0x0, v34  }
0x592: {  	v41, _, _ =	vpop (xrf0);
	vm0 =	vmmov $0xf;
	v25 =	vbroadcast v40, $0xF;
	vm1 =	vmmov $0x1f  }
0x593: {  	(xrf0) =	vmax.scan.msk.f32 $0xffff, v13;
	v32 =	vbroadcast v41, $0xF;
	v43, _, _ =	vpop (xrf0);
	v11 =	vsel vm0, v11, v29;
	v27 =	vadd.f32 v63, v42  }
0x594: {  	v54 =	vld [tilespmem:$0x1FFF0];
	(xrf0) =	vmax.scan.msk.f32 $0xffff, v15;
	v15 =	vbroadcast v51, $0xF;
	v51 =	vadd.s32 $0x271, v0;
	v13 =	vbroadcast v43, $0xF;
	v44, _, _ =	vpop (xrf0)  }
0x595: {  	v25 =	vsel vm2, v25, v32;
	v47 =	vbroadcast v44, $0xF;
	v10 =	vadd.f32 v10, v27  }
0x596: {  	v11 =	vsel vm1, v11, v15;
	v15 =	vbroadcast v52, $0xF;
	v52 =	vbroadcast v55, $0xF;
	v48, _, _ =	vpop (xrf0);
	(xrf0) =	vmax.scan.msk.f32 $0xffff, v16  }
0x597: {  	v13 =	vsel vm3, v25, v13;
	vm3 =	vmmov $0x3f;
	v49 =	vmul.f32 $1.024000000e+03, v10  }
0x598: {  	v13 =	vsel vm4, v13, v47;
	v11 =	vsel vm3, v11, v15;
	vm4 =	vcmask $0x300  }
0x599: {  	v15 =	vbroadcast v48, $0xF;
	v55 =	vsel vm4, $0x41700000, v37;
	v16 =	vadd.f32 v54, v49  }
0x59a: {  	[tilespmem:$0x15A0] =	vst v10;
	v53, _, _ =	vpop (xrf0);
	vm4 =	vcmask $0xB08;
	v30 =	vsel vm7, $0x41600000, v55;
	vm7 =	vcmask $0x1B18  }
0x59b: {  	v10 =	vld [tilespmem:$0x12F0];
	v56, _, _ =	vpop (xrf0);
	v13 =	vsel vm0, v13, v15;
	v15 =	vbroadcast v53, $0xF;
	vm0 =	vmmov $0x7f;
	[tilespmem:$0x1820] =	vst v16  }
0x59c: {  	(xrf0) =	vmax.scan.msk.f32 $0xffff, v12;
	v29 =	vbroadcast v56, $0xF;
	v30 =	vsel vm4, $0x41500000, v30;
	vm4 =	vcmask $0xF0C;
	v24 =	vld.idx.msk [tilespmem:v51+s13+$0x0], $0xffff;
	v12, _, _ =	vpop (xrf0)  }
0x59d: {  	v57 =	vsel vm4, $0x41400000, v30;
	v13 =	vsel vm1, v13, v15;
	v15 =	vld.idx.msk [tilespmem:v50+s13+$0x0], $0xffff;
	v12 =	vbroadcast v12, $0xF  }
0x59e: {  	v11 =	vsel vm0, v11, v52;
	v25 =	vsel vm5, $0x41300000, v57;
	v13 =	vsel vm3, v13, v29  }
0x59f: {  	vm3 =	vmmov $0xff;
	v12 =	vsel vm0, v13, v12;
	v13 =	vbroadcast v31, $0xF  }
0x5a0: {  	v10 =	vadd.f32 v10, v10;
	v11 =	vsel vm3, v11, v58;
	vm0 =	vmmov $0x1ff  }
0x5a1: {  	v25 =	vsel vm6, $0x41200000, v25;
	v11 =	vsel vm0, v11, v13;
	v13 =	vsel vm15, $0x0, v24  }
0x5a2: {  	vm4 =	vcmask $0x1F1C;
	v25 =	vsel vm7, $0x41100000, v25;
	v10 =	vadd.f32 v10, v15  }
0x5a3: {  	(xrf0) =	vmax.scan.msk.f32 $0xffff, v14;
	vm5 =	vcmask $0x2320;
	v14 =	vsel vm4, $0x41000000, v25  }
0x5a4: {  	v14 =	vsel vm5, $0x40E00000, v14;
	v10 =	vadd.f32 v13, v10;
	v13, _, _ =	vpop (xrf0)  }
0x5a5: {  	(xrf0) =	vmax.scan.msk.f32 $0xffff, v17;
	v14 =	vsel vm9, $0x40C00000, v14;
	v13 =	vbroadcast v13, $0xF  }
0x5a6: {  	v1 =	vbroadcast v1, $0xF;
	v14 =	vsel vm10, $0x40A00000, v14  }
0x5a7: {  	(xrf0) =	vmax.scan.msk.f32 $0xffff, v18;
	vm6 =	vmmov $0x3ff;
	v14 =	vsel vm11, $0x40800000, v14  }
0x5a8: {  	(xrf0) =	vmax.scan.msk.f32 $0xffff, v19;
	v1 =	vsel vm6, v11, v1;
	v11 =	vbroadcast v59, $0xF;
	v14 =	vsel vm12, $0x40400000, v14  }
0x5a9: {  	(xrf0) =	vmax.scan.msk.f32 $0xffff, v20;
	v15 =	vmul.f32 $1.024000000e+03, v10;
	v14 =	vsel vm13, $0x40000000, v14;
	v12 =	vsel vm3, v12, v13;
	v13, _, _ =	vpop (xrf0)  }
0x5aa: {  	vm7 =	vmmov $0x7ff;
	(xrf0) =	vmax.scan.msk.f32 $0xffff, v21;
	v14 =	vsel vm14, $0x3F800000, v14;
	v13 =	vbroadcast v13, $0xF  }
0x5ab: {  	vm5 =	vmmov $0xfff;
	v14 =	vadd.f32 v14, v15;
	v15 =	vbroadcast v60, $0xF;
	(xrf0) =	vmax.scan.msk.f32 $0xffff, v22;
	v17, _, _ =	vpop (xrf0)  }
0x5ac: {  	v1 =	vsel vm7, v1, v11;
	(xrf0) =	vmax.scan.msk.f32 $0xffff, v23;
	v12 =	vsel vm0, v12, v13;
	v13 =	vbroadcast v17, $0xF  }
0x5ad: {  	v1 =	vsel vm5, v1, v15;
	v11, _, _ =	vpop (xrf0);
	(xrf0) =	vmax.scan.msk.f32 $0xffff, v46  }
0x5ae: {  	v15 =	vbroadcast v61, $0xF;
	v59, _, _ =	vpop (xrf0);
	v11 =	vbroadcast v11, $0xF;
	v12 =	vsel vm6, v12, v13  }
0x5af: {  	(xrf0) =	vmax.scan.msk.f32 $0xffff, v16;
	v60, _, _ =	vpop (xrf0);
	v13 =	vbroadcast v59, $0xF  }
0x5b0: {  	(xrf0) =	vmax.scan.msk.f32 $0xffff, v14;
	v61, _, _ =	vpop (xrf0);
	v11 =	vsel vm7, v12, v11  }
0x5b1: {  	vm6 =	vmmov $0x1fff;
	v11 =	vsel vm5, v11, v13;
	v13 =	vbroadcast v60, $0xF;
	v12, _, _ =	vpop (xrf0)  }
0x5b2: {  	v62 =	vbroadcast v62, $0xF;
	vm4 =	vcmask $0x310;
	v1 =	vsel vm6, v1, v15;
	v15, _, _ =	vpop (xrf0)  }
0x5b3: {  	vm7 =	vmmov $0x3fff;
	v18 =	vbroadcast v61, $0xF;
	v63, _, _ =	vpop (xrf0);
	v15 =	vbroadcast v15, $0xF  }
0x5b4: {  	v1 =	vsel vm7, v1, v62;
	vm5 =	vmmov $0x7fff;
	v16 =	vbroadcast v63, $0xF  }
0x5b5: {  	v11 =	vsel vm6, v11, v13;
	vm6 =	vcmask $0x710;
	v13, _, _ =	vpop (xrf0);
	v15 =	vnsel vm2, $0xFF800000, v15  }
0x5b6: {  	[tilespmem:$0x15B0] =	vst v10;
	v11 =	vsel vm7, v11, v18;
	v13 =	vbroadcast v13, $0xF;
	v10, _, _ =	vpop (xrf0);
	v15 =	vsel vm4, v15, v16  }
0x5b7: {  	[tilespmem:$0x1830] =	vst v14;
	v14 =	vbroadcast v10, $0xF;
	v10 =	vsel vm5, v11, v12;
	v12 =	vimm.s32 $0x0  }
0x5b8: {  	v9 =	vsel vm5, v1, v9;
	vm7 =	vcmask $0xB10;
	v1 =	vsel vm6, v15, v13;
	[tilespmem:$0x1880] =	vst v12  }
0x5b9: {  	s19 =	simm.s32 $0x0;
	s20 =	simm.s32 $0x1;
	[tilespmem:$0x1890] =	vst v12;
	v12 =	vmax.f32 v9, v10;
	v11 =	vsel vm7, v1, v14  }
.LBB2_18:
0x5ba: {  	p1 =	sne.s32 s20, $0x17;
	v1 =	vmax.f32 v12, v11  }
0x5bb: {  	(xrf0) =	vmax.scan.msk.f32 $0xffff, v1;
	_ =	sdelay $0x5  }
0x5bc: {  	v1, _, _ =	vpop (xrf0)  }
0x5bd: {  	(v2sf) =	vpush v1, $0xF;
	_ =	sdelay $0xe  }
0x5be: {  	s21 =	spop (v2sf)  }
0x5bf: {  	s21 =	scvt.f32.s32 s21;
	_ =	sdelay $0x1  }
0x5c0: {  	s21 =	sand.u32 $0x3FF, s21  }
0x5c1: {  	s22 =	ssub.s32 $0x23F, s21  }
0x5c2: {  	v1 =	vmov s22;
	s23 =	sand.u32 $0xF, s22  }
0x5c3: {  	p2 =	sgt.u32 s21, $0x23E;
	s24 =	sand.u32 $0xF000, s22;
	p3 =	sne.s32 s23, $0x0  }
0x5c4: {  	v12 =	vmov s19;
	s19 =	smov.u32 s20;
	s23 =	sshrl.u32 s24, $0xC;
	p2 =	por !p2, !p3  }
0x5c5: {  	s22 =	sadd.s32 s23, s22;
	s23 =	simm.s32 $0x1;
	p2 =	por !p2, !p2  }
0x5c6: {  	s22 =	sshra.s32 s22, $0x4;
	s23 =	simm.s32 @!p2 $0x0  }
0x5c7: {  	s21 =	ssub.s32 $0x240, s21;
	s22 =	ssub.s32 s22, s23  }
0x5c8: {  	[tilespmem:v1+s14+$0x0] =	vst.idx.msk $0x1, v45;
	v1 =	vmov s21;
	s21 =	sshll.u32 s22, $0x6  }
0x5c9: {  	[tilespmem:v12+s15+$0x0] =	vst.idx.msk $0x1, v1;
	s21 =	sshra.s32 s21, $0x2  }
0x5ca: {  	v1 =	vld [tilespmem:s21+$0x1600];
	_ =	sdelay $0x4  }
0x5cb: {  	(xrf0) =	vmax.scan.msk.f32 $0xffff, v1;
	_ =	sdelay $0x5  }
.Ltmp10:
0x5cc: {  	v1, _, _ =	vpop (xrf0);
	(pc) =	sbr.rel @p1 .LBB2_18-.Ltmp10, $4  }
0x5cd: {  	v12 =	vmov s22;
	v1 =	vbroadcast v1, $0xF  }
0x5ce: {  	vm0 =	veq.s32 v12, v0;
	vm1 =	veq.s32 v12, v2;
	vm2 =	veq.s32 v12, v3  }
0x5cf: {  	v9 =	vsel vm0, v1, v9;
	v10 =	vsel vm1, v1, v10;
	v11 =	vsel vm2, v1, v11  }
0x5d0: {  	s20 =	sadd.s32 $0x1, s20;
	v12 =	vmax.f32 v9, v10  }
0x5d1: {  	v1 =	vmax.f32 v12, v11  }
0x5d2: {  	(xrf0) =	vmax.scan.msk.f32 $0xffff, v1;
	_ =	sdelay $0x5  }
0x5d3: {  	v1, _, _ =	vpop (xrf0)  }
0x5d4: {  	(v2sf) =	vpush v1, $0xF;
	_ =	sdelay $0xe  }
0x5d5: {  	s20 =	spop (v2sf)  }
0x5d6: {  	s20 =	scvt.f32.s32 s20;
	_ =	sdelay $0x1  }
0x5d7: {  	s20 =	sand.u32 $0x3FF, s20  }
0x5d8: {  	s21 =	ssub.s32 $0x23F, s20  }
0x5d9: {  	s22 =	sand.u32 $0xF, s21  }
0x5da: {  	p1 =	sgt.u32 s20, $0x23E;
	v1 =	vmov s21;
	s23 =	sand.u32 $0xF000, s21;
	p2 =	sne.s32 s22, $0x0  }
0x5db: {  	v9 =	vmov s19;
	s31 =	sshrl.u32 s23, $0xC;
	p1 =	por !p1, !p2  }
0x5dc: {  	s19 =	sadd.s32 s31, s21;
	s21 =	simm.s32 $0x1;
	p1 =	por !p1, !p1  }
0x5dd: {  	s19 =	sshra.s32 s19, $0x4;
	s21 =	simm.s32 @!p1 $0x0  }
0x5de: {  	s20 =	ssub.s32 $0x240, s20;
	s19 =	ssub.s32 s19, s21  }
0x5df: {  	[tilespmem:v1+s14+$0x0] =	vst.idx.msk $0x1, v45;
	v1 =	vmov s20;
	s19 =	sshll.u32 s19, $0x6  }
0x5e0: {  	[tilespmem:v9+s15+$0x0] =	vst.idx.msk $0x1, v1;
	s19 =	sshra.s32 s19, $0x2  }
0x5e1: {  	v1 =	vld [tilespmem:s19+$0x1600];
	_ =	sdelay $0x4  }
0x5e2: {  	(xrf0) =	vmax.scan.msk.f32 $0xffff, v1;
	_ =	sdelay $0x5  }
0x5e3: {  	[hbm4b:s5+s8] =	stream.strided.scatter [tilespmem:s16], [sflag:$0x1], $0x280, s9, s8, $0x38;
	v1, _, _ =	vpop (xrf0);
	[tilespmem:$0x1CA0] =	vst v63  }
0x5e4: {  	_ =	swait.ge [sflag:s10], $0x280  }
0x5e5: {  	[sflag:s10] =	ssyncset.done $0x0  }
.Ltmp11:
0x5e6: {  	[sflag:s10] =	ssyncadd.s32 $0xFFFFFD80;
	(pc) =	sbr.rel .LBB2_20-.Ltmp11, $4  }
0x5e7: {  	[hbm4b:s6+s2] =	stream.linear.scatter [tilespmem:s15], [sflag:$0x1], $0x80, $0x38;
	[tilespmem:$0x1CA0] =	vst v63  }
0x5e8: {  	_ =	swait.ge [sflag:s10], $0x80  }
0x5e9: {  	[sflag:s10] =	ssyncset.done $0x0  }
0x5ea: {  	[sflag:s10] =	ssyncadd.s32 $0xFFFFFF80  }
.LBB2_6:
.Ltmp12:
0x5eb: {  	(pc) =	sbr.rel .LBB2_13-.Ltmp12, $4  }
0x5ec: {  	_ = 	snop  }
0x5ed: {  	v13 =	vimm.f32 $-Inf;
	v14 =	vimm.f32 $-Inf;
	v12 =	vimm.f32 $-Inf  }
0x5ee: {  	v15 =	vimm.f32 $-Inf;
	v17 =	vimm.f32 $-Inf;
	v18 =	vimm.f32 $-Inf  }
0x5ef: {  	v16 =	vimm.f32 $-Inf;
	v19 =	vimm.f32 $-Inf;
	v20 =	vimm.f32 $-Inf  }
.LBB2_8:
.Ltmp13:
0x5f0: {  	(pc) =	sbr.rel .LBB2_13-.Ltmp13, $4  }
0x5f1: {  	_ = 	snop  }
0x5f2: {  	v13 =	vimm.f32 $-Inf;
	v14 =	vimm.f32 $-Inf;
	v12 =	vimm.f32 $-Inf  }
0x5f3: {  	v15 =	vimm.f32 $-Inf;
	v17 =	vimm.f32 $-Inf;
	v18 =	vimm.f32 $-Inf  }
0x5f4: {  	s20 =	simm.s32 $0x0;
	s19 =	simm.s32 $0x1;
	v16 =	vimm.f32 $-Inf;
	v19 =	vimm.f32 $-Inf;
	v20 =	vimm.f32 $-Inf  }
.LBB2_10:
.Ltmp14:
0x5f5: {  	(pc) =	sbr.rel .LBB2_13-.Ltmp14, $2  }
0x5f6: {  	_ =	sdelay $0x2  }
0x5f7: {  	v13 =	vimm.f32 $-Inf;
	v14 =	vimm.f32 $-Inf;
	v12 =	vimm.f32 $-Inf;
	s19 =	simm.s32 $0x2  }
.LBB2_21:
0x5f8: {  	_ =	sfence.sel $0x180000  }
0x5f9: {  	[bflag:$0x0] =	sbarrier.arrive $0xFFFF  }
0x5fa: {  	p0 =	sne.s32 s0, $0x0;
	_ =	strace $0x90000047  }
0x5fb: {  	s0 =	sadd.s32 @!p0 $0x100000, s1;
	[bflag:$0x2] =	sbarrier.arrive $0xFFFF  }
0x5fc: {  	[sflag:s0] =	ssyncadd.tile.s32 @!p0 $0x1;
	_ =	shalt  }
.Lfunc_end2:
_tile_overlayer_lowered:
.L_overlay_start_2:
0x5fd: {  	(tag) =	ssettag $0x2  }
0x5fe: {  	s0 =	rddreg [dreg:$0x0];
	s2 =	stileid.u32  }
0x5ff: {  	s1 =	rddreg [dreg:$0x1];
	p0 =	sne.s32 s2, $0x0  }
0x600: {  	s3 =	rddreg [dreg:$0x2];
	[bflag:$0x3] =	sbarrier.arrive $0xFFFF;
	s2 =	simm.s32 @!p0 $0x1C01  }
0x601: {  	[timem:s3], [sflag:s2] =	dma.local @!p0 [hbm:s0], s1  }
0x602: {  	s0 =	simm.s32 @!p0 $0x1  }
0x603: {  	_ =	swait.ge @!p0 [sflag:s0], s1  }
0x604: {  	s1 =	ssub.s32 @!p0 $0x0, s1;
	[sflag:s0] =	ssyncset.done @!p0 $0x0  }
0x605: {  	[sflag:s0] =	ssyncadd.s32 @!p0 s1  }
0x606: {  	[bflag:$0x3] =	sbarrier.arrive $0xFFFF  }
0x607: {  	_ =	shalt  }

</sc_bundles>
